<compile_context>
chip_gen: v7x
topology: tpu7x:2x2x1
jax: 0.10.2.dev20260603
libtpu: 0.0.44.dev20260713+nightly
codegen_flags: <defaults>
</compile_context>

<pallas_src>
import functools

import jax
import jax.numpy as jnp
from jax import lax
from jax.experimental import pallas as pl
from jax.experimental.pallas import tpu as pltpu
from jax.experimental.pallas import tpu_sc as plsc

_SC_CORES = 2
_SC_SUBCORES = 16
_NW = _SC_CORES * _SC_SUBCORES
_LANE = 128


def _ln(x, g, b):
    m = jnp.mean(x, axis=-1, keepdims=True)
    v = jnp.mean((x - m) ** 2, axis=-1, keepdims=True)
    return (x - m) * lax.rsqrt(v + 1e-5) * g + b


def _sc_gather(table, idx2d):
    rows, lane = idx2d.shape
    n, d = table.shape
    rpw = rows // _NW
    assert rpw % 4 == 0 and rpw >= 8
    mesh = plsc.VectorSubcoreMesh(core_axis_name="c", subcore_axis_name="s")
    NB = 4
    idx2d = idx2d.reshape(_NW, rpw, lane)

    @functools.partial(
        pl.kernel,
        mesh=mesh,
        out_type=jax.ShapeDtypeStruct((rows * lane, d), table.dtype),
        scratch_types=[
            pltpu.VMEM((rpw, lane), jnp.int32),
        ] + [pltpu.VMEM((lane, d), table.dtype) for _ in range(NB)]
          + [pltpu.SemaphoreType.DMA for _ in range(2 * NB)],
    )
    def gk(table_hbm, idx_hbm, out_hbm, idx_v, b0, b1, b2, b3,
           g0, g1, g2, g3, s0, s1, s2, s3):
        bufs = (b0, b1, b2, b3)
        gs = (g0, g1, g2, g3)
        ss = (s0, s1, s2, s3)
        wid = lax.axis_index("s") * _SC_CORES + lax.axis_index("c")
        base = wid * rpw
        pltpu.sync_copy(idx_hbm.at[wid], idx_v)

        def gather_start(r, b):
            pltpu.async_copy(table_hbm.at[idx_v.at[r]], bufs[b], gs[b])

        def gather_wait(r, b):
            pltpu.make_async_copy(table_hbm.at[idx_v.at[r]], bufs[b],
                                  gs[b]).wait()

        def scatter_start(r, b):
            pltpu.async_copy(bufs[b], out_hbm.at[pl.ds((base + r) * lane,
                                                       lane)], ss[b])

        def scatter_wait(b):
            pltpu.make_async_copy(bufs[b], out_hbm.at[pl.ds(0, lane)],
                                  ss[b]).wait()

        gather_start(0, 0)
        gather_start(1, 1)
        for r in (0, 1):
            gather_wait(r, r)
            scatter_start(r, r)
            gather_start(r + 2, r + 2)

        def group(gidx, carry):
            for j in range(4):
                r = 2 + gidx * 4 + j
                bi = (2 + j) % 4
                gather_wait(r, bi)
                scatter_start(r, bi)
                bj = j % 4
                scatter_wait(bj)
                gather_start(r + 2, bj)
            return carry

        lax.fori_loop(0, (rpw - 4) // 4, group, 0)

        for r in (rpw - 2, rpw - 1):
            gather_wait(r, r % 4)
            scatter_start(r, r % 4)
        for r in (rpw - 4, rpw - 3, rpw - 2, rpw - 1):
            scatter_wait(r % 4)

    return gk(table, idx2d)


def _tc1_body(V_ref, Vj_ref, E_ref, mask_ref,
              W0a_ref, W0b_ref, W0c_ref, b0_ref, W1_ref, b1_ref, W2_ref, b2_ref,
              nmng_ref, nmnb_ref, fW0_ref, fb0_ref, fW1_ref, fb1_ref,
              ffg_ref, ffb_ref, out_ref):
    B, DV = V_ref.shape
    R = Vj_ref.shape[0]
    K = R // B
    Vb = V_ref[...]
    A = jnp.dot(Vb, W0a_ref[...], preferred_element_type=jnp.float32)
    h = jnp.dot(Vj_ref[...], W0b_ref[...], preferred_element_type=jnp.float32)
    h = h + jnp.dot(E_ref[...], W0c_ref[...], preferred_element_type=jnp.float32)
    h3 = h.reshape(B, K, DV) + A[:, None, :] + b0_ref[...][None, :, :]
    h = jax.nn.gelu(h3).reshape(R, DV)
    h = jax.nn.gelu(
        jnp.dot(h, W1_ref[...], preferred_element_type=jnp.float32) + b1_ref[...])
    M = jnp.dot(h, W2_ref[...], preferred_element_type=jnp.float32) + b2_ref[...]
    M = M.reshape(B, K, DV) * mask_ref[...][:, :, None]
    x = Vb + jnp.sum(M, axis=1)
    x = _ln(x, nmng_ref[...], nmnb_ref[...])
    yh = jax.nn.gelu(
        jnp.dot(x, fW0_ref[...], preferred_element_type=jnp.float32) + fb0_ref[...])
    x = x + jnp.dot(yh, fW1_ref[...], preferred_element_type=jnp.float32) + fb1_ref[...]
    out_ref[...] = _ln(x, ffg_ref[...], ffb_ref[...])


def _tc2_body(V_ref, Vj_ref, E_ref, mask_ref,
              W0a_ref, W0b_ref, W0c_ref, b0_ref, W1_ref, b1_ref, W2_ref, b2_ref,
              emng_ref, emnb_ref, out_ref):
    B, DV = V_ref.shape
    R, DE = E_ref.shape
    K = R // B
    Vb = V_ref[...]
    A = jnp.dot(Vb, W0a_ref[...], preferred_element_type=jnp.float32)
    h = jnp.dot(Vj_ref[...], W0b_ref[...], preferred_element_type=jnp.float32)
    h = h + jnp.dot(E_ref[...], W0c_ref[...], preferred_element_type=jnp.float32)
    h3 = h.reshape(B, K, DE) + A[:, None, :] + b0_ref[...][None, :, :]
    h = jax.nn.gelu(h3).reshape(R, DE)
    h = jax.nn.gelu(
        jnp.dot(h, W1_ref[...], preferred_element_type=jnp.float32) + b1_ref[...])
    Me = jnp.dot(h, W2_ref[...], preferred_element_type=jnp.float32) + b2_ref[...]
    Me = Me.reshape(B, K, DE) * mask_ref[...][:, :, None]
    Eo = E_ref[...].reshape(B, K, DE) + Me
    Eo = _ln(Eo, emng_ref[...][None, :, :], emnb_ref[...][None, :, :])
    out_ref[...] = Eo.reshape(R, DE)


def _pick_block(n):
    for b in (400, 200, 80, 40, 16, 8):
        if n % b == 0:
            return b
    return n


def kernel(V, E, K, edge_mask, nm_W0, nm_b0, nm_W1, nm_b1, nm_W2, nm_b2,
           nmn_g, nmn_b, ffn_W0, ffn_b0, ffn_W1, ffn_b1, ffnn_g, ffnn_b,
           em_W0, em_b0, em_W1, em_b1, em_W2, em_b2, emn_g, emn_b):
    Z, N, DV = V.shape
    KK = K.shape[-1]
    DE = E.shape[-1]
    assert Z == 1
    V2d = V.reshape(N, DV)
    E2d = E.reshape(N * KK, DE)
    mask2d = edge_mask.reshape(N, KK)

    def _seg_ok(s):
        if N % s or (N // s) % 200:
            return False
        rpw = -(-(N // s) * KK // (_LANE * _NW))
        return rpw % 4 == 0 and rpw >= 8

    S = next((s for s in (2, 4, 5) if _seg_ok(s)), 1)
    NS = N // S
    seg_edges = NS * KK
    chunk = _LANE * _NW
    rows_seg = -(-seg_edges // chunk) * _NW
    Kseg = K.reshape(S, seg_edges).astype(jnp.int32)
    Kp = jnp.pad(Kseg, ((0, 0), (0, rows_seg * _LANE - seg_edges)))
    Kp = Kp.reshape(S, rows_seg, _LANE)

    B = _pick_block(NS)
    R = B * KK
    grid = (NS // B,)
    nb = NS // B
    full = lambda shape: pl.BlockSpec(shape, lambda i: (0, 0))

    def row_blk(r, c, off=0):
        return pl.BlockSpec((r, c), lambda i, off=off: (i + off, 0))

    b_ = lambda x: x.reshape(1, -1)

    w1 = (nm_W0[:DV], nm_W0[DV:2 * DV], nm_W0[2 * DV:], b_(nm_b0),
          nm_W1, b_(nm_b1), nm_W2, b_(nm_b2),
          b_(nmn_g), b_(nmn_b), ffn_W0, b_(ffn_b0), ffn_W1, b_(ffn_b1),
          b_(ffnn_g), b_(ffnn_b))
    w1_specs = [full(w.shape) for w in w1]
    w2 = (em_W0[:DV], em_W0[DV:2 * DV], em_W0[2 * DV:], b_(em_b0),
          em_W1, b_(em_b1), em_W2, b_(em_b2), b_(emn_g), b_(emn_b))
    w2_specs = [full(w.shape) for w in w2]

    Vj1 = [_sc_gather(V2d, Kp[s]) for s in range(S)]
    Vsegs = []
    for s in range(S):
        Vsegs.append(pl.pallas_call(
            _tc1_body,
            grid=grid,
            in_specs=[row_blk(B, DV, s * nb), row_blk(R, DV),
                      row_blk(R, DE, s * nb),
                      row_blk(B, KK, s * nb)] + w1_specs,
            out_specs=row_blk(B, DV),
            out_shape=jax.ShapeDtypeStruct((NS, DV), jnp.float32),
            compiler_params=pltpu.CompilerParams(
                dimension_semantics=("arbitrary",)),
        )(V2d, Vj1[s], E2d, mask2d, *w1))
    Vnew = jnp.concatenate(Vsegs, axis=0) if S > 1 else Vsegs[0]

    Vj2 = [_sc_gather(Vnew, Kp[s]) for s in range(S)]
    Esegs = []
    for s in range(S):
        Esegs.append(pl.pallas_call(
            _tc2_body,
            grid=grid,
            in_specs=[row_blk(B, DV, s * nb), row_blk(R, DV),
                      row_blk(R, DE, s * nb),
                      row_blk(B, KK, s * nb)] + w2_specs,
            out_specs=row_blk(R, DE),
            out_shape=jax.ShapeDtypeStruct((seg_edges, DE), jnp.float32),
            compiler_params=pltpu.CompilerParams(
                dimension_semantics=("arbitrary",)),
        )(Vnew, Vj2[s], E2d, mask2d, *w2))
    Eout = jnp.concatenate(Esegs, axis=0) if S > 1 else Esegs[0]

    return Vnew.reshape(Z, N, DV), Eout.reshape(Z, N, KK, DE)

# --- scband reference (transcript-rebuilt; emitter-appended) ---
"""Pipeline reference for scband-gnnencoder-62569083568894 (READ-ONLY COPY).

The authoritative reference and input builder live on the scoring server;
editing this copy changes nothing except your own understanding.
"""

import jax, jax.numpy as jnp
import numpy as np

Z, N, KK, DV, DE = 1, 10000, 16, 128, 128


def _ln(x, g, b):
    m = jnp.mean(x, axis=-1, keepdims=True)
    v = jnp.mean((x - m) ** 2, axis=-1, keepdims=True)
    return (x - m) / jnp.sqrt(v + 1e-5) * g + b


def _gather_nodes(V, K):
    # torch: Vi = V.unsqueeze(2).expand(-1,-1,K,-1); Vj = gather(Vi, 1, K.unsqueeze(3).expand(...))
    Vj = jax.vmap(lambda v, k: v[k])(V, K)  # [Z, N, KK, DV]
    Vi = jnp.broadcast_to(V[:, :, None, :], Vj.shape)
    return Vi, Vj


def _mlp3(x, W0, b0, W1, b1, W2, b2):
    # MLP(d_in, d_out, d_hidden, hidden_layers=1, act='gelu')
    h = jax.nn.gelu(x @ W0 + b0)
    h = jax.nn.gelu(h @ W1 + b1)
    return h @ W2 + b2


def _mlp2(x, W0, b0, W1, b1):
    # MLP(d_in, d_out, d_hidden=4*Dv, hidden_layers=0, act='gelu')
    h = jax.nn.gelu(x @ W0 + b0)
    return h @ W1 + b1


def setup_inputs(seed: int = 0):
    key = jax.random.key(seed)
    ks = jax.random.split(key, 16)
    def pr(i, shape, fan_in):
        return jax.random.normal(ks[i], shape, jnp.float32) * (1.0 / np.sqrt(fan_in))
    d_in = 2 * DV + DE
    inp = {
        'V': jax.random.normal(ks[0], (Z, N, DV), jnp.float32),
        'E': jax.random.normal(ks[1], (Z, N, KK, DE), jnp.float32),
        'K': jax.random.randint(ks[2], (Z, N, KK), 0, N),
        'edge_mask': jnp.ones((Z, N, KK), jnp.float32),
        'nm_W0': pr(3, (d_in, DV), d_in), 'nm_b0': jnp.zeros((DV,), jnp.float32),
        'nm_W1': pr(4, (DV, DV), DV), 'nm_b1': jnp.zeros((DV,), jnp.float32),
        'nm_W2': pr(5, (DV, DV), DV), 'nm_b2': jnp.zeros((DV,), jnp.float32),
        'nmn_g': jnp.ones((DV,), jnp.float32), 'nmn_b': jnp.zeros((DV,), jnp.float32),
        'ffn_W0': pr(6, (DV, 4 * DV), DV), 'ffn_b0': jnp.zeros((4 * DV,), jnp.float32),
        'ffn_W1': pr(7, (4 * DV, DV), 4 * DV), 'ffn_b1': jnp.zeros((DV,), jnp.float32),
        'ffnn_g': jnp.ones((DV,), jnp.float32), 'ffnn_b': jnp.zeros((DV,), jnp.float32),
        'em_W0': pr(8, (d_in, DE), d_in), 'em_b0': jnp.zeros((DE,), jnp.float32),
        'em_W1': pr(9, (DE, DE), DE), 'em_b1': jnp.zeros((DE,), jnp.float32),
        'em_W2': pr(10, (DE, DE), DE), 'em_b2': jnp.zeros((DE,), jnp.float32),
        'emn_g': jnp.ones((DE,), jnp.float32), 'emn_b': jnp.zeros((DE,), jnp.float32),
    }
    return inp


def reference(V, E, K, edge_mask, nm_W0, nm_b0, nm_W1, nm_b1, nm_W2, nm_b2, nmn_g, nmn_b, ffn_W0, ffn_b0, ffn_W1, ffn_b1, ffnn_g, ffnn_b, em_W0, em_b0, em_W1, em_b1, em_W2, em_b2, emn_g, emn_b):
    Vi, Vj = _gather_nodes(V, K)
    Mv_pre = jnp.concatenate([Vi, Vj, E], axis=3)
    Mv = _mlp3(Mv_pre, nm_W0, nm_b0, nm_W1, nm_b1, nm_W2, nm_b2) * edge_mask[..., None]
    V = _ln(V + jnp.sum(Mv, axis=2), nmn_g, nmn_b)
    V = _ln(V + _mlp2(V, ffn_W0, ffn_b0, ffn_W1, ffn_b1), ffnn_g, ffnn_b)
    Vi, Vj = _gather_nodes(V, K)
    Me_pre = jnp.concatenate([Vi, Vj, E], axis=3)
    Me = _mlp3(Me_pre, em_W0, em_b0, em_W1, em_b1, em_W2, em_b2) * edge_mask[..., None]
    E = _ln(E + Me, emn_g, emn_b)
    return (V, E)

if __name__ == "__main__":
    import jax
    _d = setup_inputs()
    print(jax.jit(kernel)(*tuple(_d.values())))

</pallas_src>

<mosaic_0001>
#map = affine_map<(d0, d1) -> (0, 0)>
#map1 = affine_map<(d0, d1) -> (0, 0, 0)>
module attributes {stable_mosaic.version = 14 : i64} {
  func.func @gk(%arg0: i32, %arg1: i32, %arg2: memref<10000x128xf32, #tpu.memory_space<hbm>>, %arg3: memref<32x20x128xi32, #tpu.memory_space<hbm>>, %arg4: memref<81920x128xf32, #tpu.memory_space<hbm>>, %arg5: memref<20x128xi32, #tpu.memory_space<vmem>>, %arg6: memref<128x128xf32, #tpu.memory_space<vmem>>, %arg7: memref<128x128xf32, #tpu.memory_space<vmem>>, %arg8: memref<128x128xf32, #tpu.memory_space<vmem>>, %arg9: memref<128x128xf32, #tpu.memory_space<vmem>>, %arg10: memref<!tpu.dma_semaphore, #tpu.memory_space<semaphore_mem>>, %arg11: memref<!tpu.dma_semaphore, #tpu.memory_space<semaphore_mem>>, %arg12: memref<!tpu.dma_semaphore, #tpu.memory_space<semaphore_mem>>, %arg13: memref<!tpu.dma_semaphore, #tpu.memory_space<semaphore_mem>>, %arg14: memref<!tpu.dma_semaphore, #tpu.memory_space<semaphore_mem>>, %arg15: memref<!tpu.dma_semaphore, #tpu.memory_space<semaphore_mem>>, %arg16: memref<!tpu.dma_semaphore, #tpu.memory_space<semaphore_mem>>, %arg17: memref<!tpu.dma_semaphore, #tpu.memory_space<semaphore_mem>>) attributes {dimension_semantics = [#tpu.dimension_semantics<core_parallel>, #tpu.dimension_semantics<subcore_parallel>], iteration_bounds = array<i64: 2, 16>, scalar_prefetch = 0 : i64, scratch_operands = 13 : i64, tpu.core_type = #tpu.core_type<sc_vector_subcore>, window_params = [{transform_indices = #map}, {transform_indices = #map1}, {transform_indices = #map}]} {
    %mul3A = arith.constant 2 : i32
    %mul3A_0 = arith.muli %arg1, %mul3A : i32
    %add3A = arith.addi %mul3A_0, %arg0 : i32
    %mul3A_1 = arith.constant 20 : i32
    %mul3A_2 = arith.muli %add3A, %mul3A_1 : i32
    "tpu.region"() ({
      %run_scoped3A = tpu.sem_alloc : memref<!tpu.dma_semaphore, #tpu.memory_space<semaphore_mem>>
      %dma_start3A_118 = arith.constant 0 : i32
      %dma_start3A_119 = arith.constant 0 : i32
      %dma_start3A_120 = tpu.memref_slice %arg3[%add3A, %dma_start3A_118, %dma_start3A_119] : memref<32x20x128xi32, #tpu.memory_space<hbm>> -> memref<1x20x128xi32, #tpu.memory_space<hbm>>
      %dma_start3A_121 = tpu.memref_squeeze %dma_start3A_120 : memref<1x20x128xi32, #tpu.memory_space<hbm>> -> memref<20x128xi32, #tpu.memory_space<hbm>>
      %dma_start3A_122 = arith.constant 0 : i32
      %dma_start3A_123 = arith.constant 0 : i32
      %dma_start3A_124 = tpu.memref_slice %arg3[%add3A, %dma_start3A_122, %dma_start3A_123] : memref<32x20x128xi32, #tpu.memory_space<hbm>> -> memref<1x20x128xi32, #tpu.memory_space<hbm>>
      %dma_start3A_125 = tpu.memref_squeeze %dma_start3A_124 : memref<1x20x128xi32, #tpu.memory_space<hbm>> -> memref<20x128xi32, #tpu.memory_space<hbm>>
      tpu.enqueue_dma source(%dma_start3A_125 : memref<20x128xi32, #tpu.memory_space<hbm>>) target(%arg5 : memref<20x128xi32, #tpu.memory_space<vmem>>) target_semaphore(%run_scoped3A : memref<!tpu.dma_semaphore, #tpu.memory_space<semaphore_mem>>)
      %dma_wait3A_126 = arith.constant 0 : i32
      %dma_wait3A_127 = arith.constant 0 : i32
      %dma_wait3A_128 = tpu.memref_slice %arg3[%add3A, %dma_wait3A_126, %dma_wait3A_127] : memref<32x20x128xi32, #tpu.memory_space<hbm>> -> memref<1x20x128xi32, #tpu.memory_space<hbm>>
      %dma_wait3A_129 = tpu.memref_squeeze %dma_wait3A_128 : memref<1x20x128xi32, #tpu.memory_space<hbm>> -> memref<20x128xi32, #tpu.memory_space<hbm>>
      %dma_wait3A_130 = arith.constant 0 : i32
      %dma_wait3A_131 = arith.constant 0 : i32
      %dma_wait3A_132 = tpu.memref_slice %arg3[%add3A, %dma_wait3A_130, %dma_wait3A_131] : memref<32x20x128xi32, #tpu.memory_space<hbm>> -> memref<1x20x128xi32, #tpu.memory_space<hbm>>
      %dma_wait3A_133 = tpu.memref_squeeze %dma_wait3A_132 : memref<1x20x128xi32, #tpu.memory_space<hbm>> -> memref<20x128xi32, #tpu.memory_space<hbm>>
      tpu.wait_dma2 semaphore(%run_scoped3A : memref<!tpu.dma_semaphore, #tpu.memory_space<semaphore_mem>>) src(%dma_wait3A_133 : memref<20x128xi32, #tpu.memory_space<hbm>>) dst(%arg5 : memref<20x128xi32, #tpu.memory_space<vmem>>)
      tpu.yield
    }) : () -> ()
    %dma_start3A = arith.constant 0 : i32
    %dma_start3A_3 = arith.constant 0 : i32
    %dma_start3A_4 = tpu.memref_slice %arg5[%dma_start3A, %dma_start3A_3] : memref<20x128xi32, #tpu.memory_space<vmem>> -> memref<1x128xi32, #tpu.memory_space<vmem>>
    %dma_start3A_5 = tpu.memref_squeeze %dma_start3A_4 : memref<1x128xi32, #tpu.memory_space<vmem>> -> memref<128xi32, #tpu.memory_space<vmem>>
    %dma_start3A_6 = arith.constant 0 : i32
    %dma_start3A_7 = arith.constant 0 : i32
    %dma_start3A_8 = tpu.memref_slice %arg2[%dma_start3A_6, %dma_start3A_7] : memref<10000x128xf32, #tpu.memory_space<hbm>> -> memref<10000x128xf32, #tpu.memory_space<hbm>>
    tpu.enqueue_indirect_dma source(%dma_start3A_8 : memref<10000x128xf32, #tpu.memory_space<hbm>>) target(%arg6 : memref<128x128xf32, #tpu.memory_space<vmem>>) offsets(%dma_start3A_5 : memref<128xi32, #tpu.memory_space<vmem>>) semaphore(%arg10 : memref<!tpu.dma_semaphore, #tpu.memory_space<semaphore_mem>>)
    %dma_start3A_9 = arith.constant 1 : i32
    %dma_start3A_10 = arith.constant 0 : i32
    %dma_start3A_11 = tpu.memref_slice %arg5[%dma_start3A_9, %dma_start3A_10] : memref<20x128xi32, #tpu.memory_space<vmem>> -> memref<1x128xi32, #tpu.memory_space<vmem>>
    %dma_start3A_12 = tpu.memref_squeeze %dma_start3A_11 : memref<1x128xi32, #tpu.memory_space<vmem>> -> memref<128xi32, #tpu.memory_space<vmem>>
    %dma_start3A_13 = arith.constant 0 : i32
    %dma_start3A_14 = arith.constant 0 : i32
    %dma_start3A_15 = tpu.memref_slice %arg2[%dma_start3A_13, %dma_start3A_14] : memref<10000x128xf32, #tpu.memory_space<hbm>> -> memref<10000x128xf32, #tpu.memory_space<hbm>>
    tpu.enqueue_indirect_dma source(%dma_start3A_15 : memref<10000x128xf32, #tpu.memory_space<hbm>>) target(%arg7 : memref<128x128xf32, #tpu.memory_space<vmem>>) offsets(%dma_start3A_12 : memref<128xi32, #tpu.memory_space<vmem>>) semaphore(%arg11 : memref<!tpu.dma_semaphore, #tpu.memory_space<semaphore_mem>>)
    %dma_wait3A = arith.constant 0 : i32
    %dma_wait3A_16 = arith.constant 0 : i32
    %dma_wait3A_17 = tpu.memref_slice %arg5[%dma_wait3A, %dma_wait3A_16] : memref<20x128xi32, #tpu.memory_space<vmem>> -> memref<1x128xi32, #tpu.memory_space<vmem>>
    %dma_wait3A_18 = tpu.memref_squeeze %dma_wait3A_17 : memref<1x128xi32, #tpu.memory_space<vmem>> -> memref<128xi32, #tpu.memory_space<vmem>>
    %dma_wait3A_19 = arith.constant 0 : i32
    %dma_wait3A_20 = arith.constant 0 : i32
    %dma_wait3A_21 = tpu.memref_slice %arg2[%dma_wait3A_19, %dma_wait3A_20] : memref<10000x128xf32, #tpu.memory_space<hbm>> -> memref<10000x128xf32, #tpu.memory_space<hbm>>
    tpu.wait_indirect_dma semaphore(%arg10 : memref<!tpu.dma_semaphore, #tpu.memory_space<semaphore_mem>>) src(%dma_wait3A_21 : memref<10000x128xf32, #tpu.memory_space<hbm>>) dst(%arg6 : memref<128x128xf32, #tpu.memory_space<vmem>>)
    %add3A_22 = arith.constant 0 : i32
    %add3A_23 = arith.addi %mul3A_2, %add3A_22 : i32
    %mul3A_24 = arith.constant 128 : i32
    %mul3A_25 = arith.muli %add3A_23, %mul3A_24 : i32
    %dma_start3A_26 = arith.constant 0 : i32
    %dma_start3A_27 = tpu.memref_slice %arg4[%mul3A_25, %dma_start3A_26] : memref<81920x128xf32, #tpu.memory_space<hbm>> -> memref<128x128xf32, #tpu.memory_space<hbm>>
    %dma_start3A_28 = arith.constant 0 : i32
    %dma_start3A_29 = tpu.memref_slice %arg4[%mul3A_25, %dma_start3A_28] : memref<81920x128xf32, #tpu.memory_space<hbm>> -> memref<128x128xf32, #tpu.memory_space<hbm>>
    tpu.enqueue_dma source(%arg6 : memref<128x128xf32, #tpu.memory_space<vmem>>) target(%dma_start3A_29 : memref<128x128xf32, #tpu.memory_space<hbm>>) target_semaphore(%arg14 : memref<!tpu.dma_semaphore, #tpu.memory_space<semaphore_mem>>)
    %dma_start3A_30 = arith.constant 2 : i32
    %dma_start3A_31 = arith.constant 0 : i32
    %dma_start3A_32 = tpu.memref_slice %arg5[%dma_start3A_30, %dma_start3A_31] : memref<20x128xi32, #tpu.memory_space<vmem>> -> memref<1x128xi32, #tpu.memory_space<vmem>>
    %dma_start3A_33 = tpu.memref_squeeze %dma_start3A_32 : memref<1x128xi32, #tpu.memory_space<vmem>> -> memref<128xi32, #tpu.memory_space<vmem>>
    %dma_start3A_34 = arith.constant 0 : i32
    %dma_start3A_35 = arith.constant 0 : i32
    %dma_start3A_36 = tpu.memref_slice %arg2[%dma_start3A_34, %dma_start3A_35] : memref<10000x128xf32, #tpu.memory_space<hbm>> -> memref<10000x128xf32, #tpu.memory_space<hbm>>
    tpu.enqueue_indirect_dma source(%dma_start3A_36 : memref<10000x128xf32, #tpu.memory_space<hbm>>) target(%arg8 : memref<128x128xf32, #tpu.memory_space<vmem>>) offsets(%dma_start3A_33 : memref<128xi32, #tpu.memory_space<vmem>>) semaphore(%arg12 : memref<!tpu.dma_semaphore, #tpu.memory_space<semaphore_mem>>)
    %dma_wait3A_37 = arith.constant 1 : i32
    %dma_wait3A_38 = arith.constant 0 : i32
    %dma_wait3A_39 = tpu.memref_slice %arg5[%dma_wait3A_37, %dma_wait3A_38] : memref<20x128xi32, #tpu.memory_space<vmem>> -> memref<1x128xi32, #tpu.memory_space<vmem>>
    %dma_wait3A_40 = tpu.memref_squeeze %dma_wait3A_39 : memref<1x128xi32, #tpu.memory_space<vmem>> -> memref<128xi32, #tpu.memory_space<vmem>>
    %dma_wait3A_41 = arith.constant 0 : i32
    %dma_wait3A_42 = arith.constant 0 : i32
    %dma_wait3A_43 = tpu.memref_slice %arg2[%dma_wait3A_41, %dma_wait3A_42] : memref<10000x128xf32, #tpu.memory_space<hbm>> -> memref<10000x128xf32, #tpu.memory_space<hbm>>
    tpu.wait_indirect_dma semaphore(%arg11 : memref<!tpu.dma_semaphore, #tpu.memory_space<semaphore_mem>>) src(%dma_wait3A_43 : memref<10000x128xf32, #tpu.memory_space<hbm>>) dst(%arg7 : memref<128x128xf32, #tpu.memory_space<vmem>>)
    %add3A_44 = arith.constant 1 : i32
    %add3A_45 = arith.addi %mul3A_2, %add3A_44 : i32
    %mul3A_46 = arith.constant 128 : i32
    %mul3A_47 = arith.muli %add3A_45, %mul3A_46 : i32
    %dma_start3A_48 = arith.constant 0 : i32
    %dma_start3A_49 = tpu.memref_slice %arg4[%mul3A_47, %dma_start3A_48] : memref<81920x128xf32, #tpu.memory_space<hbm>> -> memref<128x128xf32, #tpu.memory_space<hbm>>
    %dma_start3A_50 = arith.constant 0 : i32
    %dma_start3A_51 = tpu.memref_slice %arg4[%mul3A_47, %dma_start3A_50] : memref<81920x128xf32, #tpu.memory_space<hbm>> -> memref<128x128xf32, #tpu.memory_space<hbm>>
    tpu.enqueue_dma source(%arg7 : memref<128x128xf32, #tpu.memory_space<vmem>>) target(%dma_start3A_51 : memref<128x128xf32, #tpu.memory_space<hbm>>) target_semaphore(%arg15 : memref<!tpu.dma_semaphore, #tpu.memory_space<semaphore_mem>>)
    %dma_start3A_52 = arith.constant 3 : i32
    %dma_start3A_53 = arith.constant 0 : i32
    %dma_start3A_54 = tpu.memref_slice %arg5[%dma_start3A_52, %dma_start3A_53] : memref<20x128xi32, #tpu.memory_space<vmem>> -> memref<1x128xi32, #tpu.memory_space<vmem>>
    %dma_start3A_55 = tpu.memref_squeeze %dma_start3A_54 : memref<1x128xi32, #tpu.memory_space<vmem>> -> memref<128xi32, #tpu.memory_space<vmem>>
    %dma_start3A_56 = arith.constant 0 : i32
    %dma_start3A_57 = arith.constant 0 : i32
    %dma_start3A_58 = tpu.memref_slice %arg2[%dma_start3A_56, %dma_start3A_57] : memref<10000x128xf32, #tpu.memory_space<hbm>> -> memref<10000x128xf32, #tpu.memory_space<hbm>>
    tpu.enqueue_indirect_dma source(%dma_start3A_58 : memref<10000x128xf32, #tpu.memory_space<hbm>>) target(%arg9 : memref<128x128xf32, #tpu.memory_space<vmem>>) offsets(%dma_start3A_55 : memref<128xi32, #tpu.memory_space<vmem>>) semaphore(%arg13 : memref<!tpu.dma_semaphore, #tpu.memory_space<semaphore_mem>>)
    %scan3A = arith.constant 0 : i32
    %scan3A_59 = arith.constant 0 : i32
    %scan3A_60 = arith.constant 4 : i32
    %scan3A_61 = arith.addi %scan3A_59, %scan3A_60 : i32
    %scan3A_62 = arith.constant 1 : i32
    scf.for %scan3A_118 = %scan3A_59 to %scan3A_61 step %scan3A_62  : i32 {
      %mul3A_119 = arith.constant 4 : i32
      %mul3A_120 = arith.muli %scan3A_118, %mul3A_119 : i32
      %add3A_121 = arith.constant 2 : i32
      %add3A_122 = arith.addi %add3A_121, %mul3A_120 : i32
      %add3A_123 = arith.constant 0 : i32
      %add3A_124 = arith.addi %add3A_122, %add3A_123 : i32
      %dma_wait3A_125 = arith.constant 0 : i32
      %dma_wait3A_126 = tpu.memref_slice %arg5[%add3A_124, %dma_wait3A_125] : memref<20x128xi32, #tpu.memory_space<vmem>> -> memref<1x128xi32, #tpu.memory_space<vmem>>
      %dma_wait3A_127 = tpu.memref_squeeze %dma_wait3A_126 : memref<1x128xi32, #tpu.memory_space<vmem>> -> memref<128xi32, #tpu.memory_space<vmem>>
      %dma_wait3A_128 = arith.constant 0 : i32
      %dma_wait3A_129 = arith.constant 0 : i32
      %dma_wait3A_130 = tpu.memref_slice %arg2[%dma_wait3A_128, %dma_wait3A_129] : memref<10000x128xf32, #tpu.memory_space<hbm>> -> memref<10000x128xf32, #tpu.memory_space<hbm>>
      tpu.wait_indirect_dma semaphore(%arg12 : memref<!tpu.dma_semaphore, #tpu.memory_space<semaphore_mem>>) src(%dma_wait3A_130 : memref<10000x128xf32, #tpu.memory_space<hbm>>) dst(%arg8 : memref<128x128xf32, #tpu.memory_space<vmem>>)
      %add3A_131 = arith.addi %mul3A_2, %add3A_124 : i32
      %mul3A_132 = arith.constant 128 : i32
      %mul3A_133 = arith.muli %add3A_131, %mul3A_132 : i32
      %dma_start3A_134 = arith.constant 0 : i32
      %dma_start3A_135 = tpu.memref_slice %arg4[%mul3A_133, %dma_start3A_134] : memref<81920x128xf32, #tpu.memory_space<hbm>> -> memref<128x128xf32, #tpu.memory_space<hbm>>
      %dma_start3A_136 = arith.constant 0 : i32
      %dma_start3A_137 = tpu.memref_slice %arg4[%mul3A_133, %dma_start3A_136] : memref<81920x128xf32, #tpu.memory_space<hbm>> -> memref<128x128xf32, #tpu.memory_space<hbm>>
      tpu.enqueue_dma source(%arg8 : memref<128x128xf32, #tpu.memory_space<vmem>>) target(%dma_start3A_137 : memref<128x128xf32, #tpu.memory_space<hbm>>) target_semaphore(%arg16 : memref<!tpu.dma_semaphore, #tpu.memory_space<semaphore_mem>>)
      %dma_wait3A_138 = arith.constant 0 : i32
      %dma_wait3A_139 = arith.constant 0 : i32
      %dma_wait3A_140 = tpu.memref_slice %arg4[%dma_wait3A_138, %dma_wait3A_139] : memref<81920x128xf32, #tpu.memory_space<hbm>> -> memref<128x128xf32, #tpu.memory_space<hbm>>
      %dma_wait3A_141 = arith.constant 0 : i32
      %dma_wait3A_142 = arith.constant 0 : i32
      %dma_wait3A_143 = tpu.memref_slice %arg4[%dma_wait3A_141, %dma_wait3A_142] : memref<81920x128xf32, #tpu.memory_space<hbm>> -> memref<128x128xf32, #tpu.memory_space<hbm>>
      tpu.wait_dma2 semaphore(%arg14 : memref<!tpu.dma_semaphore, #tpu.memory_space<semaphore_mem>>) src(%arg6 : memref<128x128xf32, #tpu.memory_space<vmem>>) dst(%dma_wait3A_143 : memref<128x128xf32, #tpu.memory_space<hbm>>)
      %add3A_144 = arith.constant 2 : i32
      %add3A_145 = arith.addi %add3A_124, %add3A_144 : i32
      %dma_start3A_146 = arith.constant 0 : i32
      %dma_start3A_147 = tpu.memref_slice %arg5[%add3A_145, %dma_start3A_146] : memref<20x128xi32, #tpu.memory_space<vmem>> -> memref<1x128xi32, #tpu.memory_space<vmem>>
      %dma_start3A_148 = tpu.memref_squeeze %dma_start3A_147 : memref<1x128xi32, #tpu.memory_space<vmem>> -> memref<128xi32, #tpu.memory_space<vmem>>
      %dma_start3A_149 = arith.constant 0 : i32
      %dma_start3A_150 = arith.constant 0 : i32
      %dma_start3A_151 = tpu.memref_slice %arg2[%dma_start3A_149, %dma_start3A_150] : memref<10000x128xf32, #tpu.memory_space<hbm>> -> memref<10000x128xf32, #tpu.memory_space<hbm>>
      tpu.enqueue_indirect_dma source(%dma_start3A_151 : memref<10000x128xf32, #tpu.memory_space<hbm>>) target(%arg6 : memref<128x128xf32, #tpu.memory_space<vmem>>) offsets(%dma_start3A_148 : memref<128xi32, #tpu.memory_space<vmem>>) semaphore(%arg10 : memref<!tpu.dma_semaphore, #tpu.memory_space<semaphore_mem>>)
      %mul3A_152 = arith.constant 4 : i32
      %mul3A_153 = arith.muli %scan3A_118, %mul3A_152 : i32
      %add3A_154 = arith.constant 2 : i32
      %add3A_155 = arith.addi %add3A_154, %mul3A_153 : i32
      %add3A_156 = arith.constant 1 : i32
      %add3A_157 = arith.addi %add3A_155, %add3A_156 : i32
      %dma_wait3A_158 = arith.constant 0 : i32
      %dma_wait3A_159 = tpu.memref_slice %arg5[%add3A_157, %dma_wait3A_158] : memref<20x128xi32, #tpu.memory_space<vmem>> -> memref<1x128xi32, #tpu.memory_space<vmem>>
      %dma_wait3A_160 = tpu.memref_squeeze %dma_wait3A_159 : memref<1x128xi32, #tpu.memory_space<vmem>> -> memref<128xi32, #tpu.memory_space<vmem>>
      %dma_wait3A_161 = arith.constant 0 : i32
      %dma_wait3A_162 = arith.constant 0 : i32
      %dma_wait3A_163 = tpu.memref_slice %arg2[%dma_wait3A_161, %dma_wait3A_162] : memref<10000x128xf32, #tpu.memory_space<hbm>> -> memref<10000x128xf32, #tpu.memory_space<hbm>>
      tpu.wait_indirect_dma semaphore(%arg13 : memref<!tpu.dma_semaphore, #tpu.memory_space<semaphore_mem>>) src(%dma_wait3A_163 : memref<10000x128xf32, #tpu.memory_space<hbm>>) dst(%arg9 : memref<128x128xf32, #tpu.memory_space<vmem>>)
      %add3A_164 = arith.addi %mul3A_2, %add3A_157 : i32
      %mul3A_165 = arith.constant 128 : i32
      %mul3A_166 = arith.muli %add3A_164, %mul3A_165 : i32
      %dma_start3A_167 = arith.constant 0 : i32
      %dma_start3A_168 = tpu.memref_slice %arg4[%mul3A_166, %dma_start3A_167] : memref<81920x128xf32, #tpu.memory_space<hbm>> -> memref<128x128xf32, #tpu.memory_space<hbm>>
      %dma_start3A_169 = arith.constant 0 : i32
      %dma_start3A_170 = tpu.memref_slice %arg4[%mul3A_166, %dma_start3A_169] : memref<81920x128xf32, #tpu.memory_space<hbm>> -> memref<128x128xf32, #tpu.memory_space<hbm>>
      tpu.enqueue_dma source(%arg9 : memref<128x128xf32, #tpu.memory_space<vmem>>) target(%dma_start3A_170 : memref<128x128xf32, #tpu.memory_space<hbm>>) target_semaphore(%arg17 : memref<!tpu.dma_semaphore, #tpu.memory_space<semaphore_mem>>)
      %dma_wait3A_171 = arith.constant 0 : i32
      %dma_wait3A_172 = arith.constant 0 : i32
      %dma_wait3A_173 = tpu.memref_slice %arg4[%dma_wait3A_171, %dma_wait3A_172] : memref<81920x128xf32, #tpu.memory_space<hbm>> -> memref<128x128xf32, #tpu.memory_space<hbm>>
      %dma_wait3A_174 = arith.constant 0 : i32
      %dma_wait3A_175 = arith.constant 0 : i32
      %dma_wait3A_176 = tpu.memref_slice %arg4[%dma_wait3A_174, %dma_wait3A_175] : memref<81920x128xf32, #tpu.memory_space<hbm>> -> memref<128x128xf32, #tpu.memory_space<hbm>>
      tpu.wait_dma2 semaphore(%arg15 : memref<!tpu.dma_semaphore, #tpu.memory_space<semaphore_mem>>) src(%arg7 : memref<128x128xf32, #tpu.memory_space<vmem>>) dst(%dma_wait3A_176 : memref<128x128xf32, #tpu.memory_space<hbm>>)
      %add3A_177 = arith.constant 2 : i32
      %add3A_178 = arith.addi %add3A_157, %add3A_177 : i32
      %dma_start3A_179 = arith.constant 0 : i32
      %dma_start3A_180 = tpu.memref_slice %arg5[%add3A_178, %dma_start3A_179] : memref<20x128xi32, #tpu.memory_space<vmem>> -> memref<1x128xi32, #tpu.memory_space<vmem>>
      %dma_start3A_181 = tpu.memref_squeeze %dma_start3A_180 : memref<1x128xi32, #tpu.memory_space<vmem>> -> memref<128xi32, #tpu.memory_space<vmem>>
      %dma_start3A_182 = arith.constant 0 : i32
      %dma_start3A_183 = arith.constant 0 : i32
      %dma_start3A_184 = tpu.memref_slice %arg2[%dma_start3A_182, %dma_start3A_183] : memref<10000x128xf32, #tpu.memory_space<hbm>> -> memref<10000x128xf32, #tpu.memory_space<hbm>>
      tpu.enqueue_indirect_dma source(%dma_start3A_184 : memref<10000x128xf32, #tpu.memory_space<hbm>>) target(%arg7 : memref<128x128xf32, #tpu.memory_space<vmem>>) offsets(%dma_start3A_181 : memref<128xi32, #tpu.memory_space<vmem>>) semaphore(%arg11 : memref<!tpu.dma_semaphore, #tpu.memory_space<semaphore_mem>>)
      %mul3A_185 = arith.constant 4 : i32
      %mul3A_186 = arith.muli %scan3A_118, %mul3A_185 : i32
      %add3A_187 = arith.constant 2 : i32
      %add3A_188 = arith.addi %add3A_187, %mul3A_186 : i32
      %add3A_189 = arith.constant 2 : i32
      %add3A_190 = arith.addi %add3A_188, %add3A_189 : i32
      %dma_wait3A_191 = arith.constant 0 : i32
      %dma_wait3A_192 = tpu.memref_slice %arg5[%add3A_190, %dma_wait3A_191] : memref<20x128xi32, #tpu.memory_space<vmem>> -> memref<1x128xi32, #tpu.memory_space<vmem>>
      %dma_wait3A_193 = tpu.memref_squeeze %dma_wait3A_192 : memref<1x128xi32, #tpu.memory_space<vmem>> -> memref<128xi32, #tpu.memory_space<vmem>>
      %dma_wait3A_194 = arith.constant 0 : i32
      %dma_wait3A_195 = arith.constant 0 : i32
      %dma_wait3A_196 = tpu.memref_slice %arg2[%dma_wait3A_194, %dma_wait3A_195] : memref<10000x128xf32, #tpu.memory_space<hbm>> -> memref<10000x128xf32, #tpu.memory_space<hbm>>
      tpu.wait_indirect_dma semaphore(%arg10 : memref<!tpu.dma_semaphore, #tpu.memory_space<semaphore_mem>>) src(%dma_wait3A_196 : memref<10000x128xf32, #tpu.memory_space<hbm>>) dst(%arg6 : memref<128x128xf32, #tpu.memory_space<vmem>>)
      %add3A_197 = arith.addi %mul3A_2, %add3A_190 : i32
      %mul3A_198 = arith.constant 128 : i32
      %mul3A_199 = arith.muli %add3A_197, %mul3A_198 : i32
      %dma_start3A_200 = arith.constant 0 : i32
      %dma_start3A_201 = tpu.memref_slice %arg4[%mul3A_199, %dma_start3A_200] : memref<81920x128xf32, #tpu.memory_space<hbm>> -> memref<128x128xf32, #tpu.memory_space<hbm>>
      %dma_start3A_202 = arith.constant 0 : i32
      %dma_start3A_203 = tpu.memref_slice %arg4[%mul3A_199, %dma_start3A_202] : memref<81920x128xf32, #tpu.memory_space<hbm>> -> memref<128x128xf32, #tpu.memory_space<hbm>>
      tpu.enqueue_dma source(%arg6 : memref<128x128xf32, #tpu.memory_space<vmem>>) target(%dma_start3A_203 : memref<128x128xf32, #tpu.memory_space<hbm>>) target_semaphore(%arg14 : memref<!tpu.dma_semaphore, #tpu.memory_space<semaphore_mem>>)
      %dma_wait3A_204 = arith.constant 0 : i32
      %dma_wait3A_205 = arith.constant 0 : i32
      %dma_wait3A_206 = tpu.memref_slice %arg4[%dma_wait3A_204, %dma_wait3A_205] : memref<81920x128xf32, #tpu.memory_space<hbm>> -> memref<128x128xf32, #tpu.memory_space<hbm>>
      %dma_wait3A_207 = arith.constant 0 : i32
      %dma_wait3A_208 = arith.constant 0 : i32
      %dma_wait3A_209 = tpu.memref_slice %arg4[%dma_wait3A_207, %dma_wait3A_208] : memref<81920x128xf32, #tpu.memory_space<hbm>> -> memref<128x128xf32, #tpu.memory_space<hbm>>
      tpu.wait_dma2 semaphore(%arg16 : memref<!tpu.dma_semaphore, #tpu.memory_space<semaphore_mem>>) src(%arg8 : memref<128x128xf32, #tpu.memory_space<vmem>>) dst(%dma_wait3A_209 : memref<128x128xf32, #tpu.memory_space<hbm>>)
      %add3A_210 = arith.constant 2 : i32
      %add3A_211 = arith.addi %add3A_190, %add3A_210 : i32
      %dma_start3A_212 = arith.constant 0 : i32
      %dma_start3A_213 = tpu.memref_slice %arg5[%add3A_211, %dma_start3A_212] : memref<20x128xi32, #tpu.memory_space<vmem>> -> memref<1x128xi32, #tpu.memory_space<vmem>>
      %dma_start3A_214 = tpu.memref_squeeze %dma_start3A_213 : memref<1x128xi32, #tpu.memory_space<vmem>> -> memref<128xi32, #tpu.memory_space<vmem>>
      %dma_start3A_215 = arith.constant 0 : i32
      %dma_start3A_216 = arith.constant 0 : i32
      %dma_start3A_217 = tpu.memref_slice %arg2[%dma_start3A_215, %dma_start3A_216] : memref<10000x128xf32, #tpu.memory_space<hbm>> -> memref<10000x128xf32, #tpu.memory_space<hbm>>
      tpu.enqueue_indirect_dma source(%dma_start3A_217 : memref<10000x128xf32, #tpu.memory_space<hbm>>) target(%arg8 : memref<128x128xf32, #tpu.memory_space<vmem>>) offsets(%dma_start3A_214 : memref<128xi32, #tpu.memory_space<vmem>>) semaphore(%arg12 : memref<!tpu.dma_semaphore, #tpu.memory_space<semaphore_mem>>)
      %mul3A_218 = arith.constant 4 : i32
      %mul3A_219 = arith.muli %scan3A_118, %mul3A_218 : i32
      %add3A_220 = arith.constant 2 : i32
      %add3A_221 = arith.addi %add3A_220, %mul3A_219 : i32
      %add3A_222 = arith.constant 3 : i32
      %add3A_223 = arith.addi %add3A_221, %add3A_222 : i32
      %dma_wait3A_224 = arith.constant 0 : i32
      %dma_wait3A_225 = tpu.memref_slice %arg5[%add3A_223, %dma_wait3A_224] : memref<20x128xi32, #tpu.memory_space<vmem>> -> memref<1x128xi32, #tpu.memory_space<vmem>>
      %dma_wait3A_226 = tpu.memref_squeeze %dma_wait3A_225 : memref<1x128xi32, #tpu.memory_space<vmem>> -> memref<128xi32, #tpu.memory_space<vmem>>
      %dma_wait3A_227 = arith.constant 0 : i32
      %dma_wait3A_228 = arith.constant 0 : i32
      %dma_wait3A_229 = tpu.memref_slice %arg2[%dma_wait3A_227, %dma_wait3A_228] : memref<10000x128xf32, #tpu.memory_space<hbm>> -> memref<10000x128xf32, #tpu.memory_space<hbm>>
      tpu.wait_indirect_dma semaphore(%arg11 : memref<!tpu.dma_semaphore, #tpu.memory_space<semaphore_mem>>) src(%dma_wait3A_229 : memref<10000x128xf32, #tpu.memory_space<hbm>>) dst(%arg7 : memref<128x128xf32, #tpu.memory_space<vmem>>)
      %add3A_230 = arith.addi %mul3A_2, %add3A_223 : i32
      %mul3A_231 = arith.constant 128 : i32
      %mul3A_232 = arith.muli %add3A_230, %mul3A_231 : i32
      %dma_start3A_233 = arith.constant 0 : i32
      %dma_start3A_234 = tpu.memref_slice %arg4[%mul3A_232, %dma_start3A_233] : memref<81920x128xf32, #tpu.memory_space<hbm>> -> memref<128x128xf32, #tpu.memory_space<hbm>>
      %dma_start3A_235 = arith.constant 0 : i32
      %dma_start3A_236 = tpu.memref_slice %arg4[%mul3A_232, %dma_start3A_235] : memref<81920x128xf32, #tpu.memory_space<hbm>> -> memref<128x128xf32, #tpu.memory_space<hbm>>
      tpu.enqueue_dma source(%arg7 : memref<128x128xf32, #tpu.memory_space<vmem>>) target(%dma_start3A_236 : memref<128x128xf32, #tpu.memory_space<hbm>>) target_semaphore(%arg15 : memref<!tpu.dma_semaphore, #tpu.memory_space<semaphore_mem>>)
      %dma_wait3A_237 = arith.constant 0 : i32
      %dma_wait3A_238 = arith.constant 0 : i32
      %dma_wait3A_239 = tpu.memref_slice %arg4[%dma_wait3A_237, %dma_wait3A_238] : memref<81920x128xf32, #tpu.memory_space<hbm>> -> memref<128x128xf32, #tpu.memory_space<hbm>>
      %dma_wait3A_240 = arith.constant 0 : i32
      %dma_wait3A_241 = arith.constant 0 : i32
      %dma_wait3A_242 = tpu.memref_slice %arg4[%dma_wait3A_240, %dma_wait3A_241] : memref<81920x128xf32, #tpu.memory_space<hbm>> -> memref<128x128xf32, #tpu.memory_space<hbm>>
      tpu.wait_dma2 semaphore(%arg17 : memref<!tpu.dma_semaphore, #tpu.memory_space<semaphore_mem>>) src(%arg9 : memref<128x128xf32, #tpu.memory_space<vmem>>) dst(%dma_wait3A_242 : memref<128x128xf32, #tpu.memory_space<hbm>>)
      %add3A_243 = arith.constant 2 : i32
      %add3A_244 = arith.addi %add3A_223, %add3A_243 : i32
      %dma_start3A_245 = arith.constant 0 : i32
      %dma_start3A_246 = tpu.memref_slice %arg5[%add3A_244, %dma_start3A_245] : memref<20x128xi32, #tpu.memory_space<vmem>> -> memref<1x128xi32, #tpu.memory_space<vmem>>
      %dma_start3A_247 = tpu.memref_squeeze %dma_start3A_246 : memref<1x128xi32, #tpu.memory_space<vmem>> -> memref<128xi32, #tpu.memory_space<vmem>>
      %dma_start3A_248 = arith.constant 0 : i32
      %dma_start3A_249 = arith.constant 0 : i32
      %dma_start3A_250 = tpu.memref_slice %arg2[%dma_start3A_248, %dma_start3A_249] : memref<10000x128xf32, #tpu.memory_space<hbm>> -> memref<10000x128xf32, #tpu.memory_space<hbm>>
      tpu.enqueue_indirect_dma source(%dma_start3A_250 : memref<10000x128xf32, #tpu.memory_space<hbm>>) target(%arg9 : memref<128x128xf32, #tpu.memory_space<vmem>>) offsets(%dma_start3A_247 : memref<128xi32, #tpu.memory_space<vmem>>) semaphore(%arg13 : memref<!tpu.dma_semaphore, #tpu.memory_space<semaphore_mem>>)
    }
    %scan3A_63 = arith.constant 4 : i32
    %dma_wait3A_64 = arith.constant 18 : i32
    %dma_wait3A_65 = arith.constant 0 : i32
    %dma_wait3A_66 = tpu.memref_slice %arg5[%dma_wait3A_64, %dma_wait3A_65] : memref<20x128xi32, #tpu.memory_space<vmem>> -> memref<1x128xi32, #tpu.memory_space<vmem>>
    %dma_wait3A_67 = tpu.memref_squeeze %dma_wait3A_66 : memref<1x128xi32, #tpu.memory_space<vmem>> -> memref<128xi32, #tpu.memory_space<vmem>>
    %dma_wait3A_68 = arith.constant 0 : i32
    %dma_wait3A_69 = arith.constant 0 : i32
    %dma_wait3A_70 = tpu.memref_slice %arg2[%dma_wait3A_68, %dma_wait3A_69] : memref<10000x128xf32, #tpu.memory_space<hbm>> -> memref<10000x128xf32, #tpu.memory_space<hbm>>
    tpu.wait_indirect_dma semaphore(%arg12 : memref<!tpu.dma_semaphore, #tpu.memory_space<semaphore_mem>>) src(%dma_wait3A_70 : memref<10000x128xf32, #tpu.memory_space<hbm>>) dst(%arg8 : memref<128x128xf32, #tpu.memory_space<vmem>>)
    %add3A_71 = arith.constant 18 : i32
    %add3A_72 = arith.addi %mul3A_2, %add3A_71 : i32
    %mul3A_73 = arith.constant 128 : i32
    %mul3A_74 = arith.muli %add3A_72, %mul3A_73 : i32
    %dma_start3A_75 = arith.constant 0 : i32
    %dma_start3A_76 = tpu.memref_slice %arg4[%mul3A_74, %dma_start3A_75] : memref<81920x128xf32, #tpu.memory_space<hbm>> -> memref<128x128xf32, #tpu.memory_space<hbm>>
    %dma_start3A_77 = arith.constant 0 : i32
    %dma_start3A_78 = tpu.memref_slice %arg4[%mul3A_74, %dma_start3A_77] : memref<81920x128xf32, #tpu.memory_space<hbm>> -> memref<128x128xf32, #tpu.memory_space<hbm>>
    tpu.enqueue_dma source(%arg8 : memref<128x128xf32, #tpu.memory_space<vmem>>) target(%dma_start3A_78 : memref<128x128xf32, #tpu.memory_space<hbm>>) target_semaphore(%arg16 : memref<!tpu.dma_semaphore, #tpu.memory_space<semaphore_mem>>)
    %dma_wait3A_79 = arith.constant 19 : i32
    %dma_wait3A_80 = arith.constant 0 : i32
    %dma_wait3A_81 = tpu.memref_slice %arg5[%dma_wait3A_79, %dma_wait3A_80] : memref<20x128xi32, #tpu.memory_space<vmem>> -> memref<1x128xi32, #tpu.memory_space<vmem>>
    %dma_wait3A_82 = tpu.memref_squeeze %dma_wait3A_81 : memref<1x128xi32, #tpu.memory_space<vmem>> -> memref<128xi32, #tpu.memory_space<vmem>>
    %dma_wait3A_83 = arith.constant 0 : i32
    %dma_wait3A_84 = arith.constant 0 : i32
    %dma_wait3A_85 = tpu.memref_slice %arg2[%dma_wait3A_83, %dma_wait3A_84] : memref<10000x128xf32, #tpu.memory_space<hbm>> -> memref<10000x128xf32, #tpu.memory_space<hbm>>
    tpu.wait_indirect_dma semaphore(%arg13 : memref<!tpu.dma_semaphore, #tpu.memory_space<semaphore_mem>>) src(%dma_wait3A_85 : memref<10000x128xf32, #tpu.memory_space<hbm>>) dst(%arg9 : memref<128x128xf32, #tpu.memory_space<vmem>>)
    %add3A_86 = arith.constant 19 : i32
    %add3A_87 = arith.addi %mul3A_2, %add3A_86 : i32
    %mul3A_88 = arith.constant 128 : i32
    %mul3A_89 = arith.muli %add3A_87, %mul3A_88 : i32
    %dma_start3A_90 = arith.constant 0 : i32
    %dma_start3A_91 = tpu.memref_slice %arg4[%mul3A_89, %dma_start3A_90] : memref<81920x128xf32, #tpu.memory_space<hbm>> -> memref<128x128xf32, #tpu.memory_space<hbm>>
    %dma_start3A_92 = arith.constant 0 : i32
    %dma_start3A_93 = tpu.memref_slice %arg4[%mul3A_89, %dma_start3A_92] : memref<81920x128xf32, #tpu.memory_space<hbm>> -> memref<128x128xf32, #tpu.memory_space<hbm>>
    tpu.enqueue_dma source(%arg9 : memref<128x128xf32, #tpu.memory_space<vmem>>) target(%dma_start3A_93 : memref<128x128xf32, #tpu.memory_space<hbm>>) target_semaphore(%arg17 : memref<!tpu.dma_semaphore, #tpu.memory_space<semaphore_mem>>)
    %dma_wait3A_94 = arith.constant 0 : i32
    %dma_wait3A_95 = arith.constant 0 : i32
    %dma_wait3A_96 = tpu.memref_slice %arg4[%dma_wait3A_94, %dma_wait3A_95] : memref<81920x128xf32, #tpu.memory_space<hbm>> -> memref<128x128xf32, #tpu.memory_space<hbm>>
    %dma_wait3A_97 = arith.constant 0 : i32
    %dma_wait3A_98 = arith.constant 0 : i32
    %dma_wait3A_99 = tpu.memref_slice %arg4[%dma_wait3A_97, %dma_wait3A_98] : memref<81920x128xf32, #tpu.memory_space<hbm>> -> memref<128x128xf32, #tpu.memory_space<hbm>>
    tpu.wait_dma2 semaphore(%arg14 : memref<!tpu.dma_semaphore, #tpu.memory_space<semaphore_mem>>) src(%arg6 : memref<128x128xf32, #tpu.memory_space<vmem>>) dst(%dma_wait3A_99 : memref<128x128xf32, #tpu.memory_space<hbm>>)
    %dma_wait3A_100 = arith.constant 0 : i32
    %dma_wait3A_101 = arith.constant 0 : i32
    %dma_wait3A_102 = tpu.memref_slice %arg4[%dma_wait3A_100, %dma_wait3A_101] : memref<81920x128xf32, #tpu.memory_space<hbm>> -> memref<128x128xf32, #tpu.memory_space<hbm>>
    %dma_wait3A_103 = arith.constant 0 : i32
    %dma_wait3A_104 = arith.constant 0 : i32
    %dma_wait3A_105 = tpu.memref_slice %arg4[%dma_wait3A_103, %dma_wait3A_104] : memref<81920x128xf32, #tpu.memory_space<hbm>> -> memref<128x128xf32, #tpu.memory_space<hbm>>
    tpu.wait_dma2 semaphore(%arg15 : memref<!tpu.dma_semaphore, #tpu.memory_space<semaphore_mem>>) src(%arg7 : memref<128x128xf32, #tpu.memory_space<vmem>>) dst(%dma_wait3A_105 : memref<128x128xf32, #tpu.memory_space<hbm>>)
    %dma_wait3A_106 = arith.constant 0 : i32
    %dma_wait3A_107 = arith.constant 0 : i32
    %dma_wait3A_108 = tpu.memref_slice %arg4[%dma_wait3A_106, %dma_wait3A_107] : memref<81920x128xf32, #tpu.memory_space<hbm>> -> memref<128x128xf32, #tpu.memory_space<hbm>>
    %dma_wait3A_109 = arith.constant 0 : i32
    %dma_wait3A_110 = arith.constant 0 : i32
    %dma_wait3A_111 = tpu.memref_slice %arg4[%dma_wait3A_109, %dma_wait3A_110] : memref<81920x128xf32, #tpu.memory_space<hbm>> -> memref<128x128xf32, #tpu.memory_space<hbm>>
    tpu.wait_dma2 semaphore(%arg16 : memref<!tpu.dma_semaphore, #tpu.memory_space<semaphore_mem>>) src(%arg8 : memref<128x128xf32, #tpu.memory_space<vmem>>) dst(%dma_wait3A_111 : memref<128x128xf32, #tpu.memory_space<hbm>>)
    %dma_wait3A_112 = arith.constant 0 : i32
    %dma_wait3A_113 = arith.constant 0 : i32
    %dma_wait3A_114 = tpu.memref_slice %arg4[%dma_wait3A_112, %dma_wait3A_113] : memref<81920x128xf32, #tpu.memory_space<hbm>> -> memref<128x128xf32, #tpu.memory_space<hbm>>
    %dma_wait3A_115 = arith.constant 0 : i32
    %dma_wait3A_116 = arith.constant 0 : i32
    %dma_wait3A_117 = tpu.memref_slice %arg4[%dma_wait3A_115, %dma_wait3A_116] : memref<81920x128xf32, #tpu.memory_space<hbm>> -> memref<128x128xf32, #tpu.memory_space<hbm>>
    tpu.wait_dma2 semaphore(%arg17 : memref<!tpu.dma_semaphore, #tpu.memory_space<semaphore_mem>>) src(%arg9 : memref<128x128xf32, #tpu.memory_space<vmem>>) dst(%dma_wait3A_117 : memref<128x128xf32, #tpu.memory_space<hbm>>)
    return
  }
}

#map = affine_map<(d0, d1) -> (0, 0)>
#map1 = affine_map<(d0, d1) -> (0, 0, 0)>
module attributes {stable_mosaic.version = 14 : i64} {
  func.func @gk(%arg0: i32, %arg1: i32, %arg2: memref<10000x128xf32, #tpu.memory_space<hbm>>, %arg3: memref<32x20x128xi32, #tpu.memory_space<hbm>>, %arg4: memref<81920x128xf32, #tpu.memory_space<hbm>>, %arg5: memref<20x128xi32, #tpu.memory_space<vmem>>, %arg6: memref<128x128xf32, #tpu.memory_space<vmem>>, %arg7: memref<128x128xf32, #tpu.memory_space<vmem>>, %arg8: memref<128x128xf32, #tpu.memory_space<vmem>>, %arg9: memref<128x128xf32, #tpu.memory_space<vmem>>, %arg10: memref<!tpu.dma_semaphore, #tpu.memory_space<semaphore_mem>>, %arg11: memref<!tpu.dma_semaphore, #tpu.memory_space<semaphore_mem>>, %arg12: memref<!tpu.dma_semaphore, #tpu.memory_space<semaphore_mem>>, %arg13: memref<!tpu.dma_semaphore, #tpu.memory_space<semaphore_mem>>, %arg14: memref<!tpu.dma_semaphore, #tpu.memory_space<semaphore_mem>>, %arg15: memref<!tpu.dma_semaphore, #tpu.memory_space<semaphore_mem>>, %arg16: memref<!tpu.dma_semaphore, #tpu.memory_space<semaphore_mem>>, %arg17: memref<!tpu.dma_semaphore, #tpu.memory_space<semaphore_mem>>) attributes {dimension_semantics = [#tpu.dimension_semantics<core_parallel>, #tpu.dimension_semantics<subcore_parallel>], iteration_bounds = array<i64: 2, 16>, scalar_prefetch = 0 : i64, scratch_operands = 13 : i64, tpu.core_type = #tpu.core_type<sc_vector_subcore>, window_params = [{transform_indices = #map}, {transform_indices = #map1}, {transform_indices = #map}]} {
    %mul3A = arith.constant 2 : i32
    %mul3A_0 = arith.muli %arg1, %mul3A : i32
    %add3A = arith.addi %mul3A_0, %arg0 : i32
    %mul3A_1 = arith.constant 20 : i32
    %mul3A_2 = arith.muli %add3A, %mul3A_1 : i32
    "tpu.region"() ({
      %run_scoped3A = tpu.sem_alloc : memref<!tpu.dma_semaphore, #tpu.memory_space<semaphore_mem>>
      %dma_start3A_118 = arith.constant 0 : i32
      %dma_start3A_119 = arith.constant 0 : i32
      %dma_start3A_120 = tpu.memref_slice %arg3[%add3A, %dma_start3A_118, %dma_start3A_119] : memref<32x20x128xi32, #tpu.memory_space<hbm>> -> memref<1x20x128xi32, #tpu.memory_space<hbm>>
      %dma_start3A_121 = tpu.memref_squeeze %dma_start3A_120 : memref<1x20x128xi32, #tpu.memory_space<hbm>> -> memref<20x128xi32, #tpu.memory_space<hbm>>
      %dma_start3A_122 = arith.constant 0 : i32
      %dma_start3A_123 = arith.constant 0 : i32
      %dma_start3A_124 = tpu.memref_slice %arg3[%add3A, %dma_start3A_122, %dma_start3A_123] : memref<32x20x128xi32, #tpu.memory_space<hbm>> -> memref<1x20x128xi32, #tpu.memory_space<hbm>>
      %dma_start3A_125 = tpu.memref_squeeze %dma_start3A_124 : memref<1x20x128xi32, #tpu.memory_space<hbm>> -> memref<20x128xi32, #tpu.memory_space<hbm>>
      tpu.enqueue_dma source(%dma_start3A_125 : memref<20x128xi32, #tpu.memory_space<hbm>>) target(%arg5 : memref<20x128xi32, #tpu.memory_space<vmem>>) target_semaphore(%run_scoped3A : memref<!tpu.dma_semaphore, #tpu.memory_space<semaphore_mem>>)
      %dma_wait3A_126 = arith.constant 0 : i32
      %dma_wait3A_127 = arith.constant 0 : i32
      %dma_wait3A_128 = tpu.memref_slice %arg3[%add3A, %dma_wait3A_126, %dma_wait3A_127] : memref<32x20x128xi32, #tpu.memory_space<hbm>> -> memref<1x20x128xi32, #tpu.memory_space<hbm>>
      %dma_wait3A_129 = tpu.memref_squeeze %dma_wait3A_128 : memref<1x20x128xi32, #tpu.memory_space<hbm>> -> memref<20x128xi32, #tpu.memory_space<hbm>>
      %dma_wait3A_130 = arith.constant 0 : i32
      %dma_wait3A_131 = arith.constant 0 : i32
      %dma_wait3A_132 = tpu.memref_slice %arg3[%add3A, %dma_wait3A_130, %dma_wait3A_131] : memref<32x20x128xi32, #tpu.memory_space<hbm>> -> memref<1x20x128xi32, #tpu.memory_space<hbm>>
      %dma_wait3A_133 = tpu.memref_squeeze %dma_wait3A_132 : memref<1x20x128xi32, #tpu.memory_space<hbm>> -> memref<20x128xi32, #tpu.memory_space<hbm>>
      tpu.wait_dma2 semaphore(%run_scoped3A : memref<!tpu.dma_semaphore, #tpu.memory_space<semaphore_mem>>) src(%dma_wait3A_133 : memref<20x128xi32, #tpu.memory_space<hbm>>) dst(%arg5 : memref<20x128xi32, #tpu.memory_space<vmem>>)
      tpu.yield
    }) : () -> ()
    %dma_start3A = arith.constant 0 : i32
    %dma_start3A_3 = arith.constant 0 : i32
    %dma_start3A_4 = tpu.memref_slice %arg5[%dma_start3A, %dma_start3A_3] : memref<20x128xi32, #tpu.memory_space<vmem>> -> memref<1x128xi32, #tpu.memory_space<vmem>>
    %dma_start3A_5 = tpu.memref_squeeze %dma_start3A_4 : memref<1x128xi32, #tpu.memory_space<vmem>> -> memref<128xi32, #tpu.memory_space<vmem>>
    %dma_start3A_6 = arith.constant 0 : i32
    %dma_start3A_7 = arith.constant 0 : i32
    %dma_start3A_8 = tpu.memref_slice %arg2[%dma_start3A_6, %dma_start3A_7] : memref<10000x128xf32, #tpu.memory_space<hbm>> -> memref<10000x128xf32, #tpu.memory_space<hbm>>
    tpu.enqueue_indirect_dma source(%dma_start3A_8 : memref<10000x128xf32, #tpu.memory_space<hbm>>) target(%arg6 : memref<128x128xf32, #tpu.memory_space<vmem>>) offsets(%dma_start3A_5 : memref<128xi32, #tpu.memory_space<vmem>>) semaphore(%arg10 : memref<!tpu.dma_semaphore, #tpu.memory_space<semaphore_mem>>)
    %dma_start3A_9 = arith.constant 1 : i32
    %dma_start3A_10 = arith.constant 0 : i32
    %dma_start3A_11 = tpu.memref_slice %arg5[%dma_start3A_9, %dma_start3A_10] : memref<20x128xi32, #tpu.memory_space<vmem>> -> memref<1x128xi32, #tpu.memory_space<vmem>>
    %dma_start3A_12 = tpu.memref_squeeze %dma_start3A_11 : memref<1x128xi32, #tpu.memory_space<vmem>> -> memref<128xi32, #tpu.memory_space<vmem>>
    %dma_start3A_13 = arith.constant 0 : i32
    %dma_start3A_14 = arith.constant 0 : i32
    %dma_start3A_15 = tpu.memref_slice %arg2[%dma_start3A_13, %dma_start3A_14] : memref<10000x128xf32, #tpu.memory_space<hbm>> -> memref<10000x128xf32, #tpu.memory_space<hbm>>
    tpu.enqueue_indirect_dma source(%dma_start3A_15 : memref<10000x128xf32, #tpu.memory_space<hbm>>) target(%arg7 : memref<128x128xf32, #tpu.memory_space<vmem>>) offsets(%dma_start3A_12 : memref<128xi32, #tpu.memory_space<vmem>>) semaphore(%arg11 : memref<!tpu.dma_semaphore, #tpu.memory_space<semaphore_mem>>)
    %dma_wait3A = arith.constant 0 : i32
    %dma_wait3A_16 = arith.constant 0 : i32
    %dma_wait3A_17 = tpu.memref_slice %arg5[%dma_wait3A, %dma_wait3A_16] : memref<20x128xi32, #tpu.memory_space<vmem>> -> memref<1x128xi32, #tpu.memory_space<vmem>>
    %dma_wait3A_18 = tpu.memref_squeeze %dma_wait3A_17 : memref<1x128xi32, #tpu.memory_space<vmem>> -> memref<128xi32, #tpu.memory_space<vmem>>
    %dma_wait3A_19 = arith.constant 0 : i32
    %dma_wait3A_20 = arith.constant 0 : i32
    %dma_wait3A_21 = tpu.memref_slice %arg2[%dma_wait3A_19, %dma_wait3A_20] : memref<10000x128xf32, #tpu.memory_space<hbm>> -> memref<10000x128xf32, #tpu.memory_space<hbm>>
    tpu.wait_indirect_dma semaphore(%arg10 : memref<!tpu.dma_semaphore, #tpu.memory_space<semaphore_mem>>) src(%dma_wait3A_21 : memref<10000x128xf32, #tpu.memory_space<hbm>>) dst(%arg6 : memref<128x128xf32, #tpu.memory_space<vmem>>)
    %add3A_22 = arith.constant 0 : i32
    %add3A_23 = arith.addi %mul3A_2, %add3A_22 : i32
    %mul3A_24 = arith.constant 128 : i32
    %mul3A_25 = arith.muli %add3A_23, %mul3A_24 : i32
    %dma_start3A_26 = arith.constant 0 : i32
    %dma_start3A_27 = tpu.memref_slice %arg4[%mul3A_25, %dma_start3A_26] : memref<81920x128xf32, #tpu.memory_space<hbm>> -> memref<128x128xf32, #tpu.memory_space<hbm>>
    %dma_start3A_28 = arith.constant 0 : i32
    %dma_start3A_29 = tpu.memref_slice %arg4[%mul3A_25, %dma_start3A_28] : memref<81920x128xf32, #tpu.memory_space<hbm>> -> memref<128x128xf32, #tpu.memory_space<hbm>>
    tpu.enqueue_dma source(%arg6 : memref<128x128xf32, #tpu.memory_space<vmem>>) target(%dma_start3A_29 : memref<128x128xf32, #tpu.memory_space<hbm>>) target_semaphore(%arg14 : memref<!tpu.dma_semaphore, #tpu.memory_space<semaphore_mem>>)
    %dma_start3A_30 = arith.constant 2 : i32
    %dma_start3A_31 = arith.constant 0 : i32
    %dma_start3A_32 = tpu.memref_slice %arg5[%dma_start3A_30, %dma_start3A_31] : memref<20x128xi32, #tpu.memory_space<vmem>> -> memref<1x128xi32, #tpu.memory_space<vmem>>
    %dma_start3A_33 = tpu.memref_squeeze %dma_start3A_32 : memref<1x128xi32, #tpu.memory_space<vmem>> -> memref<128xi32, #tpu.memory_space<vmem>>
    %dma_start3A_34 = arith.constant 0 : i32
    %dma_start3A_35 = arith.constant 0 : i32
    %dma_start3A_36 = tpu.memref_slice %arg2[%dma_start3A_34, %dma_start3A_35] : memref<10000x128xf32, #tpu.memory_space<hbm>> -> memref<10000x128xf32, #tpu.memory_space<hbm>>
    tpu.enqueue_indirect_dma source(%dma_start3A_36 : memref<10000x128xf32, #tpu.memory_space<hbm>>) target(%arg8 : memref<128x128xf32, #tpu.memory_space<vmem>>) offsets(%dma_start3A_33 : memref<128xi32, #tpu.memory_space<vmem>>) semaphore(%arg12 : memref<!tpu.dma_semaphore, #tpu.memory_space<semaphore_mem>>)
    %dma_wait3A_37 = arith.constant 1 : i32
    %dma_wait3A_38 = arith.constant 0 : i32
    %dma_wait3A_39 = tpu.memref_slice %arg5[%dma_wait3A_37, %dma_wait3A_38] : memref<20x128xi32, #tpu.memory_space<vmem>> -> memref<1x128xi32, #tpu.memory_space<vmem>>
    %dma_wait3A_40 = tpu.memref_squeeze %dma_wait3A_39 : memref<1x128xi32, #tpu.memory_space<vmem>> -> memref<128xi32, #tpu.memory_space<vmem>>
    %dma_wait3A_41 = arith.constant 0 : i32
    %dma_wait3A_42 = arith.constant 0 : i32
    %dma_wait3A_43 = tpu.memref_slice %arg2[%dma_wait3A_41, %dma_wait3A_42] : memref<10000x128xf32, #tpu.memory_space<hbm>> -> memref<10000x128xf32, #tpu.memory_space<hbm>>
    tpu.wait_indirect_dma semaphore(%arg11 : memref<!tpu.dma_semaphore, #tpu.memory_space<semaphore_mem>>) src(%dma_wait3A_43 : memref<10000x128xf32, #tpu.memory_space<hbm>>) dst(%arg7 : memref<128x128xf32, #tpu.memory_space<vmem>>)
    %add3A_44 = arith.constant 1 : i32
    %add3A_45 = arith.addi %mul3A_2, %add3A_44 : i32
    %mul3A_46 = arith.constant 128 : i32
    %mul3A_47 = arith.muli %add3A_45, %mul3A_46 : i32
    %dma_start3A_48 = arith.constant 0 : i32
    %dma_start3A_49 = tpu.memref_slice %arg4[%mul3A_47, %dma_start3A_48] : memref<81920x128xf32, #tpu.memory_space<hbm>> -> memref<128x128xf32, #tpu.memory_space<hbm>>
    %dma_start3A_50 = arith.constant 0 : i32
    %dma_start3A_51 = tpu.memref_slice %arg4[%mul3A_47, %dma_start3A_50] : memref<81920x128xf32, #tpu.memory_space<hbm>> -> memref<128x128xf32, #tpu.memory_space<hbm>>
    tpu.enqueue_dma source(%arg7 : memref<128x128xf32, #tpu.memory_space<vmem>>) target(%dma_start3A_51 : memref<128x128xf32, #tpu.memory_space<hbm>>) target_semaphore(%arg15 : memref<!tpu.dma_semaphore, #tpu.memory_space<semaphore_mem>>)
    %dma_start3A_52 = arith.constant 3 : i32
    %dma_start3A_53 = arith.constant 0 : i32
    %dma_start3A_54 = tpu.memref_slice %arg5[%dma_start3A_52, %dma_start3A_53] : memref<20x128xi32, #tpu.memory_space<vmem>> -> memref<1x128xi32, #tpu.memory_space<vmem>>
    %dma_start3A_55 = tpu.memref_squeeze %dma_start3A_54 : memref<1x128xi32, #tpu.memory_space<vmem>> -> memref<128xi32, #tpu.memory_space<vmem>>
    %dma_start3A_56 = arith.constant 0 : i32
    %dma_start3A_57 = arith.constant 0 : i32
    %dma_start3A_58 = tpu.memref_slice %arg2[%dma_start3A_56, %dma_start3A_57] : memref<10000x128xf32, #tpu.memory_space<hbm>> -> memref<10000x128xf32, #tpu.memory_space<hbm>>
    tpu.enqueue_indirect_dma source(%dma_start3A_58 : memref<10000x128xf32, #tpu.memory_space<hbm>>) target(%arg9 : memref<128x128xf32, #tpu.memory_space<vmem>>) offsets(%dma_start3A_55 : memref<128xi32, #tpu.memory_space<vmem>>) semaphore(%arg13 : memref<!tpu.dma_semaphore, #tpu.memory_space<semaphore_mem>>)
    %scan3A = arith.constant 0 : i32
    %scan3A_59 = arith.constant 0 : i32
    %scan3A_60 = arith.constant 4 : i32
    %scan3A_61 = arith.addi %scan3A_59, %scan3A_60 : i32
    %scan3A_62 = arith.constant 1 : i32
    scf.for %scan3A_118 = %scan3A_59 to %scan3A_61 step %scan3A_62  : i32 {
      %mul3A_119 = arith.constant 4 : i32
      %mul3A_120 = arith.muli %scan3A_118, %mul3A_119 : i32
      %add3A_121 = arith.constant 2 : i32
      %add3A_122 = arith.addi %add3A_121, %mul3A_120 : i32
      %add3A_123 = arith.constant 0 : i32
      %add3A_124 = arith.addi %add3A_122, %add3A_123 : i32
      %dma_wait3A_125 = arith.constant 0 : i32
      %dma_wait3A_126 = tpu.memref_slice %arg5[%add3A_124, %dma_wait3A_125] : memref<20x128xi32, #tpu.memory_space<vmem>> -> memref<1x128xi32, #tpu.memory_space<vmem>>
      %dma_wait3A_127 = tpu.memref_squeeze %dma_wait3A_126 : memref<1x128xi32, #tpu.memory_space<vmem>> -> memref<128xi32, #tpu.memory_space<vmem>>
      %dma_wait3A_128 = arith.constant 0 : i32
      %dma_wait3A_129 = arith.constant 0 : i32
      %dma_wait3A_130 = tpu.memref_slice %arg2[%dma_wait3A_128, %dma_wait3A_129] : memref<10000x128xf32, #tpu.memory_space<hbm>> -> memref<10000x128xf32, #tpu.memory_space<hbm>>
      tpu.wait_indirect_dma semaphore(%arg12 : memref<!tpu.dma_semaphore, #tpu.memory_space<semaphore_mem>>) src(%dma_wait3A_130 : memref<10000x128xf32, #tpu.memory_space<hbm>>) dst(%arg8 : memref<128x128xf32, #tpu.memory_space<vmem>>)
      %add3A_131 = arith.addi %mul3A_2, %add3A_124 : i32
      %mul3A_132 = arith.constant 128 : i32
      %mul3A_133 = arith.muli %add3A_131, %mul3A_132 : i32
      %dma_start3A_134 = arith.constant 0 : i32
      %dma_start3A_135 = tpu.memref_slice %arg4[%mul3A_133, %dma_start3A_134] : memref<81920x128xf32, #tpu.memory_space<hbm>> -> memref<128x128xf32, #tpu.memory_space<hbm>>
      %dma_start3A_136 = arith.constant 0 : i32
      %dma_start3A_137 = tpu.memref_slice %arg4[%mul3A_133, %dma_start3A_136] : memref<81920x128xf32, #tpu.memory_space<hbm>> -> memref<128x128xf32, #tpu.memory_space<hbm>>
      tpu.enqueue_dma source(%arg8 : memref<128x128xf32, #tpu.memory_space<vmem>>) target(%dma_start3A_137 : memref<128x128xf32, #tpu.memory_space<hbm>>) target_semaphore(%arg16 : memref<!tpu.dma_semaphore, #tpu.memory_space<semaphore_mem>>)
      %dma_wait3A_138 = arith.constant 0 : i32
      %dma_wait3A_139 = arith.constant 0 : i32
      %dma_wait3A_140 = tpu.memref_slice %arg4[%dma_wait3A_138, %dma_wait3A_139] : memref<81920x128xf32, #tpu.memory_space<hbm>> -> memref<128x128xf32, #tpu.memory_space<hbm>>
      %dma_wait3A_141 = arith.constant 0 : i32
      %dma_wait3A_142 = arith.constant 0 : i32
      %dma_wait3A_143 = tpu.memref_slice %arg4[%dma_wait3A_141, %dma_wait3A_142] : memref<81920x128xf32, #tpu.memory_space<hbm>> -> memref<128x128xf32, #tpu.memory_space<hbm>>
      tpu.wait_dma2 semaphore(%arg14 : memref<!tpu.dma_semaphore, #tpu.memory_space<semaphore_mem>>) src(%arg6 : memref<128x128xf32, #tpu.memory_space<vmem>>) dst(%dma_wait3A_143 : memref<128x128xf32, #tpu.memory_space<hbm>>)
      %add3A_144 = arith.constant 2 : i32
      %add3A_145 = arith.addi %add3A_124, %add3A_144 : i32
      %dma_start3A_146 = arith.constant 0 : i32
      %dma_start3A_147 = tpu.memref_slice %arg5[%add3A_145, %dma_start3A_146] : memref<20x128xi32, #tpu.memory_space<vmem>> -> memref<1x128xi32, #tpu.memory_space<vmem>>
      %dma_start3A_148 = tpu.memref_squeeze %dma_start3A_147 : memref<1x128xi32, #tpu.memory_space<vmem>> -> memref<128xi32, #tpu.memory_space<vmem>>
      %dma_start3A_149 = arith.constant 0 : i32
      %dma_start3A_150 = arith.constant 0 : i32
      %dma_start3A_151 = tpu.memref_slice %arg2[%dma_start3A_149, %dma_start3A_150] : memref<10000x128xf32, #tpu.memory_space<hbm>> -> memref<10000x128xf32, #tpu.memory_space<hbm>>
      tpu.enqueue_indirect_dma source(%dma_start3A_151 : memref<10000x128xf32, #tpu.memory_space<hbm>>) target(%arg6 : memref<128x128xf32, #tpu.memory_space<vmem>>) offsets(%dma_start3A_148 : memref<128xi32, #tpu.memory_space<vmem>>) semaphore(%arg10 : memref<!tpu.dma_semaphore, #tpu.memory_space<semaphore_mem>>)
      %mul3A_152 = arith.constant 4 : i32
      %mul3A_153 = arith.muli %scan3A_118, %mul3A_152 : i32
      %add3A_154 = arith.constant 2 : i32
      %add3A_155 = arith.addi %add3A_154, %mul3A_153 : i32
      %add3A_156 = arith.constant 1 : i32
      %add3A_157 = arith.addi %add3A_155, %add3A_156 : i32
      %dma_wait3A_158 = arith.constant 0 : i32
      %dma_wait3A_159 = tpu.memref_slice %arg5[%add3A_157, %dma_wait3A_158] : memref<20x128xi32, #tpu.memory_space<vmem>> -> memref<1x128xi32, #tpu.memory_space<vmem>>
      %dma_wait3A_160 = tpu.memref_squeeze %dma_wait3A_159 : memref<1x128xi32, #tpu.memory_space<vmem>> -> memref<128xi32, #tpu.memory_space<vmem>>
      %dma_wait3A_161 = arith.constant 0 : i32
      %dma_wait3A_162 = arith.constant 0 : i32
      %dma_wait3A_163 = tpu.memref_slice %arg2[%dma_wait3A_161, %dma_wait3A_162] : memref<10000x128xf32, #tpu.memory_space<hbm>> -> memref<10000x128xf32, #tpu.memory_space<hbm>>
      tpu.wait_indirect_dma semaphore(%arg13 : memref<!tpu.dma_semaphore, #tpu.memory_space<semaphore_mem>>) src(%dma_wait3A_163 : memref<10000x128xf32, #tpu.memory_space<hbm>>) dst(%arg9 : memref<128x128xf32, #tpu.memory_space<vmem>>)
      %add3A_164 = arith.addi %mul3A_2, %add3A_157 : i32
      %mul3A_165 = arith.constant 128 : i32
      %mul3A_166 = arith.muli %add3A_164, %mul3A_165 : i32
      %dma_start3A_167 = arith.constant 0 : i32
      %dma_start3A_168 = tpu.memref_slice %arg4[%mul3A_166, %dma_start3A_167] : memref<81920x128xf32, #tpu.memory_space<hbm>> -> memref<128x128xf32, #tpu.memory_space<hbm>>
      %dma_start3A_169 = arith.constant 0 : i32
      %dma_start3A_170 = tpu.memref_slice %arg4[%mul3A_166, %dma_start3A_169] : memref<81920x128xf32, #tpu.memory_space<hbm>> -> memref<128x128xf32, #tpu.memory_space<hbm>>
      tpu.enqueue_dma source(%arg9 : memref<128x128xf32, #tpu.memory_space<vmem>>) target(%dma_start3A_170 : memref<128x128xf32, #tpu.memory_space<hbm>>) target_semaphore(%arg17 : memref<!tpu.dma_semaphore, #tpu.memory_space<semaphore_mem>>)
      %dma_wait3A_171 = arith.constant 0 : i32
      %dma_wait3A_172 = arith.constant 0 : i32
      %dma_wait3A_173 = tpu.memref_slice %arg4[%dma_wait3A_171, %dma_wait3A_172] : memref<81920x128xf32, #tpu.memory_space<hbm>> -> memref<128x128xf32, #tpu.memory_space<hbm>>
      %dma_wait3A_174 = arith.constant 0 : i32
      %dma_wait3A_175 = arith.constant 0 : i32
      %dma_wait3A_176 = tpu.memref_slice %arg4[%dma_wait3A_174, %dma_wait3A_175] : memref<81920x128xf32, #tpu.memory_space<hbm>> -> memref<128x128xf32, #tpu.memory_space<hbm>>
      tpu.wait_dma2 semaphore(%arg15 : memref<!tpu.dma_semaphore, #tpu.memory_space<semaphore_mem>>) src(%arg7 : memref<128x128xf32, #tpu.memory_space<vmem>>) dst(%dma_wait3A_176 : memref<128x128xf32, #tpu.memory_space<hbm>>)
      %add3A_177 = arith.constant 2 : i32
      %add3A_178 = arith.addi %add3A_157, %add3A_177 : i32
      %dma_start3A_179 = arith.constant 0 : i32
      %dma_start3A_180 = tpu.memref_slice %arg5[%add3A_178, %dma_start3A_179] : memref<20x128xi32, #tpu.memory_space<vmem>> -> memref<1x128xi32, #tpu.memory_space<vmem>>
      %dma_start3A_181 = tpu.memref_squeeze %dma_start3A_180 : memref<1x128xi32, #tpu.memory_space<vmem>> -> memref<128xi32, #tpu.memory_space<vmem>>
      %dma_start3A_182 = arith.constant 0 : i32
      %dma_start3A_183 = arith.constant 0 : i32
      %dma_start3A_184 = tpu.memref_slice %arg2[%dma_start3A_182, %dma_start3A_183] : memref<10000x128xf32, #tpu.memory_space<hbm>> -> memref<10000x128xf32, #tpu.memory_space<hbm>>
      tpu.enqueue_indirect_dma source(%dma_start3A_184 : memref<10000x128xf32, #tpu.memory_space<hbm>>) target(%arg7 : memref<128x128xf32, #tpu.memory_space<vmem>>) offsets(%dma_start3A_181 : memref<128xi32, #tpu.memory_space<vmem>>) semaphore(%arg11 : memref<!tpu.dma_semaphore, #tpu.memory_space<semaphore_mem>>)
      %mul3A_185 = arith.constant 4 : i32
      %mul3A_186 = arith.muli %scan3A_118, %mul3A_185 : i32
      %add3A_187 = arith.constant 2 : i32
      %add3A_188 = arith.addi %add3A_187, %mul3A_186 : i32
      %add3A_189 = arith.constant 2 : i32
      %add3A_190 = arith.addi %add3A_188, %add3A_189 : i32
      %dma_wait3A_191 = arith.constant 0 : i32
      %dma_wait3A_192 = tpu.memref_slice %arg5[%add3A_190, %dma_wait3A_191] : memref<20x128xi32, #tpu.memory_space<vmem>> -> memref<1x128xi32, #tpu.memory_space<vmem>>
      %dma_wait3A_193 = tpu.memref_squeeze %dma_wait3A_192 : memref<1x128xi32, #tpu.memory_space<vmem>> -> memref<128xi32, #tpu.memory_space<vmem>>
      %dma_wait3A_194 = arith.constant 0 : i32
      %dma_wait3A_195 = arith.constant 0 : i32
      %dma_wait3A_196 = tpu.memref_slice %arg2[%dma_wait3A_194, %dma_wait3A_195] : memref<10000x128xf32, #tpu.memory_space<hbm>> -> memref<10000x128xf32, #tpu.memory_space<hbm>>
      tpu.wait_indirect_dma semaphore(%arg10 : memref<!tpu.dma_semaphore, #tpu.memory_space<semaphore_mem>>) src(%dma_wait3A_196 : memref<10000x128xf32, #tpu.memory_space<hbm>>) dst(%arg6 : memref<128x128xf32, #tpu.memory_space<vmem>>)
      %add3A_197 = arith.addi %mul3A_2, %add3A_190 : i32
      %mul3A_198 = arith.constant 128 : i32
      %mul3A_199 = arith.muli %add3A_197, %mul3A_198 : i32
      %dma_start3A_200 = arith.constant 0 : i32
      %dma_start3A_201 = tpu.memref_slice %arg4[%mul3A_199, %dma_start3A_200] : memref<81920x128xf32, #tpu.memory_space<hbm>> -> memref<128x128xf32, #tpu.memory_space<hbm>>
      %dma_start3A_202 = arith.constant 0 : i32
      %dma_start3A_203 = tpu.memref_slice %arg4[%mul3A_199, %dma_start3A_202] : memref<81920x128xf32, #tpu.memory_space<hbm>> -> memref<128x128xf32, #tpu.memory_space<hbm>>
      tpu.enqueue_dma source(%arg6 : memref<128x128xf32, #tpu.memory_space<vmem>>) target(%dma_start3A_203 : memref<128x128xf32, #tpu.memory_space<hbm>>) target_semaphore(%arg14 : memref<!tpu.dma_semaphore, #tpu.memory_space<semaphore_mem>>)
      %dma_wait3A_204 = arith.constant 0 : i32
      %dma_wait3A_205 = arith.constant 0 : i32
      %dma_wait3A_206 = tpu.memref_slice %arg4[%dma_wait3A_204, %dma_wait3A_205] : memref<81920x128xf32, #tpu.memory_space<hbm>> -> memref<128x128xf32, #tpu.memory_space<hbm>>
      %dma_wait3A_207 = arith.constant 0 : i32
      %dma_wait3A_208 = arith.constant 0 : i32
      %dma_wait3A_209 = tpu.memref_slice %arg4[%dma_wait3A_207, %dma_wait3A_208] : memref<81920x128xf32, #tpu.memory_space<hbm>> -> memref<128x128xf32, #tpu.memory_space<hbm>>
      tpu.wait_dma2 semaphore(%arg16 : memref<!tpu.dma_semaphore, #tpu.memory_space<semaphore_mem>>) src(%arg8 : memref<128x128xf32, #tpu.memory_space<vmem>>) dst(%dma_wait3A_209 : memref<128x128xf32, #tpu.memory_space<hbm>>)
      %add3A_210 = arith.constant 2 : i32
      %add3A_211 = arith.addi %add3A_190, %add3A_210 : i32
      %dma_start3A_212 = arith.constant 0 : i32
      %dma_start3A_213 = tpu.memref_slice %arg5[%add3A_211, %dma_start3A_212] : memref<20x128xi32, #tpu.memory_space<vmem>> -> memref<1x128xi32, #tpu.memory_space<vmem>>
      %dma_start3A_214 = tpu.memref_squeeze %dma_start3A_213 : memref<1x128xi32, #tpu.memory_space<vmem>> -> memref<128xi32, #tpu.memory_space<vmem>>
      %dma_start3A_215 = arith.constant 0 : i32
      %dma_start3A_216 = arith.constant 0 : i32
      %dma_start3A_217 = tpu.memref_slice %arg2[%dma_start3A_215, %dma_start3A_216] : memref<10000x128xf32, #tpu.memory_space<hbm>> -> memref<10000x128xf32, #tpu.memory_space<hbm>>
      tpu.enqueue_indirect_dma source(%dma_start3A_217 : memref<10000x128xf32, #tpu.memory_space<hbm>>) target(%arg8 : memref<128x128xf32, #tpu.memory_space<vmem>>) offsets(%dma_start3A_214 : memref<128xi32, #tpu.memory_space<vmem>>) semaphore(%arg12 : memref<!tpu.dma_semaphore, #tpu.memory_space<semaphore_mem>>)
      %mul3A_218 = arith.constant 4 : i32
      %mul3A_219 = arith.muli %scan3A_118, %mul3A_218 : i32
      %add3A_220 = arith.constant 2 : i32
      %add3A_221 = arith.addi %add3A_220, %mul3A_219 : i32
      %add3A_222 = arith.constant 3 : i32
      %add3A_223 = arith.addi %add3A_221, %add3A_222 : i32
      %dma_wait3A_224 = arith.constant 0 : i32
      %dma_wait3A_225 = tpu.memref_slice %arg5[%add3A_223, %dma_wait3A_224] : memref<20x128xi32, #tpu.memory_space<vmem>> -> memref<1x128xi32, #tpu.memory_space<vmem>>
      %dma_wait3A_226 = tpu.memref_squeeze %dma_wait3A_225 : memref<1x128xi32, #tpu.memory_space<vmem>> -> memref<128xi32, #tpu.memory_space<vmem>>
      %dma_wait3A_227 = arith.constant 0 : i32
      %dma_wait3A_228 = arith.constant 0 : i32
      %dma_wait3A_229 = tpu.memref_slice %arg2[%dma_wait3A_227, %dma_wait3A_228] : memref<10000x128xf32, #tpu.memory_space<hbm>> -> memref<10000x128xf32, #tpu.memory_space<hbm>>
      tpu.wait_indirect_dma semaphore(%arg11 : memref<!tpu.dma_semaphore, #tpu.memory_space<semaphore_mem>>) src(%dma_wait3A_229 : memref<10000x128xf32, #tpu.memory_space<hbm>>) dst(%arg7 : memref<128x128xf32, #tpu.memory_space<vmem>>)
      %add3A_230 = arith.addi %mul3A_2, %add3A_223 : i32
      %mul3A_231 = arith.constant 128 : i32
      %mul3A_232 = arith.muli %add3A_230, %mul3A_231 : i32
      %dma_start3A_233 = arith.constant 0 : i32
      %dma_start3A_234 = tpu.memref_slice %arg4[%mul3A_232, %dma_start3A_233] : memref<81920x128xf32, #tpu.memory_space<hbm>> -> memref<128x128xf32, #tpu.memory_space<hbm>>
      %dma_start3A_235 = arith.constant 0 : i32
      %dma_start3A_236 = tpu.memref_slice %arg4[%mul3A_232, %dma_start3A_235] : memref<81920x128xf32, #tpu.memory_space<hbm>> -> memref<128x128xf32, #tpu.memory_space<hbm>>
      tpu.enqueue_dma source(%arg7 : memref<128x128xf32, #tpu.memory_space<vmem>>) target(%dma_start3A_236 : memref<128x128xf32, #tpu.memory_space<hbm>>) target_semaphore(%arg15 : memref<!tpu.dma_semaphore, #tpu.memory_space<semaphore_mem>>)
      %dma_wait3A_237 = arith.constant 0 : i32
      %dma_wait3A_238 = arith.constant 0 : i32
      %dma_wait3A_239 = tpu.memref_slice %arg4[%dma_wait3A_237, %dma_wait3A_238] : memref<81920x128xf32, #tpu.memory_space<hbm>> -> memref<128x128xf32, #tpu.memory_space<hbm>>
      %dma_wait3A_240 = arith.constant 0 : i32
      %dma_wait3A_241 = arith.constant 0 : i32
      %dma_wait3A_242 = tpu.memref_slice %arg4[%dma_wait3A_240, %dma_wait3A_241] : memref<81920x128xf32, #tpu.memory_space<hbm>> -> memref<128x128xf32, #tpu.memory_space<hbm>>
      tpu.wait_dma2 semaphore(%arg17 : memref<!tpu.dma_semaphore, #tpu.memory_space<semaphore_mem>>) src(%arg9 : memref<128x128xf32, #tpu.memory_space<vmem>>) dst(%dma_wait3A_242 : memref<128x128xf32, #tpu.memory_space<hbm>>)
      %add3A_243 = arith.constant 2 : i32
      %add3A_244 = arith.addi %add3A_223, %add3A_243 : i32
      %dma_start3A_245 = arith.constant 0 : i32
      %dma_start3A_246 = tpu.memref_slice %arg5[%add3A_244, %dma_start3A_245] : memref<20x128xi32, #tpu.memory_space<vmem>> -> memref<1x128xi32, #tpu.memory_space<vmem>>
      %dma_start3A_247 = tpu.memref_squeeze %dma_start3A_246 : memref<1x128xi32, #tpu.memory_space<vmem>> -> memref<128xi32, #tpu.memory_space<vmem>>
      %dma_start3A_248 = arith.constant 0 : i32
      %dma_start3A_249 = arith.constant 0 : i32
      %dma_start3A_250 = tpu.memref_slice %arg2[%dma_start3A_248, %dma_start3A_249] : memref<10000x128xf32, #tpu.memory_space<hbm>> -> memref<10000x128xf32, #tpu.memory_space<hbm>>
      tpu.enqueue_indirect_dma source(%dma_start3A_250 : memref<10000x128xf32, #tpu.memory_space<hbm>>) target(%arg9 : memref<128x128xf32, #tpu.memory_space<vmem>>) offsets(%dma_start3A_247 : memref<128xi32, #tpu.memory_space<vmem>>) semaphore(%arg13 : memref<!tpu.dma_semaphore, #tpu.memory_space<semaphore_mem>>)
    }
    %scan3A_63 = arith.constant 4 : i32
    %dma_wait3A_64 = arith.constant 18 : i32
    %dma_wait3A_65 = arith.constant 0 : i32
    %dma_wait3A_66 = tpu.memref_slice %arg5[%dma_wait3A_64, %dma_wait3A_65] : memref<20x128xi32, #tpu.memory_space<vmem>> -> memref<1x128xi32, #tpu.memory_space<vmem>>
    %dma_wait3A_67 = tpu.memref_squeeze %dma_wait3A_66 : memref<1x128xi32, #tpu.memory_space<vmem>> -> memref<128xi32, #tpu.memory_space<vmem>>
    %dma_wait3A_68 = arith.constant 0 : i32
    %dma_wait3A_69 = arith.constant 0 : i32
    %dma_wait3A_70 = tpu.memref_slice %arg2[%dma_wait3A_68, %dma_wait3A_69] : memref<10000x128xf32, #tpu.memory_space<hbm>> -> memref<10000x128xf32, #tpu.memory_space<hbm>>
    tpu.wait_indirect_dma semaphore(%arg12 : memref<!tpu.dma_semaphore, #tpu.memory_space<semaphore_mem>>) src(%dma_wait3A_70 : memref<10000x128xf32, #tpu.memory_space<hbm>>) dst(%arg8 : memref<128x128xf32, #tpu.memory_space<vmem>>)
    %add3A_71 = arith.constant 18 : i32
    %add3A_72 = arith.addi %mul3A_2, %add3A_71 : i32
    %mul3A_73 = arith.constant 128 : i32
    %mul3A_74 = arith.muli %add3A_72, %mul3A_73 : i32
    %dma_start3A_75 = arith.constant 0 : i32
    %dma_start3A_76 = tpu.memref_slice %arg4[%mul3A_74, %dma_start3A_75] : memref<81920x128xf32, #tpu.memory_space<hbm>> -> memref<128x128xf32, #tpu.memory_space<hbm>>
    %dma_start3A_77 = arith.constant 0 : i32
    %dma_start3A_78 = tpu.memref_slice %arg4[%mul3A_74, %dma_start3A_77] : memref<81920x128xf32, #tpu.memory_space<hbm>> -> memref<128x128xf32, #tpu.memory_space<hbm>>
    tpu.enqueue_dma source(%arg8 : memref<128x128xf32, #tpu.memory_space<vmem>>) target(%dma_start3A_78 : memref<128x128xf32, #tpu.memory_space<hbm>>) target_semaphore(%arg16 : memref<!tpu.dma_semaphore, #tpu.memory_space<semaphore_mem>>)
    %dma_wait3A_79 = arith.constant 19 : i32
    %dma_wait3A_80 = arith.constant 0 : i32
    %dma_wait3A_81 = tpu.memref_slice %arg5[%dma_wait3A_79, %dma_wait3A_80] : memref<20x128xi32, #tpu.memory_space<vmem>> -> memref<1x128xi32, #tpu.memory_space<vmem>>
    %dma_wait3A_82 = tpu.memref_squeeze %dma_wait3A_81 : memref<1x128xi32, #tpu.memory_space<vmem>> -> memref<128xi32, #tpu.memory_space<vmem>>
    %dma_wait3A_83 = arith.constant 0 : i32
    %dma_wait3A_84 = arith.constant 0 : i32
    %dma_wait3A_85 = tpu.memref_slice %arg2[%dma_wait3A_83, %dma_wait3A_84] : memref<10000x128xf32, #tpu.memory_space<hbm>> -> memref<10000x128xf32, #tpu.memory_space<hbm>>
    tpu.wait_indirect_dma semaphore(%arg13 : memref<!tpu.dma_semaphore, #tpu.memory_space<semaphore_mem>>) src(%dma_wait3A_85 : memref<10000x128xf32, #tpu.memory_space<hbm>>) dst(%arg9 : memref<128x128xf32, #tpu.memory_space<vmem>>)
    %add3A_86 = arith.constant 19 : i32
    %add3A_87 = arith.addi %mul3A_2, %add3A_86 : i32
    %mul3A_88 = arith.constant 128 : i32
    %mul3A_89 = arith.muli %add3A_87, %mul3A_88 : i32
    %dma_start3A_90 = arith.constant 0 : i32
    %dma_start3A_91 = tpu.memref_slice %arg4[%mul3A_89, %dma_start3A_90] : memref<81920x128xf32, #tpu.memory_space<hbm>> -> memref<128x128xf32, #tpu.memory_space<hbm>>
    %dma_start3A_92 = arith.constant 0 : i32
    %dma_start3A_93 = tpu.memref_slice %arg4[%mul3A_89, %dma_start3A_92] : memref<81920x128xf32, #tpu.memory_space<hbm>> -> memref<128x128xf32, #tpu.memory_space<hbm>>
    tpu.enqueue_dma source(%arg9 : memref<128x128xf32, #tpu.memory_space<vmem>>) target(%dma_start3A_93 : memref<128x128xf32, #tpu.memory_space<hbm>>) target_semaphore(%arg17 : memref<!tpu.dma_semaphore, #tpu.memory_space<semaphore_mem>>)
    %dma_wait3A_94 = arith.constant 0 : i32
    %dma_wait3A_95 = arith.constant 0 : i32
    %dma_wait3A_96 = tpu.memref_slice %arg4[%dma_wait3A_94, %dma_wait3A_95] : memref<81920x128xf32, #tpu.memory_space<hbm>> -> memref<128x128xf32, #tpu.memory_space<hbm>>
    %dma_wait3A_97 = arith.constant 0 : i32
    %dma_wait3A_98 = arith.constant 0 : i32
    %dma_wait3A_99 = tpu.memref_slice %arg4[%dma_wait3A_97, %dma_wait3A_98] : memref<81920x128xf32, #tpu.memory_space<hbm>> -> memref<128x128xf32, #tpu.memory_space<hbm>>
    tpu.wait_dma2 semaphore(%arg14 : memref<!tpu.dma_semaphore, #tpu.memory_space<semaphore_mem>>) src(%arg6 : memref<128x128xf32, #tpu.memory_space<vmem>>) dst(%dma_wait3A_99 : memref<128x128xf32, #tpu.memory_space<hbm>>)
    %dma_wait3A_100 = arith.constant 0 : i32
    %dma_wait3A_101 = arith.constant 0 : i32
    %dma_wait3A_102 = tpu.memref_slice %arg4[%dma_wait3A_100, %dma_wait3A_101] : memref<81920x128xf32, #tpu.memory_space<hbm>> -> memref<128x128xf32, #tpu.memory_space<hbm>>
    %dma_wait3A_103 = arith.constant 0 : i32
    %dma_wait3A_104 = arith.constant 0 : i32
    %dma_wait3A_105 = tpu.memref_slice %arg4[%dma_wait3A_103, %dma_wait3A_104] : memref<81920x128xf32, #tpu.memory_space<hbm>> -> memref<128x128xf32, #tpu.memory_space<hbm>>
    tpu.wait_dma2 semaphore(%arg15 : memref<!tpu.dma_semaphore, #tpu.memory_space<semaphore_mem>>) src(%arg7 : memref<128x128xf32, #tpu.memory_space<vmem>>) dst(%dma_wait3A_105 : memref<128x128xf32, #tpu.memory_space<hbm>>)
    %dma_wait3A_106 = arith.constant 0 : i32
    %dma_wait3A_107 = arith.constant 0 : i32
    %dma_wait3A_108 = tpu.memref_slice %arg4[%dma_wait3A_106, %dma_wait3A_107] : memref<81920x128xf32, #tpu.memory_space<hbm>> -> memref<128x128xf32, #tpu.memory_space<hbm>>
    %dma_wait3A_109 = arith.constant 0 : i32
    %dma_wait3A_110 = arith.constant 0 : i32
    %dma_wait3A_111 = tpu.memref_slice %arg4[%dma_wait3A_109, %dma_wait3A_110] : memref<81920x128xf32, #tpu.memory_space<hbm>> -> memref<128x128xf32, #tpu.memory_space<hbm>>
    tpu.wait_dma2 semaphore(%arg16 : memref<!tpu.dma_semaphore, #tpu.memory_space<semaphore_mem>>) src(%arg8 : memref<128x128xf32, #tpu.memory_space<vmem>>) dst(%dma_wait3A_111 : memref<128x128xf32, #tpu.memory_space<hbm>>)
    %dma_wait3A_112 = arith.constant 0 : i32
    %dma_wait3A_113 = arith.constant 0 : i32
    %dma_wait3A_114 = tpu.memref_slice %arg4[%dma_wait3A_112, %dma_wait3A_113] : memref<81920x128xf32, #tpu.memory_space<hbm>> -> memref<128x128xf32, #tpu.memory_space<hbm>>
    %dma_wait3A_115 = arith.constant 0 : i32
    %dma_wait3A_116 = arith.constant 0 : i32
    %dma_wait3A_117 = tpu.memref_slice %arg4[%dma_wait3A_115, %dma_wait3A_116] : memref<81920x128xf32, #tpu.memory_space<hbm>> -> memref<128x128xf32, #tpu.memory_space<hbm>>
    tpu.wait_dma2 semaphore(%arg17 : memref<!tpu.dma_semaphore, #tpu.memory_space<semaphore_mem>>) src(%arg9 : memref<128x128xf32, #tpu.memory_space<vmem>>) dst(%dma_wait3A_117 : memref<128x128xf32, #tpu.memory_space<hbm>>)
    return
  }
}

#map = affine_map<(d0, d1) -> (0, 0)>
#map1 = affine_map<(d0, d1) -> (0, 0, 0)>
module attributes {stable_mosaic.version = 14 : i64} {
  func.func @gk(%arg0: i32, %arg1: i32, %arg2: memref<10000x128xf32, #tpu.memory_space<hbm>>, %arg3: memref<32x20x128xi32, #tpu.memory_space<hbm>>, %arg4: memref<81920x128xf32, #tpu.memory_space<hbm>>, %arg5: memref<20x128xi32, #tpu.memory_space<vmem>>, %arg6: memref<128x128xf32, #tpu.memory_space<vmem>>, %arg7: memref<128x128xf32, #tpu.memory_space<vmem>>, %arg8: memref<128x128xf32, #tpu.memory_space<vmem>>, %arg9: memref<128x128xf32, #tpu.memory_space<vmem>>, %arg10: memref<!tpu.dma_semaphore, #tpu.memory_space<semaphore_mem>>, %arg11: memref<!tpu.dma_semaphore, #tpu.memory_space<semaphore_mem>>, %arg12: memref<!tpu.dma_semaphore, #tpu.memory_space<semaphore_mem>>, %arg13: memref<!tpu.dma_semaphore, #tpu.memory_space<semaphore_mem>>, %arg14: memref<!tpu.dma_semaphore, #tpu.memory_space<semaphore_mem>>, %arg15: memref<!tpu.dma_semaphore, #tpu.memory_space<semaphore_mem>>, %arg16: memref<!tpu.dma_semaphore, #tpu.memory_space<semaphore_mem>>, %arg17: memref<!tpu.dma_semaphore, #tpu.memory_space<semaphore_mem>>) attributes {dimension_semantics = [#tpu.dimension_semantics<core_parallel>, #tpu.dimension_semantics<subcore_parallel>], iteration_bounds = array<i64: 2, 16>, scalar_prefetch = 0 : i64, scratch_operands = 13 : i64, tpu.core_type = #tpu.core_type<sc_vector_subcore>, window_params = [{transform_indices = #map}, {transform_indices = #map1}, {transform_indices = #map}]} {
    %mul3A = arith.constant 2 : i32
    %mul3A_0 = arith.muli %arg1, %mul3A : i32
    %add3A = arith.addi %mul3A_0, %arg0 : i32
    %mul3A_1 = arith.constant 20 : i32
    %mul3A_2 = arith.muli %add3A, %mul3A_1 : i32
    "tpu.region"() ({
      %run_scoped3A = tpu.sem_alloc : memref<!tpu.dma_semaphore, #tpu.memory_space<semaphore_mem>>
      %dma_start3A_118 = arith.constant 0 : i32
      %dma_start3A_119 = arith.constant 0 : i32
      %dma_start3A_120 = tpu.memref_slice %arg3[%add3A, %dma_start3A_118, %dma_start3A_119] : memref<32x20x128xi32, #tpu.memory_space<hbm>> -> memref<1x20x128xi32, #tpu.memory_space<hbm>>
      %dma_start3A_121 = tpu.memref_squeeze %dma_start3A_120 : memref<1x20x128xi32, #tpu.memory_space<hbm>> -> memref<20x128xi32, #tpu.memory_space<hbm>>
      %dma_start3A_122 = arith.constant 0 : i32
      %dma_start3A_123 = arith.constant 0 : i32
      %dma_start3A_124 = tpu.memref_slice %arg3[%add3A, %dma_start3A_122, %dma_start3A_123] : memref<32x20x128xi32, #tpu.memory_space<hbm>> -> memref<1x20x128xi32, #tpu.memory_space<hbm>>
      %dma_start3A_125 = tpu.memref_squeeze %dma_start3A_124 : memref<1x20x128xi32, #tpu.memory_space<hbm>> -> memref<20x128xi32, #tpu.memory_space<hbm>>
      tpu.enqueue_dma source(%dma_start3A_125 : memref<20x128xi32, #tpu.memory_space<hbm>>) target(%arg5 : memref<20x128xi32, #tpu.memory_space<vmem>>) target_semaphore(%run_scoped3A : memref<!tpu.dma_semaphore, #tpu.memory_space<semaphore_mem>>)
      %dma_wait3A_126 = arith.constant 0 : i32
      %dma_wait3A_127 = arith.constant 0 : i32
      %dma_wait3A_128 = tpu.memref_slice %arg3[%add3A, %dma_wait3A_126, %dma_wait3A_127] : memref<32x20x128xi32, #tpu.memory_space<hbm>> -> memref<1x20x128xi32, #tpu.memory_space<hbm>>
      %dma_wait3A_129 = tpu.memref_squeeze %dma_wait3A_128 : memref<1x20x128xi32, #tpu.memory_space<hbm>> -> memref<20x128xi32, #tpu.memory_space<hbm>>
      %dma_wait3A_130 = arith.constant 0 : i32
      %dma_wait3A_131 = arith.constant 0 : i32
      %dma_wait3A_132 = tpu.memref_slice %arg3[%add3A, %dma_wait3A_130, %dma_wait3A_131] : memref<32x20x128xi32, #tpu.memory_space<hbm>> -> memref<1x20x128xi32, #tpu.memory_space<hbm>>
      %dma_wait3A_133 = tpu.memref_squeeze %dma_wait3A_132 : memref<1x20x128xi32, #tpu.memory_space<hbm>> -> memref<20x128xi32, #tpu.memory_space<hbm>>
      tpu.wait_dma2 semaphore(%run_scoped3A : memref<!tpu.dma_semaphore, #tpu.memory_space<semaphore_mem>>) src(%dma_wait3A_133 : memref<20x128xi32, #tpu.memory_space<hbm>>) dst(%arg5 : memref<20x128xi32, #tpu.memory_space<vmem>>)
      tpu.yield
    }) : () -> ()
    %dma_start3A = arith.constant 0 : i32
    %dma_start3A_3 = arith.constant 0 : i32
    %dma_start3A_4 = tpu.memref_slice %arg5[%dma_start3A, %dma_start3A_3] : memref<20x128xi32, #tpu.memory_space<vmem>> -> memref<1x128xi32, #tpu.memory_space<vmem>>
    %dma_start3A_5 = tpu.memref_squeeze %dma_start3A_4 : memref<1x128xi32, #tpu.memory_space<vmem>> -> memref<128xi32, #tpu.memory_space<vmem>>
    %dma_start3A_6 = arith.constant 0 : i32
    %dma_start3A_7 = arith.constant 0 : i32
    %dma_start3A_8 = tpu.memref_slice %arg2[%dma_start3A_6, %dma_start3A_7] : memref<10000x128xf32, #tpu.memory_space<hbm>> -> memref<10000x128xf32, #tpu.memory_space<hbm>>
    tpu.enqueue_indirect_dma source(%dma_start3A_8 : memref<10000x128xf32, #tpu.memory_space<hbm>>) target(%arg6 : memref<128x128xf32, #tpu.memory_space<vmem>>) offsets(%dma_start3A_5 : memref<128xi32, #tpu.memory_space<vmem>>) semaphore(%arg10 : memref<!tpu.dma_semaphore, #tpu.memory_space<semaphore_mem>>)
    %dma_start3A_9 = arith.constant 1 : i32
    %dma_start3A_10 = arith.constant 0 : i32
    %dma_start3A_11 = tpu.memref_slice %arg5[%dma_start3A_9, %dma_start3A_10] : memref<20x128xi32, #tpu.memory_space<vmem>> -> memref<1x128xi32, #tpu.memory_space<vmem>>
    %dma_start3A_12 = tpu.memref_squeeze %dma_start3A_11 : memref<1x128xi32, #tpu.memory_space<vmem>> -> memref<128xi32, #tpu.memory_space<vmem>>
    %dma_start3A_13 = arith.constant 0 : i32
    %dma_start3A_14 = arith.constant 0 : i32
    %dma_start3A_15 = tpu.memref_slice %arg2[%dma_start3A_13, %dma_start3A_14] : memref<10000x128xf32, #tpu.memory_space<hbm>> -> memref<10000x128xf32, #tpu.memory_space<hbm>>
    tpu.enqueue_indirect_dma source(%dma_start3A_15 : memref<10000x128xf32, #tpu.memory_space<hbm>>) target(%arg7 : memref<128x128xf32, #tpu.memory_space<vmem>>) offsets(%dma_start3A_12 : memref<128xi32, #tpu.memory_space<vmem>>) semaphore(%arg11 : memref<!tpu.dma_semaphore, #tpu.memory_space<semaphore_mem>>)
    %dma_wait3A = arith.constant 0 : i32
    %dma_wait3A_16 = arith.constant 0 : i32
    %dma_wait3A_17 = tpu.memref_slice %arg5[%dma_wait3A, %dma_wait3A_16] : memref<20x128xi32, #tpu.memory_space<vmem>> -> memref<1x128xi32, #tpu.memory_space<vmem>>
    %dma_wait3A_18 = tpu.memref_squeeze %dma_wait3A_17 : memref<1x128xi32, #tpu.memory_space<vmem>> -> memref<128xi32, #tpu.memory_space<vmem>>
    %dma_wait3A_19 = arith.constant 0 : i32
    %dma_wait3A_20 = arith.constant 0 : i32
    %dma_wait3A_21 = tpu.memref_slice %arg2[%dma_wait3A_19, %dma_wait3A_20] : memref<10000x128xf32, #tpu.memory_space<hbm>> -> memref<10000x128xf32, #tpu.memory_space<hbm>>
    tpu.wait_indirect_dma semaphore(%arg10 : memref<!tpu.dma_semaphore, #tpu.memory_space<semaphore_mem>>) src(%dma_wait3A_21 : memref<10000x128xf32, #tpu.memory_space<hbm>>) dst(%arg6 : memref<128x128xf32, #tpu.memory_space<vmem>>)
    %add3A_22 = arith.constant 0 : i32
    %add3A_23 = arith.addi %mul3A_2, %add3A_22 : i32
    %mul3A_24 = arith.constant 128 : i32
    %mul3A_25 = arith.muli %add3A_23, %mul3A_24 : i32
    %dma_start3A_26 = arith.constant 0 : i32
    %dma_start3A_27 = tpu.memref_slice %arg4[%mul3A_25, %dma_start3A_26] : memref<81920x128xf32, #tpu.memory_space<hbm>> -> memref<128x128xf32, #tpu.memory_space<hbm>>
    %dma_start3A_28 = arith.constant 0 : i32
    %dma_start3A_29 = tpu.memref_slice %arg4[%mul3A_25, %dma_start3A_28] : memref<81920x128xf32, #tpu.memory_space<hbm>> -> memref<128x128xf32, #tpu.memory_space<hbm>>
    tpu.enqueue_dma source(%arg6 : memref<128x128xf32, #tpu.memory_space<vmem>>) target(%dma_start3A_29 : memref<128x128xf32, #tpu.memory_space<hbm>>) target_semaphore(%arg14 : memref<!tpu.dma_semaphore, #tpu.memory_space<semaphore_mem>>)
    %dma_start3A_30 = arith.constant 2 : i32
    %dma_start3A_31 = arith.constant 0 : i32
    %dma_start3A_32 = tpu.memref_slice %arg5[%dma_start3A_30, %dma_start3A_31] : memref<20x128xi32, #tpu.memory_space<vmem>> -> memref<1x128xi32, #tpu.memory_space<vmem>>
    %dma_start3A_33 = tpu.memref_squeeze %dma_start3A_32 : memref<1x128xi32, #tpu.memory_space<vmem>> -> memref<128xi32, #tpu.memory_space<vmem>>
    %dma_start3A_34 = arith.constant 0 : i32
    %dma_start3A_35 = arith.constant 0 : i32
    %dma_start3A_36 = tpu.memref_slice %arg2[%dma_start3A_34, %dma_start3A_35] : memref<10000x128xf32, #tpu.memory_space<hbm>> -> memref<10000x128xf32, #tpu.memory_space<hbm>>
    tpu.enqueue_indirect_dma source(%dma_start3A_36 : memref<10000x128xf32, #tpu.memory_space<hbm>>) target(%arg8 : memref<128x128xf32, #tpu.memory_space<vmem>>) offsets(%dma_start3A_33 : memref<128xi32, #tpu.memory_space<vmem>>) semaphore(%arg12 : memref<!tpu.dma_semaphore, #tpu.memory_space<semaphore_mem>>)
    %dma_wait3A_37 = arith.constant 1 : i32
    %dma_wait3A_38 = arith.constant 0 : i32
    %dma_wait3A_39 = tpu.memref_slice %arg5[%dma_wait3A_37, %dma_wait3A_38] : memref<20x128xi32, #tpu.memory_space<vmem>> -> memref<1x128xi32, #tpu.memory_space<vmem>>
    %dma_wait3A_40 = tpu.memref_squeeze %dma_wait3A_39 : memref<1x128xi32, #tpu.memory_space<vmem>> -> memref<128xi32, #tpu.memory_space<vmem>>
    %dma_wait3A_41 = arith.constant 0 : i32
    %dma_wait3A_42 = arith.constant 0 : i32
    %dma_wait3A_43 = tpu.memref_slice %arg2[%dma_wait3A_41, %dma_wait3A_42] : memref<10000x128xf32, #tpu.memory_space<hbm>> -> memref<10000x128xf32, #tpu.memory_space<hbm>>
    tpu.wait_indirect_dma semaphore(%arg11 : memref<!tpu.dma_semaphore, #tpu.memory_space<semaphore_mem>>) src(%dma_wait3A_43 : memref<10000x128xf32, #tpu.memory_space<hbm>>) dst(%arg7 : memref<128x128xf32, #tpu.memory_space<vmem>>)
    %add3A_44 = arith.constant 1 : i32
    %add3A_45 = arith.addi %mul3A_2, %add3A_44 : i32
    %mul3A_46 = arith.constant 128 : i32
    %mul3A_47 = arith.muli %add3A_45, %mul3A_46 : i32
    %dma_start3A_48 = arith.constant 0 : i32
    %dma_start3A_49 = tpu.memref_slice %arg4[%mul3A_47, %dma_start3A_48] : memref<81920x128xf32, #tpu.memory_space<hbm>> -> memref<128x128xf32, #tpu.memory_space<hbm>>
    %dma_start3A_50 = arith.constant 0 : i32
    %dma_start3A_51 = tpu.memref_slice %arg4[%mul3A_47, %dma_start3A_50] : memref<81920x128xf32, #tpu.memory_space<hbm>> -> memref<128x128xf32, #tpu.memory_space<hbm>>
    tpu.enqueue_dma source(%arg7 : memref<128x128xf32, #tpu.memory_space<vmem>>) target(%dma_start3A_51 : memref<128x128xf32, #tpu.memory_space<hbm>>) target_semaphore(%arg15 : memref<!tpu.dma_semaphore, #tpu.memory_space<semaphore_mem>>)
    %dma_start3A_52 = arith.constant 3 : i32
    %dma_start3A_53 = arith.constant 0 : i32
    %dma_start3A_54 = tpu.memref_slice %arg5[%dma_start3A_52, %dma_start3A_53] : memref<20x128xi32, #tpu.memory_space<vmem>> -> memref<1x128xi32, #tpu.memory_space<vmem>>
    %dma_start3A_55 = tpu.memref_squeeze %dma_start3A_54 : memref<1x128xi32, #tpu.memory_space<vmem>> -> memref<128xi32, #tpu.memory_space<vmem>>
    %dma_start3A_56 = arith.constant 0 : i32
    %dma_start3A_57 = arith.constant 0 : i32
    %dma_start3A_58 = tpu.memref_slice %arg2[%dma_start3A_56, %dma_start3A_57] : memref<10000x128xf32, #tpu.memory_space<hbm>> -> memref<10000x128xf32, #tpu.memory_space<hbm>>
    tpu.enqueue_indirect_dma source(%dma_start3A_58 : memref<10000x128xf32, #tpu.memory_space<hbm>>) target(%arg9 : memref<128x128xf32, #tpu.memory_space<vmem>>) offsets(%dma_start3A_55 : memref<128xi32, #tpu.memory_space<vmem>>) semaphore(%arg13 : memref<!tpu.dma_semaphore, #tpu.memory_space<semaphore_mem>>)
    %scan3A = arith.constant 0 : i32
    %scan3A_59 = arith.constant 0 : i32
    %scan3A_60 = arith.constant 4 : i32
    %scan3A_61 = arith.addi %scan3A_59, %scan3A_60 : i32
    %scan3A_62 = arith.constant 1 : i32
    scf.for %scan3A_118 = %scan3A_59 to %scan3A_61 step %scan3A_62  : i32 {
      %mul3A_119 = arith.constant 4 : i32
      %mul3A_120 = arith.muli %scan3A_118, %mul3A_119 : i32
      %add3A_121 = arith.constant 2 : i32
      %add3A_122 = arith.addi %add3A_121, %mul3A_120 : i32
      %add3A_123 = arith.constant 0 : i32
      %add3A_124 = arith.addi %add3A_122, %add3A_123 : i32
      %dma_wait3A_125 = arith.constant 0 : i32
      %dma_wait3A_126 = tpu.memref_slice %arg5[%add3A_124, %dma_wait3A_125] : memref<20x128xi32, #tpu.memory_space<vmem>> -> memref<1x128xi32, #tpu.memory_space<vmem>>
      %dma_wait3A_127 = tpu.memref_squeeze %dma_wait3A_126 : memref<1x128xi32, #tpu.memory_space<vmem>> -> memref<128xi32, #tpu.memory_space<vmem>>
      %dma_wait3A_128 = arith.constant 0 : i32
      %dma_wait3A_129 = arith.constant 0 : i32
      %dma_wait3A_130 = tpu.memref_slice %arg2[%dma_wait3A_128, %dma_wait3A_129] : memref<10000x128xf32, #tpu.memory_space<hbm>> -> memref<10000x128xf32, #tpu.memory_space<hbm>>
      tpu.wait_indirect_dma semaphore(%arg12 : memref<!tpu.dma_semaphore, #tpu.memory_space<semaphore_mem>>) src(%dma_wait3A_130 : memref<10000x128xf32, #tpu.memory_space<hbm>>) dst(%arg8 : memref<128x128xf32, #tpu.memory_space<vmem>>)
      %add3A_131 = arith.addi %mul3A_2, %add3A_124 : i32
      %mul3A_132 = arith.constant 128 : i32
      %mul3A_133 = arith.muli %add3A_131, %mul3A_132 : i32
      %dma_start3A_134 = arith.constant 0 : i32
      %dma_start3A_135 = tpu.memref_slice %arg4[%mul3A_133, %dma_start3A_134] : memref<81920x128xf32, #tpu.memory_space<hbm>> -> memref<128x128xf32, #tpu.memory_space<hbm>>
      %dma_start3A_136 = arith.constant 0 : i32
      %dma_start3A_137 = tpu.memref_slice %arg4[%mul3A_133, %dma_start3A_136] : memref<81920x128xf32, #tpu.memory_space<hbm>> -> memref<128x128xf32, #tpu.memory_space<hbm>>
      tpu.enqueue_dma source(%arg8 : memref<128x128xf32, #tpu.memory_space<vmem>>) target(%dma_start3A_137 : memref<128x128xf32, #tpu.memory_space<hbm>>) target_semaphore(%arg16 : memref<!tpu.dma_semaphore, #tpu.memory_space<semaphore_mem>>)
      %dma_wait3A_138 = arith.constant 0 : i32
      %dma_wait3A_139 = arith.constant 0 : i32
      %dma_wait3A_140 = tpu.memref_slice %arg4[%dma_wait3A_138, %dma_wait3A_139] : memref<81920x128xf32, #tpu.memory_space<hbm>> -> memref<128x128xf32, #tpu.memory_space<hbm>>
      %dma_wait3A_141 = arith.constant 0 : i32
      %dma_wait3A_142 = arith.constant 0 : i32
      %dma_wait3A_143 = tpu.memref_slice %arg4[%dma_wait3A_141, %dma_wait3A_142] : memref<81920x128xf32, #tpu.memory_space<hbm>> -> memref<128x128xf32, #tpu.memory_space<hbm>>
      tpu.wait_dma2 semaphore(%arg14 : memref<!tpu.dma_semaphore, #tpu.memory_space<semaphore_mem>>) src(%arg6 : memref<128x128xf32, #tpu.memory_space<vmem>>) dst(%dma_wait3A_143 : memref<128x128xf32, #tpu.memory_space<hbm>>)
      %add3A_144 = arith.constant 2 : i32
      %add3A_145 = arith.addi %add3A_124, %add3A_144 : i32
      %dma_start3A_146 = arith.constant 0 : i32
      %dma_start3A_147 = tpu.memref_slice %arg5[%add3A_145, %dma_start3A_146] : memref<20x128xi32, #tpu.memory_space<vmem>> -> memref<1x128xi32, #tpu.memory_space<vmem>>
      %dma_start3A_148 = tpu.memref_squeeze %dma_start3A_147 : memref<1x128xi32, #tpu.memory_space<vmem>> -> memref<128xi32, #tpu.memory_space<vmem>>
      %dma_start3A_149 = arith.constant 0 : i32
      %dma_start3A_150 = arith.constant 0 : i32
      %dma_start3A_151 = tpu.memref_slice %arg2[%dma_start3A_149, %dma_start3A_150] : memref<10000x128xf32, #tpu.memory_space<hbm>> -> memref<10000x128xf32, #tpu.memory_space<hbm>>
      tpu.enqueue_indirect_dma source(%dma_start3A_151 : memref<10000x128xf32, #tpu.memory_space<hbm>>) target(%arg6 : memref<128x128xf32, #tpu.memory_space<vmem>>) offsets(%dma_start3A_148 : memref<128xi32, #tpu.memory_space<vmem>>) semaphore(%arg10 : memref<!tpu.dma_semaphore, #tpu.memory_space<semaphore_mem>>)
      %mul3A_152 = arith.constant 4 : i32
      %mul3A_153 = arith.muli %scan3A_118, %mul3A_152 : i32
      %add3A_154 = arith.constant 2 : i32
      %add3A_155 = arith.addi %add3A_154, %mul3A_153 : i32
      %add3A_156 = arith.constant 1 : i32
      %add3A_157 = arith.addi %add3A_155, %add3A_156 : i32
      %dma_wait3A_158 = arith.constant 0 : i32
      %dma_wait3A_159 = tpu.memref_slice %arg5[%add3A_157, %dma_wait3A_158] : memref<20x128xi32, #tpu.memory_space<vmem>> -> memref<1x128xi32, #tpu.memory_space<vmem>>
      %dma_wait3A_160 = tpu.memref_squeeze %dma_wait3A_159 : memref<1x128xi32, #tpu.memory_space<vmem>> -> memref<128xi32, #tpu.memory_space<vmem>>
      %dma_wait3A_161 = arith.constant 0 : i32
      %dma_wait3A_162 = arith.constant 0 : i32
      %dma_wait3A_163 = tpu.memref_slice %arg2[%dma_wait3A_161, %dma_wait3A_162] : memref<10000x128xf32, #tpu.memory_space<hbm>> -> memref<10000x128xf32, #tpu.memory_space<hbm>>
      tpu.wait_indirect_dma semaphore(%arg13 : memref<!tpu.dma_semaphore, #tpu.memory_space<semaphore_mem>>) src(%dma_wait3A_163 : memref<10000x128xf32, #tpu.memory_space<hbm>>) dst(%arg9 : memref<128x128xf32, #tpu.memory_space<vmem>>)
      %add3A_164 = arith.addi %mul3A_2, %add3A_157 : i32
      %mul3A_165 = arith.constant 128 : i32
      %mul3A_166 = arith.muli %add3A_164, %mul3A_165 : i32
      %dma_start3A_167 = arith.constant 0 : i32
      %dma_start3A_168 = tpu.memref_slice %arg4[%mul3A_166, %dma_start3A_167] : memref<81920x128xf32, #tpu.memory_space<hbm>> -> memref<128x128xf32, #tpu.memory_space<hbm>>
      %dma_start3A_169 = arith.constant 0 : i32
      %dma_start3A_170 = tpu.memref_slice %arg4[%mul3A_166, %dma_start3A_169] : memref<81920x128xf32, #tpu.memory_space<hbm>> -> memref<128x128xf32, #tpu.memory_space<hbm>>
      tpu.enqueue_dma source(%arg9 : memref<128x128xf32, #tpu.memory_space<vmem>>) target(%dma_start3A_170 : memref<128x128xf32, #tpu.memory_space<hbm>>) target_semaphore(%arg17 : memref<!tpu.dma_semaphore, #tpu.memory_space<semaphore_mem>>)
      %dma_wait3A_171 = arith.constant 0 : i32
      %dma_wait3A_172 = arith.constant 0 : i32
      %dma_wait3A_173 = tpu.memref_slice %arg4[%dma_wait3A_171, %dma_wait3A_172] : memref<81920x128xf32, #tpu.memory_space<hbm>> -> memref<128x128xf32, #tpu.memory_space<hbm>>
      %dma_wait3A_174 = arith.constant 0 : i32
      %dma_wait3A_175 = arith.constant 0 : i32
      %dma_wait3A_176 = tpu.memref_slice %arg4[%dma_wait3A_174, %dma_wait3A_175] : memref<81920x128xf32, #tpu.memory_space<hbm>> -> memref<128x128xf32, #tpu.memory_space<hbm>>
      tpu.wait_dma2 semaphore(%arg15 : memref<!tpu.dma_semaphore, #tpu.memory_space<semaphore_mem>>) src(%arg7 : memref<128x128xf32, #tpu.memory_space<vmem>>) dst(%dma_wait3A_176 : memref<128x128xf32, #tpu.memory_space<hbm>>)
      %add3A_177 = arith.constant 2 : i32
      %add3A_178 = arith.addi %add3A_157, %add3A_177 : i32
      %dma_start3A_179 = arith.constant 0 : i32
      %dma_start3A_180 = tpu.memref_slice %arg5[%add3A_178, %dma_start3A_179] : memref<20x128xi32, #tpu.memory_space<vmem>> -> memref<1x128xi32, #tpu.memory_space<vmem>>
      %dma_start3A_181 = tpu.memref_squeeze %dma_start3A_180 : memref<1x128xi32, #tpu.memory_space<vmem>> -> memref<128xi32, #tpu.memory_space<vmem>>
      %dma_start3A_182 = arith.constant 0 : i32
      %dma_start3A_183 = arith.constant 0 : i32
      %dma_start3A_184 = tpu.memref_slice %arg2[%dma_start3A_182, %dma_start3A_183] : memref<10000x128xf32, #tpu.memory_space<hbm>> -> memref<10000x128xf32, #tpu.memory_space<hbm>>
      tpu.enqueue_indirect_dma source(%dma_start3A_184 : memref<10000x128xf32, #tpu.memory_space<hbm>>) target(%arg7 : memref<128x128xf32, #tpu.memory_space<vmem>>) offsets(%dma_start3A_181 : memref<128xi32, #tpu.memory_space<vmem>>) semaphore(%arg11 : memref<!tpu.dma_semaphore, #tpu.memory_space<semaphore_mem>>)
      %mul3A_185 = arith.constant 4 : i32
      %mul3A_186 = arith.muli %scan3A_118, %mul3A_185 : i32
      %add3A_187 = arith.constant 2 : i32
      %add3A_188 = arith.addi %add3A_187, %mul3A_186 : i32
      %add3A_189 = arith.constant 2 : i32
      %add3A_190 = arith.addi %add3A_188, %add3A_189 : i32
      %dma_wait3A_191 = arith.constant 0 : i32
      %dma_wait3A_192 = tpu.memref_slice %arg5[%add3A_190, %dma_wait3A_191] : memref<20x128xi32, #tpu.memory_space<vmem>> -> memref<1x128xi32, #tpu.memory_space<vmem>>
      %dma_wait3A_193 = tpu.memref_squeeze %dma_wait3A_192 : memref<1x128xi32, #tpu.memory_space<vmem>> -> memref<128xi32, #tpu.memory_space<vmem>>
      %dma_wait3A_194 = arith.constant 0 : i32
      %dma_wait3A_195 = arith.constant 0 : i32
      %dma_wait3A_196 = tpu.memref_slice %arg2[%dma_wait3A_194, %dma_wait3A_195] : memref<10000x128xf32, #tpu.memory_space<hbm>> -> memref<10000x128xf32, #tpu.memory_space<hbm>>
      tpu.wait_indirect_dma semaphore(%arg10 : memref<!tpu.dma_semaphore, #tpu.memory_space<semaphore_mem>>) src(%dma_wait3A_196 : memref<10000x128xf32, #tpu.memory_space<hbm>>) dst(%arg6 : memref<128x128xf32, #tpu.memory_space<vmem>>)
      %add3A_197 = arith.addi %mul3A_2, %add3A_190 : i32
      %mul3A_198 = arith.constant 128 : i32
      %mul3A_199 = arith.muli %add3A_197, %mul3A_198 : i32
      %dma_start3A_200 = arith.constant 0 : i32
      %dma_start3A_201 = tpu.memref_slice %arg4[%mul3A_199, %dma_start3A_200] : memref<81920x128xf32, #tpu.memory_space<hbm>> -> memref<128x128xf32, #tpu.memory_space<hbm>>
      %dma_start3A_202 = arith.constant 0 : i32
      %dma_start3A_203 = tpu.memref_slice %arg4[%mul3A_199, %dma_start3A_202] : memref<81920x128xf32, #tpu.memory_space<hbm>> -> memref<128x128xf32, #tpu.memory_space<hbm>>
      tpu.enqueue_dma source(%arg6 : memref<128x128xf32, #tpu.memory_space<vmem>>) target(%dma_start3A_203 : memref<128x128xf32, #tpu.memory_space<hbm>>) target_semaphore(%arg14 : memref<!tpu.dma_semaphore, #tpu.memory_space<semaphore_mem>>)
      %dma_wait3A_204 = arith.constant 0 : i32
      %dma_wait3A_205 = arith.constant 0 : i32
      %dma_wait3A_206 = tpu.memref_slice %arg4[%dma_wait3A_204, %dma_wait3A_205] : memref<81920x128xf32, #tpu.memory_space<hbm>> -> memref<128x128xf32, #tpu.memory_space<hbm>>
      %dma_wait3A_207 = arith.constant 0 : i32
      %dma_wait3A_208 = arith.constant 0 : i32
      %dma_wait3A_209 = tpu.memref_slice %arg4[%dma_wait3A_207, %dma_wait3A_208] : memref<81920x128xf32, #tpu.memory_space<hbm>> -> memref<128x128xf32, #tpu.memory_space<hbm>>
      tpu.wait_dma2 semaphore(%arg16 : memref<!tpu.dma_semaphore, #tpu.memory_space<semaphore_mem>>) src(%arg8 : memref<128x128xf32, #tpu.memory_space<vmem>>) dst(%dma_wait3A_209 : memref<128x128xf32, #tpu.memory_space<hbm>>)
      %add3A_210 = arith.constant 2 : i32
      %add3A_211 = arith.addi %add3A_190, %add3A_210 : i32
      %dma_start3A_212 = arith.constant 0 : i32
      %dma_start3A_213 = tpu.memref_slice %arg5[%add3A_211, %dma_start3A_212] : memref<20x128xi32, #tpu.memory_space<vmem>> -> memref<1x128xi32, #tpu.memory_space<vmem>>
      %dma_start3A_214 = tpu.memref_squeeze %dma_start3A_213 : memref<1x128xi32, #tpu.memory_space<vmem>> -> memref<128xi32, #tpu.memory_space<vmem>>
      %dma_start3A_215 = arith.constant 0 : i32
      %dma_start3A_216 = arith.constant 0 : i32
      %dma_start3A_217 = tpu.memref_slice %arg2[%dma_start3A_215, %dma_start3A_216] : memref<10000x128xf32, #tpu.memory_space<hbm>> -> memref<10000x128xf32, #tpu.memory_space<hbm>>
      tpu.enqueue_indirect_dma source(%dma_start3A_217 : memref<10000x128xf32, #tpu.memory_space<hbm>>) target(%arg8 : memref<128x128xf32, #tpu.memory_space<vmem>>) offsets(%dma_start3A_214 : memref<128xi32, #tpu.memory_space<vmem>>) semaphore(%arg12 : memref<!tpu.dma_semaphore, #tpu.memory_space<semaphore_mem>>)
      %mul3A_218 = arith.constant 4 : i32
      %mul3A_219 = arith.muli %scan3A_118, %mul3A_218 : i32
      %add3A_220 = arith.constant 2 : i32
      %add3A_221 = arith.addi %add3A_220, %mul3A_219 : i32
      %add3A_222 = arith.constant 3 : i32
      %add3A_223 = arith.addi %add3A_221, %add3A_222 : i32
      %dma_wait3A_224 = arith.constant 0 : i32
      %dma_wait3A_225 = tpu.memref_slice %arg5[%add3A_223, %dma_wait3A_224] : memref<20x128xi32, #tpu.memory_space<vmem>> -> memref<1x128xi32, #tpu.memory_space<vmem>>
      %dma_wait3A_226 = tpu.memref_squeeze %dma_wait3A_225 : memref<1x128xi32, #tpu.memory_space<vmem>> -> memref<128xi32, #tpu.memory_space<vmem>>
      %dma_wait3A_227 = arith.constant 0 : i32
      %dma_wait3A_228 = arith.constant 0 : i32
      %dma_wait3A_229 = tpu.memref_slice %arg2[%dma_wait3A_227, %dma_wait3A_228] : memref<10000x128xf32, #tpu.memory_space<hbm>> -> memref<10000x128xf32, #tpu.memory_space<hbm>>
      tpu.wait_indirect_dma semaphore(%arg11 : memref<!tpu.dma_semaphore, #tpu.memory_space<semaphore_mem>>) src(%dma_wait3A_229 : memref<10000x128xf32, #tpu.memory_space<hbm>>) dst(%arg7 : memref<128x128xf32, #tpu.memory_space<vmem>>)
      %add3A_230 = arith.addi %mul3A_2, %add3A_223 : i32
      %mul3A_231 = arith.constant 128 : i32
      %mul3A_232 = arith.muli %add3A_230, %mul3A_231 : i32
      %dma_start3A_233 = arith.constant 0 : i32
      %dma_start3A_234 = tpu.memref_slice %arg4[%mul3A_232, %dma_start3A_233] : memref<81920x128xf32, #tpu.memory_space<hbm>> -> memref<128x128xf32, #tpu.memory_space<hbm>>
      %dma_start3A_235 = arith.constant 0 : i32
      %dma_start3A_236 = tpu.memref_slice %arg4[%mul3A_232, %dma_start3A_235] : memref<81920x128xf32, #tpu.memory_space<hbm>> -> memref<128x128xf32, #tpu.memory_space<hbm>>
      tpu.enqueue_dma source(%arg7 : memref<128x128xf32, #tpu.memory_space<vmem>>) target(%dma_start3A_236 : memref<128x128xf32, #tpu.memory_space<hbm>>) target_semaphore(%arg15 : memref<!tpu.dma_semaphore, #tpu.memory_space<semaphore_mem>>)
      %dma_wait3A_237 = arith.constant 0 : i32
      %dma_wait3A_238 = arith.constant 0 : i32
      %dma_wait3A_239 = tpu.memref_slice %arg4[%dma_wait3A_237, %dma_wait3A_238] : memref<81920x128xf32, #tpu.memory_space<hbm>> -> memref<128x128xf32, #tpu.memory_space<hbm>>
      %dma_wait3A_240 = arith.constant 0 : i32
      %dma_wait3A_241 = arith.constant 0 : i32
      %dma_wait3A_242 = tpu.memref_slice %arg4[%dma_wait3A_240, %dma_wait3A_241] : memref<81920x128xf32, #tpu.memory_space<hbm>> -> memref<128x128xf32, #tpu.memory_space<hbm>>
      tpu.wait_dma2 semaphore(%arg17 : memref<!tpu.dma_semaphore, #tpu.memory_space<semaphore_mem>>) src(%arg9 : memref<128x128xf32, #tpu.memory_space<vmem>>) dst(%dma_wait3A_242 : memref<128x128xf32, #tpu.memory_space<hbm>>)
      %add3A_243 = arith.constant 2 : i32
      %add3A_244 = arith.addi %add3A_223, %add3A_243 : i32
      %dma_start3A_245 = arith.constant 0 : i32
      %dma_start3A_246 = tpu.memref_slice %arg5[%add3A_244, %dma_start3A_245] : memref<20x128xi32, #tpu.memory_space<vmem>> -> memref<1x128xi32, #tpu.memory_space<vmem>>
      %dma_start3A_247 = tpu.memref_squeeze %dma_start3A_246 : memref<1x128xi32, #tpu.memory_space<vmem>> -> memref<128xi32, #tpu.memory_space<vmem>>
      %dma_start3A_248 = arith.constant 0 : i32
      %dma_start3A_249 = arith.constant 0 : i32
      %dma_start3A_250 = tpu.memref_slice %arg2[%dma_start3A_248, %dma_start3A_249] : memref<10000x128xf32, #tpu.memory_space<hbm>> -> memref<10000x128xf32, #tpu.memory_space<hbm>>
      tpu.enqueue_indirect_dma source(%dma_start3A_250 : memref<10000x128xf32, #tpu.memory_space<hbm>>) target(%arg9 : memref<128x128xf32, #tpu.memory_space<vmem>>) offsets(%dma_start3A_247 : memref<128xi32, #tpu.memory_space<vmem>>) semaphore(%arg13 : memref<!tpu.dma_semaphore, #tpu.memory_space<semaphore_mem>>)
    }
    %scan3A_63 = arith.constant 4 : i32
    %dma_wait3A_64 = arith.constant 18 : i32
    %dma_wait3A_65 = arith.constant 0 : i32
    %dma_wait3A_66 = tpu.memref_slice %arg5[%dma_wait3A_64, %dma_wait3A_65] : memref<20x128xi32, #tpu.memory_space<vmem>> -> memref<1x128xi32, #tpu.memory_space<vmem>>
    %dma_wait3A_67 = tpu.memref_squeeze %dma_wait3A_66 : memref<1x128xi32, #tpu.memory_space<vmem>> -> memref<128xi32, #tpu.memory_space<vmem>>
    %dma_wait3A_68 = arith.constant 0 : i32
    %dma_wait3A_69 = arith.constant 0 : i32
    %dma_wait3A_70 = tpu.memref_slice %arg2[%dma_wait3A_68, %dma_wait3A_69] : memref<10000x128xf32, #tpu.memory_space<hbm>> -> memref<10000x128xf32, #tpu.memory_space<hbm>>
    tpu.wait_indirect_dma semaphore(%arg12 : memref<!tpu.dma_semaphore, #tpu.memory_space<semaphore_mem>>) src(%dma_wait3A_70 : memref<10000x128xf32, #tpu.memory_space<hbm>>) dst(%arg8 : memref<128x128xf32, #tpu.memory_space<vmem>>)
    %add3A_71 = arith.constant 18 : i32
    %add3A_72 = arith.addi %mul3A_2, %add3A_71 : i32
    %mul3A_73 = arith.constant 128 : i32
    %mul3A_74 = arith.muli %add3A_72, %mul3A_73 : i32
    %dma_start3A_75 = arith.constant 0 : i32
    %dma_start3A_76 = tpu.memref_slice %arg4[%mul3A_74, %dma_start3A_75] : memref<81920x128xf32, #tpu.memory_space<hbm>> -> memref<128x128xf32, #tpu.memory_space<hbm>>
    %dma_start3A_77 = arith.constant 0 : i32
    %dma_start3A_78 = tpu.memref_slice %arg4[%mul3A_74, %dma_start3A_77] : memref<81920x128xf32, #tpu.memory_space<hbm>> -> memref<128x128xf32, #tpu.memory_space<hbm>>
    tpu.enqueue_dma source(%arg8 : memref<128x128xf32, #tpu.memory_space<vmem>>) target(%dma_start3A_78 : memref<128x128xf32, #tpu.memory_space<hbm>>) target_semaphore(%arg16 : memref<!tpu.dma_semaphore, #tpu.memory_space<semaphore_mem>>)
    %dma_wait3A_79 = arith.constant 19 : i32
    %dma_wait3A_80 = arith.constant 0 : i32
    %dma_wait3A_81 = tpu.memref_slice %arg5[%dma_wait3A_79, %dma_wait3A_80] : memref<20x128xi32, #tpu.memory_space<vmem>> -> memref<1x128xi32, #tpu.memory_space<vmem>>
    %dma_wait3A_82 = tpu.memref_squeeze %dma_wait3A_81 : memref<1x128xi32, #tpu.memory_space<vmem>> -> memref<128xi32, #tpu.memory_space<vmem>>
    %dma_wait3A_83 = arith.constant 0 : i32
    %dma_wait3A_84 = arith.constant 0 : i32
    %dma_wait3A_85 = tpu.memref_slice %arg2[%dma_wait3A_83, %dma_wait3A_84] : memref<10000x128xf32, #tpu.memory_space<hbm>> -> memref<10000x128xf32, #tpu.memory_space<hbm>>
    tpu.wait_indirect_dma semaphore(%arg13 : memref<!tpu.dma_semaphore, #tpu.memory_space<semaphore_mem>>) src(%dma_wait3A_85 : memref<10000x128xf32, #tpu.memory_space<hbm>>) dst(%arg9 : memref<128x128xf32, #tpu.memory_space<vmem>>)
    %add3A_86 = arith.constant 19 : i32
    %add3A_87 = arith.addi %mul3A_2, %add3A_86 : i32
    %mul3A_88 = arith.constant 128 : i32
    %mul3A_89 = arith.muli %add3A_87, %mul3A_88 : i32
    %dma_start3A_90 = arith.constant 0 : i32
    %dma_start3A_91 = tpu.memref_slice %arg4[%mul3A_89, %dma_start3A_90] : memref<81920x128xf32, #tpu.memory_space<hbm>> -> memref<128x128xf32, #tpu.memory_space<hbm>>
    %dma_start3A_92 = arith.constant 0 : i32
    %dma_start3A_93 = tpu.memref_slice %arg4[%mul3A_89, %dma_start3A_92] : memref<81920x128xf32, #tpu.memory_space<hbm>> -> memref<128x128xf32, #tpu.memory_space<hbm>>
    tpu.enqueue_dma source(%arg9 : memref<128x128xf32, #tpu.memory_space<vmem>>) target(%dma_start3A_93 : memref<128x128xf32, #tpu.memory_space<hbm>>) target_semaphore(%arg17 : memref<!tpu.dma_semaphore, #tpu.memory_space<semaphore_mem>>)
    %dma_wait3A_94 = arith.constant 0 : i32
    %dma_wait3A_95 = arith.constant 0 : i32
    %dma_wait3A_96 = tpu.memref_slice %arg4[%dma_wait3A_94, %dma_wait3A_95] : memref<81920x128xf32, #tpu.memory_space<hbm>> -> memref<128x128xf32, #tpu.memory_space<hbm>>
    %dma_wait3A_97 = arith.constant 0 : i32
    %dma_wait3A_98 = arith.constant 0 : i32
    %dma_wait3A_99 = tpu.memref_slice %arg4[%dma_wait3A_97, %dma_wait3A_98] : memref<81920x128xf32, #tpu.memory_space<hbm>> -> memref<128x128xf32, #tpu.memory_space<hbm>>
    tpu.wait_dma2 semaphore(%arg14 : memref<!tpu.dma_semaphore, #tpu.memory_space<semaphore_mem>>) src(%arg6 : memref<128x128xf32, #tpu.memory_space<vmem>>) dst(%dma_wait3A_99 : memref<128x128xf32, #tpu.memory_space<hbm>>)
    %dma_wait3A_100 = arith.constant 0 : i32
    %dma_wait3A_101 = arith.constant 0 : i32
    %dma_wait3A_102 = tpu.memref_slice %arg4[%dma_wait3A_100, %dma_wait3A_101] : memref<81920x128xf32, #tpu.memory_space<hbm>> -> memref<128x128xf32, #tpu.memory_space<hbm>>
    %dma_wait3A_103 = arith.constant 0 : i32
    %dma_wait3A_104 = arith.constant 0 : i32
    %dma_wait3A_105 = tpu.memref_slice %arg4[%dma_wait3A_103, %dma_wait3A_104] : memref<81920x128xf32, #tpu.memory_space<hbm>> -> memref<128x128xf32, #tpu.memory_space<hbm>>
    tpu.wait_dma2 semaphore(%arg15 : memref<!tpu.dma_semaphore, #tpu.memory_space<semaphore_mem>>) src(%arg7 : memref<128x128xf32, #tpu.memory_space<vmem>>) dst(%dma_wait3A_105 : memref<128x128xf32, #tpu.memory_space<hbm>>)
    %dma_wait3A_106 = arith.constant 0 : i32
    %dma_wait3A_107 = arith.constant 0 : i32
    %dma_wait3A_108 = tpu.memref_slice %arg4[%dma_wait3A_106, %dma_wait3A_107] : memref<81920x128xf32, #tpu.memory_space<hbm>> -> memref<128x128xf32, #tpu.memory_space<hbm>>
    %dma_wait3A_109 = arith.constant 0 : i32
    %dma_wait3A_110 = arith.constant 0 : i32
    %dma_wait3A_111 = tpu.memref_slice %arg4[%dma_wait3A_109, %dma_wait3A_110] : memref<81920x128xf32, #tpu.memory_space<hbm>> -> memref<128x128xf32, #tpu.memory_space<hbm>>
    tpu.wait_dma2 semaphore(%arg16 : memref<!tpu.dma_semaphore, #tpu.memory_space<semaphore_mem>>) src(%arg8 : memref<128x128xf32, #tpu.memory_space<vmem>>) dst(%dma_wait3A_111 : memref<128x128xf32, #tpu.memory_space<hbm>>)
    %dma_wait3A_112 = arith.constant 0 : i32
    %dma_wait3A_113 = arith.constant 0 : i32
    %dma_wait3A_114 = tpu.memref_slice %arg4[%dma_wait3A_112, %dma_wait3A_113] : memref<81920x128xf32, #tpu.memory_space<hbm>> -> memref<128x128xf32, #tpu.memory_space<hbm>>
    %dma_wait3A_115 = arith.constant 0 : i32
    %dma_wait3A_116 = arith.constant 0 : i32
    %dma_wait3A_117 = tpu.memref_slice %arg4[%dma_wait3A_115, %dma_wait3A_116] : memref<81920x128xf32, #tpu.memory_space<hbm>> -> memref<128x128xf32, #tpu.memory_space<hbm>>
    tpu.wait_dma2 semaphore(%arg17 : memref<!tpu.dma_semaphore, #tpu.memory_space<semaphore_mem>>) src(%arg9 : memref<128x128xf32, #tpu.memory_space<vmem>>) dst(%dma_wait3A_117 : memref<128x128xf32, #tpu.memory_space<hbm>>)
    return
  }
}

#map = affine_map<(d0, d1) -> (0, 0)>
#map1 = affine_map<(d0, d1) -> (0, 0, 0)>
module attributes {stable_mosaic.version = 14 : i64} {
  func.func @gk(%arg0: i32, %arg1: i32, %arg2: memref<10000x128xf32, #tpu.memory_space<hbm>>, %arg3: memref<32x20x128xi32, #tpu.memory_space<hbm>>, %arg4: memref<81920x128xf32, #tpu.memory_space<hbm>>, %arg5: memref<20x128xi32, #tpu.memory_space<vmem>>, %arg6: memref<128x128xf32, #tpu.memory_space<vmem>>, %arg7: memref<128x128xf32, #tpu.memory_space<vmem>>, %arg8: memref<128x128xf32, #tpu.memory_space<vmem>>, %arg9: memref<128x128xf32, #tpu.memory_space<vmem>>, %arg10: memref<!tpu.dma_semaphore, #tpu.memory_space<semaphore_mem>>, %arg11: memref<!tpu.dma_semaphore, #tpu.memory_space<semaphore_mem>>, %arg12: memref<!tpu.dma_semaphore, #tpu.memory_space<semaphore_mem>>, %arg13: memref<!tpu.dma_semaphore, #tpu.memory_space<semaphore_mem>>, %arg14: memref<!tpu.dma_semaphore, #tpu.memory_space<semaphore_mem>>, %arg15: memref<!tpu.dma_semaphore, #tpu.memory_space<semaphore_mem>>, %arg16: memref<!tpu.dma_semaphore, #tpu.memory_space<semaphore_mem>>, %arg17: memref<!tpu.dma_semaphore, #tpu.memory_space<semaphore_mem>>) attributes {dimension_semantics = [#tpu.dimension_semantics<core_parallel>, #tpu.dimension_semantics<subcore_parallel>], iteration_bounds = array<i64: 2, 16>, scalar_prefetch = 0 : i64, scratch_operands = 13 : i64, tpu.core_type = #tpu.core_type<sc_vector_subcore>, window_params = [{transform_indices = #map}, {transform_indices = #map1}, {transform_indices = #map}]} {
    %mul3A = arith.constant 2 : i32
    %mul3A_0 = arith.muli %arg1, %mul3A : i32
    %add3A = arith.addi %mul3A_0, %arg0 : i32
    %mul3A_1 = arith.constant 20 : i32
    %mul3A_2 = arith.muli %add3A, %mul3A_1 : i32
    "tpu.region"() ({
      %run_scoped3A = tpu.sem_alloc : memref<!tpu.dma_semaphore, #tpu.memory_space<semaphore_mem>>
      %dma_start3A_118 = arith.constant 0 : i32
      %dma_start3A_119 = arith.constant 0 : i32
      %dma_start3A_120 = tpu.memref_slice %arg3[%add3A, %dma_start3A_118, %dma_start3A_119] : memref<32x20x128xi32, #tpu.memory_space<hbm>> -> memref<1x20x128xi32, #tpu.memory_space<hbm>>
      %dma_start3A_121 = tpu.memref_squeeze %dma_start3A_120 : memref<1x20x128xi32, #tpu.memory_space<hbm>> -> memref<20x128xi32, #tpu.memory_space<hbm>>
      %dma_start3A_122 = arith.constant 0 : i32
      %dma_start3A_123 = arith.constant 0 : i32
      %dma_start3A_124 = tpu.memref_slice %arg3[%add3A, %dma_start3A_122, %dma_start3A_123] : memref<32x20x128xi32, #tpu.memory_space<hbm>> -> memref<1x20x128xi32, #tpu.memory_space<hbm>>
      %dma_start3A_125 = tpu.memref_squeeze %dma_start3A_124 : memref<1x20x128xi32, #tpu.memory_space<hbm>> -> memref<20x128xi32, #tpu.memory_space<hbm>>
      tpu.enqueue_dma source(%dma_start3A_125 : memref<20x128xi32, #tpu.memory_space<hbm>>) target(%arg5 : memref<20x128xi32, #tpu.memory_space<vmem>>) target_semaphore(%run_scoped3A : memref<!tpu.dma_semaphore, #tpu.memory_space<semaphore_mem>>)
      %dma_wait3A_126 = arith.constant 0 : i32
      %dma_wait3A_127 = arith.constant 0 : i32
      %dma_wait3A_128 = tpu.memref_slice %arg3[%add3A, %dma_wait3A_126, %dma_wait3A_127] : memref<32x20x128xi32, #tpu.memory_space<hbm>> -> memref<1x20x128xi32, #tpu.memory_space<hbm>>
      %dma_wait3A_129 = tpu.memref_squeeze %dma_wait3A_128 : memref<1x20x128xi32, #tpu.memory_space<hbm>> -> memref<20x128xi32, #tpu.memory_space<hbm>>
      %dma_wait3A_130 = arith.constant 0 : i32
      %dma_wait3A_131 = arith.constant 0 : i32
      %dma_wait3A_132 = tpu.memref_slice %arg3[%add3A, %dma_wait3A_130, %dma_wait3A_131] : memref<32x20x128xi32, #tpu.memory_space<hbm>> -> memref<1x20x128xi32, #tpu.memory_space<hbm>>
      %dma_wait3A_133 = tpu.memref_squeeze %dma_wait3A_132 : memref<1x20x128xi32, #tpu.memory_space<hbm>> -> memref<20x128xi32, #tpu.memory_space<hbm>>
      tpu.wait_dma2 semaphore(%run_scoped3A : memref<!tpu.dma_semaphore, #tpu.memory_space<semaphore_mem>>) src(%dma_wait3A_133 : memref<20x128xi32, #tpu.memory_space<hbm>>) dst(%arg5 : memref<20x128xi32, #tpu.memory_space<vmem>>)
      tpu.yield
    }) : () -> ()
    %dma_start3A = arith.constant 0 : i32
    %dma_start3A_3 = arith.constant 0 : i32
    %dma_start3A_4 = tpu.memref_slice %arg5[%dma_start3A, %dma_start3A_3] : memref<20x128xi32, #tpu.memory_space<vmem>> -> memref<1x128xi32, #tpu.memory_space<vmem>>
    %dma_start3A_5 = tpu.memref_squeeze %dma_start3A_4 : memref<1x128xi32, #tpu.memory_space<vmem>> -> memref<128xi32, #tpu.memory_space<vmem>>
    %dma_start3A_6 = arith.constant 0 : i32
    %dma_start3A_7 = arith.constant 0 : i32
    %dma_start3A_8 = tpu.memref_slice %arg2[%dma_start3A_6, %dma_start3A_7] : memref<10000x128xf32, #tpu.memory_space<hbm>> -> memref<10000x128xf32, #tpu.memory_space<hbm>>
    tpu.enqueue_indirect_dma source(%dma_start3A_8 : memref<10000x128xf32, #tpu.memory_space<hbm>>) target(%arg6 : memref<128x128xf32, #tpu.memory_space<vmem>>) offsets(%dma_start3A_5 : memref<128xi32, #tpu.memory_space<vmem>>) semaphore(%arg10 : memref<!tpu.dma_semaphore, #tpu.memory_space<semaphore_mem>>)
    %dma_start3A_9 = arith.constant 1 : i32
    %dma_start3A_10 = arith.constant 0 : i32
    %dma_start3A_11 = tpu.memref_slice %arg5[%dma_start3A_9, %dma_start3A_10] : memref<20x128xi32, #tpu.memory_space<vmem>> -> memref<1x128xi32, #tpu.memory_space<vmem>>
    %dma_start3A_12 = tpu.memref_squeeze %dma_start3A_11 : memref<1x128xi32, #tpu.memory_space<vmem>> -> memref<128xi32, #tpu.memory_space<vmem>>
    %dma_start3A_13 = arith.constant 0 : i32
    %dma_start3A_14 = arith.constant 0 : i32
    %dma_start3A_15 = tpu.memref_slice %arg2[%dma_start3A_13, %dma_start3A_14] : memref<10000x128xf32, #tpu.memory_space<hbm>> -> memref<10000x128xf32, #tpu.memory_space<hbm>>
    tpu.enqueue_indirect_dma source(%dma_start3A_15 : memref<10000x128xf32, #tpu.memory_space<hbm>>) target(%arg7 : memref<128x128xf32, #tpu.memory_space<vmem>>) offsets(%dma_start3A_12 : memref<128xi32, #tpu.memory_space<vmem>>) semaphore(%arg11 : memref<!tpu.dma_semaphore, #tpu.memory_space<semaphore_mem>>)
    %dma_wait3A = arith.constant 0 : i32
    %dma_wait3A_16 = arith.constant 0 : i32
    %dma_wait3A_17 = tpu.memref_slice %arg5[%dma_wait3A, %dma_wait3A_16] : memref<20x128xi32, #tpu.memory_space<vmem>> -> memref<1x128xi32, #tpu.memory_space<vmem>>
    %dma_wait3A_18 = tpu.memref_squeeze %dma_wait3A_17 : memref<1x128xi32, #tpu.memory_space<vmem>> -> memref<128xi32, #tpu.memory_space<vmem>>
    %dma_wait3A_19 = arith.constant 0 : i32
    %dma_wait3A_20 = arith.constant 0 : i32
    %dma_wait3A_21 = tpu.memref_slice %arg2[%dma_wait3A_19, %dma_wait3A_20] : memref<10000x128xf32, #tpu.memory_space<hbm>> -> memref<10000x128xf32, #tpu.memory_space<hbm>>
    tpu.wait_indirect_dma semaphore(%arg10 : memref<!tpu.dma_semaphore, #tpu.memory_space<semaphore_mem>>) src(%dma_wait3A_21 : memref<10000x128xf32, #tpu.memory_space<hbm>>) dst(%arg6 : memref<128x128xf32, #tpu.memory_space<vmem>>)
    %add3A_22 = arith.constant 0 : i32
    %add3A_23 = arith.addi %mul3A_2, %add3A_22 : i32
    %mul3A_24 = arith.constant 128 : i32
    %mul3A_25 = arith.muli %add3A_23, %mul3A_24 : i32
    %dma_start3A_26 = arith.constant 0 : i32
    %dma_start3A_27 = tpu.memref_slice %arg4[%mul3A_25, %dma_start3A_26] : memref<81920x128xf32, #tpu.memory_space<hbm>> -> memref<128x128xf32, #tpu.memory_space<hbm>>
    %dma_start3A_28 = arith.constant 0 : i32
    %dma_start3A_29 = tpu.memref_slice %arg4[%mul3A_25, %dma_start3A_28] : memref<81920x128xf32, #tpu.memory_space<hbm>> -> memref<128x128xf32, #tpu.memory_space<hbm>>
    tpu.enqueue_dma source(%arg6 : memref<128x128xf32, #tpu.memory_space<vmem>>) target(%dma_start3A_29 : memref<128x128xf32, #tpu.memory_space<hbm>>) target_semaphore(%arg14 : memref<!tpu.dma_semaphore, #tpu.memory_space<semaphore_mem>>)
    %dma_start3A_30 = arith.constant 2 : i32
    %dma_start3A_31 = arith.constant 0 : i32
    %dma_start3A_32 = tpu.memref_slice %arg5[%dma_start3A_30, %dma_start3A_31] : memref<20x128xi32, #tpu.memory_space<vmem>> -> memref<1x128xi32, #tpu.memory_space<vmem>>
    %dma_start3A_33 = tpu.memref_squeeze %dma_start3A_32 : memref<1x128xi32, #tpu.memory_space<vmem>> -> memref<128xi32, #tpu.memory_space<vmem>>
    %dma_start3A_34 = arith.constant 0 : i32
    %dma_start3A_35 = arith.constant 0 : i32
    %dma_start3A_36 = tpu.memref_slice %arg2[%dma_start3A_34, %dma_start3A_35] : memref<10000x128xf32, #tpu.memory_space<hbm>> -> memref<10000x128xf32, #tpu.memory_space<hbm>>
    tpu.enqueue_indirect_dma source(%dma_start3A_36 : memref<10000x128xf32, #tpu.memory_space<hbm>>) target(%arg8 : memref<128x128xf32, #tpu.memory_space<vmem>>) offsets(%dma_start3A_33 : memref<128xi32, #tpu.memory_space<vmem>>) semaphore(%arg12 : memref<!tpu.dma_semaphore, #tpu.memory_space<semaphore_mem>>)
    %dma_wait3A_37 = arith.constant 1 : i32
    %dma_wait3A_38 = arith.constant 0 : i32
    %dma_wait3A_39 = tpu.memref_slice %arg5[%dma_wait3A_37, %dma_wait3A_38] : memref<20x128xi32, #tpu.memory_space<vmem>> -> memref<1x128xi32, #tpu.memory_space<vmem>>
    %dma_wait3A_40 = tpu.memref_squeeze %dma_wait3A_39 : memref<1x128xi32, #tpu.memory_space<vmem>> -> memref<128xi32, #tpu.memory_space<vmem>>
    %dma_wait3A_41 = arith.constant 0 : i32
    %dma_wait3A_42 = arith.constant 0 : i32
    %dma_wait3A_43 = tpu.memref_slice %arg2[%dma_wait3A_41, %dma_wait3A_42] : memref<10000x128xf32, #tpu.memory_space<hbm>> -> memref<10000x128xf32, #tpu.memory_space<hbm>>
    tpu.wait_indirect_dma semaphore(%arg11 : memref<!tpu.dma_semaphore, #tpu.memory_space<semaphore_mem>>) src(%dma_wait3A_43 : memref<10000x128xf32, #tpu.memory_space<hbm>>) dst(%arg7 : memref<128x128xf32, #tpu.memory_space<vmem>>)
    %add3A_44 = arith.constant 1 : i32
    %add3A_45 = arith.addi %mul3A_2, %add3A_44 : i32
    %mul3A_46 = arith.constant 128 : i32
    %mul3A_47 = arith.muli %add3A_45, %mul3A_46 : i32
    %dma_start3A_48 = arith.constant 0 : i32
    %dma_start3A_49 = tpu.memref_slice %arg4[%mul3A_47, %dma_start3A_48] : memref<81920x128xf32, #tpu.memory_space<hbm>> -> memref<128x128xf32, #tpu.memory_space<hbm>>
    %dma_start3A_50 = arith.constant 0 : i32
    %dma_start3A_51 = tpu.memref_slice %arg4[%mul3A_47, %dma_start3A_50] : memref<81920x128xf32, #tpu.memory_space<hbm>> -> memref<128x128xf32, #tpu.memory_space<hbm>>
    tpu.enqueue_dma source(%arg7 : memref<128x128xf32, #tpu.memory_space<vmem>>) target(%dma_start3A_51 : memref<128x128xf32, #tpu.memory_space<hbm>>) target_semaphore(%arg15 : memref<!tpu.dma_semaphore, #tpu.memory_space<semaphore_mem>>)
    %dma_start3A_52 = arith.constant 3 : i32
    %dma_start3A_53 = arith.constant 0 : i32
    %dma_start3A_54 = tpu.memref_slice %arg5[%dma_start3A_52, %dma_start3A_53] : memref<20x128xi32, #tpu.memory_space<vmem>> -> memref<1x128xi32, #tpu.memory_space<vmem>>
    %dma_start3A_55 = tpu.memref_squeeze %dma_start3A_54 : memref<1x128xi32, #tpu.memory_space<vmem>> -> memref<128xi32, #tpu.memory_space<vmem>>
    %dma_start3A_56 = arith.constant 0 : i32
    %dma_start3A_57 = arith.constant 0 : i32
    %dma_start3A_58 = tpu.memref_slice %arg2[%dma_start3A_56, %dma_start3A_57] : memref<10000x128xf32, #tpu.memory_space<hbm>> -> memref<10000x128xf32, #tpu.memory_space<hbm>>
    tpu.enqueue_indirect_dma source(%dma_start3A_58 : memref<10000x128xf32, #tpu.memory_space<hbm>>) target(%arg9 : memref<128x128xf32, #tpu.memory_space<vmem>>) offsets(%dma_start3A_55 : memref<128xi32, #tpu.memory_space<vmem>>) semaphore(%arg13 : memref<!tpu.dma_semaphore, #tpu.memory_space<semaphore_mem>>)
    %scan3A = arith.constant 0 : i32
    %scan3A_59 = arith.constant 0 : i32
    %scan3A_60 = arith.constant 4 : i32
    %scan3A_61 = arith.addi %scan3A_59, %scan3A_60 : i32
    %scan3A_62 = arith.constant 1 : i32
    scf.for %scan3A_118 = %scan3A_59 to %scan3A_61 step %scan3A_62  : i32 {
      %mul3A_119 = arith.constant 4 : i32
      %mul3A_120 = arith.muli %scan3A_118, %mul3A_119 : i32
      %add3A_121 = arith.constant 2 : i32
      %add3A_122 = arith.addi %add3A_121, %mul3A_120 : i32
      %add3A_123 = arith.constant 0 : i32
      %add3A_124 = arith.addi %add3A_122, %add3A_123 : i32
      %dma_wait3A_125 = arith.constant 0 : i32
      %dma_wait3A_126 = tpu.memref_slice %arg5[%add3A_124, %dma_wait3A_125] : memref<20x128xi32, #tpu.memory_space<vmem>> -> memref<1x128xi32, #tpu.memory_space<vmem>>
      %dma_wait3A_127 = tpu.memref_squeeze %dma_wait3A_126 : memref<1x128xi32, #tpu.memory_space<vmem>> -> memref<128xi32, #tpu.memory_space<vmem>>
      %dma_wait3A_128 = arith.constant 0 : i32
      %dma_wait3A_129 = arith.constant 0 : i32
      %dma_wait3A_130 = tpu.memref_slice %arg2[%dma_wait3A_128, %dma_wait3A_129] : memref<10000x128xf32, #tpu.memory_space<hbm>> -> memref<10000x128xf32, #tpu.memory_space<hbm>>
      tpu.wait_indirect_dma semaphore(%arg12 : memref<!tpu.dma_semaphore, #tpu.memory_space<semaphore_mem>>) src(%dma_wait3A_130 : memref<10000x128xf32, #tpu.memory_space<hbm>>) dst(%arg8 : memref<128x128xf32, #tpu.memory_space<vmem>>)
      %add3A_131 = arith.addi %mul3A_2, %add3A_124 : i32
      %mul3A_132 = arith.constant 128 : i32
      %mul3A_133 = arith.muli %add3A_131, %mul3A_132 : i32
      %dma_start3A_134 = arith.constant 0 : i32
      %dma_start3A_135 = tpu.memref_slice %arg4[%mul3A_133, %dma_start3A_134] : memref<81920x128xf32, #tpu.memory_space<hbm>> -> memref<128x128xf32, #tpu.memory_space<hbm>>
      %dma_start3A_136 = arith.constant 0 : i32
      %dma_start3A_137 = tpu.memref_slice %arg4[%mul3A_133, %dma_start3A_136] : memref<81920x128xf32, #tpu.memory_space<hbm>> -> memref<128x128xf32, #tpu.memory_space<hbm>>
      tpu.enqueue_dma source(%arg8 : memref<128x128xf32, #tpu.memory_space<vmem>>) target(%dma_start3A_137 : memref<128x128xf32, #tpu.memory_space<hbm>>) target_semaphore(%arg16 : memref<!tpu.dma_semaphore, #tpu.memory_space<semaphore_mem>>)
      %dma_wait3A_138 = arith.constant 0 : i32
      %dma_wait3A_139 = arith.constant 0 : i32
      %dma_wait3A_140 = tpu.memref_slice %arg4[%dma_wait3A_138, %dma_wait3A_139] : memref<81920x128xf32, #tpu.memory_space<hbm>> -> memref<128x128xf32, #tpu.memory_space<hbm>>
      %dma_wait3A_141 = arith.constant 0 : i32
      %dma_wait3A_142 = arith.constant 0 : i32
      %dma_wait3A_143 = tpu.memref_slice %arg4[%dma_wait3A_141, %dma_wait3A_142] : memref<81920x128xf32, #tpu.memory_space<hbm>> -> memref<128x128xf32, #tpu.memory_space<hbm>>
      tpu.wait_dma2 semaphore(%arg14 : memref<!tpu.dma_semaphore, #tpu.memory_space<semaphore_mem>>) src(%arg6 : memref<128x128xf32, #tpu.memory_space<vmem>>) dst(%dma_wait3A_143 : memref<128x128xf32, #tpu.memory_space<hbm>>)
      %add3A_144 = arith.constant 2 : i32
      %add3A_145 = arith.addi %add3A_124, %add3A_144 : i32
      %dma_start3A_146 = arith.constant 0 : i32
      %dma_start3A_147 = tpu.memref_slice %arg5[%add3A_145, %dma_start3A_146] : memref<20x128xi32, #tpu.memory_space<vmem>> -> memref<1x128xi32, #tpu.memory_space<vmem>>
      %dma_start3A_148 = tpu.memref_squeeze %dma_start3A_147 : memref<1x128xi32, #tpu.memory_space<vmem>> -> memref<128xi32, #tpu.memory_space<vmem>>
      %dma_start3A_149 = arith.constant 0 : i32
      %dma_start3A_150 = arith.constant 0 : i32
      %dma_start3A_151 = tpu.memref_slice %arg2[%dma_start3A_149, %dma_start3A_150] : memref<10000x128xf32, #tpu.memory_space<hbm>> -> memref<10000x128xf32, #tpu.memory_space<hbm>>
      tpu.enqueue_indirect_dma source(%dma_start3A_151 : memref<10000x128xf32, #tpu.memory_space<hbm>>) target(%arg6 : memref<128x128xf32, #tpu.memory_space<vmem>>) offsets(%dma_start3A_148 : memref<128xi32, #tpu.memory_space<vmem>>) semaphore(%arg10 : memref<!tpu.dma_semaphore, #tpu.memory_space<semaphore_mem>>)
      %mul3A_152 = arith.constant 4 : i32
      %mul3A_153 = arith.muli %scan3A_118, %mul3A_152 : i32
      %add3A_154 = arith.constant 2 : i32
      %add3A_155 = arith.addi %add3A_154, %mul3A_153 : i32
      %add3A_156 = arith.constant 1 : i32
      %add3A_157 = arith.addi %add3A_155, %add3A_156 : i32
      %dma_wait3A_158 = arith.constant 0 : i32
      %dma_wait3A_159 = tpu.memref_slice %arg5[%add3A_157, %dma_wait3A_158] : memref<20x128xi32, #tpu.memory_space<vmem>> -> memref<1x128xi32, #tpu.memory_space<vmem>>
      %dma_wait3A_160 = tpu.memref_squeeze %dma_wait3A_159 : memref<1x128xi32, #tpu.memory_space<vmem>> -> memref<128xi32, #tpu.memory_space<vmem>>
      %dma_wait3A_161 = arith.constant 0 : i32
      %dma_wait3A_162 = arith.constant 0 : i32
      %dma_wait3A_163 = tpu.memref_slice %arg2[%dma_wait3A_161, %dma_wait3A_162] : memref<10000x128xf32, #tpu.memory_space<hbm>> -> memref<10000x128xf32, #tpu.memory_space<hbm>>
      tpu.wait_indirect_dma semaphore(%arg13 : memref<!tpu.dma_semaphore, #tpu.memory_space<semaphore_mem>>) src(%dma_wait3A_163 : memref<10000x128xf32, #tpu.memory_space<hbm>>) dst(%arg9 : memref<128x128xf32, #tpu.memory_space<vmem>>)
      %add3A_164 = arith.addi %mul3A_2, %add3A_157 : i32
      %mul3A_165 = arith.constant 128 : i32
      %mul3A_166 = arith.muli %add3A_164, %mul3A_165 : i32
      %dma_start3A_167 = arith.constant 0 : i32
      %dma_start3A_168 = tpu.memref_slice %arg4[%mul3A_166, %dma_start3A_167] : memref<81920x128xf32, #tpu.memory_space<hbm>> -> memref<128x128xf32, #tpu.memory_space<hbm>>
      %dma_start3A_169 = arith.constant 0 : i32
      %dma_start3A_170 = tpu.memref_slice %arg4[%mul3A_166, %dma_start3A_169] : memref<81920x128xf32, #tpu.memory_space<hbm>> -> memref<128x128xf32, #tpu.memory_space<hbm>>
      tpu.enqueue_dma source(%arg9 : memref<128x128xf32, #tpu.memory_space<vmem>>) target(%dma_start3A_170 : memref<128x128xf32, #tpu.memory_space<hbm>>) target_semaphore(%arg17 : memref<!tpu.dma_semaphore, #tpu.memory_space<semaphore_mem>>)
      %dma_wait3A_171 = arith.constant 0 : i32
      %dma_wait3A_172 = arith.constant 0 : i32
      %dma_wait3A_173 = tpu.memref_slice %arg4[%dma_wait3A_171, %dma_wait3A_172] : memref<81920x128xf32, #tpu.memory_space<hbm>> -> memref<128x128xf32, #tpu.memory_space<hbm>>
      %dma_wait3A_174 = arith.constant 0 : i32
      %dma_wait3A_175 = arith.constant 0 : i32
      %dma_wait3A_176 = tpu.memref_slice %arg4[%dma_wait3A_174, %dma_wait3A_175] : memref<81920x128xf32, #tpu.memory_space<hbm>> -> memref<128x128xf32, #tpu.memory_space<hbm>>
      tpu.wait_dma2 semaphore(%arg15 : memref<!tpu.dma_semaphore, #tpu.memory_space<semaphore_mem>>) src(%arg7 : memref<128x128xf32, #tpu.memory_space<vmem>>) dst(%dma_wait3A_176 : memref<128x128xf32, #tpu.memory_space<hbm>>)
      %add3A_177 = arith.constant 2 : i32
      %add3A_178 = arith.addi %add3A_157, %add3A_177 : i32
      %dma_start3A_179 = arith.constant 0 : i32
      %dma_start3A_180 = tpu.memref_slice %arg5[%add3A_178, %dma_start3A_179] : memref<20x128xi32, #tpu.memory_space<vmem>> -> memref<1x128xi32, #tpu.memory_space<vmem>>
      %dma_start3A_181 = tpu.memref_squeeze %dma_start3A_180 : memref<1x128xi32, #tpu.memory_space<vmem>> -> memref<128xi32, #tpu.memory_space<vmem>>
      %dma_start3A_182 = arith.constant 0 : i32
      %dma_start3A_183 = arith.constant 0 : i32
      %dma_start3A_184 = tpu.memref_slice %arg2[%dma_start3A_182, %dma_start3A_183] : memref<10000x128xf32, #tpu.memory_space<hbm>> -> memref<10000x128xf32, #tpu.memory_space<hbm>>
      tpu.enqueue_indirect_dma source(%dma_start3A_184 : memref<10000x128xf32, #tpu.memory_space<hbm>>) target(%arg7 : memref<128x128xf32, #tpu.memory_space<vmem>>) offsets(%dma_start3A_181 : memref<128xi32, #tpu.memory_space<vmem>>) semaphore(%arg11 : memref<!tpu.dma_semaphore, #tpu.memory_space<semaphore_mem>>)
      %mul3A_185 = arith.constant 4 : i32
      %mul3A_186 = arith.muli %scan3A_118, %mul3A_185 : i32
      %add3A_187 = arith.constant 2 : i32
      %add3A_188 = arith.addi %add3A_187, %mul3A_186 : i32
      %add3A_189 = arith.constant 2 : i32
      %add3A_190 = arith.addi %add3A_188, %add3A_189 : i32
      %dma_wait3A_191 = arith.constant 0 : i32
      %dma_wait3A_192 = tpu.memref_slice %arg5[%add3A_190, %dma_wait3A_191] : memref<20x128xi32, #tpu.memory_space<vmem>> -> memref<1x128xi32, #tpu.memory_space<vmem>>
      %dma_wait3A_193 = tpu.memref_squeeze %dma_wait3A_192 : memref<1x128xi32, #tpu.memory_space<vmem>> -> memref<128xi32, #tpu.memory_space<vmem>>
      %dma_wait3A_194 = arith.constant 0 : i32
      %dma_wait3A_195 = arith.constant 0 : i32
      %dma_wait3A_196 = tpu.memref_slice %arg2[%dma_wait3A_194, %dma_wait3A_195] : memref<10000x128xf32, #tpu.memory_space<hbm>> -> memref<10000x128xf32, #tpu.memory_space<hbm>>
      tpu.wait_indirect_dma semaphore(%arg10 : memref<!tpu.dma_semaphore, #tpu.memory_space<semaphore_mem>>) src(%dma_wait3A_196 : memref<10000x128xf32, #tpu.memory_space<hbm>>) dst(%arg6 : memref<128x128xf32, #tpu.memory_space<vmem>>)
      %add3A_197 = arith.addi %mul3A_2, %add3A_190 : i32
      %mul3A_198 = arith.constant 128 : i32
      %mul3A_199 = arith.muli %add3A_197, %mul3A_198 : i32
      %dma_start3A_200 = arith.constant 0 : i32
      %dma_start3A_201 = tpu.memref_slice %arg4[%mul3A_199, %dma_start3A_200] : memref<81920x128xf32, #tpu.memory_space<hbm>> -> memref<128x128xf32, #tpu.memory_space<hbm>>
      %dma_start3A_202 = arith.constant 0 : i32
      %dma_start3A_203 = tpu.memref_slice %arg4[%mul3A_199, %dma_start3A_202] : memref<81920x128xf32, #tpu.memory_space<hbm>> -> memref<128x128xf32, #tpu.memory_space<hbm>>
      tpu.enqueue_dma source(%arg6 : memref<128x128xf32, #tpu.memory_space<vmem>>) target(%dma_start3A_203 : memref<128x128xf32, #tpu.memory_space<hbm>>) target_semaphore(%arg14 : memref<!tpu.dma_semaphore, #tpu.memory_space<semaphore_mem>>)
      %dma_wait3A_204 = arith.constant 0 : i32
      %dma_wait3A_205 = arith.constant 0 : i32
      %dma_wait3A_206 = tpu.memref_slice %arg4[%dma_wait3A_204, %dma_wait3A_205] : memref<81920x128xf32, #tpu.memory_space<hbm>> -> memref<128x128xf32, #tpu.memory_space<hbm>>
      %dma_wait3A_207 = arith.constant 0 : i32
      %dma_wait3A_208 = arith.constant 0 : i32
      %dma_wait3A_209 = tpu.memref_slice %arg4[%dma_wait3A_207, %dma_wait3A_208] : memref<81920x128xf32, #tpu.memory_space<hbm>> -> memref<128x128xf32, #tpu.memory_space<hbm>>
      tpu.wait_dma2 semaphore(%arg16 : memref<!tpu.dma_semaphore, #tpu.memory_space<semaphore_mem>>) src(%arg8 : memref<128x128xf32, #tpu.memory_space<vmem>>) dst(%dma_wait3A_209 : memref<128x128xf32, #tpu.memory_space<hbm>>)
      %add3A_210 = arith.constant 2 : i32
      %add3A_211 = arith.addi %add3A_190, %add3A_210 : i32
      %dma_start3A_212 = arith.constant 0 : i32
      %dma_start3A_213 = tpu.memref_slice %arg5[%add3A_211, %dma_start3A_212] : memref<20x128xi32, #tpu.memory_space<vmem>> -> memref<1x128xi32, #tpu.memory_space<vmem>>
      %dma_start3A_214 = tpu.memref_squeeze %dma_start3A_213 : memref<1x128xi32, #tpu.memory_space<vmem>> -> memref<128xi32, #tpu.memory_space<vmem>>
      %dma_start3A_215 = arith.constant 0 : i32
      %dma_start3A_216 = arith.constant 0 : i32
      %dma_start3A_217 = tpu.memref_slice %arg2[%dma_start3A_215, %dma_start3A_216] : memref<10000x128xf32, #tpu.memory_space<hbm>> -> memref<10000x128xf32, #tpu.memory_space<hbm>>
      tpu.enqueue_indirect_dma source(%dma_start3A_217 : memref<10000x128xf32, #tpu.memory_space<hbm>>) target(%arg8 : memref<128x128xf32, #tpu.memory_space<vmem>>) offsets(%dma_start3A_214 : memref<128xi32, #tpu.memory_space<vmem>>) semaphore(%arg12 : memref<!tpu.dma_semaphore, #tpu.memory_space<semaphore_mem>>)
      %mul3A_218 = arith.constant 4 : i32
      %mul3A_219 = arith.muli %scan3A_118, %mul3A_218 : i32
      %add3A_220 = arith.constant 2 : i32
      %add3A_221 = arith.addi %add3A_220, %mul3A_219 : i32
      %add3A_222 = arith.constant 3 : i32
      %add3A_223 = arith.addi %add3A_221, %add3A_222 : i32
      %dma_wait3A_224 = arith.constant 0 : i32
      %dma_wait3A_225 = tpu.memref_slice %arg5[%add3A_223, %dma_wait3A_224] : memref<20x128xi32, #tpu.memory_space<vmem>> -> memref<1x128xi32, #tpu.memory_space<vmem>>
      %dma_wait3A_226 = tpu.memref_squeeze %dma_wait3A_225 : memref<1x128xi32, #tpu.memory_space<vmem>> -> memref<128xi32, #tpu.memory_space<vmem>>
      %dma_wait3A_227 = arith.constant 0 : i32
      %dma_wait3A_228 = arith.constant 0 : i32
      %dma_wait3A_229 = tpu.memref_slice %arg2[%dma_wait3A_227, %dma_wait3A_228] : memref<10000x128xf32, #tpu.memory_space<hbm>> -> memref<10000x128xf32, #tpu.memory_space<hbm>>
      tpu.wait_indirect_dma semaphore(%arg11 : memref<!tpu.dma_semaphore, #tpu.memory_space<semaphore_mem>>) src(%dma_wait3A_229 : memref<10000x128xf32, #tpu.memory_space<hbm>>) dst(%arg7 : memref<128x128xf32, #tpu.memory_space<vmem>>)
      %add3A_230 = arith.addi %mul3A_2, %add3A_223 : i32
      %mul3A_231 = arith.constant 128 : i32
      %mul3A_232 = arith.muli %add3A_230, %mul3A_231 : i32
      %dma_start3A_233 = arith.constant 0 : i32
      %dma_start3A_234 = tpu.memref_slice %arg4[%mul3A_232, %dma_start3A_233] : memref<81920x128xf32, #tpu.memory_space<hbm>> -> memref<128x128xf32, #tpu.memory_space<hbm>>
      %dma_start3A_235 = arith.constant 0 : i32
      %dma_start3A_236 = tpu.memref_slice %arg4[%mul3A_232, %dma_start3A_235] : memref<81920x128xf32, #tpu.memory_space<hbm>> -> memref<128x128xf32, #tpu.memory_space<hbm>>
      tpu.enqueue_dma source(%arg7 : memref<128x128xf32, #tpu.memory_space<vmem>>) target(%dma_start3A_236 : memref<128x128xf32, #tpu.memory_space<hbm>>) target_semaphore(%arg15 : memref<!tpu.dma_semaphore, #tpu.memory_space<semaphore_mem>>)
      %dma_wait3A_237 = arith.constant 0 : i32
      %dma_wait3A_238 = arith.constant 0 : i32
      %dma_wait3A_239 = tpu.memref_slice %arg4[%dma_wait3A_237, %dma_wait3A_238] : memref<81920x128xf32, #tpu.memory_space<hbm>> -> memref<128x128xf32, #tpu.memory_space<hbm>>
      %dma_wait3A_240 = arith.constant 0 : i32
      %dma_wait3A_241 = arith.constant 0 : i32
      %dma_wait3A_242 = tpu.memref_slice %arg4[%dma_wait3A_240, %dma_wait3A_241] : memref<81920x128xf32, #tpu.memory_space<hbm>> -> memref<128x128xf32, #tpu.memory_space<hbm>>
      tpu.wait_dma2 semaphore(%arg17 : memref<!tpu.dma_semaphore, #tpu.memory_space<semaphore_mem>>) src(%arg9 : memref<128x128xf32, #tpu.memory_space<vmem>>) dst(%dma_wait3A_242 : memref<128x128xf32, #tpu.memory_space<hbm>>)
      %add3A_243 = arith.constant 2 : i32
      %add3A_244 = arith.addi %add3A_223, %add3A_243 : i32
      %dma_start3A_245 = arith.constant 0 : i32
      %dma_start3A_246 = tpu.memref_slice %arg5[%add3A_244, %dma_start3A_245] : memref<20x128xi32, #tpu.memory_space<vmem>> -> memref<1x128xi32, #tpu.memory_space<vmem>>
      %dma_start3A_247 = tpu.memref_squeeze %dma_start3A_246 : memref<1x128xi32, #tpu.memory_space<vmem>> -> memref<128xi32, #tpu.memory_space<vmem>>
      %dma_start3A_248 = arith.constant 0 : i32
      %dma_start3A_249 = arith.constant 0 : i32
      %dma_start3A_250 = tpu.memref_slice %arg2[%dma_start3A_248, %dma_start3A_249] : memref<10000x128xf32, #tpu.memory_space<hbm>> -> memref<10000x128xf32, #tpu.memory_space<hbm>>
      tpu.enqueue_indirect_dma source(%dma_start3A_250 : memref<10000x128xf32, #tpu.memory_space<hbm>>) target(%arg9 : memref<128x128xf32, #tpu.memory_space<vmem>>) offsets(%dma_start3A_247 : memref<128xi32, #tpu.memory_space<vmem>>) semaphore(%arg13 : memref<!tpu.dma_semaphore, #tpu.memory_space<semaphore_mem>>)
    }
    %scan3A_63 = arith.constant 4 : i32
    %dma_wait3A_64 = arith.constant 18 : i32
    %dma_wait3A_65 = arith.constant 0 : i32
    %dma_wait3A_66 = tpu.memref_slice %arg5[%dma_wait3A_64, %dma_wait3A_65] : memref<20x128xi32, #tpu.memory_space<vmem>> -> memref<1x128xi32, #tpu.memory_space<vmem>>
    %dma_wait3A_67 = tpu.memref_squeeze %dma_wait3A_66 : memref<1x128xi32, #tpu.memory_space<vmem>> -> memref<128xi32, #tpu.memory_space<vmem>>
    %dma_wait3A_68 = arith.constant 0 : i32
    %dma_wait3A_69 = arith.constant 0 : i32
    %dma_wait3A_70 = tpu.memref_slice %arg2[%dma_wait3A_68, %dma_wait3A_69] : memref<10000x128xf32, #tpu.memory_space<hbm>> -> memref<10000x128xf32, #tpu.memory_space<hbm>>
    tpu.wait_indirect_dma semaphore(%arg12 : memref<!tpu.dma_semaphore, #tpu.memory_space<semaphore_mem>>) src(%dma_wait3A_70 : memref<10000x128xf32, #tpu.memory_space<hbm>>) dst(%arg8 : memref<128x128xf32, #tpu.memory_space<vmem>>)
    %add3A_71 = arith.constant 18 : i32
    %add3A_72 = arith.addi %mul3A_2, %add3A_71 : i32
    %mul3A_73 = arith.constant 128 : i32
    %mul3A_74 = arith.muli %add3A_72, %mul3A_73 : i32
    %dma_start3A_75 = arith.constant 0 : i32
    %dma_start3A_76 = tpu.memref_slice %arg4[%mul3A_74, %dma_start3A_75] : memref<81920x128xf32, #tpu.memory_space<hbm>> -> memref<128x128xf32, #tpu.memory_space<hbm>>
    %dma_start3A_77 = arith.constant 0 : i32
    %dma_start3A_78 = tpu.memref_slice %arg4[%mul3A_74, %dma_start3A_77] : memref<81920x128xf32, #tpu.memory_space<hbm>> -> memref<128x128xf32, #tpu.memory_space<hbm>>
    tpu.enqueue_dma source(%arg8 : memref<128x128xf32, #tpu.memory_space<vmem>>) target(%dma_start3A_78 : memref<128x128xf32, #tpu.memory_space<hbm>>) target_semaphore(%arg16 : memref<!tpu.dma_semaphore, #tpu.memory_space<semaphore_mem>>)
    %dma_wait3A_79 = arith.constant 19 : i32
    %dma_wait3A_80 = arith.constant 0 : i32
    %dma_wait3A_81 = tpu.memref_slice %arg5[%dma_wait3A_79, %dma_wait3A_80] : memref<20x128xi32, #tpu.memory_space<vmem>> -> memref<1x128xi32, #tpu.memory_space<vmem>>
    %dma_wait3A_82 = tpu.memref_squeeze %dma_wait3A_81 : memref<1x128xi32, #tpu.memory_space<vmem>> -> memref<128xi32, #tpu.memory_space<vmem>>
    %dma_wait3A_83 = arith.constant 0 : i32
    %dma_wait3A_84 = arith.constant 0 : i32
    %dma_wait3A_85 = tpu.memref_slice %arg2[%dma_wait3A_83, %dma_wait3A_84] : memref<10000x128xf32, #tpu.memory_space<hbm>> -> memref<10000x128xf32, #tpu.memory_space<hbm>>
    tpu.wait_indirect_dma semaphore(%arg13 : memref<!tpu.dma_semaphore, #tpu.memory_space<semaphore_mem>>) src(%dma_wait3A_85 : memref<10000x128xf32, #tpu.memory_space<hbm>>) dst(%arg9 : memref<128x128xf32, #tpu.memory_space<vmem>>)
    %add3A_86 = arith.constant 19 : i32
    %add3A_87 = arith.addi %mul3A_2, %add3A_86 : i32
    %mul3A_88 = arith.constant 128 : i32
    %mul3A_89 = arith.muli %add3A_87, %mul3A_88 : i32
    %dma_start3A_90 = arith.constant 0 : i32
    %dma_start3A_91 = tpu.memref_slice %arg4[%mul3A_89, %dma_start3A_90] : memref<81920x128xf32, #tpu.memory_space<hbm>> -> memref<128x128xf32, #tpu.memory_space<hbm>>
    %dma_start3A_92 = arith.constant 0 : i32
    %dma_start3A_93 = tpu.memref_slice %arg4[%mul3A_89, %dma_start3A_92] : memref<81920x128xf32, #tpu.memory_space<hbm>> -> memref<128x128xf32, #tpu.memory_space<hbm>>
    tpu.enqueue_dma source(%arg9 : memref<128x128xf32, #tpu.memory_space<vmem>>) target(%dma_start3A_93 : memref<128x128xf32, #tpu.memory_space<hbm>>) target_semaphore(%arg17 : memref<!tpu.dma_semaphore, #tpu.memory_space<semaphore_mem>>)
    %dma_wait3A_94 = arith.constant 0 : i32
    %dma_wait3A_95 = arith.constant 0 : i32
    %dma_wait3A_96 = tpu.memref_slice %arg4[%dma_wait3A_94, %dma_wait3A_95] : memref<81920x128xf32, #tpu.memory_space<hbm>> -> memref<128x128xf32, #tpu.memory_space<hbm>>
    %dma_wait3A_97 = arith.constant 0 : i32
    %dma_wait3A_98 = arith.constant 0 : i32
    %dma_wait3A_99 = tpu.memref_slice %arg4[%dma_wait3A_97, %dma_wait3A_98] : memref<81920x128xf32, #tpu.memory_space<hbm>> -> memref<128x128xf32, #tpu.memory_space<hbm>>
    tpu.wait_dma2 semaphore(%arg14 : memref<!tpu.dma_semaphore, #tpu.memory_space<semaphore_mem>>) src(%arg6 : memref<128x128xf32, #tpu.memory_space<vmem>>) dst(%dma_wait3A_99 : memref<128x128xf32, #tpu.memory_space<hbm>>)
    %dma_wait3A_100 = arith.constant 0 : i32
    %dma_wait3A_101 = arith.constant 0 : i32
    %dma_wait3A_102 = tpu.memref_slice %arg4[%dma_wait3A_100, %dma_wait3A_101] : memref<81920x128xf32, #tpu.memory_space<hbm>> -> memref<128x128xf32, #tpu.memory_space<hbm>>
    %dma_wait3A_103 = arith.constant 0 : i32
    %dma_wait3A_104 = arith.constant 0 : i32
    %dma_wait3A_105 = tpu.memref_slice %arg4[%dma_wait3A_103, %dma_wait3A_104] : memref<81920x128xf32, #tpu.memory_space<hbm>> -> memref<128x128xf32, #tpu.memory_space<hbm>>
    tpu.wait_dma2 semaphore(%arg15 : memref<!tpu.dma_semaphore, #tpu.memory_space<semaphore_mem>>) src(%arg7 : memref<128x128xf32, #tpu.memory_space<vmem>>) dst(%dma_wait3A_105 : memref<128x128xf32, #tpu.memory_space<hbm>>)
    %dma_wait3A_106 = arith.constant 0 : i32
    %dma_wait3A_107 = arith.constant 0 : i32
    %dma_wait3A_108 = tpu.memref_slice %arg4[%dma_wait3A_106, %dma_wait3A_107] : memref<81920x128xf32, #tpu.memory_space<hbm>> -> memref<128x128xf32, #tpu.memory_space<hbm>>
    %dma_wait3A_109 = arith.constant 0 : i32
    %dma_wait3A_110 = arith.constant 0 : i32
    %dma_wait3A_111 = tpu.memref_slice %arg4[%dma_wait3A_109, %dma_wait3A_110] : memref<81920x128xf32, #tpu.memory_space<hbm>> -> memref<128x128xf32, #tpu.memory_space<hbm>>
    tpu.wait_dma2 semaphore(%arg16 : memref<!tpu.dma_semaphore, #tpu.memory_space<semaphore_mem>>) src(%arg8 : memref<128x128xf32, #tpu.memory_space<vmem>>) dst(%dma_wait3A_111 : memref<128x128xf32, #tpu.memory_space<hbm>>)
    %dma_wait3A_112 = arith.constant 0 : i32
    %dma_wait3A_113 = arith.constant 0 : i32
    %dma_wait3A_114 = tpu.memref_slice %arg4[%dma_wait3A_112, %dma_wait3A_113] : memref<81920x128xf32, #tpu.memory_space<hbm>> -> memref<128x128xf32, #tpu.memory_space<hbm>>
    %dma_wait3A_115 = arith.constant 0 : i32
    %dma_wait3A_116 = arith.constant 0 : i32
    %dma_wait3A_117 = tpu.memref_slice %arg4[%dma_wait3A_115, %dma_wait3A_116] : memref<81920x128xf32, #tpu.memory_space<hbm>> -> memref<128x128xf32, #tpu.memory_space<hbm>>
    tpu.wait_dma2 semaphore(%arg17 : memref<!tpu.dma_semaphore, #tpu.memory_space<semaphore_mem>>) src(%arg9 : memref<128x128xf32, #tpu.memory_space<vmem>>) dst(%dma_wait3A_117 : memref<128x128xf32, #tpu.memory_space<hbm>>)
    return
  }
}

module attributes {stable_mosaic.version = 14 : i64} {
  func.func @_tc1_body(%arg0: i32, %arg1: memref<200x128xf32, #tpu.memory_space<vmem>>, %arg2: memref<3200x128xf32, #tpu.memory_space<vmem>>, %arg3: memref<3200x128xf32, #tpu.memory_space<vmem>>, %arg4: memref<200x16xf32, #tpu.memory_space<vmem>>, %arg5: memref<128x128xf32, #tpu.memory_space<vmem>>, %arg6: memref<128x128xf32, #tpu.memory_space<vmem>>, %arg7: memref<128x128xf32, #tpu.memory_space<vmem>>, %arg8: memref<1x128xf32, #tpu.memory_space<vmem>>, %arg9: memref<128x128xf32, #tpu.memory_space<vmem>>, %arg10: memref<1x128xf32, #tpu.memory_space<vmem>>, %arg11: memref<128x128xf32, #tpu.memory_space<vmem>>, %arg12: memref<1x128xf32, #tpu.memory_space<vmem>>, %arg13: memref<1x128xf32, #tpu.memory_space<vmem>>, %arg14: memref<1x128xf32, #tpu.memory_space<vmem>>, %arg15: memref<128x512xf32, #tpu.memory_space<vmem>>, %arg16: memref<1x512xf32, #tpu.memory_space<vmem>>, %arg17: memref<512x128xf32, #tpu.memory_space<vmem>>, %arg18: memref<1x128xf32, #tpu.memory_space<vmem>>, %arg19: memref<1x128xf32, #tpu.memory_space<vmem>>, %arg20: memref<1x128xf32, #tpu.memory_space<vmem>>, %arg21: memref<200x128xf32, #tpu.memory_space<vmem>>) attributes {dimension_semantics = [#tpu.dimension_semantics<arbitrary>], iteration_bounds = array<i64: 25>, scalar_prefetch = 0 : i64, scratch_operands = 0 : i64, tpu.core_type = #tpu.core_type<tc>, window_params = [{transform_indices = @transform_0, window_bounds = array<i64: 200, 128>}, {transform_indices = @transform_1, window_bounds = array<i64: 3200, 128>}, {transform_indices = @transform_2, window_bounds = array<i64: 3200, 128>}, {transform_indices = @transform_3, window_bounds = array<i64: 200, 16>}, {pipeline_mode = #tpu.pipeline_mode<synchronous>, transform_indices = @transform_4, window_bounds = array<i64: 128, 128>}, {pipeline_mode = #tpu.pipeline_mode<synchronous>, transform_indices = @transform_5, window_bounds = array<i64: 128, 128>}, {pipeline_mode = #tpu.pipeline_mode<synchronous>, transform_indices = @transform_6, window_bounds = array<i64: 128, 128>}, {pipeline_mode = #tpu.pipeline_mode<synchronous>, transform_indices = @transform_7, window_bounds = array<i64: 1, 128>}, {pipeline_mode = #tpu.pipeline_mode<synchronous>, transform_indices = @transform_8, window_bounds = array<i64: 128, 128>}, {pipeline_mode = #tpu.pipeline_mode<synchronous>, transform_indices = @transform_9, window_bounds = array<i64: 1, 128>}, {pipeline_mode = #tpu.pipeline_mode<synchronous>, transform_indices = @transform_10, window_bounds = array<i64: 128, 128>}, {pipeline_mode = #tpu.pipeline_mode<synchronous>, transform_indices = @transform_11, window_bounds = array<i64: 1, 128>}, {pipeline_mode = #tpu.pipeline_mode<synchronous>, transform_indices = @transform_12, window_bounds = array<i64: 1, 128>}, {pipeline_mode = #tpu.pipeline_mode<synchronous>, transform_indices = @transform_13, window_bounds = array<i64: 1, 128>}, {pipeline_mode = #tpu.pipeline_mode<synchronous>, transform_indices = @transform_14, window_bounds = array<i64: 128, 512>}, {pipeline_mode = #tpu.pipeline_mode<synchronous>, transform_indices = @transform_15, window_bounds = array<i64: 1, 512>}, {pipeline_mode = #tpu.pipeline_mode<synchronous>, transform_indices = @transform_16, window_bounds = array<i64: 512, 128>}, {pipeline_mode = #tpu.pipeline_mode<synchronous>, transform_indices = @transform_17, window_bounds = array<i64: 1, 128>}, {pipeline_mode = #tpu.pipeline_mode<synchronous>, transform_indices = @transform_18, window_bounds = array<i64: 1, 128>}, {pipeline_mode = #tpu.pipeline_mode<synchronous>, transform_indices = @transform_19, window_bounds = array<i64: 1, 128>}, {transform_indices = @transform_20, window_bounds = array<i64: 200, 128>}]} {
    %get3A = arith.constant 0 : index
    %get3A_0 = arith.constant 0 : index
    %get3A_1 = vector.load %arg1[%get3A, %get3A_0] : memref<200x128xf32, #tpu.memory_space<vmem>>, vector<200x128xf32>
    %get3A_2 = arith.constant 0 : index
    %get3A_3 = arith.constant 0 : index
    %get3A_4 = vector.load %arg5[%get3A_2, %get3A_3] : memref<128x128xf32, #tpu.memory_space<vmem>>, vector<128x128xf32>
    %dot_general3A = arith.constant dense<0.000000e+00> : vector<200x128xf32>
    %dot_general3A_5 = tpu.matmul %get3A_1, %get3A_4, %dot_general3A {dimension_numbers = #tpu.dot_dimension_numbers<[1], [0], [0], [1], [0, 0, 1, 1], [], []>, transpose_lhs_hint = false} : vector<200x128xf32>, vector<128x128xf32>, vector<200x128xf32> -> vector<200x128xf32>
    %get3A_6 = arith.constant 0 : index
    %get3A_7 = arith.constant 0 : index
    %get3A_8 = vector.load %arg2[%get3A_6, %get3A_7] : memref<3200x128xf32, #tpu.memory_space<vmem>>, vector<3200x128xf32>
    %get3A_9 = arith.constant 0 : index
    %get3A_10 = arith.constant 0 : index
    %get3A_11 = vector.load %arg6[%get3A_9, %get3A_10] : memref<128x128xf32, #tpu.memory_space<vmem>>, vector<128x128xf32>
    %dot_general3A_12 = arith.constant dense<0.000000e+00> : vector<3200x128xf32>
    %dot_general3A_13 = tpu.matmul %get3A_8, %get3A_11, %dot_general3A_12 {dimension_numbers = #tpu.dot_dimension_numbers<[1], [0], [0], [1], [0, 0, 1, 1], [], []>, transpose_lhs_hint = false} : vector<3200x128xf32>, vector<128x128xf32>, vector<3200x128xf32> -> vector<3200x128xf32>
    %get3A_14 = arith.constant 0 : index
    %get3A_15 = arith.constant 0 : index
    %get3A_16 = vector.load %arg3[%get3A_14, %get3A_15] : memref<3200x128xf32, #tpu.memory_space<vmem>>, vector<3200x128xf32>
    %get3A_17 = arith.constant 0 : index
    %get3A_18 = arith.constant 0 : index
    %get3A_19 = vector.load %arg7[%get3A_17, %get3A_18] : memref<128x128xf32, #tpu.memory_space<vmem>>, vector<128x128xf32>
    %dot_general3A_20 = arith.constant dense<0.000000e+00> : vector<3200x128xf32>
    %dot_general3A_21 = tpu.matmul %get3A_16, %get3A_19, %dot_general3A_20 {dimension_numbers = #tpu.dot_dimension_numbers<[1], [0], [0], [1], [0, 0, 1, 1], [], []>, transpose_lhs_hint = false} : vector<3200x128xf32>, vector<128x128xf32>, vector<3200x128xf32> -> vector<3200x128xf32>
    %add3A = arith.addf %dot_general3A_13, %dot_general3A_21 : vector<3200x128xf32>
    %reshape3A = vector.shape_cast %add3A : vector<3200x128xf32> to vector<200x16x128xf32>
    %broadcast_in_dim3A = vector.shape_cast %dot_general3A_5 : vector<200x128xf32> to vector<200x1x128xf32>
    %add3A_22 = vector.broadcast %broadcast_in_dim3A : vector<200x1x128xf32> to vector<200x16x128xf32>
    %add3A_23 = arith.addf %reshape3A, %add3A_22 : vector<200x16x128xf32>
    %get3A_24 = arith.constant 0 : index
    %get3A_25 = arith.constant 0 : index
    %get3A_26 = vector.load %arg8[%get3A_24, %get3A_25] : memref<1x128xf32, #tpu.memory_space<vmem>>, vector<1x128xf32>
    %broadcast_in_dim3A_27 = vector.shape_cast %get3A_26 : vector<1x128xf32> to vector<1x1x128xf32>
    %add3A_28 = vector.broadcast %broadcast_in_dim3A_27 : vector<1x1x128xf32> to vector<200x16x128xf32>
    %add3A_29 = arith.addf %add3A_23, %add3A_28 : vector<200x16x128xf32>
    %integer_pow3A = arith.mulf %add3A_29, %add3A_29 : vector<200x16x128xf32>
    %integer_pow3A_30 = arith.mulf %add3A_29, %integer_pow3A : vector<200x16x128xf32>
    %mul3A = arith.constant 4.471500e-02 : f32
    %mul3A_31 = vector.broadcast %mul3A : f32 to vector<200x16x128xf32>
    %mul3A_32 = arith.mulf %mul3A_31, %integer_pow3A_30 : vector<200x16x128xf32>
    %add3A_33 = arith.addf %add3A_29, %mul3A_32 : vector<200x16x128xf32>
    %mul3A_34 = arith.constant 0.797884583 : f32
    %mul3A_35 = vector.broadcast %mul3A_34 : f32 to vector<200x16x128xf32>
    %mul3A_36 = arith.mulf %mul3A_35, %add3A_33 : vector<200x16x128xf32>
    %tanh3A = math.tanh %mul3A_36 : vector<200x16x128xf32>
    %add3A_37 = arith.constant 1.000000e+00 : f32
    %add3A_38 = vector.broadcast %add3A_37 : f32 to vector<200x16x128xf32>
    %add3A_39 = arith.addf %add3A_38, %tanh3A : vector<200x16x128xf32>
    %mul3A_40 = arith.constant 5.000000e-01 : f32
    %mul3A_41 = vector.broadcast %mul3A_40 : f32 to vector<200x16x128xf32>
    %mul3A_42 = arith.mulf %mul3A_41, %add3A_39 : vector<200x16x128xf32>
    %mul3A_43 = arith.mulf %add3A_29, %mul3A_42 : vector<200x16x128xf32>
    %reshape3A_44 = vector.shape_cast %mul3A_43 : vector<200x16x128xf32> to vector<3200x128xf32>
    %get3A_45 = arith.constant 0 : index
    %get3A_46 = arith.constant 0 : index
    %get3A_47 = vector.load %arg9[%get3A_45, %get3A_46] : memref<128x128xf32, #tpu.memory_space<vmem>>, vector<128x128xf32>
    %dot_general3A_48 = arith.constant dense<0.000000e+00> : vector<3200x128xf32>
    %dot_general3A_49 = tpu.matmul %reshape3A_44, %get3A_47, %dot_general3A_48 {dimension_numbers = #tpu.dot_dimension_numbers<[1], [0], [0], [1], [0, 0, 1, 1], [], []>, transpose_lhs_hint = false} : vector<3200x128xf32>, vector<128x128xf32>, vector<3200x128xf32> -> vector<3200x128xf32>
    %get3A_50 = arith.constant 0 : index
    %get3A_51 = arith.constant 0 : index
    %get3A_52 = vector.load %arg10[%get3A_50, %get3A_51] : memref<1x128xf32, #tpu.memory_space<vmem>>, vector<1x128xf32>
    %add3A_53 = vector.broadcast %get3A_52 : vector<1x128xf32> to vector<3200x128xf32>
    %add3A_54 = arith.addf %dot_general3A_49, %add3A_53 : vector<3200x128xf32>
    %integer_pow3A_55 = arith.mulf %add3A_54, %add3A_54 : vector<3200x128xf32>
    %integer_pow3A_56 = arith.mulf %add3A_54, %integer_pow3A_55 : vector<3200x128xf32>
    %mul3A_57 = arith.constant 4.471500e-02 : f32
    %mul3A_58 = vector.broadcast %mul3A_57 : f32 to vector<3200x128xf32>
    %mul3A_59 = arith.mulf %mul3A_58, %integer_pow3A_56 : vector<3200x128xf32>
    %add3A_60 = arith.addf %add3A_54, %mul3A_59 : vector<3200x128xf32>
    %mul3A_61 = arith.constant 0.797884583 : f32
    %mul3A_62 = vector.broadcast %mul3A_61 : f32 to vector<3200x128xf32>
    %mul3A_63 = arith.mulf %mul3A_62, %add3A_60 : vector<3200x128xf32>
    %tanh3A_64 = math.tanh %mul3A_63 : vector<3200x128xf32>
    %add3A_65 = arith.constant 1.000000e+00 : f32
    %add3A_66 = vector.broadcast %add3A_65 : f32 to vector<3200x128xf32>
    %add3A_67 = arith.addf %add3A_66, %tanh3A_64 : vector<3200x128xf32>
    %mul3A_68 = arith.constant 5.000000e-01 : f32
    %mul3A_69 = vector.broadcast %mul3A_68 : f32 to vector<3200x128xf32>
    %mul3A_70 = arith.mulf %mul3A_69, %add3A_67 : vector<3200x128xf32>
    %mul3A_71 = arith.mulf %add3A_54, %mul3A_70 : vector<3200x128xf32>
    %get3A_72 = arith.constant 0 : index
    %get3A_73 = arith.constant 0 : index
    %get3A_74 = vector.load %arg11[%get3A_72, %get3A_73] : memref<128x128xf32, #tpu.memory_space<vmem>>, vector<128x128xf32>
    %dot_general3A_75 = arith.constant dense<0.000000e+00> : vector<3200x128xf32>
    %dot_general3A_76 = tpu.matmul %mul3A_71, %get3A_74, %dot_general3A_75 {dimension_numbers = #tpu.dot_dimension_numbers<[1], [0], [0], [1], [0, 0, 1, 1], [], []>, transpose_lhs_hint = false} : vector<3200x128xf32>, vector<128x128xf32>, vector<3200x128xf32> -> vector<3200x128xf32>
    %get3A_77 = arith.constant 0 : index
    %get3A_78 = arith.constant 0 : index
    %get3A_79 = vector.load %arg12[%get3A_77, %get3A_78] : memref<1x128xf32, #tpu.memory_space<vmem>>, vector<1x128xf32>
    %add3A_80 = vector.broadcast %get3A_79 : vector<1x128xf32> to vector<3200x128xf32>
    %add3A_81 = arith.addf %dot_general3A_76, %add3A_80 : vector<3200x128xf32>
    %reshape3A_82 = vector.shape_cast %add3A_81 : vector<3200x128xf32> to vector<200x16x128xf32>
    %get3A_83 = arith.constant 0 : index
    %get3A_84 = arith.constant 0 : index
    %get3A_85 = vector.load %arg4[%get3A_83, %get3A_84] : memref<200x16xf32, #tpu.memory_space<vmem>>, vector<200x16xf32>
    %broadcast_in_dim3A_86 = vector.shape_cast %get3A_85 : vector<200x16xf32> to vector<200x16x1xf32>
    %mul3A_87 = vector.broadcast %broadcast_in_dim3A_86 : vector<200x16x1xf32> to vector<200x16x128xf32>
    %mul3A_88 = arith.mulf %reshape3A_82, %mul3A_87 : vector<200x16x128xf32>
    %reduce_sum3A = arith.constant dense<0.000000e+00> : vector<200x128xf32>
    %reduce_sum3A_89 = vector.multi_reduction <add>, %mul3A_88, %reduce_sum3A [1] : vector<200x16x128xf32> to vector<200x128xf32>
    %add3A_90 = arith.addf %get3A_1, %reduce_sum3A_89 : vector<200x128xf32>
    %get3A_91 = arith.constant 0 : index
    %get3A_92 = arith.constant 0 : index
    %get3A_93 = vector.load %arg13[%get3A_91, %get3A_92] : memref<1x128xf32, #tpu.memory_space<vmem>>, vector<1x128xf32>
    %get3A_94 = arith.constant 0 : index
    %get3A_95 = arith.constant 0 : index
    %get3A_96 = vector.load %arg14[%get3A_94, %get3A_95] : memref<1x128xf32, #tpu.memory_space<vmem>>, vector<1x128xf32>
    %reduce_sum3A_97 = arith.constant dense<0.000000e+00> : vector<200xf32>
    %reduce_sum3A_98 = vector.multi_reduction <add>, %add3A_90, %reduce_sum3A_97 [1] : vector<200x128xf32> to vector<200xf32>
    %broadcast_in_dim3A_99 = vector.shape_cast %reduce_sum3A_98 : vector<200xf32> to vector<200x1xf32>
    %div3A = arith.constant 1.280000e+02 : f32
    %div3A_100 = vector.broadcast %div3A : f32 to vector<200x1xf32>
    %div3A_101 = arith.divf %broadcast_in_dim3A_99, %div3A_100 : vector<200x1xf32>
    %sub3A = vector.broadcast %div3A_101 : vector<200x1xf32> to vector<200x128xf32>
    %sub3A_102 = arith.subf %add3A_90, %sub3A : vector<200x128xf32>
    %integer_pow3A_103 = arith.mulf %sub3A_102, %sub3A_102 : vector<200x128xf32>
    %reduce_sum3A_104 = arith.constant dense<0.000000e+00> : vector<200xf32>
    %reduce_sum3A_105 = vector.multi_reduction <add>, %integer_pow3A_103, %reduce_sum3A_104 [1] : vector<200x128xf32> to vector<200xf32>
    %broadcast_in_dim3A_106 = vector.shape_cast %reduce_sum3A_105 : vector<200xf32> to vector<200x1xf32>
    %div3A_107 = arith.constant 1.280000e+02 : f32
    %div3A_108 = vector.broadcast %div3A_107 : f32 to vector<200x1xf32>
    %div3A_109 = arith.divf %broadcast_in_dim3A_106, %div3A_108 : vector<200x1xf32>
    %sub3A_110 = vector.broadcast %div3A_101 : vector<200x1xf32> to vector<200x128xf32>
    %sub3A_111 = arith.subf %add3A_90, %sub3A_110 : vector<200x128xf32>
    %add3A_112 = arith.constant 9.99999974E-6 : f32
    %add3A_113 = vector.broadcast %add3A_112 : f32 to vector<200x1xf32>
    %add3A_114 = arith.addf %div3A_109, %add3A_113 : vector<200x1xf32>
    %sqrt3A = math.sqrt %add3A_114 : vector<200x1xf32>
    %div3A_115 = vector.broadcast %sqrt3A : vector<200x1xf32> to vector<200x128xf32>
    %div3A_116 = arith.divf %sub3A_111, %div3A_115 : vector<200x128xf32>
    %mul3A_117 = vector.broadcast %get3A_93 : vector<1x128xf32> to vector<200x128xf32>
    %mul3A_118 = arith.mulf %div3A_116, %mul3A_117 : vector<200x128xf32>
    %add3A_119 = vector.broadcast %get3A_96 : vector<1x128xf32> to vector<200x128xf32>
    %add3A_120 = arith.addf %mul3A_118, %add3A_119 : vector<200x128xf32>
    %get3A_121 = arith.constant 0 : index
    %get3A_122 = arith.constant 0 : index
    %get3A_123 = vector.load %arg15[%get3A_121, %get3A_122] : memref<128x512xf32, #tpu.memory_space<vmem>>, vector<128x512xf32>
    %dot_general3A_124 = arith.constant dense<0.000000e+00> : vector<200x512xf32>
    %dot_general3A_125 = tpu.matmul %add3A_120, %get3A_123, %dot_general3A_124 {dimension_numbers = #tpu.dot_dimension_numbers<[1], [0], [0], [1], [0, 0, 1, 1], [], []>, transpose_lhs_hint = false} : vector<200x128xf32>, vector<128x512xf32>, vector<200x512xf32> -> vector<200x512xf32>
    %get3A_126 = arith.constant 0 : index
    %get3A_127 = arith.constant 0 : index
    %get3A_128 = vector.load %arg16[%get3A_126, %get3A_127] : memref<1x512xf32, #tpu.memory_space<vmem>>, vector<1x512xf32>
    %add3A_129 = vector.broadcast %get3A_128 : vector<1x512xf32> to vector<200x512xf32>
    %add3A_130 = arith.addf %dot_general3A_125, %add3A_129 : vector<200x512xf32>
    %integer_pow3A_131 = arith.mulf %add3A_130, %add3A_130 : vector<200x512xf32>
    %integer_pow3A_132 = arith.mulf %add3A_130, %integer_pow3A_131 : vector<200x512xf32>
    %mul3A_133 = arith.constant 4.471500e-02 : f32
    %mul3A_134 = vector.broadcast %mul3A_133 : f32 to vector<200x512xf32>
    %mul3A_135 = arith.mulf %mul3A_134, %integer_pow3A_132 : vector<200x512xf32>
    %add3A_136 = arith.addf %add3A_130, %mul3A_135 : vector<200x512xf32>
    %mul3A_137 = arith.constant 0.797884583 : f32
    %mul3A_138 = vector.broadcast %mul3A_137 : f32 to vector<200x512xf32>
    %mul3A_139 = arith.mulf %mul3A_138, %add3A_136 : vector<200x512xf32>
    %tanh3A_140 = math.tanh %mul3A_139 : vector<200x512xf32>
    %add3A_141 = arith.constant 1.000000e+00 : f32
    %add3A_142 = vector.broadcast %add3A_141 : f32 to vector<200x512xf32>
    %add3A_143 = arith.addf %add3A_142, %tanh3A_140 : vector<200x512xf32>
    %mul3A_144 = arith.constant 5.000000e-01 : f32
    %mul3A_145 = vector.broadcast %mul3A_144 : f32 to vector<200x512xf32>
    %mul3A_146 = arith.mulf %mul3A_145, %add3A_143 : vector<200x512xf32>
    %mul3A_147 = arith.mulf %add3A_130, %mul3A_146 : vector<200x512xf32>
    %get3A_148 = arith.constant 0 : index
    %get3A_149 = arith.constant 0 : index
    %get3A_150 = vector.load %arg17[%get3A_148, %get3A_149] : memref<512x128xf32, #tpu.memory_space<vmem>>, vector<512x128xf32>
    %dot_general3A_151 = arith.constant dense<0.000000e+00> : vector<200x128xf32>
    %dot_general3A_152 = tpu.matmul %mul3A_147, %get3A_150, %dot_general3A_151 {dimension_numbers = #tpu.dot_dimension_numbers<[1], [0], [0], [1], [0, 0, 1, 1], [], []>, transpose_lhs_hint = false} : vector<200x512xf32>, vector<512x128xf32>, vector<200x128xf32> -> vector<200x128xf32>
    %add3A_153 = arith.addf %add3A_120, %dot_general3A_152 : vector<200x128xf32>
    %get3A_154 = arith.constant 0 : index
    %get3A_155 = arith.constant 0 : index
    %get3A_156 = vector.load %arg18[%get3A_154, %get3A_155] : memref<1x128xf32, #tpu.memory_space<vmem>>, vector<1x128xf32>
    %add3A_157 = vector.broadcast %get3A_156 : vector<1x128xf32> to vector<200x128xf32>
    %add3A_158 = arith.addf %add3A_153, %add3A_157 : vector<200x128xf32>
    %get3A_159 = arith.constant 0 : index
    %get3A_160 = arith.constant 0 : index
    %get3A_161 = vector.load %arg19[%get3A_159, %get3A_160] : memref<1x128xf32, #tpu.memory_space<vmem>>, vector<1x128xf32>
    %get3A_162 = arith.constant 0 : index
    %get3A_163 = arith.constant 0 : index
    %get3A_164 = vector.load %arg20[%get3A_162, %get3A_163] : memref<1x128xf32, #tpu.memory_space<vmem>>, vector<1x128xf32>
    %reduce_sum3A_165 = arith.constant dense<0.000000e+00> : vector<200xf32>
    %reduce_sum3A_166 = vector.multi_reduction <add>, %add3A_158, %reduce_sum3A_165 [1] : vector<200x128xf32> to vector<200xf32>
    %broadcast_in_dim3A_167 = vector.shape_cast %reduce_sum3A_166 : vector<200xf32> to vector<200x1xf32>
    %div3A_168 = arith.constant 1.280000e+02 : f32
    %div3A_169 = vector.broadcast %div3A_168 : f32 to vector<200x1xf32>
    %div3A_170 = arith.divf %broadcast_in_dim3A_167, %div3A_169 : vector<200x1xf32>
    %sub3A_171 = vector.broadcast %div3A_170 : vector<200x1xf32> to vector<200x128xf32>
    %sub3A_172 = arith.subf %add3A_158, %sub3A_171 : vector<200x128xf32>
    %integer_pow3A_173 = arith.mulf %sub3A_172, %sub3A_172 : vector<200x128xf32>
    %reduce_sum3A_174 = arith.constant dense<0.000000e+00> : vector<200xf32>
    %reduce_sum3A_175 = vector.multi_reduction <add>, %integer_pow3A_173, %reduce_sum3A_174 [1] : vector<200x128xf32> to vector<200xf32>
    %broadcast_in_dim3A_176 = vector.shape_cast %reduce_sum3A_175 : vector<200xf32> to vector<200x1xf32>
    %div3A_177 = arith.constant 1.280000e+02 : f32
    %div3A_178 = vector.broadcast %div3A_177 : f32 to vector<200x1xf32>
    %div3A_179 = arith.divf %broadcast_in_dim3A_176, %div3A_178 : vector<200x1xf32>
    %sub3A_180 = vector.broadcast %div3A_170 : vector<200x1xf32> to vector<200x128xf32>
    %sub3A_181 = arith.subf %add3A_158, %sub3A_180 : vector<200x128xf32>
    %add3A_182 = arith.constant 9.99999974E-6 : f32
    %add3A_183 = vector.broadcast %add3A_182 : f32 to vector<200x1xf32>
    %add3A_184 = arith.addf %div3A_179, %add3A_183 : vector<200x1xf32>
    %sqrt3A_185 = math.sqrt %add3A_184 : vector<200x1xf32>
    %div3A_186 = vector.broadcast %sqrt3A_185 : vector<200x1xf32> to vector<200x128xf32>
    %div3A_187 = arith.divf %sub3A_181, %div3A_186 : vector<200x128xf32>
    %mul3A_188 = vector.broadcast %get3A_161 : vector<1x128xf32> to vector<200x128xf32>
    %mul3A_189 = arith.mulf %div3A_187, %mul3A_188 : vector<200x128xf32>
    %add3A_190 = vector.broadcast %get3A_164 : vector<1x128xf32> to vector<200x128xf32>
    %add3A_191 = arith.addf %mul3A_189, %add3A_190 : vector<200x128xf32>
    %swap3A = arith.constant 0 : index
    %swap3A_192 = arith.constant 0 : index
    %swap3A_193 = vector.load %arg21[%swap3A, %swap3A_192] : memref<200x128xf32, #tpu.memory_space<vmem>>, vector<200x128xf32>
    tpu.vector_store %arg21[%swap3A, %swap3A_192], %add3A_191 {strides = array<i32>} : memref<200x128xf32, #tpu.memory_space<vmem>>, vector<200x128xf32>,
    return
  }
  func.func @transform_0(%arg0: i32) -> (i32, i32) {
    %add3A = arith.constant 0 : i32
    %add3A_0 = arith.addi %arg0, %add3A : i32
    %c0_i32 = arith.constant 0 : i32
    %c0_i32_1 = arith.constant 0 : i32
    return %add3A_0, %c0_i32 : i32, i32
  }
  func.func @transform_1(%arg0: i32) -> (i32, i32) {
    %add3A = arith.constant 0 : i32
    %add3A_0 = arith.addi %arg0, %add3A : i32
    %c0_i32 = arith.constant 0 : i32
    %c0_i32_1 = arith.constant 0 : i32
    return %add3A_0, %c0_i32 : i32, i32
  }
  func.func @transform_2(%arg0: i32) -> (i32, i32) {
    %add3A = arith.constant 0 : i32
    %add3A_0 = arith.addi %arg0, %add3A : i32
    %c0_i32 = arith.constant 0 : i32
    %c0_i32_1 = arith.constant 0 : i32
    return %add3A_0, %c0_i32 : i32, i32
  }
  func.func @transform_3(%arg0: i32) -> (i32, i32) {
    %add3A = arith.constant 0 : i32
    %add3A_0 = arith.addi %arg0, %add3A : i32
    %c0_i32 = arith.constant 0 : i32
    %c0_i32_1 = arith.constant 0 : i32
    return %add3A_0, %c0_i32 : i32, i32
  }
  func.func @transform_4(%arg0: i32) -> (i32, i32) {
    %c0_i32 = arith.constant 0 : i32
    %c0_i32_0 = arith.constant 0 : i32
    %c0_i32_1 = arith.constant 0 : i32
    return %c0_i32, %c0_i32_0 : i32, i32
  }
  func.func @transform_5(%arg0: i32) -> (i32, i32) {
    %c0_i32 = arith.constant 0 : i32
    %c0_i32_0 = arith.constant 0 : i32
    %c0_i32_1 = arith.constant 0 : i32
    return %c0_i32, %c0_i32_0 : i32, i32
  }
  func.func @transform_6(%arg0: i32) -> (i32, i32) {
    %c0_i32 = arith.constant 0 : i32
    %c0_i32_0 = arith.constant 0 : i32
    %c0_i32_1 = arith.constant 0 : i32
    return %c0_i32, %c0_i32_0 : i32, i32
  }
  func.func @transform_7(%arg0: i32) -> (i32, i32) {
    %c0_i32 = arith.constant 0 : i32
    %c0_i32_0 = arith.constant 0 : i32
    %c0_i32_1 = arith.constant 0 : i32
    return %c0_i32, %c0_i32_0 : i32, i32
  }
  func.func @transform_8(%arg0: i32) -> (i32, i32) {
    %c0_i32 = arith.constant 0 : i32
    %c0_i32_0 = arith.constant 0 : i32
    %c0_i32_1 = arith.constant 0 : i32
    return %c0_i32, %c0_i32_0 : i32, i32
  }
  func.func @transform_9(%arg0: i32) -> (i32, i32) {
    %c0_i32 = arith.constant 0 : i32
    %c0_i32_0 = arith.constant 0 : i32
    %c0_i32_1 = arith.constant 0 : i32
    return %c0_i32, %c0_i32_0 : i32, i32
  }
  func.func @transform_10(%arg0: i32) -> (i32, i32) {
    %c0_i32 = arith.constant 0 : i32
    %c0_i32_0 = arith.constant 0 : i32
    %c0_i32_1 = arith.constant 0 : i32
    return %c0_i32, %c0_i32_0 : i32, i32
  }
  func.func @transform_11(%arg0: i32) -> (i32, i32) {
    %c0_i32 = arith.constant 0 : i32
    %c0_i32_0 = arith.constant 0 : i32
    %c0_i32_1 = arith.constant 0 : i32
    return %c0_i32, %c0_i32_0 : i32, i32
  }
  func.func @transform_12(%arg0: i32) -> (i32, i32) {
    %c0_i32 = arith.constant 0 : i32
    %c0_i32_0 = arith.constant 0 : i32
    %c0_i32_1 = arith.constant 0 : i32
    return %c0_i32, %c0_i32_0 : i32, i32
  }
  func.func @transform_13(%arg0: i32) -> (i32, i32) {
    %c0_i32 = arith.constant 0 : i32
    %c0_i32_0 = arith.constant 0 : i32
    %c0_i32_1 = arith.constant 0 : i32
    return %c0_i32, %c0_i32_0 : i32, i32
  }
  func.func @transform_14(%arg0: i32) -> (i32, i32) {
    %c0_i32 = arith.constant 0 : i32
    %c0_i32_0 = arith.constant 0 : i32
    %c0_i32_1 = arith.constant 0 : i32
    return %c0_i32, %c0_i32_0 : i32, i32
  }
  func.func @transform_15(%arg0: i32) -> (i32, i32) {
    %c0_i32 = arith.constant 0 : i32
    %c0_i32_0 = arith.constant 0 : i32
    %c0_i32_1 = arith.constant 0 : i32
    return %c0_i32, %c0_i32_0 : i32, i32
  }
  func.func @transform_16(%arg0: i32) -> (i32, i32) {
    %c0_i32 = arith.constant 0 : i32
    %c0_i32_0 = arith.constant 0 : i32
    %c0_i32_1 = arith.constant 0 : i32
    return %c0_i32, %c0_i32_0 : i32, i32
  }
  func.func @transform_17(%arg0: i32) -> (i32, i32) {
    %c0_i32 = arith.constant 0 : i32
    %c0_i32_0 = arith.constant 0 : i32
    %c0_i32_1 = arith.constant 0 : i32
    return %c0_i32, %c0_i32_0 : i32, i32
  }
  func.func @transform_18(%arg0: i32) -> (i32, i32) {
    %c0_i32 = arith.constant 0 : i32
    %c0_i32_0 = arith.constant 0 : i32
    %c0_i32_1 = arith.constant 0 : i32
    return %c0_i32, %c0_i32_0 : i32, i32
  }
  func.func @transform_19(%arg0: i32) -> (i32, i32) {
    %c0_i32 = arith.constant 0 : i32
    %c0_i32_0 = arith.constant 0 : i32
    %c0_i32_1 = arith.constant 0 : i32
    return %c0_i32, %c0_i32_0 : i32, i32
  }
  func.func @transform_20(%arg0: i32) -> (i32, i32) {
    %add3A = arith.constant 0 : i32
    %add3A_0 = arith.addi %arg0, %add3A : i32
    %c0_i32 = arith.constant 0 : i32
    %c0_i32_1 = arith.constant 0 : i32
    return %add3A_0, %c0_i32 : i32, i32
  }
}

module attributes {stable_mosaic.version = 14 : i64} {
  func.func @_tc1_body(%arg0: i32, %arg1: memref<200x128xf32, #tpu.memory_space<vmem>>, %arg2: memref<3200x128xf32, #tpu.memory_space<vmem>>, %arg3: memref<3200x128xf32, #tpu.memory_space<vmem>>, %arg4: memref<200x16xf32, #tpu.memory_space<vmem>>, %arg5: memref<128x128xf32, #tpu.memory_space<vmem>>, %arg6: memref<128x128xf32, #tpu.memory_space<vmem>>, %arg7: memref<128x128xf32, #tpu.memory_space<vmem>>, %arg8: memref<1x128xf32, #tpu.memory_space<vmem>>, %arg9: memref<128x128xf32, #tpu.memory_space<vmem>>, %arg10: memref<1x128xf32, #tpu.memory_space<vmem>>, %arg11: memref<128x128xf32, #tpu.memory_space<vmem>>, %arg12: memref<1x128xf32, #tpu.memory_space<vmem>>, %arg13: memref<1x128xf32, #tpu.memory_space<vmem>>, %arg14: memref<1x128xf32, #tpu.memory_space<vmem>>, %arg15: memref<128x512xf32, #tpu.memory_space<vmem>>, %arg16: memref<1x512xf32, #tpu.memory_space<vmem>>, %arg17: memref<512x128xf32, #tpu.memory_space<vmem>>, %arg18: memref<1x128xf32, #tpu.memory_space<vmem>>, %arg19: memref<1x128xf32, #tpu.memory_space<vmem>>, %arg20: memref<1x128xf32, #tpu.memory_space<vmem>>, %arg21: memref<200x128xf32, #tpu.memory_space<vmem>>) attributes {dimension_semantics = [#tpu.dimension_semantics<arbitrary>], iteration_bounds = array<i64: 25>, scalar_prefetch = 0 : i64, scratch_operands = 0 : i64, tpu.core_type = #tpu.core_type<tc>, window_params = [{transform_indices = @transform_0, window_bounds = array<i64: 200, 128>}, {transform_indices = @transform_1, window_bounds = array<i64: 3200, 128>}, {transform_indices = @transform_2, window_bounds = array<i64: 3200, 128>}, {transform_indices = @transform_3, window_bounds = array<i64: 200, 16>}, {pipeline_mode = #tpu.pipeline_mode<synchronous>, transform_indices = @transform_4, window_bounds = array<i64: 128, 128>}, {pipeline_mode = #tpu.pipeline_mode<synchronous>, transform_indices = @transform_5, window_bounds = array<i64: 128, 128>}, {pipeline_mode = #tpu.pipeline_mode<synchronous>, transform_indices = @transform_6, window_bounds = array<i64: 128, 128>}, {pipeline_mode = #tpu.pipeline_mode<synchronous>, transform_indices = @transform_7, window_bounds = array<i64: 1, 128>}, {pipeline_mode = #tpu.pipeline_mode<synchronous>, transform_indices = @transform_8, window_bounds = array<i64: 128, 128>}, {pipeline_mode = #tpu.pipeline_mode<synchronous>, transform_indices = @transform_9, window_bounds = array<i64: 1, 128>}, {pipeline_mode = #tpu.pipeline_mode<synchronous>, transform_indices = @transform_10, window_bounds = array<i64: 128, 128>}, {pipeline_mode = #tpu.pipeline_mode<synchronous>, transform_indices = @transform_11, window_bounds = array<i64: 1, 128>}, {pipeline_mode = #tpu.pipeline_mode<synchronous>, transform_indices = @transform_12, window_bounds = array<i64: 1, 128>}, {pipeline_mode = #tpu.pipeline_mode<synchronous>, transform_indices = @transform_13, window_bounds = array<i64: 1, 128>}, {pipeline_mode = #tpu.pipeline_mode<synchronous>, transform_indices = @transform_14, window_bounds = array<i64: 128, 512>}, {pipeline_mode = #tpu.pipeline_mode<synchronous>, transform_indices = @transform_15, window_bounds = array<i64: 1, 512>}, {pipeline_mode = #tpu.pipeline_mode<synchronous>, transform_indices = @transform_16, window_bounds = array<i64: 512, 128>}, {pipeline_mode = #tpu.pipeline_mode<synchronous>, transform_indices = @transform_17, window_bounds = array<i64: 1, 128>}, {pipeline_mode = #tpu.pipeline_mode<synchronous>, transform_indices = @transform_18, window_bounds = array<i64: 1, 128>}, {pipeline_mode = #tpu.pipeline_mode<synchronous>, transform_indices = @transform_19, window_bounds = array<i64: 1, 128>}, {transform_indices = @transform_20, window_bounds = array<i64: 200, 128>}]} {
    %get3A = arith.constant 0 : index
    %get3A_0 = arith.constant 0 : index
    %get3A_1 = vector.load %arg1[%get3A, %get3A_0] : memref<200x128xf32, #tpu.memory_space<vmem>>, vector<200x128xf32>
    %get3A_2 = arith.constant 0 : index
    %get3A_3 = arith.constant 0 : index
    %get3A_4 = vector.load %arg5[%get3A_2, %get3A_3] : memref<128x128xf32, #tpu.memory_space<vmem>>, vector<128x128xf32>
    %dot_general3A = arith.constant dense<0.000000e+00> : vector<200x128xf32>
    %dot_general3A_5 = tpu.matmul %get3A_1, %get3A_4, %dot_general3A {dimension_numbers = #tpu.dot_dimension_numbers<[1], [0], [0], [1], [0, 0, 1, 1], [], []>, transpose_lhs_hint = false} : vector<200x128xf32>, vector<128x128xf32>, vector<200x128xf32> -> vector<200x128xf32>
    %get3A_6 = arith.constant 0 : index
    %get3A_7 = arith.constant 0 : index
    %get3A_8 = vector.load %arg2[%get3A_6, %get3A_7] : memref<3200x128xf32, #tpu.memory_space<vmem>>, vector<3200x128xf32>
    %get3A_9 = arith.constant 0 : index
    %get3A_10 = arith.constant 0 : index
    %get3A_11 = vector.load %arg6[%get3A_9, %get3A_10] : memref<128x128xf32, #tpu.memory_space<vmem>>, vector<128x128xf32>
    %dot_general3A_12 = arith.constant dense<0.000000e+00> : vector<3200x128xf32>
    %dot_general3A_13 = tpu.matmul %get3A_8, %get3A_11, %dot_general3A_12 {dimension_numbers = #tpu.dot_dimension_numbers<[1], [0], [0], [1], [0, 0, 1, 1], [], []>, transpose_lhs_hint = false} : vector<3200x128xf32>, vector<128x128xf32>, vector<3200x128xf32> -> vector<3200x128xf32>
    %get3A_14 = arith.constant 0 : index
    %get3A_15 = arith.constant 0 : index
    %get3A_16 = vector.load %arg3[%get3A_14, %get3A_15] : memref<3200x128xf32, #tpu.memory_space<vmem>>, vector<3200x128xf32>
    %get3A_17 = arith.constant 0 : index
    %get3A_18 = arith.constant 0 : index
    %get3A_19 = vector.load %arg7[%get3A_17, %get3A_18] : memref<128x128xf32, #tpu.memory_space<vmem>>, vector<128x128xf32>
    %dot_general3A_20 = arith.constant dense<0.000000e+00> : vector<3200x128xf32>
    %dot_general3A_21 = tpu.matmul %get3A_16, %get3A_19, %dot_general3A_20 {dimension_numbers = #tpu.dot_dimension_numbers<[1], [0], [0], [1], [0, 0, 1, 1], [], []>, transpose_lhs_hint = false} : vector<3200x128xf32>, vector<128x128xf32>, vector<3200x128xf32> -> vector<3200x128xf32>
    %add3A = arith.addf %dot_general3A_13, %dot_general3A_21 : vector<3200x128xf32>
    %reshape3A = vector.shape_cast %add3A : vector<3200x128xf32> to vector<200x16x128xf32>
    %broadcast_in_dim3A = vector.shape_cast %dot_general3A_5 : vector<200x128xf32> to vector<200x1x128xf32>
    %add3A_22 = vector.broadcast %broadcast_in_dim3A : vector<200x1x128xf32> to vector<200x16x128xf32>
    %add3A_23 = arith.addf %reshape3A, %add3A_22 : vector<200x16x128xf32>
    %get3A_24 = arith.constant 0 : index
    %get3A_25 = arith.constant 0 : index
    %get3A_26 = vector.load %arg8[%get3A_24, %get3A_25] : memref<1x128xf32, #tpu.memory_space<vmem>>, vector<1x128xf32>
    %broadcast_in_dim3A_27 = vector.shape_cast %get3A_26 : vector<1x128xf32> to vector<1x1x128xf32>
    %add3A_28 = vector.broadcast %broadcast_in_dim3A_27 : vector<1x1x128xf32> to vector<200x16x128xf32>
    %add3A_29 = arith.addf %add3A_23, %add3A_28 : vector<200x16x128xf32>
    %integer_pow3A = arith.mulf %add3A_29, %add3A_29 : vector<200x16x128xf32>
    %integer_pow3A_30 = arith.mulf %add3A_29, %integer_pow3A : vector<200x16x128xf32>
    %mul3A = arith.constant 4.471500e-02 : f32
    %mul3A_31 = vector.broadcast %mul3A : f32 to vector<200x16x128xf32>
    %mul3A_32 = arith.mulf %mul3A_31, %integer_pow3A_30 : vector<200x16x128xf32>
    %add3A_33 = arith.addf %add3A_29, %mul3A_32 : vector<200x16x128xf32>
    %mul3A_34 = arith.constant 0.797884583 : f32
    %mul3A_35 = vector.broadcast %mul3A_34 : f32 to vector<200x16x128xf32>
    %mul3A_36 = arith.mulf %mul3A_35, %add3A_33 : vector<200x16x128xf32>
    %tanh3A = math.tanh %mul3A_36 : vector<200x16x128xf32>
    %add3A_37 = arith.constant 1.000000e+00 : f32
    %add3A_38 = vector.broadcast %add3A_37 : f32 to vector<200x16x128xf32>
    %add3A_39 = arith.addf %add3A_38, %tanh3A : vector<200x16x128xf32>
    %mul3A_40 = arith.constant 5.000000e-01 : f32
    %mul3A_41 = vector.broadcast %mul3A_40 : f32 to vector<200x16x128xf32>
    %mul3A_42 = arith.mulf %mul3A_41, %add3A_39 : vector<200x16x128xf32>
    %mul3A_43 = arith.mulf %add3A_29, %mul3A_42 : vector<200x16x128xf32>
    %reshape3A_44 = vector.shape_cast %mul3A_43 : vector<200x16x128xf32> to vector<3200x128xf32>
    %get3A_45 = arith.constant 0 : index
    %get3A_46 = arith.constant 0 : index
    %get3A_47 = vector.load %arg9[%get3A_45, %get3A_46] : memref<128x128xf32, #tpu.memory_space<vmem>>, vector<128x128xf32>
    %dot_general3A_48 = arith.constant dense<0.000000e+00> : vector<3200x128xf32>
    %dot_general3A_49 = tpu.matmul %reshape3A_44, %get3A_47, %dot_general3A_48 {dimension_numbers = #tpu.dot_dimension_numbers<[1], [0], [0], [1], [0, 0, 1, 1], [], []>, transpose_lhs_hint = false} : vector<3200x128xf32>, vector<128x128xf32>, vector<3200x128xf32> -> vector<3200x128xf32>
    %get3A_50 = arith.constant 0 : index
    %get3A_51 = arith.constant 0 : index
    %get3A_52 = vector.load %arg10[%get3A_50, %get3A_51] : memref<1x128xf32, #tpu.memory_space<vmem>>, vector<1x128xf32>
    %add3A_53 = vector.broadcast %get3A_52 : vector<1x128xf32> to vector<3200x128xf32>
    %add3A_54 = arith.addf %dot_general3A_49, %add3A_53 : vector<3200x128xf32>
    %integer_pow3A_55 = arith.mulf %add3A_54, %add3A_54 : vector<3200x128xf32>
    %integer_pow3A_56 = arith.mulf %add3A_54, %integer_pow3A_55 : vector<3200x128xf32>
    %mul3A_57 = arith.constant 4.471500e-02 : f32
    %mul3A_58 = vector.broadcast %mul3A_57 : f32 to vector<3200x128xf32>
    %mul3A_59 = arith.mulf %mul3A_58, %integer_pow3A_56 : vector<3200x128xf32>
    %add3A_60 = arith.addf %add3A_54, %mul3A_59 : vector<3200x128xf32>
    %mul3A_61 = arith.constant 0.797884583 : f32
    %mul3A_62 = vector.broadcast %mul3A_61 : f32 to vector<3200x128xf32>
    %mul3A_63 = arith.mulf %mul3A_62, %add3A_60 : vector<3200x128xf32>
    %tanh3A_64 = math.tanh %mul3A_63 : vector<3200x128xf32>
    %add3A_65 = arith.constant 1.000000e+00 : f32
    %add3A_66 = vector.broadcast %add3A_65 : f32 to vector<3200x128xf32>
    %add3A_67 = arith.addf %add3A_66, %tanh3A_64 : vector<3200x128xf32>
    %mul3A_68 = arith.constant 5.000000e-01 : f32
    %mul3A_69 = vector.broadcast %mul3A_68 : f32 to vector<3200x128xf32>
    %mul3A_70 = arith.mulf %mul3A_69, %add3A_67 : vector<3200x128xf32>
    %mul3A_71 = arith.mulf %add3A_54, %mul3A_70 : vector<3200x128xf32>
    %get3A_72 = arith.constant 0 : index
    %get3A_73 = arith.constant 0 : index
    %get3A_74 = vector.load %arg11[%get3A_72, %get3A_73] : memref<128x128xf32, #tpu.memory_space<vmem>>, vector<128x128xf32>
    %dot_general3A_75 = arith.constant dense<0.000000e+00> : vector<3200x128xf32>
    %dot_general3A_76 = tpu.matmul %mul3A_71, %get3A_74, %dot_general3A_75 {dimension_numbers = #tpu.dot_dimension_numbers<[1], [0], [0], [1], [0, 0, 1, 1], [], []>, transpose_lhs_hint = false} : vector<3200x128xf32>, vector<128x128xf32>, vector<3200x128xf32> -> vector<3200x128xf32>
    %get3A_77 = arith.constant 0 : index
    %get3A_78 = arith.constant 0 : index
    %get3A_79 = vector.load %arg12[%get3A_77, %get3A_78] : memref<1x128xf32, #tpu.memory_space<vmem>>, vector<1x128xf32>
    %add3A_80 = vector.broadcast %get3A_79 : vector<1x128xf32> to vector<3200x128xf32>
    %add3A_81 = arith.addf %dot_general3A_76, %add3A_80 : vector<3200x128xf32>
    %reshape3A_82 = vector.shape_cast %add3A_81 : vector<3200x128xf32> to vector<200x16x128xf32>
    %get3A_83 = arith.constant 0 : index
    %get3A_84 = arith.constant 0 : index
    %get3A_85 = vector.load %arg4[%get3A_83, %get3A_84] : memref<200x16xf32, #tpu.memory_space<vmem>>, vector<200x16xf32>
    %broadcast_in_dim3A_86 = vector.shape_cast %get3A_85 : vector<200x16xf32> to vector<200x16x1xf32>
    %mul3A_87 = vector.broadcast %broadcast_in_dim3A_86 : vector<200x16x1xf32> to vector<200x16x128xf32>
    %mul3A_88 = arith.mulf %reshape3A_82, %mul3A_87 : vector<200x16x128xf32>
    %reduce_sum3A = arith.constant dense<0.000000e+00> : vector<200x128xf32>
    %reduce_sum3A_89 = vector.multi_reduction <add>, %mul3A_88, %reduce_sum3A [1] : vector<200x16x128xf32> to vector<200x128xf32>
    %add3A_90 = arith.addf %get3A_1, %reduce_sum3A_89 : vector<200x128xf32>
    %get3A_91 = arith.constant 0 : index
    %get3A_92 = arith.constant 0 : index
    %get3A_93 = vector.load %arg13[%get3A_91, %get3A_92] : memref<1x128xf32, #tpu.memory_space<vmem>>, vector<1x128xf32>
    %get3A_94 = arith.constant 0 : index
    %get3A_95 = arith.constant 0 : index
    %get3A_96 = vector.load %arg14[%get3A_94, %get3A_95] : memref<1x128xf32, #tpu.memory_space<vmem>>, vector<1x128xf32>
    %reduce_sum3A_97 = arith.constant dense<0.000000e+00> : vector<200xf32>
    %reduce_sum3A_98 = vector.multi_reduction <add>, %add3A_90, %reduce_sum3A_97 [1] : vector<200x128xf32> to vector<200xf32>
    %broadcast_in_dim3A_99 = vector.shape_cast %reduce_sum3A_98 : vector<200xf32> to vector<200x1xf32>
    %div3A = arith.constant 1.280000e+02 : f32
    %div3A_100 = vector.broadcast %div3A : f32 to vector<200x1xf32>
    %div3A_101 = arith.divf %broadcast_in_dim3A_99, %div3A_100 : vector<200x1xf32>
    %sub3A = vector.broadcast %div3A_101 : vector<200x1xf32> to vector<200x128xf32>
    %sub3A_102 = arith.subf %add3A_90, %sub3A : vector<200x128xf32>
    %integer_pow3A_103 = arith.mulf %sub3A_102, %sub3A_102 : vector<200x128xf32>
    %reduce_sum3A_104 = arith.constant dense<0.000000e+00> : vector<200xf32>
    %reduce_sum3A_105 = vector.multi_reduction <add>, %integer_pow3A_103, %reduce_sum3A_104 [1] : vector<200x128xf32> to vector<200xf32>
    %broadcast_in_dim3A_106 = vector.shape_cast %reduce_sum3A_105 : vector<200xf32> to vector<200x1xf32>
    %div3A_107 = arith.constant 1.280000e+02 : f32
    %div3A_108 = vector.broadcast %div3A_107 : f32 to vector<200x1xf32>
    %div3A_109 = arith.divf %broadcast_in_dim3A_106, %div3A_108 : vector<200x1xf32>
    %sub3A_110 = vector.broadcast %div3A_101 : vector<200x1xf32> to vector<200x128xf32>
    %sub3A_111 = arith.subf %add3A_90, %sub3A_110 : vector<200x128xf32>
    %add3A_112 = arith.constant 9.99999974E-6 : f32
    %add3A_113 = vector.broadcast %add3A_112 : f32 to vector<200x1xf32>
    %add3A_114 = arith.addf %div3A_109, %add3A_113 : vector<200x1xf32>
    %sqrt3A = math.sqrt %add3A_114 : vector<200x1xf32>
    %div3A_115 = vector.broadcast %sqrt3A : vector<200x1xf32> to vector<200x128xf32>
    %div3A_116 = arith.divf %sub3A_111, %div3A_115 : vector<200x128xf32>
    %mul3A_117 = vector.broadcast %get3A_93 : vector<1x128xf32> to vector<200x128xf32>
    %mul3A_118 = arith.mulf %div3A_116, %mul3A_117 : vector<200x128xf32>
    %add3A_119 = vector.broadcast %get3A_96 : vector<1x128xf32> to vector<200x128xf32>
    %add3A_120 = arith.addf %mul3A_118, %add3A_119 : vector<200x128xf32>
    %get3A_121 = arith.constant 0 : index
    %get3A_122 = arith.constant 0 : index
    %get3A_123 = vector.load %arg15[%get3A_121, %get3A_122] : memref<128x512xf32, #tpu.memory_space<vmem>>, vector<128x512xf32>
    %dot_general3A_124 = arith.constant dense<0.000000e+00> : vector<200x512xf32>
    %dot_general3A_125 = tpu.matmul %add3A_120, %get3A_123, %dot_general3A_124 {dimension_numbers = #tpu.dot_dimension_numbers<[1], [0], [0], [1], [0, 0, 1, 1], [], []>, transpose_lhs_hint = false} : vector<200x128xf32>, vector<128x512xf32>, vector<200x512xf32> -> vector<200x512xf32>
    %get3A_126 = arith.constant 0 : index
    %get3A_127 = arith.constant 0 : index
    %get3A_128 = vector.load %arg16[%get3A_126, %get3A_127] : memref<1x512xf32, #tpu.memory_space<vmem>>, vector<1x512xf32>
    %add3A_129 = vector.broadcast %get3A_128 : vector<1x512xf32> to vector<200x512xf32>
    %add3A_130 = arith.addf %dot_general3A_125, %add3A_129 : vector<200x512xf32>
    %integer_pow3A_131 = arith.mulf %add3A_130, %add3A_130 : vector<200x512xf32>
    %integer_pow3A_132 = arith.mulf %add3A_130, %integer_pow3A_131 : vector<200x512xf32>
    %mul3A_133 = arith.constant 4.471500e-02 : f32
    %mul3A_134 = vector.broadcast %mul3A_133 : f32 to vector<200x512xf32>
    %mul3A_135 = arith.mulf %mul3A_134, %integer_pow3A_132 : vector<200x512xf32>
    %add3A_136 = arith.addf %add3A_130, %mul3A_135 : vector<200x512xf32>
    %mul3A_137 = arith.constant 0.797884583 : f32
    %mul3A_138 = vector.broadcast %mul3A_137 : f32 to vector<200x512xf32>
    %mul3A_139 = arith.mulf %mul3A_138, %add3A_136 : vector<200x512xf32>
    %tanh3A_140 = math.tanh %mul3A_139 : vector<200x512xf32>
    %add3A_141 = arith.constant 1.000000e+00 : f32
    %add3A_142 = vector.broadcast %add3A_141 : f32 to vector<200x512xf32>
    %add3A_143 = arith.addf %add3A_142, %tanh3A_140 : vector<200x512xf32>
    %mul3A_144 = arith.constant 5.000000e-01 : f32
    %mul3A_145 = vector.broadcast %mul3A_144 : f32 to vector<200x512xf32>
    %mul3A_146 = arith.mulf %mul3A_145, %add3A_143 : vector<200x512xf32>
    %mul3A_147 = arith.mulf %add3A_130, %mul3A_146 : vector<200x512xf32>
    %get3A_148 = arith.constant 0 : index
    %get3A_149 = arith.constant 0 : index
    %get3A_150 = vector.load %arg17[%get3A_148, %get3A_149] : memref<512x128xf32, #tpu.memory_space<vmem>>, vector<512x128xf32>
    %dot_general3A_151 = arith.constant dense<0.000000e+00> : vector<200x128xf32>
    %dot_general3A_152 = tpu.matmul %mul3A_147, %get3A_150, %dot_general3A_151 {dimension_numbers = #tpu.dot_dimension_numbers<[1], [0], [0], [1], [0, 0, 1, 1], [], []>, transpose_lhs_hint = false} : vector<200x512xf32>, vector<512x128xf32>, vector<200x128xf32> -> vector<200x128xf32>
    %add3A_153 = arith.addf %add3A_120, %dot_general3A_152 : vector<200x128xf32>
    %get3A_154 = arith.constant 0 : index
    %get3A_155 = arith.constant 0 : index
    %get3A_156 = vector.load %arg18[%get3A_154, %get3A_155] : memref<1x128xf32, #tpu.memory_space<vmem>>, vector<1x128xf32>
    %add3A_157 = vector.broadcast %get3A_156 : vector<1x128xf32> to vector<200x128xf32>
    %add3A_158 = arith.addf %add3A_153, %add3A_157 : vector<200x128xf32>
    %get3A_159 = arith.constant 0 : index
    %get3A_160 = arith.constant 0 : index
    %get3A_161 = vector.load %arg19[%get3A_159, %get3A_160] : memref<1x128xf32, #tpu.memory_space<vmem>>, vector<1x128xf32>
    %get3A_162 = arith.constant 0 : index
    %get3A_163 = arith.constant 0 : index
    %get3A_164 = vector.load %arg20[%get3A_162, %get3A_163] : memref<1x128xf32, #tpu.memory_space<vmem>>, vector<1x128xf32>
    %reduce_sum3A_165 = arith.constant dense<0.000000e+00> : vector<200xf32>
    %reduce_sum3A_166 = vector.multi_reduction <add>, %add3A_158, %reduce_sum3A_165 [1] : vector<200x128xf32> to vector<200xf32>
    %broadcast_in_dim3A_167 = vector.shape_cast %reduce_sum3A_166 : vector<200xf32> to vector<200x1xf32>
    %div3A_168 = arith.constant 1.280000e+02 : f32
    %div3A_169 = vector.broadcast %div3A_168 : f32 to vector<200x1xf32>
    %div3A_170 = arith.divf %broadcast_in_dim3A_167, %div3A_169 : vector<200x1xf32>
    %sub3A_171 = vector.broadcast %div3A_170 : vector<200x1xf32> to vector<200x128xf32>
    %sub3A_172 = arith.subf %add3A_158, %sub3A_171 : vector<200x128xf32>
    %integer_pow3A_173 = arith.mulf %sub3A_172, %sub3A_172 : vector<200x128xf32>
    %reduce_sum3A_174 = arith.constant dense<0.000000e+00> : vector<200xf32>
    %reduce_sum3A_175 = vector.multi_reduction <add>, %integer_pow3A_173, %reduce_sum3A_174 [1] : vector<200x128xf32> to vector<200xf32>
    %broadcast_in_dim3A_176 = vector.shape_cast %reduce_sum3A_175 : vector<200xf32> to vector<200x1xf32>
    %div3A_177 = arith.constant 1.280000e+02 : f32
    %div3A_178 = vector.broadcast %div3A_177 : f32 to vector<200x1xf32>
    %div3A_179 = arith.divf %broadcast_in_dim3A_176, %div3A_178 : vector<200x1xf32>
    %sub3A_180 = vector.broadcast %div3A_170 : vector<200x1xf32> to vector<200x128xf32>
    %sub3A_181 = arith.subf %add3A_158, %sub3A_180 : vector<200x128xf32>
    %add3A_182 = arith.constant 9.99999974E-6 : f32
    %add3A_183 = vector.broadcast %add3A_182 : f32 to vector<200x1xf32>
    %add3A_184 = arith.addf %div3A_179, %add3A_183 : vector<200x1xf32>
    %sqrt3A_185 = math.sqrt %add3A_184 : vector<200x1xf32>
    %div3A_186 = vector.broadcast %sqrt3A_185 : vector<200x1xf32> to vector<200x128xf32>
    %div3A_187 = arith.divf %sub3A_181, %div3A_186 : vector<200x128xf32>
    %mul3A_188 = vector.broadcast %get3A_161 : vector<1x128xf32> to vector<200x128xf32>
    %mul3A_189 = arith.mulf %div3A_187, %mul3A_188 : vector<200x128xf32>
    %add3A_190 = vector.broadcast %get3A_164 : vector<1x128xf32> to vector<200x128xf32>
    %add3A_191 = arith.addf %mul3A_189, %add3A_190 : vector<200x128xf32>
    %swap3A = arith.constant 0 : index
    %swap3A_192 = arith.constant 0 : index
    %swap3A_193 = vector.load %arg21[%swap3A, %swap3A_192] : memref<200x128xf32, #tpu.memory_space<vmem>>, vector<200x128xf32>
    tpu.vector_store %arg21[%swap3A, %swap3A_192], %add3A_191 {strides = array<i32>} : memref<200x128xf32, #tpu.memory_space<vmem>>, vector<200x128xf32>,
    return
  }
  func.func @transform_0(%arg0: i32) -> (i32, i32) {
    %add3A = arith.constant 25 : i32
    %add3A_0 = arith.addi %arg0, %add3A : i32
    %c0_i32 = arith.constant 0 : i32
    %c0_i32_1 = arith.constant 0 : i32
    return %add3A_0, %c0_i32 : i32, i32
  }
  func.func @transform_1(%arg0: i32) -> (i32, i32) {
    %add3A = arith.constant 0 : i32
    %add3A_0 = arith.addi %arg0, %add3A : i32
    %c0_i32 = arith.constant 0 : i32
    %c0_i32_1 = arith.constant 0 : i32
    return %add3A_0, %c0_i32 : i32, i32
  }
  func.func @transform_2(%arg0: i32) -> (i32, i32) {
    %add3A = arith.constant 25 : i32
    %add3A_0 = arith.addi %arg0, %add3A : i32
    %c0_i32 = arith.constant 0 : i32
    %c0_i32_1 = arith.constant 0 : i32
    return %add3A_0, %c0_i32 : i32, i32
  }
  func.func @transform_3(%arg0: i32) -> (i32, i32) {
    %add3A = arith.constant 25 : i32
    %add3A_0 = arith.addi %arg0, %add3A : i32
    %c0_i32 = arith.constant 0 : i32
    %c0_i32_1 = arith.constant 0 : i32
    return %add3A_0, %c0_i32 : i32, i32
  }
  func.func @transform_4(%arg0: i32) -> (i32, i32) {
    %c0_i32 = arith.constant 0 : i32
    %c0_i32_0 = arith.constant 0 : i32
    %c0_i32_1 = arith.constant 0 : i32
    return %c0_i32, %c0_i32_0 : i32, i32
  }
  func.func @transform_5(%arg0: i32) -> (i32, i32) {
    %c0_i32 = arith.constant 0 : i32
    %c0_i32_0 = arith.constant 0 : i32
    %c0_i32_1 = arith.constant 0 : i32
    return %c0_i32, %c0_i32_0 : i32, i32
  }
  func.func @transform_6(%arg0: i32) -> (i32, i32) {
    %c0_i32 = arith.constant 0 : i32
    %c0_i32_0 = arith.constant 0 : i32
    %c0_i32_1 = arith.constant 0 : i32
    return %c0_i32, %c0_i32_0 : i32, i32
  }
  func.func @transform_7(%arg0: i32) -> (i32, i32) {
    %c0_i32 = arith.constant 0 : i32
    %c0_i32_0 = arith.constant 0 : i32
    %c0_i32_1 = arith.constant 0 : i32
    return %c0_i32, %c0_i32_0 : i32, i32
  }
  func.func @transform_8(%arg0: i32) -> (i32, i32) {
    %c0_i32 = arith.constant 0 : i32
    %c0_i32_0 = arith.constant 0 : i32
    %c0_i32_1 = arith.constant 0 : i32
    return %c0_i32, %c0_i32_0 : i32, i32
  }
  func.func @transform_9(%arg0: i32) -> (i32, i32) {
    %c0_i32 = arith.constant 0 : i32
    %c0_i32_0 = arith.constant 0 : i32
    %c0_i32_1 = arith.constant 0 : i32
    return %c0_i32, %c0_i32_0 : i32, i32
  }
  func.func @transform_10(%arg0: i32) -> (i32, i32) {
    %c0_i32 = arith.constant 0 : i32
    %c0_i32_0 = arith.constant 0 : i32
    %c0_i32_1 = arith.constant 0 : i32
    return %c0_i32, %c0_i32_0 : i32, i32
  }
  func.func @transform_11(%arg0: i32) -> (i32, i32) {
    %c0_i32 = arith.constant 0 : i32
    %c0_i32_0 = arith.constant 0 : i32
    %c0_i32_1 = arith.constant 0 : i32
    return %c0_i32, %c0_i32_0 : i32, i32
  }
  func.func @transform_12(%arg0: i32) -> (i32, i32) {
    %c0_i32 = arith.constant 0 : i32
    %c0_i32_0 = arith.constant 0 : i32
    %c0_i32_1 = arith.constant 0 : i32
    return %c0_i32, %c0_i32_0 : i32, i32
  }
  func.func @transform_13(%arg0: i32) -> (i32, i32) {
    %c0_i32 = arith.constant 0 : i32
    %c0_i32_0 = arith.constant 0 : i32
    %c0_i32_1 = arith.constant 0 : i32
    return %c0_i32, %c0_i32_0 : i32, i32
  }
  func.func @transform_14(%arg0: i32) -> (i32, i32) {
    %c0_i32 = arith.constant 0 : i32
    %c0_i32_0 = arith.constant 0 : i32
    %c0_i32_1 = arith.constant 0 : i32
    return %c0_i32, %c0_i32_0 : i32, i32
  }
  func.func @transform_15(%arg0: i32) -> (i32, i32) {
    %c0_i32 = arith.constant 0 : i32
    %c0_i32_0 = arith.constant 0 : i32
    %c0_i32_1 = arith.constant 0 : i32
    return %c0_i32, %c0_i32_0 : i32, i32
  }
  func.func @transform_16(%arg0: i32) -> (i32, i32) {
    %c0_i32 = arith.constant 0 : i32
    %c0_i32_0 = arith.constant 0 : i32
    %c0_i32_1 = arith.constant 0 : i32
    return %c0_i32, %c0_i32_0 : i32, i32
  }
  func.func @transform_17(%arg0: i32) -> (i32, i32) {
    %c0_i32 = arith.constant 0 : i32
    %c0_i32_0 = arith.constant 0 : i32
    %c0_i32_1 = arith.constant 0 : i32
    return %c0_i32, %c0_i32_0 : i32, i32
  }
  func.func @transform_18(%arg0: i32) -> (i32, i32) {
    %c0_i32 = arith.constant 0 : i32
    %c0_i32_0 = arith.constant 0 : i32
    %c0_i32_1 = arith.constant 0 : i32
    return %c0_i32, %c0_i32_0 : i32, i32
  }
  func.func @transform_19(%arg0: i32) -> (i32, i32) {
    %c0_i32 = arith.constant 0 : i32
    %c0_i32_0 = arith.constant 0 : i32
    %c0_i32_1 = arith.constant 0 : i32
    return %c0_i32, %c0_i32_0 : i32, i32
  }
  func.func @transform_20(%arg0: i32) -> (i32, i32) {
    %add3A = arith.constant 0 : i32
    %add3A_0 = arith.addi %arg0, %add3A : i32
    %c0_i32 = arith.constant 0 : i32
    %c0_i32_1 = arith.constant 0 : i32
    return %add3A_0, %c0_i32 : i32, i32
  }
}

module attributes {stable_mosaic.version = 14 : i64} {
  func.func @_tc2_body(%arg0: i32, %arg1: memref<200x128xf32, #tpu.memory_space<vmem>>, %arg2: memref<3200x128xf32, #tpu.memory_space<vmem>>, %arg3: memref<3200x128xf32, #tpu.memory_space<vmem>>, %arg4: memref<200x16xf32, #tpu.memory_space<vmem>>, %arg5: memref<128x128xf32, #tpu.memory_space<vmem>>, %arg6: memref<128x128xf32, #tpu.memory_space<vmem>>, %arg7: memref<128x128xf32, #tpu.memory_space<vmem>>, %arg8: memref<1x128xf32, #tpu.memory_space<vmem>>, %arg9: memref<128x128xf32, #tpu.memory_space<vmem>>, %arg10: memref<1x128xf32, #tpu.memory_space<vmem>>, %arg11: memref<128x128xf32, #tpu.memory_space<vmem>>, %arg12: memref<1x128xf32, #tpu.memory_space<vmem>>, %arg13: memref<1x128xf32, #tpu.memory_space<vmem>>, %arg14: memref<1x128xf32, #tpu.memory_space<vmem>>, %arg15: memref<3200x128xf32, #tpu.memory_space<vmem>>) attributes {dimension_semantics = [#tpu.dimension_semantics<arbitrary>], iteration_bounds = array<i64: 25>, scalar_prefetch = 0 : i64, scratch_operands = 0 : i64, tpu.core_type = #tpu.core_type<tc>, window_params = [{transform_indices = @transform_0, window_bounds = array<i64: 200, 128>}, {transform_indices = @transform_1, window_bounds = array<i64: 3200, 128>}, {transform_indices = @transform_2, window_bounds = array<i64: 3200, 128>}, {transform_indices = @transform_3, window_bounds = array<i64: 200, 16>}, {pipeline_mode = #tpu.pipeline_mode<synchronous>, transform_indices = @transform_4, window_bounds = array<i64: 128, 128>}, {pipeline_mode = #tpu.pipeline_mode<synchronous>, transform_indices = @transform_5, window_bounds = array<i64: 128, 128>}, {pipeline_mode = #tpu.pipeline_mode<synchronous>, transform_indices = @transform_6, window_bounds = array<i64: 128, 128>}, {pipeline_mode = #tpu.pipeline_mode<synchronous>, transform_indices = @transform_7, window_bounds = array<i64: 1, 128>}, {pipeline_mode = #tpu.pipeline_mode<synchronous>, transform_indices = @transform_8, window_bounds = array<i64: 128, 128>}, {pipeline_mode = #tpu.pipeline_mode<synchronous>, transform_indices = @transform_9, window_bounds = array<i64: 1, 128>}, {pipeline_mode = #tpu.pipeline_mode<synchronous>, transform_indices = @transform_10, window_bounds = array<i64: 128, 128>}, {pipeline_mode = #tpu.pipeline_mode<synchronous>, transform_indices = @transform_11, window_bounds = array<i64: 1, 128>}, {pipeline_mode = #tpu.pipeline_mode<synchronous>, transform_indices = @transform_12, window_bounds = array<i64: 1, 128>}, {pipeline_mode = #tpu.pipeline_mode<synchronous>, transform_indices = @transform_13, window_bounds = array<i64: 1, 128>}, {transform_indices = @transform_14, window_bounds = array<i64: 3200, 128>}]} {
    %get3A = arith.constant 0 : index
    %get3A_0 = arith.constant 0 : index
    %get3A_1 = vector.load %arg1[%get3A, %get3A_0] : memref<200x128xf32, #tpu.memory_space<vmem>>, vector<200x128xf32>
    %get3A_2 = arith.constant 0 : index
    %get3A_3 = arith.constant 0 : index
    %get3A_4 = vector.load %arg5[%get3A_2, %get3A_3] : memref<128x128xf32, #tpu.memory_space<vmem>>, vector<128x128xf32>
    %dot_general3A = arith.constant dense<0.000000e+00> : vector<200x128xf32>
    %dot_general3A_5 = tpu.matmul %get3A_1, %get3A_4, %dot_general3A {dimension_numbers = #tpu.dot_dimension_numbers<[1], [0], [0], [1], [0, 0, 1, 1], [], []>, transpose_lhs_hint = false} : vector<200x128xf32>, vector<128x128xf32>, vector<200x128xf32> -> vector<200x128xf32>
    %get3A_6 = arith.constant 0 : index
    %get3A_7 = arith.constant 0 : index
    %get3A_8 = vector.load %arg2[%get3A_6, %get3A_7] : memref<3200x128xf32, #tpu.memory_space<vmem>>, vector<3200x128xf32>
    %get3A_9 = arith.constant 0 : index
    %get3A_10 = arith.constant 0 : index
    %get3A_11 = vector.load %arg6[%get3A_9, %get3A_10] : memref<128x128xf32, #tpu.memory_space<vmem>>, vector<128x128xf32>
    %dot_general3A_12 = arith.constant dense<0.000000e+00> : vector<3200x128xf32>
    %dot_general3A_13 = tpu.matmul %get3A_8, %get3A_11, %dot_general3A_12 {dimension_numbers = #tpu.dot_dimension_numbers<[1], [0], [0], [1], [0, 0, 1, 1], [], []>, transpose_lhs_hint = false} : vector<3200x128xf32>, vector<128x128xf32>, vector<3200x128xf32> -> vector<3200x128xf32>
    %get3A_14 = arith.constant 0 : index
    %get3A_15 = arith.constant 0 : index
    %get3A_16 = vector.load %arg3[%get3A_14, %get3A_15] : memref<3200x128xf32, #tpu.memory_space<vmem>>, vector<3200x128xf32>
    %get3A_17 = arith.constant 0 : index
    %get3A_18 = arith.constant 0 : index
    %get3A_19 = vector.load %arg7[%get3A_17, %get3A_18] : memref<128x128xf32, #tpu.memory_space<vmem>>, vector<128x128xf32>
    %dot_general3A_20 = arith.constant dense<0.000000e+00> : vector<3200x128xf32>
    %dot_general3A_21 = tpu.matmul %get3A_16, %get3A_19, %dot_general3A_20 {dimension_numbers = #tpu.dot_dimension_numbers<[1], [0], [0], [1], [0, 0, 1, 1], [], []>, transpose_lhs_hint = false} : vector<3200x128xf32>, vector<128x128xf32>, vector<3200x128xf32> -> vector<3200x128xf32>
    %add3A = arith.addf %dot_general3A_13, %dot_general3A_21 : vector<3200x128xf32>
    %reshape3A = vector.shape_cast %add3A : vector<3200x128xf32> to vector<200x16x128xf32>
    %broadcast_in_dim3A = vector.shape_cast %dot_general3A_5 : vector<200x128xf32> to vector<200x1x128xf32>
    %add3A_22 = vector.broadcast %broadcast_in_dim3A : vector<200x1x128xf32> to vector<200x16x128xf32>
    %add3A_23 = arith.addf %reshape3A, %add3A_22 : vector<200x16x128xf32>
    %get3A_24 = arith.constant 0 : index
    %get3A_25 = arith.constant 0 : index
    %get3A_26 = vector.load %arg8[%get3A_24, %get3A_25] : memref<1x128xf32, #tpu.memory_space<vmem>>, vector<1x128xf32>
    %broadcast_in_dim3A_27 = vector.shape_cast %get3A_26 : vector<1x128xf32> to vector<1x1x128xf32>
    %add3A_28 = vector.broadcast %broadcast_in_dim3A_27 : vector<1x1x128xf32> to vector<200x16x128xf32>
    %add3A_29 = arith.addf %add3A_23, %add3A_28 : vector<200x16x128xf32>
    %integer_pow3A = arith.mulf %add3A_29, %add3A_29 : vector<200x16x128xf32>
    %integer_pow3A_30 = arith.mulf %add3A_29, %integer_pow3A : vector<200x16x128xf32>
    %mul3A = arith.constant 4.471500e-02 : f32
    %mul3A_31 = vector.broadcast %mul3A : f32 to vector<200x16x128xf32>
    %mul3A_32 = arith.mulf %mul3A_31, %integer_pow3A_30 : vector<200x16x128xf32>
    %add3A_33 = arith.addf %add3A_29, %mul3A_32 : vector<200x16x128xf32>
    %mul3A_34 = arith.constant 0.797884583 : f32
    %mul3A_35 = vector.broadcast %mul3A_34 : f32 to vector<200x16x128xf32>
    %mul3A_36 = arith.mulf %mul3A_35, %add3A_33 : vector<200x16x128xf32>
    %tanh3A = math.tanh %mul3A_36 : vector<200x16x128xf32>
    %add3A_37 = arith.constant 1.000000e+00 : f32
    %add3A_38 = vector.broadcast %add3A_37 : f32 to vector<200x16x128xf32>
    %add3A_39 = arith.addf %add3A_38, %tanh3A : vector<200x16x128xf32>
    %mul3A_40 = arith.constant 5.000000e-01 : f32
    %mul3A_41 = vector.broadcast %mul3A_40 : f32 to vector<200x16x128xf32>
    %mul3A_42 = arith.mulf %mul3A_41, %add3A_39 : vector<200x16x128xf32>
    %mul3A_43 = arith.mulf %add3A_29, %mul3A_42 : vector<200x16x128xf32>
    %reshape3A_44 = vector.shape_cast %mul3A_43 : vector<200x16x128xf32> to vector<3200x128xf32>
    %get3A_45 = arith.constant 0 : index
    %get3A_46 = arith.constant 0 : index
    %get3A_47 = vector.load %arg9[%get3A_45, %get3A_46] : memref<128x128xf32, #tpu.memory_space<vmem>>, vector<128x128xf32>
    %dot_general3A_48 = arith.constant dense<0.000000e+00> : vector<3200x128xf32>
    %dot_general3A_49 = tpu.matmul %reshape3A_44, %get3A_47, %dot_general3A_48 {dimension_numbers = #tpu.dot_dimension_numbers<[1], [0], [0], [1], [0, 0, 1, 1], [], []>, transpose_lhs_hint = false} : vector<3200x128xf32>, vector<128x128xf32>, vector<3200x128xf32> -> vector<3200x128xf32>
    %get3A_50 = arith.constant 0 : index
    %get3A_51 = arith.constant 0 : index
    %get3A_52 = vector.load %arg10[%get3A_50, %get3A_51] : memref<1x128xf32, #tpu.memory_space<vmem>>, vector<1x128xf32>
    %add3A_53 = vector.broadcast %get3A_52 : vector<1x128xf32> to vector<3200x128xf32>
    %add3A_54 = arith.addf %dot_general3A_49, %add3A_53 : vector<3200x128xf32>
    %integer_pow3A_55 = arith.mulf %add3A_54, %add3A_54 : vector<3200x128xf32>
    %integer_pow3A_56 = arith.mulf %add3A_54, %integer_pow3A_55 : vector<3200x128xf32>
    %mul3A_57 = arith.constant 4.471500e-02 : f32
    %mul3A_58 = vector.broadcast %mul3A_57 : f32 to vector<3200x128xf32>
    %mul3A_59 = arith.mulf %mul3A_58, %integer_pow3A_56 : vector<3200x128xf32>
    %add3A_60 = arith.addf %add3A_54, %mul3A_59 : vector<3200x128xf32>
    %mul3A_61 = arith.constant 0.797884583 : f32
    %mul3A_62 = vector.broadcast %mul3A_61 : f32 to vector<3200x128xf32>
    %mul3A_63 = arith.mulf %mul3A_62, %add3A_60 : vector<3200x128xf32>
    %tanh3A_64 = math.tanh %mul3A_63 : vector<3200x128xf32>
    %add3A_65 = arith.constant 1.000000e+00 : f32
    %add3A_66 = vector.broadcast %add3A_65 : f32 to vector<3200x128xf32>
    %add3A_67 = arith.addf %add3A_66, %tanh3A_64 : vector<3200x128xf32>
    %mul3A_68 = arith.constant 5.000000e-01 : f32
    %mul3A_69 = vector.broadcast %mul3A_68 : f32 to vector<3200x128xf32>
    %mul3A_70 = arith.mulf %mul3A_69, %add3A_67 : vector<3200x128xf32>
    %mul3A_71 = arith.mulf %add3A_54, %mul3A_70 : vector<3200x128xf32>
    %get3A_72 = arith.constant 0 : index
    %get3A_73 = arith.constant 0 : index
    %get3A_74 = vector.load %arg11[%get3A_72, %get3A_73] : memref<128x128xf32, #tpu.memory_space<vmem>>, vector<128x128xf32>
    %dot_general3A_75 = arith.constant dense<0.000000e+00> : vector<3200x128xf32>
    %dot_general3A_76 = tpu.matmul %mul3A_71, %get3A_74, %dot_general3A_75 {dimension_numbers = #tpu.dot_dimension_numbers<[1], [0], [0], [1], [0, 0, 1, 1], [], []>, transpose_lhs_hint = false} : vector<3200x128xf32>, vector<128x128xf32>, vector<3200x128xf32> -> vector<3200x128xf32>
    %get3A_77 = arith.constant 0 : index
    %get3A_78 = arith.constant 0 : index
    %get3A_79 = vector.load %arg12[%get3A_77, %get3A_78] : memref<1x128xf32, #tpu.memory_space<vmem>>, vector<1x128xf32>
    %add3A_80 = vector.broadcast %get3A_79 : vector<1x128xf32> to vector<3200x128xf32>
    %add3A_81 = arith.addf %dot_general3A_76, %add3A_80 : vector<3200x128xf32>
    %reshape3A_82 = vector.shape_cast %add3A_81 : vector<3200x128xf32> to vector<200x16x128xf32>
    %get3A_83 = arith.constant 0 : index
    %get3A_84 = arith.constant 0 : index
    %get3A_85 = vector.load %arg4[%get3A_83, %get3A_84] : memref<200x16xf32, #tpu.memory_space<vmem>>, vector<200x16xf32>
    %broadcast_in_dim3A_86 = vector.shape_cast %get3A_85 : vector<200x16xf32> to vector<200x16x1xf32>
    %mul3A_87 = vector.broadcast %broadcast_in_dim3A_86 : vector<200x16x1xf32> to vector<200x16x128xf32>
    %mul3A_88 = arith.mulf %reshape3A_82, %mul3A_87 : vector<200x16x128xf32>
    %get3A_89 = arith.constant 0 : index
    %get3A_90 = arith.constant 0 : index
    %get3A_91 = vector.load %arg3[%get3A_89, %get3A_90] : memref<3200x128xf32, #tpu.memory_space<vmem>>, vector<3200x128xf32>
    %reshape3A_92 = vector.shape_cast %get3A_91 : vector<3200x128xf32> to vector<200x16x128xf32>
    %add3A_93 = arith.addf %reshape3A_92, %mul3A_88 : vector<200x16x128xf32>
    %get3A_94 = arith.constant 0 : index
    %get3A_95 = arith.constant 0 : index
    %get3A_96 = vector.load %arg13[%get3A_94, %get3A_95] : memref<1x128xf32, #tpu.memory_space<vmem>>, vector<1x128xf32>
    %broadcast_in_dim3A_97 = vector.shape_cast %get3A_96 : vector<1x128xf32> to vector<1x1x128xf32>
    %get3A_98 = arith.constant 0 : index
    %get3A_99 = arith.constant 0 : index
    %get3A_100 = vector.load %arg14[%get3A_98, %get3A_99] : memref<1x128xf32, #tpu.memory_space<vmem>>, vector<1x128xf32>
    %broadcast_in_dim3A_101 = vector.shape_cast %get3A_100 : vector<1x128xf32> to vector<1x1x128xf32>
    %reduce_sum3A = arith.constant dense<0.000000e+00> : vector<200x16xf32>
    %reduce_sum3A_102 = vector.multi_reduction <add>, %add3A_93, %reduce_sum3A [2] : vector<200x16x128xf32> to vector<200x16xf32>
    %broadcast_in_dim3A_103 = vector.shape_cast %reduce_sum3A_102 : vector<200x16xf32> to vector<200x16x1xf32>
    %div3A = arith.constant 1.280000e+02 : f32
    %div3A_104 = vector.broadcast %div3A : f32 to vector<200x16x1xf32>
    %div3A_105 = arith.divf %broadcast_in_dim3A_103, %div3A_104 : vector<200x16x1xf32>
    %sub3A = vector.broadcast %div3A_105 : vector<200x16x1xf32> to vector<200x16x128xf32>
    %sub3A_106 = arith.subf %add3A_93, %sub3A : vector<200x16x128xf32>
    %integer_pow3A_107 = arith.mulf %sub3A_106, %sub3A_106 : vector<200x16x128xf32>
    %reduce_sum3A_108 = arith.constant dense<0.000000e+00> : vector<200x16xf32>
    %reduce_sum3A_109 = vector.multi_reduction <add>, %integer_pow3A_107, %reduce_sum3A_108 [2] : vector<200x16x128xf32> to vector<200x16xf32>
    %broadcast_in_dim3A_110 = vector.shape_cast %reduce_sum3A_109 : vector<200x16xf32> to vector<200x16x1xf32>
    %div3A_111 = arith.constant 1.280000e+02 : f32
    %div3A_112 = vector.broadcast %div3A_111 : f32 to vector<200x16x1xf32>
    %div3A_113 = arith.divf %broadcast_in_dim3A_110, %div3A_112 : vector<200x16x1xf32>
    %sub3A_114 = vector.broadcast %div3A_105 : vector<200x16x1xf32> to vector<200x16x128xf32>
    %sub3A_115 = arith.subf %add3A_93, %sub3A_114 : vector<200x16x128xf32>
    %add3A_116 = arith.constant 9.99999974E-6 : f32
    %add3A_117 = vector.broadcast %add3A_116 : f32 to vector<200x16x1xf32>
    %add3A_118 = arith.addf %div3A_113, %add3A_117 : vector<200x16x1xf32>
    %sqrt3A = math.sqrt %add3A_118 : vector<200x16x1xf32>
    %div3A_119 = vector.broadcast %sqrt3A : vector<200x16x1xf32> to vector<200x16x128xf32>
    %div3A_120 = arith.divf %sub3A_115, %div3A_119 : vector<200x16x128xf32>
    %mul3A_121 = vector.broadcast %broadcast_in_dim3A_97 : vector<1x1x128xf32> to vector<200x16x128xf32>
    %mul3A_122 = arith.mulf %div3A_120, %mul3A_121 : vector<200x16x128xf32>
    %add3A_123 = vector.broadcast %broadcast_in_dim3A_101 : vector<1x1x128xf32> to vector<200x16x128xf32>
    %add3A_124 = arith.addf %mul3A_122, %add3A_123 : vector<200x16x128xf32>
    %reshape3A_125 = vector.shape_cast %add3A_124 : vector<200x16x128xf32> to vector<3200x128xf32>
    %swap3A = arith.constant 0 : index
    %swap3A_126 = arith.constant 0 : index
    %swap3A_127 = vector.load %arg15[%swap3A, %swap3A_126] : memref<3200x128xf32, #tpu.memory_space<vmem>>, vector<3200x128xf32>
    tpu.vector_store %arg15[%swap3A, %swap3A_126], %reshape3A_125 {strides = array<i32>} : memref<3200x128xf32, #tpu.memory_space<vmem>>, vector<3200x128xf32>,
    return
  }
  func.func @transform_0(%arg0: i32) -> (i32, i32) {
    %add3A = arith.constant 25 : i32
    %add3A_0 = arith.addi %arg0, %add3A : i32
    %c0_i32 = arith.constant 0 : i32
    %c0_i32_1 = arith.constant 0 : i32
    return %add3A_0, %c0_i32 : i32, i32
  }
  func.func @transform_1(%arg0: i32) -> (i32, i32) {
    %add3A = arith.constant 0 : i32
    %add3A_0 = arith.addi %arg0, %add3A : i32
    %c0_i32 = arith.constant 0 : i32
    %c0_i32_1 = arith.constant 0 : i32
    return %add3A_0, %c0_i32 : i32, i32
  }
  func.func @transform_2(%arg0: i32) -> (i32, i32) {
    %add3A = arith.constant 25 : i32
    %add3A_0 = arith.addi %arg0, %add3A : i32
    %c0_i32 = arith.constant 0 : i32
    %c0_i32_1 = arith.constant 0 : i32
    return %add3A_0, %c0_i32 : i32, i32
  }
  func.func @transform_3(%arg0: i32) -> (i32, i32) {
    %add3A = arith.constant 25 : i32
    %add3A_0 = arith.addi %arg0, %add3A : i32
    %c0_i32 = arith.constant 0 : i32
    %c0_i32_1 = arith.constant 0 : i32
    return %add3A_0, %c0_i32 : i32, i32
  }
  func.func @transform_4(%arg0: i32) -> (i32, i32) {
    %c0_i32 = arith.constant 0 : i32
    %c0_i32_0 = arith.constant 0 : i32
    %c0_i32_1 = arith.constant 0 : i32
    return %c0_i32, %c0_i32_0 : i32, i32
  }
  func.func @transform_5(%arg0: i32) -> (i32, i32) {
    %c0_i32 = arith.constant 0 : i32
    %c0_i32_0 = arith.constant 0 : i32
    %c0_i32_1 = arith.constant 0 : i32
    return %c0_i32, %c0_i32_0 : i32, i32
  }
  func.func @transform_6(%arg0: i32) -> (i32, i32) {
    %c0_i32 = arith.constant 0 : i32
    %c0_i32_0 = arith.constant 0 : i32
    %c0_i32_1 = arith.constant 0 : i32
    return %c0_i32, %c0_i32_0 : i32, i32
  }
  func.func @transform_7(%arg0: i32) -> (i32, i32) {
    %c0_i32 = arith.constant 0 : i32
    %c0_i32_0 = arith.constant 0 : i32
    %c0_i32_1 = arith.constant 0 : i32
    return %c0_i32, %c0_i32_0 : i32, i32
  }
  func.func @transform_8(%arg0: i32) -> (i32, i32) {
    %c0_i32 = arith.constant 0 : i32
    %c0_i32_0 = arith.constant 0 : i32
    %c0_i32_1 = arith.constant 0 : i32
    return %c0_i32, %c0_i32_0 : i32, i32
  }
  func.func @transform_9(%arg0: i32) -> (i32, i32) {
    %c0_i32 = arith.constant 0 : i32
    %c0_i32_0 = arith.constant 0 : i32
    %c0_i32_1 = arith.constant 0 : i32
    return %c0_i32, %c0_i32_0 : i32, i32
  }
  func.func @transform_10(%arg0: i32) -> (i32, i32) {
    %c0_i32 = arith.constant 0 : i32
    %c0_i32_0 = arith.constant 0 : i32
    %c0_i32_1 = arith.constant 0 : i32
    return %c0_i32, %c0_i32_0 : i32, i32
  }
  func.func @transform_11(%arg0: i32) -> (i32, i32) {
    %c0_i32 = arith.constant 0 : i32
    %c0_i32_0 = arith.constant 0 : i32
    %c0_i32_1 = arith.constant 0 : i32
    return %c0_i32, %c0_i32_0 : i32, i32
  }
  func.func @transform_12(%arg0: i32) -> (i32, i32) {
    %c0_i32 = arith.constant 0 : i32
    %c0_i32_0 = arith.constant 0 : i32
    %c0_i32_1 = arith.constant 0 : i32
    return %c0_i32, %c0_i32_0 : i32, i32
  }
  func.func @transform_13(%arg0: i32) -> (i32, i32) {
    %c0_i32 = arith.constant 0 : i32
    %c0_i32_0 = arith.constant 0 : i32
    %c0_i32_1 = arith.constant 0 : i32
    return %c0_i32, %c0_i32_0 : i32, i32
  }
  func.func @transform_14(%arg0: i32) -> (i32, i32) {
    %add3A = arith.constant 0 : i32
    %add3A_0 = arith.addi %arg0, %add3A : i32
    %c0_i32 = arith.constant 0 : i32
    %c0_i32_1 = arith.constant 0 : i32
    return %add3A_0, %c0_i32 : i32, i32
  }
}

module attributes {stable_mosaic.version = 14 : i64} {
  func.func @_tc2_body(%arg0: i32, %arg1: memref<200x128xf32, #tpu.memory_space<vmem>>, %arg2: memref<3200x128xf32, #tpu.memory_space<vmem>>, %arg3: memref<3200x128xf32, #tpu.memory_space<vmem>>, %arg4: memref<200x16xf32, #tpu.memory_space<vmem>>, %arg5: memref<128x128xf32, #tpu.memory_space<vmem>>, %arg6: memref<128x128xf32, #tpu.memory_space<vmem>>, %arg7: memref<128x128xf32, #tpu.memory_space<vmem>>, %arg8: memref<1x128xf32, #tpu.memory_space<vmem>>, %arg9: memref<128x128xf32, #tpu.memory_space<vmem>>, %arg10: memref<1x128xf32, #tpu.memory_space<vmem>>, %arg11: memref<128x128xf32, #tpu.memory_space<vmem>>, %arg12: memref<1x128xf32, #tpu.memory_space<vmem>>, %arg13: memref<1x128xf32, #tpu.memory_space<vmem>>, %arg14: memref<1x128xf32, #tpu.memory_space<vmem>>, %arg15: memref<3200x128xf32, #tpu.memory_space<vmem>>) attributes {dimension_semantics = [#tpu.dimension_semantics<arbitrary>], iteration_bounds = array<i64: 25>, scalar_prefetch = 0 : i64, scratch_operands = 0 : i64, tpu.core_type = #tpu.core_type<tc>, window_params = [{transform_indices = @transform_0, window_bounds = array<i64: 200, 128>}, {transform_indices = @transform_1, window_bounds = array<i64: 3200, 128>}, {transform_indices = @transform_2, window_bounds = array<i64: 3200, 128>}, {transform_indices = @transform_3, window_bounds = array<i64: 200, 16>}, {pipeline_mode = #tpu.pipeline_mode<synchronous>, transform_indices = @transform_4, window_bounds = array<i64: 128, 128>}, {pipeline_mode = #tpu.pipeline_mode<synchronous>, transform_indices = @transform_5, window_bounds = array<i64: 128, 128>}, {pipeline_mode = #tpu.pipeline_mode<synchronous>, transform_indices = @transform_6, window_bounds = array<i64: 128, 128>}, {pipeline_mode = #tpu.pipeline_mode<synchronous>, transform_indices = @transform_7, window_bounds = array<i64: 1, 128>}, {pipeline_mode = #tpu.pipeline_mode<synchronous>, transform_indices = @transform_8, window_bounds = array<i64: 128, 128>}, {pipeline_mode = #tpu.pipeline_mode<synchronous>, transform_indices = @transform_9, window_bounds = array<i64: 1, 128>}, {pipeline_mode = #tpu.pipeline_mode<synchronous>, transform_indices = @transform_10, window_bounds = array<i64: 128, 128>}, {pipeline_mode = #tpu.pipeline_mode<synchronous>, transform_indices = @transform_11, window_bounds = array<i64: 1, 128>}, {pipeline_mode = #tpu.pipeline_mode<synchronous>, transform_indices = @transform_12, window_bounds = array<i64: 1, 128>}, {pipeline_mode = #tpu.pipeline_mode<synchronous>, transform_indices = @transform_13, window_bounds = array<i64: 1, 128>}, {transform_indices = @transform_14, window_bounds = array<i64: 3200, 128>}]} {
    %get3A = arith.constant 0 : index
    %get3A_0 = arith.constant 0 : index
    %get3A_1 = vector.load %arg1[%get3A, %get3A_0] : memref<200x128xf32, #tpu.memory_space<vmem>>, vector<200x128xf32>
    %get3A_2 = arith.constant 0 : index
    %get3A_3 = arith.constant 0 : index
    %get3A_4 = vector.load %arg5[%get3A_2, %get3A_3] : memref<128x128xf32, #tpu.memory_space<vmem>>, vector<128x128xf32>
    %dot_general3A = arith.constant dense<0.000000e+00> : vector<200x128xf32>
    %dot_general3A_5 = tpu.matmul %get3A_1, %get3A_4, %dot_general3A {dimension_numbers = #tpu.dot_dimension_numbers<[1], [0], [0], [1], [0, 0, 1, 1], [], []>, transpose_lhs_hint = false} : vector<200x128xf32>, vector<128x128xf32>, vector<200x128xf32> -> vector<200x128xf32>
    %get3A_6 = arith.constant 0 : index
    %get3A_7 = arith.constant 0 : index
    %get3A_8 = vector.load %arg2[%get3A_6, %get3A_7] : memref<3200x128xf32, #tpu.memory_space<vmem>>, vector<3200x128xf32>
    %get3A_9 = arith.constant 0 : index
    %get3A_10 = arith.constant 0 : index
    %get3A_11 = vector.load %arg6[%get3A_9, %get3A_10] : memref<128x128xf32, #tpu.memory_space<vmem>>, vector<128x128xf32>
    %dot_general3A_12 = arith.constant dense<0.000000e+00> : vector<3200x128xf32>
    %dot_general3A_13 = tpu.matmul %get3A_8, %get3A_11, %dot_general3A_12 {dimension_numbers = #tpu.dot_dimension_numbers<[1], [0], [0], [1], [0, 0, 1, 1], [], []>, transpose_lhs_hint = false} : vector<3200x128xf32>, vector<128x128xf32>, vector<3200x128xf32> -> vector<3200x128xf32>
    %get3A_14 = arith.constant 0 : index
    %get3A_15 = arith.constant 0 : index
    %get3A_16 = vector.load %arg3[%get3A_14, %get3A_15] : memref<3200x128xf32, #tpu.memory_space<vmem>>, vector<3200x128xf32>
    %get3A_17 = arith.constant 0 : index
    %get3A_18 = arith.constant 0 : index
    %get3A_19 = vector.load %arg7[%get3A_17, %get3A_18] : memref<128x128xf32, #tpu.memory_space<vmem>>, vector<128x128xf32>
    %dot_general3A_20 = arith.constant dense<0.000000e+00> : vector<3200x128xf32>
    %dot_general3A_21 = tpu.matmul %get3A_16, %get3A_19, %dot_general3A_20 {dimension_numbers = #tpu.dot_dimension_numbers<[1], [0], [0], [1], [0, 0, 1, 1], [], []>, transpose_lhs_hint = false} : vector<3200x128xf32>, vector<128x128xf32>, vector<3200x128xf32> -> vector<3200x128xf32>
    %add3A = arith.addf %dot_general3A_13, %dot_general3A_21 : vector<3200x128xf32>
    %reshape3A = vector.shape_cast %add3A : vector<3200x128xf32> to vector<200x16x128xf32>
    %broadcast_in_dim3A = vector.shape_cast %dot_general3A_5 : vector<200x128xf32> to vector<200x1x128xf32>
    %add3A_22 = vector.broadcast %broadcast_in_dim3A : vector<200x1x128xf32> to vector<200x16x128xf32>
    %add3A_23 = arith.addf %reshape3A, %add3A_22 : vector<200x16x128xf32>
    %get3A_24 = arith.constant 0 : index
    %get3A_25 = arith.constant 0 : index
    %get3A_26 = vector.load %arg8[%get3A_24, %get3A_25] : memref<1x128xf32, #tpu.memory_space<vmem>>, vector<1x128xf32>
    %broadcast_in_dim3A_27 = vector.shape_cast %get3A_26 : vector<1x128xf32> to vector<1x1x128xf32>
    %add3A_28 = vector.broadcast %broadcast_in_dim3A_27 : vector<1x1x128xf32> to vector<200x16x128xf32>
    %add3A_29 = arith.addf %add3A_23, %add3A_28 : vector<200x16x128xf32>
    %integer_pow3A = arith.mulf %add3A_29, %add3A_29 : vector<200x16x128xf32>
    %integer_pow3A_30 = arith.mulf %add3A_29, %integer_pow3A : vector<200x16x128xf32>
    %mul3A = arith.constant 4.471500e-02 : f32
    %mul3A_31 = vector.broadcast %mul3A : f32 to vector<200x16x128xf32>
    %mul3A_32 = arith.mulf %mul3A_31, %integer_pow3A_30 : vector<200x16x128xf32>
    %add3A_33 = arith.addf %add3A_29, %mul3A_32 : vector<200x16x128xf32>
    %mul3A_34 = arith.constant 0.797884583 : f32
    %mul3A_35 = vector.broadcast %mul3A_34 : f32 to vector<200x16x128xf32>
    %mul3A_36 = arith.mulf %mul3A_35, %add3A_33 : vector<200x16x128xf32>
    %tanh3A = math.tanh %mul3A_36 : vector<200x16x128xf32>
    %add3A_37 = arith.constant 1.000000e+00 : f32
    %add3A_38 = vector.broadcast %add3A_37 : f32 to vector<200x16x128xf32>
    %add3A_39 = arith.addf %add3A_38, %tanh3A : vector<200x16x128xf32>
    %mul3A_40 = arith.constant 5.000000e-01 : f32
    %mul3A_41 = vector.broadcast %mul3A_40 : f32 to vector<200x16x128xf32>
    %mul3A_42 = arith.mulf %mul3A_41, %add3A_39 : vector<200x16x128xf32>
    %mul3A_43 = arith.mulf %add3A_29, %mul3A_42 : vector<200x16x128xf32>
    %reshape3A_44 = vector.shape_cast %mul3A_43 : vector<200x16x128xf32> to vector<3200x128xf32>
    %get3A_45 = arith.constant 0 : index
    %get3A_46 = arith.constant 0 : index
    %get3A_47 = vector.load %arg9[%get3A_45, %get3A_46] : memref<128x128xf32, #tpu.memory_space<vmem>>, vector<128x128xf32>
    %dot_general3A_48 = arith.constant dense<0.000000e+00> : vector<3200x128xf32>
    %dot_general3A_49 = tpu.matmul %reshape3A_44, %get3A_47, %dot_general3A_48 {dimension_numbers = #tpu.dot_dimension_numbers<[1], [0], [0], [1], [0, 0, 1, 1], [], []>, transpose_lhs_hint = false} : vector<3200x128xf32>, vector<128x128xf32>, vector<3200x128xf32> -> vector<3200x128xf32>
    %get3A_50 = arith.constant 0 : index
    %get3A_51 = arith.constant 0 : index
    %get3A_52 = vector.load %arg10[%get3A_50, %get3A_51] : memref<1x128xf32, #tpu.memory_space<vmem>>, vector<1x128xf32>
    %add3A_53 = vector.broadcast %get3A_52 : vector<1x128xf32> to vector<3200x128xf32>
    %add3A_54 = arith.addf %dot_general3A_49, %add3A_53 : vector<3200x128xf32>
    %integer_pow3A_55 = arith.mulf %add3A_54, %add3A_54 : vector<3200x128xf32>
    %integer_pow3A_56 = arith.mulf %add3A_54, %integer_pow3A_55 : vector<3200x128xf32>
    %mul3A_57 = arith.constant 4.471500e-02 : f32
    %mul3A_58 = vector.broadcast %mul3A_57 : f32 to vector<3200x128xf32>
    %mul3A_59 = arith.mulf %mul3A_58, %integer_pow3A_56 : vector<3200x128xf32>
    %add3A_60 = arith.addf %add3A_54, %mul3A_59 : vector<3200x128xf32>
    %mul3A_61 = arith.constant 0.797884583 : f32
    %mul3A_62 = vector.broadcast %mul3A_61 : f32 to vector<3200x128xf32>
    %mul3A_63 = arith.mulf %mul3A_62, %add3A_60 : vector<3200x128xf32>
    %tanh3A_64 = math.tanh %mul3A_63 : vector<3200x128xf32>
    %add3A_65 = arith.constant 1.000000e+00 : f32
    %add3A_66 = vector.broadcast %add3A_65 : f32 to vector<3200x128xf32>
    %add3A_67 = arith.addf %add3A_66, %tanh3A_64 : vector<3200x128xf32>
    %mul3A_68 = arith.constant 5.000000e-01 : f32
    %mul3A_69 = vector.broadcast %mul3A_68 : f32 to vector<3200x128xf32>
    %mul3A_70 = arith.mulf %mul3A_69, %add3A_67 : vector<3200x128xf32>
    %mul3A_71 = arith.mulf %add3A_54, %mul3A_70 : vector<3200x128xf32>
    %get3A_72 = arith.constant 0 : index
    %get3A_73 = arith.constant 0 : index
    %get3A_74 = vector.load %arg11[%get3A_72, %get3A_73] : memref<128x128xf32, #tpu.memory_space<vmem>>, vector<128x128xf32>
    %dot_general3A_75 = arith.constant dense<0.000000e+00> : vector<3200x128xf32>
    %dot_general3A_76 = tpu.matmul %mul3A_71, %get3A_74, %dot_general3A_75 {dimension_numbers = #tpu.dot_dimension_numbers<[1], [0], [0], [1], [0, 0, 1, 1], [], []>, transpose_lhs_hint = false} : vector<3200x128xf32>, vector<128x128xf32>, vector<3200x128xf32> -> vector<3200x128xf32>
    %get3A_77 = arith.constant 0 : index
    %get3A_78 = arith.constant 0 : index
    %get3A_79 = vector.load %arg12[%get3A_77, %get3A_78] : memref<1x128xf32, #tpu.memory_space<vmem>>, vector<1x128xf32>
    %add3A_80 = vector.broadcast %get3A_79 : vector<1x128xf32> to vector<3200x128xf32>
    %add3A_81 = arith.addf %dot_general3A_76, %add3A_80 : vector<3200x128xf32>
    %reshape3A_82 = vector.shape_cast %add3A_81 : vector<3200x128xf32> to vector<200x16x128xf32>
    %get3A_83 = arith.constant 0 : index
    %get3A_84 = arith.constant 0 : index
    %get3A_85 = vector.load %arg4[%get3A_83, %get3A_84] : memref<200x16xf32, #tpu.memory_space<vmem>>, vector<200x16xf32>
    %broadcast_in_dim3A_86 = vector.shape_cast %get3A_85 : vector<200x16xf32> to vector<200x16x1xf32>
    %mul3A_87 = vector.broadcast %broadcast_in_dim3A_86 : vector<200x16x1xf32> to vector<200x16x128xf32>
    %mul3A_88 = arith.mulf %reshape3A_82, %mul3A_87 : vector<200x16x128xf32>
    %get3A_89 = arith.constant 0 : index
    %get3A_90 = arith.constant 0 : index
    %get3A_91 = vector.load %arg3[%get3A_89, %get3A_90] : memref<3200x128xf32, #tpu.memory_space<vmem>>, vector<3200x128xf32>
    %reshape3A_92 = vector.shape_cast %get3A_91 : vector<3200x128xf32> to vector<200x16x128xf32>
    %add3A_93 = arith.addf %reshape3A_92, %mul3A_88 : vector<200x16x128xf32>
    %get3A_94 = arith.constant 0 : index
    %get3A_95 = arith.constant 0 : index
    %get3A_96 = vector.load %arg13[%get3A_94, %get3A_95] : memref<1x128xf32, #tpu.memory_space<vmem>>, vector<1x128xf32>
    %broadcast_in_dim3A_97 = vector.shape_cast %get3A_96 : vector<1x128xf32> to vector<1x1x128xf32>
    %get3A_98 = arith.constant 0 : index
    %get3A_99 = arith.constant 0 : index
    %get3A_100 = vector.load %arg14[%get3A_98, %get3A_99] : memref<1x128xf32, #tpu.memory_space<vmem>>, vector<1x128xf32>
    %broadcast_in_dim3A_101 = vector.shape_cast %get3A_100 : vector<1x128xf32> to vector<1x1x128xf32>
    %reduce_sum3A = arith.constant dense<0.000000e+00> : vector<200x16xf32>
    %reduce_sum3A_102 = vector.multi_reduction <add>, %add3A_93, %reduce_sum3A [2] : vector<200x16x128xf32> to vector<200x16xf32>
    %broadcast_in_dim3A_103 = vector.shape_cast %reduce_sum3A_102 : vector<200x16xf32> to vector<200x16x1xf32>
    %div3A = arith.constant 1.280000e+02 : f32
    %div3A_104 = vector.broadcast %div3A : f32 to vector<200x16x1xf32>
    %div3A_105 = arith.divf %broadcast_in_dim3A_103, %div3A_104 : vector<200x16x1xf32>
    %sub3A = vector.broadcast %div3A_105 : vector<200x16x1xf32> to vector<200x16x128xf32>
    %sub3A_106 = arith.subf %add3A_93, %sub3A : vector<200x16x128xf32>
    %integer_pow3A_107 = arith.mulf %sub3A_106, %sub3A_106 : vector<200x16x128xf32>
    %reduce_sum3A_108 = arith.constant dense<0.000000e+00> : vector<200x16xf32>
    %reduce_sum3A_109 = vector.multi_reduction <add>, %integer_pow3A_107, %reduce_sum3A_108 [2] : vector<200x16x128xf32> to vector<200x16xf32>
    %broadcast_in_dim3A_110 = vector.shape_cast %reduce_sum3A_109 : vector<200x16xf32> to vector<200x16x1xf32>
    %div3A_111 = arith.constant 1.280000e+02 : f32
    %div3A_112 = vector.broadcast %div3A_111 : f32 to vector<200x16x1xf32>
    %div3A_113 = arith.divf %broadcast_in_dim3A_110, %div3A_112 : vector<200x16x1xf32>
    %sub3A_114 = vector.broadcast %div3A_105 : vector<200x16x1xf32> to vector<200x16x128xf32>
    %sub3A_115 = arith.subf %add3A_93, %sub3A_114 : vector<200x16x128xf32>
    %add3A_116 = arith.constant 9.99999974E-6 : f32
    %add3A_117 = vector.broadcast %add3A_116 : f32 to vector<200x16x1xf32>
    %add3A_118 = arith.addf %div3A_113, %add3A_117 : vector<200x16x1xf32>
    %sqrt3A = math.sqrt %add3A_118 : vector<200x16x1xf32>
    %div3A_119 = vector.broadcast %sqrt3A : vector<200x16x1xf32> to vector<200x16x128xf32>
    %div3A_120 = arith.divf %sub3A_115, %div3A_119 : vector<200x16x128xf32>
    %mul3A_121 = vector.broadcast %broadcast_in_dim3A_97 : vector<1x1x128xf32> to vector<200x16x128xf32>
    %mul3A_122 = arith.mulf %div3A_120, %mul3A_121 : vector<200x16x128xf32>
    %add3A_123 = vector.broadcast %broadcast_in_dim3A_101 : vector<1x1x128xf32> to vector<200x16x128xf32>
    %add3A_124 = arith.addf %mul3A_122, %add3A_123 : vector<200x16x128xf32>
    %reshape3A_125 = vector.shape_cast %add3A_124 : vector<200x16x128xf32> to vector<3200x128xf32>
    %swap3A = arith.constant 0 : index
    %swap3A_126 = arith.constant 0 : index
    %swap3A_127 = vector.load %arg15[%swap3A, %swap3A_126] : memref<3200x128xf32, #tpu.memory_space<vmem>>, vector<3200x128xf32>
    tpu.vector_store %arg15[%swap3A, %swap3A_126], %reshape3A_125 {strides = array<i32>} : memref<3200x128xf32, #tpu.memory_space<vmem>>, vector<3200x128xf32>,
    return
  }
  func.func @transform_0(%arg0: i32) -> (i32, i32) {
    %add3A = arith.constant 0 : i32
    %add3A_0 = arith.addi %arg0, %add3A : i32
    %c0_i32 = arith.constant 0 : i32
    %c0_i32_1 = arith.constant 0 : i32
    return %add3A_0, %c0_i32 : i32, i32
  }
  func.func @transform_1(%arg0: i32) -> (i32, i32) {
    %add3A = arith.constant 0 : i32
    %add3A_0 = arith.addi %arg0, %add3A : i32
    %c0_i32 = arith.constant 0 : i32
    %c0_i32_1 = arith.constant 0 : i32
    return %add3A_0, %c0_i32 : i32, i32
  }
  func.func @transform_2(%arg0: i32) -> (i32, i32) {
    %add3A = arith.constant 0 : i32
    %add3A_0 = arith.addi %arg0, %add3A : i32
    %c0_i32 = arith.constant 0 : i32
    %c0_i32_1 = arith.constant 0 : i32
    return %add3A_0, %c0_i32 : i32, i32
  }
  func.func @transform_3(%arg0: i32) -> (i32, i32) {
    %add3A = arith.constant 0 : i32
    %add3A_0 = arith.addi %arg0, %add3A : i32
    %c0_i32 = arith.constant 0 : i32
    %c0_i32_1 = arith.constant 0 : i32
    return %add3A_0, %c0_i32 : i32, i32
  }
  func.func @transform_4(%arg0: i32) -> (i32, i32) {
    %c0_i32 = arith.constant 0 : i32
    %c0_i32_0 = arith.constant 0 : i32
    %c0_i32_1 = arith.constant 0 : i32
    return %c0_i32, %c0_i32_0 : i32, i32
  }
  func.func @transform_5(%arg0: i32) -> (i32, i32) {
    %c0_i32 = arith.constant 0 : i32
    %c0_i32_0 = arith.constant 0 : i32
    %c0_i32_1 = arith.constant 0 : i32
    return %c0_i32, %c0_i32_0 : i32, i32
  }
  func.func @transform_6(%arg0: i32) -> (i32, i32) {
    %c0_i32 = arith.constant 0 : i32
    %c0_i32_0 = arith.constant 0 : i32
    %c0_i32_1 = arith.constant 0 : i32
    return %c0_i32, %c0_i32_0 : i32, i32
  }
  func.func @transform_7(%arg0: i32) -> (i32, i32) {
    %c0_i32 = arith.constant 0 : i32
    %c0_i32_0 = arith.constant 0 : i32
    %c0_i32_1 = arith.constant 0 : i32
    return %c0_i32, %c0_i32_0 : i32, i32
  }
  func.func @transform_8(%arg0: i32) -> (i32, i32) {
    %c0_i32 = arith.constant 0 : i32
    %c0_i32_0 = arith.constant 0 : i32
    %c0_i32_1 = arith.constant 0 : i32
    return %c0_i32, %c0_i32_0 : i32, i32
  }
  func.func @transform_9(%arg0: i32) -> (i32, i32) {
    %c0_i32 = arith.constant 0 : i32
    %c0_i32_0 = arith.constant 0 : i32
    %c0_i32_1 = arith.constant 0 : i32
    return %c0_i32, %c0_i32_0 : i32, i32
  }
  func.func @transform_10(%arg0: i32) -> (i32, i32) {
    %c0_i32 = arith.constant 0 : i32
    %c0_i32_0 = arith.constant 0 : i32
    %c0_i32_1 = arith.constant 0 : i32
    return %c0_i32, %c0_i32_0 : i32, i32
  }
  func.func @transform_11(%arg0: i32) -> (i32, i32) {
    %c0_i32 = arith.constant 0 : i32
    %c0_i32_0 = arith.constant 0 : i32
    %c0_i32_1 = arith.constant 0 : i32
    return %c0_i32, %c0_i32_0 : i32, i32
  }
  func.func @transform_12(%arg0: i32) -> (i32, i32) {
    %c0_i32 = arith.constant 0 : i32
    %c0_i32_0 = arith.constant 0 : i32
    %c0_i32_1 = arith.constant 0 : i32
    return %c0_i32, %c0_i32_0 : i32, i32
  }
  func.func @transform_13(%arg0: i32) -> (i32, i32) {
    %c0_i32 = arith.constant 0 : i32
    %c0_i32_0 = arith.constant 0 : i32
    %c0_i32_1 = arith.constant 0 : i32
    return %c0_i32, %c0_i32_0 : i32, i32
  }
  func.func @transform_14(%arg0: i32) -> (i32, i32) {
    %add3A = arith.constant 0 : i32
    %add3A_0 = arith.addi %arg0, %add3A : i32
    %c0_i32 = arith.constant 0 : i32
    %c0_i32_1 = arith.constant 0 : i32
    return %add3A_0, %c0_i32 : i32, i32
  }
}

</mosaic_0001>

<sc_bundles>
// kernel: kernel.10.cloned.1.call-start
scs
__scs_entry_jumppad:
0x0: {  	(pc) =	sbr.rel $0x88, $3  }
0x1: {  	(tag) =	ssettag $0x0;
	lr =	simm.s32 $0x1  }
0x2: {  	[smem:$0x3F87] =	sst lr;
	_ =	strace $0xD0000000  }
0x3: {  	_ = 	snop  }
0x4: {  	_ = 	snop  }
0x5: {  	_ = 	snop  }
0x6: {  	_ = 	snop  }
0x7: {  	_ = 	snop  }
__scs_overlays_trampoline_lowered:
0x8: {  	[smem:$0x3F96] =	sst s0  }
0x9: {  	[smem:$0x3F97] =	sst s1  }
0xa: {  	[smem:$0x3F98] =	sst s2  }
0xb: {  	[smem:$0x3F99] =	sst s3  }
0xc: {  	[smem:$0x3F9A] =	sst s4  }
0xd: {  	[smem:$0x3F9B] =	sst s5  }
0xe: {  	[smem:$0x3F9C] =	sst s6  }
0xf: {  	[smem:$0x3F9D] =	sst s7  }
0x10: {  	[smem:$0x3F9E] =	sst s8  }
0x11: {  	[smem:$0x3F9F] =	sst s9;
	s0 =	simm.s32 @!p0 $0x0  }
0x12: {  	s1 =	sld [smem:$0x3F85];
	s0 =	simm.s32 @p0 $0x1  }
0x13: {  	[smem:$0x3FA0] =	sst s0;
	s0 =	simm.s32 @!p1 $0x0  }
0x14: {  	s2 =	sld [smem:$0x3F84];
	s0 =	simm.s32 @p1 $0x1  }
0x15: {  	[smem:$0x3FA1] =	sst s0;
	s0 =	simm.s32 @!p2 $0x0  }
0x16: {  	s3 =	sld [smem:$0x3FDB];
	s0 =	simm.s32 @p2 $0x1  }
0x17: {  	s4 =	simm.s32 $0x1BF5;
	[smem:$0x3FA3] =	sst s0  }
0x18: {  	s0 =	sld [smem:$0x3F86];
	_ =	swait.ge [sflag:s4], $0x0  }
0x19: {  	s7 =	sld [smem:$0x3F87]  }
0x1a: {  	s8 =	sadd.s32 $0xFFFFE003, lr  }
0x1b: {  	s9 =	sadd.s32 $0xFFFFFEF7, lr;
	s5 =	simm.s32 $0xFFFFFFFF;
	p2 =	slt.u32 s8, $0xFFFFF086  }
0x1c: {  	p1 =	slt.u32 s9, $0xF7A;
	s5 =	simm.s32 @!p2 $0x0  }
0x1d: {  	s5 =	simm.s32 @p1 $0x1;
	p0 =	seq.s32 s7, s2  }
0x1e: {  	s7 =	smul.u32 @!p0 $0xF7A, s2;
	p2 =	seq.s32 @!p0 s5, $0x0  }
0x1f: {  	s9 =	smul.u32 $0xF7A, s1;
	s8 =	simm.s32 @!p0 $0x1BF5;
	p2 =	por !p2, p0  }
0x20: {  	[sflag:s8] =	ssyncset.s32 @!p0 $0xFFFFF086;
	s6 =	sadd.s32 @!p0 s3, s7;
	s7 =	simm.s32 @!p0 $0x108  }
0x21: {  	s3 =	sadd.s32 s3, s9;
	s6 =	sadd.s32 @!p0 $0x88, s6;
	s7 =	simm.s32 @p2 $0x1082  }
0x22: {  	[simem:s7], [sflag:s8] =	dma.local @!p0 [hbm:s6], $0xF7A  }
0x23: {  	s9 =	sor.u32 $0xD0000000, s2;
	s6 =	simm.s32 $0x108;
	_ =	swait.ge @!p0 [sflag:s8], $0x0  }
0x24: {  	s3 =	sadd.s32 $0x88, s3;
	s6 =	simm.s32 @!p1 $0x1082;
	[sflag:s4] =	ssyncset.s32 $0xFFFFF086  }
0x25: {  	[simem:s6], [sflag:s4] =	dma.local [hbm:s3], $0xF7A  }
0x26: {  	[smem:$0x3F87] =	sst s1;
	(tag) =	ssettag s2;
	_ =	strace s9  }
0x27: {  	s1 =	sld [smem:$0x3F97]  }
0x28: {  	s2 =	sld [smem:$0x3F98]  }
0x29: {  	s4 =	sld [smem:$0x3F9A]  }
0x2a: {  	p0 =	seq.s32 s5, $0x0;
	s5 =	sld [smem:$0x3F9B]  }
0x2b: {  	s6 =	sld [smem:$0x3F9C]  }
0x2c: {  	s7 =	sld [smem:$0x3F9D]  }
0x2d: {  	s3 =	simm.s32 $0x108;
	s8 =	sld [smem:$0x3F9E]  }
0x2e: {  	s3 =	simm.s32 @!p0 $0x1082;
	s9 =	sld [smem:$0x3F9F]  }
0x2f: {  	lr =	sadd.s32 s0, s3;
	s0 =	sld [smem:$0x3F96]  }
0x30: {  	s3 =	sld [smem:$0x3F99]  }
0x31: {  	[smem:$0x3FA2] =	sst s10  }
0x32: {  	s10 =	sld [smem:$0x3FA0];
	_ =	sdelay $0x3  }
0x33: {  	p0 =	seq.s32 s10, $0x1;
	s10 =	sld [smem:$0x3FA2];
	_ =	sdelay $0x3  }
0x34: {  	[smem:$0x3FA2] =	sst s10  }
0x35: {  	s10 =	sld [smem:$0x3FA1];
	_ =	sdelay $0x3  }
0x36: {  	p1 =	seq.s32 s10, $0x1;
	s10 =	sld [smem:$0x3FA2];
	_ =	sdelay $0x3  }
0x37: {  	[smem:$0x3FA2] =	sst s10  }
0x38: {  	s10 =	sld [smem:$0x3FA3]  }
0x39: {  	_ = 	snop;
	(pc) =	sbr.ind lr, $3  }
0x3a: {  	_ = 	snop  }
0x3b: {  	_ = 	snop  }
0x3c: {  	p2 =	seq.s32 s10, $0x1;
	s10 =	sld [smem:$0x3FA2]  }
0x3d: {  	_ =	shalt  }
0x3e: {  	_ =	shalt  }
0x3f: {  	_ =	shalt  }
0x40: {  	_ =	shalt  }
0x41: {  	_ =	shalt  }
0x42: {  	_ =	shalt  }
0x43: {  	_ =	shalt  }
0x44: {  	_ =	shalt  }
0x45: {  	_ =	shalt  }
0x46: {  	_ =	shalt  }
0x47: {  	_ =	shalt  }
0x48: {  	_ =	shalt  }
0x49: {  	_ =	shalt  }
0x4a: {  	_ =	shalt  }
0x4b: {  	_ =	shalt  }
0x4c: {  	_ =	shalt  }
0x4d: {  	_ =	shalt  }
0x4e: {  	_ =	shalt  }
0x4f: {  	_ =	shalt  }
0x50: {  	_ =	shalt  }
0x51: {  	_ =	shalt  }
0x52: {  	_ =	shalt  }
0x53: {  	_ =	shalt  }
0x54: {  	_ =	shalt  }
0x55: {  	_ =	shalt  }
0x56: {  	_ =	shalt  }
0x57: {  	_ =	shalt  }
0x58: {  	_ =	shalt  }
0x59: {  	_ =	shalt  }
0x5a: {  	_ =	shalt  }
0x5b: {  	_ =	shalt  }
0x5c: {  	_ =	shalt  }
0x5d: {  	_ =	shalt  }
0x5e: {  	_ =	shalt  }
0x5f: {  	_ =	shalt  }
0x60: {  	_ =	shalt  }
0x61: {  	_ =	shalt  }
0x62: {  	_ =	shalt  }
0x63: {  	_ =	shalt  }
0x64: {  	_ =	shalt  }
0x65: {  	_ =	shalt  }
0x66: {  	_ =	shalt  }
0x67: {  	_ =	shalt  }
0x68: {  	_ =	shalt  }
0x69: {  	_ =	shalt  }
0x6a: {  	_ =	shalt  }
0x6b: {  	_ =	shalt  }
0x6c: {  	_ =	shalt  }
0x6d: {  	_ =	shalt  }
0x6e: {  	_ =	shalt  }
0x6f: {  	_ =	shalt  }
0x70: {  	_ =	shalt  }
0x71: {  	_ =	shalt  }
0x72: {  	_ =	shalt  }
0x73: {  	_ =	shalt  }
0x74: {  	_ =	shalt  }
0x75: {  	_ =	shalt  }
0x76: {  	_ =	shalt  }
0x77: {  	_ =	shalt  }
0x78: {  	_ =	shalt  }
0x79: {  	_ =	shalt  }
0x7a: {  	_ =	shalt  }
0x7b: {  	_ =	shalt  }
0x7c: {  	_ =	shalt  }
0x7d: {  	_ =	shalt  }
0x7e: {  	_ =	shalt  }
0x7f: {  	_ =	shalt  }
0x80: {  	_ =	shalt  }
0x81: {  	_ =	shalt  }
0x82: {  	_ =	shalt  }
0x83: {  	_ =	shalt  }
0x84: {  	_ =	shalt  }
0x85: {  	_ =	shalt  }
0x86: {  	_ =	shalt  }
0x87: {  	_ =	shalt  }
.Lfunc_end0:
.L_simem_size_0:
called_computation_lowered:
.L_overlay_start_0:
0x88: {  	s2 =	sld [smem:$0x3FD9]  }
0x89: {  	s3 =	sld [smem:$0x3FFE];
	_ =	sdelay $0x1  }
0x8a: {  	s1 =	srdreg.scid  }
0x8b: {  	s0 =	sand.u32 $0x1, s1  }
0x8c: {  	s17 =	sshll.u32 s0, $0xA;
	s2 =	sadd.s32 s3, s2  }
0x8d: {  	s2 =	sadd.s32 s2, s17  }
0x8e: {  	[smem:$0x3FAE] =	sst s2  }
0x8f: {  	_ = 	snop  }
0x90: {  	s2 =	sld [smem:$0x3FC9];
	(tm) =	ssettm $0x1  }
0x91: {  	s18 =	sld [smem:$0x3FFB];
	_ =	sdelay $0x3  }
0x92: {  	_ =	strace s18  }
0x93: {  	s3 =	sld [smem:$0x3FFC];
	_ =	sdelay $0x3  }
0x94: {  	_ =	strace s3  }
0x95: {  	s3 =	sld [smem:$0x3FFD];
	_ =	sdelay $0x3  }
0x96: {  	_ =	strace s3  }
0x97: {  	_ =	strace $0x8FFFFFFF  }
0x98: {  	s19 =	sld [smem:$0x3FDB];
	_ =	sdelay $0x1  }
0x99: {  	s4 =	simm.s32 $_scs_section_size  }
0x9a: {  	s5 =	simm.s32 $_size__tile_overlayer_lowered;
	s6 =	simm.s32 $_tile_overlayer_lowered  }
0x9b: {  	s22 =	simm.s32 $0x1BFF;
	s21 =	sshll.u32 s6, $0x1;
	s3 =	sadd.s32 s4, s19  }
0x9c: {  	s7 =	simm.s32 $0x0;
	s20 =	sshll.u32 s5, $0x1;
	s5 =	sadd.s32 s21, s3  }
0x9d: {  	[timem:s7], [sflag:s22] =	dma.local [hbm:s5], s20  }
0x9e: {  	_ =	swait.ge [sflag:s22], s20  }
0x9f: {  	s4 =	ssub.s32 $0x0, s20;
	[sflag:s22] =	ssyncset.done $0x0  }
0xa0: {  	[sflag:s22] =	ssyncadd.s32 s4;
	_ =	sdelay $0x1  }
0xa1: {  	s23 =	simm.s32 $0x1B8B  }
0xa2: {  	_ =	swait.ge [sflag:s23], $0x1  }
0xa3: {  	[sflag:s23] =	ssyncset.done $0x0  }
0xa4: {  	s25 =	simm.s32 $0x1B8E;
	s24 =	sld [smem:$0x3FFE];
	[sflag:s23] =	ssyncadd.s32 $0xFFFFFFFF  }
0xa5: {  	s26 =	simm.s32 $execute0_lowered;
	[smem:$0x3FD2] =	sst s25  }
0xa6: {  	s5 =	sshll.u32 s26, $0x1;
	_ =	strace $0x80000046;
	[dreg:$0x1] =	wrdreg $0xFFFFFFFF  }
0xa7: {  	s28 =	simm.s32 $_size_execute0_lowered;
	s3 =	sadd.s32 s3, s5;
	[dreg:$0x0] =	wrdreg $0x0  }
0xa8: {  	s5 =	sshll.u32 s28, $0x1;
	[dreg:$0x2] =	wrdreg s3  }
0xa9: {  	[dreg:$0x3] =	wrdreg s5  }
0xaa: {  	[dreg:$0x4] =	wrdreg $0xC0  }
0xab: {  	_ =	task [dreg:s7], $0x5FFFF  }
0xac: {  	[dreg:$0x1] =	wrdreg $0xFFFFFFFF  }
0xad: {  	[dreg:$0x0] =	wrdreg $0x60  }
0xae: {  	[dreg:$0x2] =	wrdreg s2  }
0xaf: {  	[dreg:$0x3] =	wrdreg s24  }
0xb0: {  	[dreg:$0x4] =	wrdreg $0x9  }
0xb1: {  	_ =	task.clear_ibuf [dreg:s7], $0x5FFFF;
	_ =	strace $0x90000046  }
0xb2: {  	s29 =	simm.s32 $0x9;
	_ =	strace $0x80000048  }
0xb3: {  	_ =	swait.ge [sflag:s29], $0x1  }
0xb4: {  	[sflag:s29] =	ssyncadd.s32 $0xFFFFFFFF  }
0xb5: {  	_ =	strace $0x90000048  }
0xb6: {  	_ =	sfence  }
0xb7: {  	s30 =	sld [smem:$0x0];
	_ =	sdelay $0x2  }
0xb8: {  	s31 =	sshll.u32 s1, $0xD;
	s1 =	sshrl.u32 s1, $0x2  }
0xb9: {  	s3 =	sand.u32 $0x4000, s31;
	s1 =	sadd.s32 s1, s30  }
0xba: {  	s0 =	sor.u32 s3, s0;
	s1 =	sshll.u32 s1, $0x11  }
0xbb: {  	s0 =	sor.u32 s1, s0  }
0xbc: {  	s0 =	sadd.s32 $0x8F2B, s0  }
0xbd: {  	[sflag:s0] =	ssyncadd.remote.s32 $0x1  }
0xbe: {  	_ =	sfence.sel $0xFFFF  }
0xbf: {  	[dreg:$0x0] =	wrdreg $0xFFFFFFFF;
	(pc) =	sbr.abs _section_cstart, $3  }
0xc0: {  	[dreg:$0x1] =	wrdreg $0xFFFFFFFF  }
0xc1: {  	_ =	task.clear_ibuf [dreg:s7], $0x2FFFF;
	_ =	strace $0x9FFFFFFF  }
0xc2: {  	(tm) =	ssettm $0x7FFFFFFF  }
0xc3: {  	_ =	shalt  }
tec
execute0_lowered:
.L_overlay_start_1:
0x0: {  	(tag) =	ssettag $0x1  }
0x1: {  	s0 =	srdreg.scid;
	s2 =	rddreg [dreg:$0x0]  }
0x2: {  	s8 =	stileid.u32;
	s4 =	rddreg [dreg:$0x1]  }
0x3: {  	s3 =	simm.s32 $0x0;
	s14 =	simm.s32 $0x9;
	s15 =	simm.s32 $0x80  }
0x4: {  	s16 =	simm.s32 $0xC00;
	s17 =	simm.s32 $0x4C00;
	s18 =	simm.s32 $0x1  }
0x5: {  	s20 =	simm.s32 $0x8C00;
	s21 =	simm.s32 $0x2;
	s23 =	simm.s32 $0xCC00  }
0x6: {  	s28 =	simm.s32 $0x6;
	s29 =	simm.s32 $0x7;
	s30 =	simm.s32 $0x8  }
0x7: {  	s0 =	sand.u32 $0x1, s0;
	s1 =	sshll.u32 s8, $0x1;
	s8 =	smul.u32 $0x28, s8  }
0x8: {  	s1 =	sor.u32 s0, s1;
	s7 =	ssub.s32 $0x2, s0;
	s0 =	smul.u32 $0x14, s0  }
0x9: {  	s31 =	simm.s32 $0x0;
	[smem:$0x7FF] =	sst s3;
	s5 =	smul.u32 $0x180, s1  }
0xa: {  	s10 =	sadd.s32 $0x8000, s4;
	s6 =	smul.u32 $0xA000, s1;
	s9 =	sshrl.u32 s7, $0x1  }
0xb: {  	_ =	strace $0x80000047;
	s1 =	smul.u32 $0x50000, s1;
	s9 =	ssub.s32 s7, s9  }
0xc: {  	s0 =	sadd.s32 s0, s8;
	s5 =	sadd.s32 s5, s4;
	s24 =	sadd.s32 s10, s6  }
0xd: {  	s1 =	sshrl.u32 s1, $0x3;
	s4 =	sadd.s32 $0x8800, s4;
	s0 =	sshll.u32 s0, $0xB  }
0xe: {  	s9 =	smax.u32 s9, $0x1;
	s5 =	sadd.s32 $0x5000, s5;
	[dreg:$0x4] =	wrdreg s24  }
0xf: {  	s1 =	sadd.s32 s10, s1;
	s25 =	sadd.s32 s6, s4;
	s26 =	sadd.s32 s0, s10  }
0x10: {  	s0 =	sadd.s32 s4, s0;
	s24 =	simm.s32 $0x3;
	[dreg:$0x3] =	wrdreg s5  }
0x11: {  	[dreg:$0x5] =	wrdreg s25;
	s7 =	sadd.s32 $0x9000, s1;
	s8 =	sadd.s32 $0x9800, s1  }
0x12: {  	s10 =	sadd.s32 $0x1800, s26;
	s11 =	sadd.s32 $0x1000, s26;
	s12 =	sadd.s32 $0x2000, s26  }
0x13: {  	s13 =	sadd.s32 $0x2000, s0;
	s25 =	simm.s32 $0x5;
	s26 =	simm.s32 $0x4  }
.LBB2_1:
0x14: {  	s0 =	rddreg [dreg:$0x3]  }
0x15: {  	[tilespmem:s3], [sflag:$0x9] =	stream.linear.gather [hbm4b:s0+s3], $0xA00, $0x38;
	[tilespmem:$0x10C00] =	vst v63  }
0x16: {  	_ =	swait.ge [sflag:s14], $0xA00  }
0x17: {  	[sflag:s14] =	ssyncset.done $0x0  }
0x18: {  	[sflag:s14] =	ssyncadd.s32 $0xFFFFF600  }
0x19: {  	[tilespmem:s16], [sflag:$0x1] =	stream.indirect.gather [hbm4b:s2+s15], $0x80, s3, s15, $0xb8;
	[tilespmem:$0x10C00] =	vst v63  }
0x1a: {  	_ = 	snop  }
0x1b: {  	[tilespmem:s17], [sflag:$0x2] =	stream.indirect.gather [hbm4b:s2+s15], $0x80, s15, s15, $0xb8;
	[tilespmem:$0x10C00] =	vst v63  }
0x1c: {  	_ =	swait.ge [sflag:s18], $0x4000  }
0x1d: {  	[sflag:s18] =	ssyncset.done $0x0  }
0x1e: {  	s22 =	rddreg [dreg:$0x4];
	[sflag:s18] =	ssyncadd.s32 $0xFFFFC000  }
0x1f: {  	[hbm4b:s22+s3] =	stream.linear.scatter [tilespmem:s16], [sflag:$0x5], $0x4000, $0x38;
	[tilespmem:$0x10C00] =	vst v63  }
0x20: {  	s1 =	simm.s32 $0x100  }
0x21: {  	[tilespmem:s20], [sflag:$0x3] =	stream.indirect.gather [hbm4b:s2+s15], $0x80, s1, s15, $0xb8;
	[tilespmem:$0x10C00] =	vst v63  }
0x22: {  	_ =	swait.ge [sflag:s21], $0x4000  }
0x23: {  	[sflag:s21] =	ssyncset.done $0x0  }
0x24: {  	s4 =	rddreg [dreg:$0x5];
	[sflag:s21] =	ssyncadd.s32 $0xFFFFC000  }
0x25: {  	[hbm4b:s4+s3] =	stream.linear.scatter [tilespmem:s17], [sflag:$0x6], $0x4000, $0x38;
	[tilespmem:$0x10C00] =	vst v63  }
0x26: {  	s5 =	simm.s32 $0x180  }
0x27: {  	[tilespmem:s23], [sflag:$0x4] =	stream.indirect.gather [hbm4b:s2+s15], $0x80, s5, s15, $0xb8;
	[tilespmem:$0x10C00] =	vst v63  }
0x28: {  	_ =	swait.ge [sflag:s24], $0x4000  }
0x29: {  	[sflag:s24] =	ssyncset.done $0x0  }
0x2a: {  	[sflag:s24] =	ssyncadd.s32 $0xFFFFC000  }
0x2b: {  	[hbm4b:s11+s3] =	stream.linear.scatter [tilespmem:s20], [sflag:$0x7], $0x4000, $0x38;
	[tilespmem:$0x10C00] =	vst v63  }
0x2c: {  	_ =	swait.ge [sflag:s25], $0x4000  }
0x2d: {  	[sflag:s25] =	ssyncset.done $0x0  }
0x2e: {  	s6 =	simm.s32 $0x200;
	[sflag:s25] =	ssyncadd.s32 $0xFFFFC000  }
0x2f: {  	[tilespmem:s16], [sflag:$0x1] =	stream.indirect.gather [hbm4b:s2+s15], $0x80, s6, s15, $0xb8;
	[tilespmem:$0x10C00] =	vst v63  }
0x30: {  	_ =	swait.ge [sflag:s26], $0x4000  }
0x31: {  	[sflag:s26] =	ssyncset.done $0x0  }
0x32: {  	[sflag:s26] =	ssyncadd.s32 $0xFFFFC000  }
0x33: {  	[hbm4b:s10+s3] =	stream.linear.scatter [tilespmem:s23], [sflag:$0x8], $0x4000, $0x38;
	[tilespmem:$0x10C00] =	vst v63  }
0x34: {  	_ =	swait.ge [sflag:s28], $0x4000  }
0x35: {  	[sflag:s28] =	ssyncset.done $0x0  }
0x36: {  	s19 =	simm.s32 $0x280;
	[sflag:s28] =	ssyncadd.s32 $0xFFFFC000  }
0x37: {  	[tilespmem:s17], [sflag:$0x2] =	stream.indirect.gather [hbm4b:s2+s15], $0x80, s19, s15, $0xb8;
	[tilespmem:$0x10C00] =	vst v63  }
0x38: {  	_ =	swait.ge [sflag:s18], $0x4000  }
0x39: {  	[sflag:s18] =	ssyncset.done $0x0  }
0x3a: {  	[sflag:s18] =	ssyncadd.s32 $0xFFFFC000  }
0x3b: {  	[hbm4b:s12+s3] =	stream.linear.scatter [tilespmem:s16], [sflag:$0x5], $0x4000, $0x38;
	[tilespmem:$0x10C00] =	vst v63  }
0x3c: {  	_ =	swait.ge [sflag:s29], $0x4000  }
0x3d: {  	[sflag:s29] =	ssyncset.done $0x0  }
0x3e: {  	s22 =	simm.s32 $0x300;
	[sflag:s29] =	ssyncadd.s32 $0xFFFFC000  }
0x3f: {  	[tilespmem:s20], [sflag:$0x3] =	stream.indirect.gather [hbm4b:s2+s15], $0x80, s22, s15, $0xb8;
	[tilespmem:$0x10C00] =	vst v63  }
0x40: {  	_ =	swait.ge [sflag:s21], $0x4000  }
0x41: {  	[sflag:s21] =	ssyncset.done $0x0  }
0x42: {  	[sflag:s21] =	ssyncadd.s32 $0xFFFFC000  }
0x43: {  	[hbm4b:s13+s3] =	stream.linear.scatter [tilespmem:s17], [sflag:$0x6], $0x4000, $0x38;
	[tilespmem:$0x10C00] =	vst v63  }
0x44: {  	s0 =	sadd.s32 $0x2000, s13;
	s1 =	simm.s32 $0x800;
	_ =	swait.ge [sflag:s30], $0x4000  }
0x45: {  	s4 =	sadd.s32 $0x2000, s10;
	s5 =	simm.s32 $0x380;
	[sflag:s30] =	ssyncset.done $0x0  }
0x46: {  	s19 =	sadd.s32 $0x2000, s11;
	s22 =	sadd.s32 $0x2000, s12;
	[sflag:s30] =	ssyncadd.s32 $0xFFFFC000  }
.LBB2_2:
0x47: {  	[tilespmem:s23], [sflag:$0x4] =	stream.indirect.gather [hbm4b:s2+s15], $0x80, s5, s15, $0xb8;
	[tilespmem:$0x10C00] =	vst v63  }
0x48: {  	s5 =	smov.u32 s1  }
0x49: {  	p0 =	sne.s32 s1, $0x1800;
	s1 =	sadd.s32 $0x800, s1;
	_ =	swait.ge [sflag:s24], $0x4000  }
0x4a: {  	[sflag:s24] =	ssyncset.done $0x0  }
0x4b: {  	[sflag:s24] =	ssyncadd.s32 $0xFFFFC000  }
0x4c: {  	[hbm4b:s19+s3] =	stream.linear.scatter [tilespmem:s20], [sflag:$0x7], $0x4000, $0x38;
	[tilespmem:$0x10C00] =	vst v63  }
0x4d: {  	_ =	swait.ge [sflag:s25], $0x4000  }
0x4e: {  	s5 =	sshra.s32 s5, $0x2;
	[sflag:s25] =	ssyncset.done $0x0  }
0x4f: {  	s6 =	sadd.s32 $0x200, s5;
	[sflag:s25] =	ssyncadd.s32 $0xFFFFC000  }
0x50: {  	[tilespmem:s16], [sflag:$0x1] =	stream.indirect.gather [hbm4b:s2+s15], $0x80, s6, s15, $0xb8;
	[tilespmem:$0x10C00] =	vst v63  }
0x51: {  	_ =	swait.ge [sflag:s26], $0x4000  }
0x52: {  	[sflag:s26] =	ssyncset.done $0x0  }
0x53: {  	[sflag:s26] =	ssyncadd.s32 $0xFFFFC000  }
0x54: {  	[hbm4b:s4+s3] =	stream.linear.scatter [tilespmem:s23], [sflag:$0x8], $0x4000, $0x38;
	[tilespmem:$0x10C00] =	vst v63  }
0x55: {  	_ =	swait.ge [sflag:s28], $0x4000  }
0x56: {  	[sflag:s28] =	ssyncset.done $0x0  }
0x57: {  	s6 =	sadd.s32 $0x280, s5;
	[sflag:s28] =	ssyncadd.s32 $0xFFFFC000  }
0x58: {  	[tilespmem:s17], [sflag:$0x2] =	stream.indirect.gather [hbm4b:s2+s15], $0x80, s6, s15, $0xb8;
	[tilespmem:$0x10C00] =	vst v63  }
0x59: {  	_ =	swait.ge [sflag:s18], $0x4000  }
0x5a: {  	[sflag:s18] =	ssyncset.done $0x0  }
0x5b: {  	[sflag:s18] =	ssyncadd.s32 $0xFFFFC000  }
0x5c: {  	[hbm4b:s22+s3] =	stream.linear.scatter [tilespmem:s16], [sflag:$0x5], $0x4000, $0x38;
	[tilespmem:$0x10C00] =	vst v63  }
0x5d: {  	_ =	swait.ge [sflag:s29], $0x4000  }
0x5e: {  	[sflag:s29] =	ssyncset.done $0x0  }
0x5f: {  	s6 =	sadd.s32 $0x300, s5;
	[sflag:s29] =	ssyncadd.s32 $0xFFFFC000  }
0x60: {  	[tilespmem:s20], [sflag:$0x3] =	stream.indirect.gather [hbm4b:s2+s15], $0x80, s6, s15, $0xb8;
	[tilespmem:$0x10C00] =	vst v63  }
0x61: {  	_ =	swait.ge [sflag:s21], $0x4000  }
0x62: {  	[sflag:s21] =	ssyncset.done $0x0  }
.Ltmp0:
0x63: {  	[sflag:s21] =	ssyncadd.s32 $0xFFFFC000;
	(pc) =	sbr.rel @p0 .LBB2_2-.Ltmp0, $4  }
0x64: {  	[hbm4b:s0+s3] =	stream.linear.scatter [tilespmem:s17], [sflag:$0x6], $0x4000, $0x38;
	[tilespmem:$0x10C00] =	vst v63  }
0x65: {  	s0 =	sadd.s32 $0x2000, s0;
	_ =	swait.ge [sflag:s30], $0x4000  }
0x66: {  	s19 =	sadd.s32 $0x2000, s19;
	s22 =	sadd.s32 $0x2000, s22;
	[sflag:s30] =	ssyncset.done $0x0  }
0x67: {  	s4 =	sadd.s32 $0x2000, s4;
	s5 =	sadd.s32 $0x380, s5;
	[sflag:s30] =	ssyncadd.s32 $0xFFFFC000  }
0x68: {  	[tilespmem:s23], [sflag:$0x4] =	stream.indirect.gather [hbm4b:s2+s15], $0x80, s5, s15, $0xb8;
	[tilespmem:$0x10C00] =	vst v63  }
0x69: {  	_ =	swait.ge [sflag:s24], $0x4000  }
0x6a: {  	[sflag:s24] =	ssyncset.done $0x0  }
0x6b: {  	[sflag:s24] =	ssyncadd.s32 $0xFFFFC000  }
0x6c: {  	[hbm4b:s7+s3] =	stream.linear.scatter [tilespmem:s20], [sflag:$0x7], $0x4000, $0x38;
	[tilespmem:$0x10C00] =	vst v63  }
0x6d: {  	_ =	swait.ge [sflag:s26], $0x4000  }
0x6e: {  	[sflag:s26] =	ssyncset.done $0x0  }
0x6f: {  	[sflag:s26] =	ssyncadd.s32 $0xFFFFC000  }
0x70: {  	[hbm4b:s8+s3] =	stream.linear.scatter [tilespmem:s23], [sflag:$0x8], $0x4000, $0x38;
	[tilespmem:$0x10C00] =	vst v63  }
0x71: {  	_ =	swait.ge [sflag:s25], $0x4000  }
0x72: {  	[sflag:s25] =	ssyncset.done $0x0  }
0x73: {  	[sflag:s25] =	ssyncadd.s32 $0xFFFFC000  }
0x74: {  	_ =	swait.ge [sflag:s28], $0x4000  }
0x75: {  	[sflag:s28] =	ssyncset.done $0x0  }
0x76: {  	s31 =	sadd.s32 $0x1, s31;
	[sflag:s28] =	ssyncadd.s32 $0xFFFFC000  }
0x77: {  	p0 =	sne.s32 s31, s9;
	_ =	swait.ge [sflag:s29], $0x4000  }
.Ltmp1:
0x78: {  	[sflag:s29] =	ssyncset.done $0x0;
	(pc) =	sbr.rel @p0 .LBB2_1-.Ltmp1, $4  }
0x79: {  	[sflag:s29] =	ssyncadd.s32 $0xFFFFC000  }
0x7a: {  	_ =	swait.ge [sflag:s30], $0x4000  }
0x7b: {  	[sflag:s30] =	ssyncset.done $0x0  }
0x7c: {  	[sflag:s30] =	ssyncadd.s32 $0xFFFFC000  }
0x7d: {  	_ =	sfence.sel $0x180000  }
0x7e: {  	[bflag:$0x0] =	sbarrier.arrive $0xFFFF  }
0x7f: {  	_ =	strace $0x90000047  }
0x80: {  	s0 =	stileid.u32;
	[bflag:$0x2] =	sbarrier.arrive $0xFFFF  }
0x81: {  	p0 =	sne.s32 s0, $0x0;
	s0 =	rddreg [dreg:$0x2]  }
0x82: {  	s0 =	sadd.s32 @!p0 $0x100000, s0  }
0x83: {  	[sflag:s0] =	ssyncadd.tile.s32 @!p0 $0x1;
	_ =	shalt  }
.Lfunc_end2:
_tile_overlayer_lowered:
.L_overlay_start_2:
0x84: {  	(tag) =	ssettag $0x2  }
0x85: {  	s0 =	rddreg [dreg:$0x0];
	s2 =	stileid.u32  }
0x86: {  	s1 =	rddreg [dreg:$0x1];
	p0 =	sne.s32 s2, $0x0  }
0x87: {  	s3 =	rddreg [dreg:$0x2];
	[bflag:$0x3] =	sbarrier.arrive $0xFFFF;
	s2 =	simm.s32 @!p0 $0x1C09  }
0x88: {  	[timem:s3], [sflag:s2] =	dma.local @!p0 [hbm:s0], s1  }
0x89: {  	s0 =	simm.s32 @!p0 $0x9  }
0x8a: {  	_ =	swait.ge @!p0 [sflag:s0], s1  }
0x8b: {  	s1 =	ssub.s32 @!p0 $0x0, s1;
	[sflag:s0] =	ssyncset.done @!p0 $0x0  }
0x8c: {  	[sflag:s0] =	ssyncadd.s32 @!p0 s1  }
0x8d: {  	[bflag:$0x3] =	sbarrier.arrive $0xFFFF  }
0x8e: {  	_ =	shalt  }

// kernel: kernel.13.cloned.1.call-start
scs
__scs_entry_jumppad:
0x0: {  	(pc) =	sbr.rel $0x88, $3  }
0x1: {  	(tag) =	ssettag $0x0;
	lr =	simm.s32 $0x1  }
0x2: {  	[smem:$0x3F87] =	sst lr;
	_ =	strace $0xD0000000  }
0x3: {  	_ = 	snop  }
0x4: {  	_ = 	snop  }
0x5: {  	_ = 	snop  }
0x6: {  	_ = 	snop  }
0x7: {  	_ = 	snop  }
__scs_overlays_trampoline_lowered:
0x8: {  	[smem:$0x3F96] =	sst s0  }
0x9: {  	[smem:$0x3F97] =	sst s1  }
0xa: {  	[smem:$0x3F98] =	sst s2  }
0xb: {  	[smem:$0x3F99] =	sst s3  }
0xc: {  	[smem:$0x3F9A] =	sst s4  }
0xd: {  	[smem:$0x3F9B] =	sst s5  }
0xe: {  	[smem:$0x3F9C] =	sst s6  }
0xf: {  	[smem:$0x3F9D] =	sst s7  }
0x10: {  	[smem:$0x3F9E] =	sst s8  }
0x11: {  	[smem:$0x3F9F] =	sst s9;
	s0 =	simm.s32 @!p0 $0x0  }
0x12: {  	s1 =	sld [smem:$0x3F85];
	s0 =	simm.s32 @p0 $0x1  }
0x13: {  	[smem:$0x3FA0] =	sst s0;
	s0 =	simm.s32 @!p1 $0x0  }
0x14: {  	s2 =	sld [smem:$0x3F84];
	s0 =	simm.s32 @p1 $0x1  }
0x15: {  	[smem:$0x3FA1] =	sst s0;
	s0 =	simm.s32 @!p2 $0x0  }
0x16: {  	s3 =	sld [smem:$0x3FDB];
	s0 =	simm.s32 @p2 $0x1  }
0x17: {  	s4 =	simm.s32 $0x1BF5;
	[smem:$0x3FA3] =	sst s0  }
0x18: {  	s0 =	sld [smem:$0x3F86];
	_ =	swait.ge [sflag:s4], $0x0  }
0x19: {  	s7 =	sld [smem:$0x3F87]  }
0x1a: {  	s8 =	sadd.s32 $0xFFFFE003, lr  }
0x1b: {  	s9 =	sadd.s32 $0xFFFFFEF7, lr;
	s5 =	simm.s32 $0xFFFFFFFF;
	p2 =	slt.u32 s8, $0xFFFFF086  }
0x1c: {  	p1 =	slt.u32 s9, $0xF7A;
	s5 =	simm.s32 @!p2 $0x0  }
0x1d: {  	s5 =	simm.s32 @p1 $0x1;
	p0 =	seq.s32 s7, s2  }
0x1e: {  	s7 =	smul.u32 @!p0 $0xF7A, s2;
	p2 =	seq.s32 @!p0 s5, $0x0  }
0x1f: {  	s9 =	smul.u32 $0xF7A, s1;
	s8 =	simm.s32 @!p0 $0x1BF5;
	p2 =	por !p2, p0  }
0x20: {  	[sflag:s8] =	ssyncset.s32 @!p0 $0xFFFFF086;
	s6 =	sadd.s32 @!p0 s3, s7;
	s7 =	simm.s32 @!p0 $0x108  }
0x21: {  	s3 =	sadd.s32 s3, s9;
	s6 =	sadd.s32 @!p0 $0x88, s6;
	s7 =	simm.s32 @p2 $0x1082  }
0x22: {  	[simem:s7], [sflag:s8] =	dma.local @!p0 [hbm:s6], $0xF7A  }
0x23: {  	s9 =	sor.u32 $0xD0000000, s2;
	s6 =	simm.s32 $0x108;
	_ =	swait.ge @!p0 [sflag:s8], $0x0  }
0x24: {  	s3 =	sadd.s32 $0x88, s3;
	s6 =	simm.s32 @!p1 $0x1082;
	[sflag:s4] =	ssyncset.s32 $0xFFFFF086  }
0x25: {  	[simem:s6], [sflag:s4] =	dma.local [hbm:s3], $0xF7A  }
0x26: {  	[smem:$0x3F87] =	sst s1;
	(tag) =	ssettag s2;
	_ =	strace s9  }
0x27: {  	s1 =	sld [smem:$0x3F97]  }
0x28: {  	s2 =	sld [smem:$0x3F98]  }
0x29: {  	s4 =	sld [smem:$0x3F9A]  }
0x2a: {  	p0 =	seq.s32 s5, $0x0;
	s5 =	sld [smem:$0x3F9B]  }
0x2b: {  	s6 =	sld [smem:$0x3F9C]  }
0x2c: {  	s7 =	sld [smem:$0x3F9D]  }
0x2d: {  	s3 =	simm.s32 $0x108;
	s8 =	sld [smem:$0x3F9E]  }
0x2e: {  	s3 =	simm.s32 @!p0 $0x1082;
	s9 =	sld [smem:$0x3F9F]  }
0x2f: {  	lr =	sadd.s32 s0, s3;
	s0 =	sld [smem:$0x3F96]  }
0x30: {  	s3 =	sld [smem:$0x3F99]  }
0x31: {  	[smem:$0x3FA2] =	sst s10  }
0x32: {  	s10 =	sld [smem:$0x3FA0];
	_ =	sdelay $0x3  }
0x33: {  	p0 =	seq.s32 s10, $0x1;
	s10 =	sld [smem:$0x3FA2];
	_ =	sdelay $0x3  }
0x34: {  	[smem:$0x3FA2] =	sst s10  }
0x35: {  	s10 =	sld [smem:$0x3FA1];
	_ =	sdelay $0x3  }
0x36: {  	p1 =	seq.s32 s10, $0x1;
	s10 =	sld [smem:$0x3FA2];
	_ =	sdelay $0x3  }
0x37: {  	[smem:$0x3FA2] =	sst s10  }
0x38: {  	s10 =	sld [smem:$0x3FA3]  }
0x39: {  	_ = 	snop;
	(pc) =	sbr.ind lr, $3  }
0x3a: {  	_ = 	snop  }
0x3b: {  	_ = 	snop  }
0x3c: {  	p2 =	seq.s32 s10, $0x1;
	s10 =	sld [smem:$0x3FA2]  }
0x3d: {  	_ =	shalt  }
0x3e: {  	_ =	shalt  }
0x3f: {  	_ =	shalt  }
0x40: {  	_ =	shalt  }
0x41: {  	_ =	shalt  }
0x42: {  	_ =	shalt  }
0x43: {  	_ =	shalt  }
0x44: {  	_ =	shalt  }
0x45: {  	_ =	shalt  }
0x46: {  	_ =	shalt  }
0x47: {  	_ =	shalt  }
0x48: {  	_ =	shalt  }
0x49: {  	_ =	shalt  }
0x4a: {  	_ =	shalt  }
0x4b: {  	_ =	shalt  }
0x4c: {  	_ =	shalt  }
0x4d: {  	_ =	shalt  }
0x4e: {  	_ =	shalt  }
0x4f: {  	_ =	shalt  }
0x50: {  	_ =	shalt  }
0x51: {  	_ =	shalt  }
0x52: {  	_ =	shalt  }
0x53: {  	_ =	shalt  }
0x54: {  	_ =	shalt  }
0x55: {  	_ =	shalt  }
0x56: {  	_ =	shalt  }
0x57: {  	_ =	shalt  }
0x58: {  	_ =	shalt  }
0x59: {  	_ =	shalt  }
0x5a: {  	_ =	shalt  }
0x5b: {  	_ =	shalt  }
0x5c: {  	_ =	shalt  }
0x5d: {  	_ =	shalt  }
0x5e: {  	_ =	shalt  }
0x5f: {  	_ =	shalt  }
0x60: {  	_ =	shalt  }
0x61: {  	_ =	shalt  }
0x62: {  	_ =	shalt  }
0x63: {  	_ =	shalt  }
0x64: {  	_ =	shalt  }
0x65: {  	_ =	shalt  }
0x66: {  	_ =	shalt  }
0x67: {  	_ =	shalt  }
0x68: {  	_ =	shalt  }
0x69: {  	_ =	shalt  }
0x6a: {  	_ =	shalt  }
0x6b: {  	_ =	shalt  }
0x6c: {  	_ =	shalt  }
0x6d: {  	_ =	shalt  }
0x6e: {  	_ =	shalt  }
0x6f: {  	_ =	shalt  }
0x70: {  	_ =	shalt  }
0x71: {  	_ =	shalt  }
0x72: {  	_ =	shalt  }
0x73: {  	_ =	shalt  }
0x74: {  	_ =	shalt  }
0x75: {  	_ =	shalt  }
0x76: {  	_ =	shalt  }
0x77: {  	_ =	shalt  }
0x78: {  	_ =	shalt  }
0x79: {  	_ =	shalt  }
0x7a: {  	_ =	shalt  }
0x7b: {  	_ =	shalt  }
0x7c: {  	_ =	shalt  }
0x7d: {  	_ =	shalt  }
0x7e: {  	_ =	shalt  }
0x7f: {  	_ =	shalt  }
0x80: {  	_ =	shalt  }
0x81: {  	_ =	shalt  }
0x82: {  	_ =	shalt  }
0x83: {  	_ =	shalt  }
0x84: {  	_ =	shalt  }
0x85: {  	_ =	shalt  }
0x86: {  	_ =	shalt  }
0x87: {  	_ =	shalt  }
.Lfunc_end0:
.L_simem_size_0:
called_computation.1_lowered:
.L_overlay_start_0:
0x88: {  	s2 =	sld [smem:$0x3FD9]  }
0x89: {  	s3 =	sld [smem:$0x3FFE];
	_ =	sdelay $0x1  }
0x8a: {  	s1 =	srdreg.scid  }
0x8b: {  	s0 =	sand.u32 $0x1, s1  }
0x8c: {  	s15 =	sshll.u32 s0, $0xA;
	s2 =	sadd.s32 s3, s2  }
0x8d: {  	s2 =	sadd.s32 s2, s15  }
0x8e: {  	[smem:$0x3FAE] =	sst s2  }
0x8f: {  	_ = 	snop  }
0x90: {  	s16 =	sld [smem:$0x3FD0];
	_ =	sdelay $0x2  }
0x91: {  	s4 =	simm.s32 $0xB;
	s5 =	simm.s32 $0x10;
	s2 =	sld [smem:$0x3FC9]  }
0x92: {  	[smem:s5], [sflag:s4] =	dma.local [hbm:s16], $0x1  }
0x93: {  	_ =	swait.eq [sflag:s4], $0x1  }
0x94: {  	[sflag:s4] =	ssyncset.done $0x0  }
0x95: {  	[sflag:s4] =	ssyncadd.s32 $0xFFFFFFFF  }
0x96: {  	s17 =	sld [smem:$0x11];
	(tm) =	ssettm $0x1  }
0x97: {  	s18 =	sld [smem:$0x3FFB];
	_ =	sdelay $0x3  }
0x98: {  	_ =	strace s18  }
0x99: {  	s3 =	sld [smem:$0x3FFC];
	_ =	sdelay $0x3  }
0x9a: {  	_ =	strace s3  }
0x9b: {  	s3 =	sld [smem:$0x3FFD];
	_ =	sdelay $0x3  }
0x9c: {  	_ =	strace s3  }
0x9d: {  	_ =	strace $0x8FFFFFFF  }
0x9e: {  	s19 =	sld [smem:$0x3FDB];
	_ =	sdelay $0x1  }
0x9f: {  	s20 =	simm.s32 $_scs_section_size  }
0xa0: {  	s6 =	simm.s32 $_size__tile_overlayer_lowered;
	s7 =	simm.s32 $_tile_overlayer_lowered  }
0xa1: {  	s8 =	simm.s32 $0x1BFF;
	s21 =	sshll.u32 s7, $0x1;
	s5 =	sadd.s32 s20, s19  }
0xa2: {  	s22 =	simm.s32 $0x0;
	s6 =	sshll.u32 s6, $0x1;
	s7 =	sadd.s32 s21, s5  }
0xa3: {  	[timem:s22], [sflag:s8] =	dma.local [hbm:s7], s6  }
0xa4: {  	_ =	swait.ge [sflag:s8], s6  }
0xa5: {  	s6 =	ssub.s32 $0x0, s6;
	[sflag:s8] =	ssyncset.done $0x0  }
0xa6: {  	[sflag:s8] =	ssyncadd.s32 s6;
	_ =	sdelay $0x1  }
0xa7: {  	s23 =	simm.s32 $0x1B8B  }
0xa8: {  	_ =	swait.ge [sflag:s23], $0x1  }
0xa9: {  	[sflag:s23] =	ssyncset.done $0x0  }
0xaa: {  	[sflag:s23] =	ssyncadd.s32 $0xFFFFFFFF  }
0xab: {  	s6 =	sld [smem:$0x0]  }
0xac: {  	s7 =	sand.u32 $0xFFFFFFFE, s1  }
0xad: {  	p0 =	sne.s32 s1, s7  }
0xae: {  	s7 =	sshll.u32 @p0 s7, $0xE  }
0xaf: {  	s7 =	sadd.s32 @p0 $0x11B8D, s7;
	s8 =	sshll.u32 @p0 s6, $0x11  }
0xb0: {  	s7 =	sor.u32 @p0 s8, s7  }
0xb1: {  	[sflag:s7] =	ssyncadd.remote.s32 @p0 $0x1;
	_ =	sdelay $0x1  }
0xb2: {  	s7 =	simm.s32 @p0 $0x1B8D  }
0xb3: {  	_ =	swait.eq @p0 [sflag:s7], $0x1  }
0xb4: {  	[sflag:s7] =	ssyncadd.s32 @p0 $0xFFFFFFFF  }
0xb5: {  	s8 =	sshll.u32 @!p0 s1, $0xE  }
0xb6: {  	s8 =	sor.u32 @!p0 $0x4000, s8;
	s7 =	simm.s32 @!p0 $0x1B8D  }
0xb7: {  	s6 =	sshll.u32 @!p0 s6, $0x11;
	s8 =	sadd.s32 @!p0 $0x11B8D, s8;
	_ =	swait.eq @!p0 [sflag:s7], $0x1  }
0xb8: {  	s6 =	sor.u32 @!p0 s6, s8;
	[sflag:s7] =	ssyncadd.s32 @!p0 $0xFFFFFFFF  }
0xb9: {  	s25 =	simm.s32 $0x1B8E;
	s24 =	sld [smem:$0x3FFE];
	[sflag:s6] =	ssyncadd.remote.s32 @!p0 $0x1  }
0xba: {  	s26 =	simm.s32 $execute0_lowered;
	[smem:$0x3FD2] =	sst s25  }
0xbb: {  	s7 =	sshll.u32 s26, $0x1;
	_ =	strace $0x80000049;
	[dreg:$0x1] =	wrdreg $0xFFFFFFFF  }
0xbc: {  	s28 =	simm.s32 $_size_execute0_lowered;
	s5 =	sadd.s32 s5, s7;
	[dreg:$0x0] =	wrdreg $0x0  }
0xbd: {  	s7 =	sshll.u32 s28, $0x1;
	[dreg:$0x2] =	wrdreg s5  }
0xbe: {  	[dreg:$0x3] =	wrdreg s7  }
0xbf: {  	[dreg:$0x4] =	wrdreg $0xC0  }
0xc0: {  	_ =	task [dreg:s22], $0x5FFFF  }
0xc1: {  	[dreg:$0x1] =	wrdreg $0xFFFFFFFF  }
0xc2: {  	[dreg:$0x0] =	wrdreg $0x60  }
0xc3: {  	[dreg:$0x2] =	wrdreg s2  }
0xc4: {  	[dreg:$0x3] =	wrdreg s24  }
0xc5: {  	[dreg:$0x4] =	wrdreg s17  }
0xc6: {  	[dreg:$0x5] =	wrdreg $0xA  }
0xc7: {  	_ =	task.clear_ibuf [dreg:s22], $0x6FFFF;
	_ =	strace $0x90000049  }
0xc8: {  	s29 =	simm.s32 $0xA;
	_ =	strace $0x8000004B  }
0xc9: {  	_ =	swait.ge [sflag:s29], $0x1  }
0xca: {  	[sflag:s29] =	ssyncadd.s32 $0xFFFFFFFF  }
0xcb: {  	_ =	strace $0x9000004B  }
0xcc: {  	_ =	sfence  }
0xcd: {  	s30 =	sld [smem:$0x0];
	_ =	sdelay $0x2  }
0xce: {  	s31 =	sshll.u32 s1, $0xD;
	s1 =	sshrl.u32 s1, $0x2  }
0xcf: {  	s4 =	sand.u32 $0x4000, s31;
	s1 =	sadd.s32 s1, s30  }
0xd0: {  	s0 =	sor.u32 s4, s0;
	s1 =	sshll.u32 s1, $0x11  }
0xd1: {  	s0 =	sor.u32 s1, s0  }
0xd2: {  	s0 =	sadd.s32 $0x8F2B, s0  }
0xd3: {  	[sflag:s0] =	ssyncadd.remote.s32 $0x1  }
0xd4: {  	_ =	sfence.sel $0xFFFF  }
0xd5: {  	[dreg:$0x0] =	wrdreg $0xFFFFFFFF;
	(pc) =	sbr.abs _section_cstart, $3  }
0xd6: {  	[dreg:$0x1] =	wrdreg $0xFFFFFFFF  }
0xd7: {  	_ =	task.clear_ibuf [dreg:s22], $0x2FFFF;
	_ =	strace $0x9FFFFFFF  }
0xd8: {  	(tm) =	ssettm $0x7FFFFFFF  }
0xd9: {  	_ =	shalt  }
tec
execute0_lowered:
.L_overlay_start_1:
0x0: {  	(tag) =	ssettag $0x1  }
0x1: {  	s0 =	srdreg.scid;
	s2 =	rddreg [dreg:$0x0]  }
0x2: {  	s9 =	stileid.u32;
	s4 =	rddreg [dreg:$0x1]  }
0x3: {  	s8 =	rddreg [dreg:$0x2];
	s3 =	simm.s32 $0x0;
	s14 =	simm.s32 $0x9  }
0x4: {  	s15 =	simm.s32 $0x80;
	s16 =	simm.s32 $0xC00;
	s17 =	simm.s32 $0x4C00  }
0x5: {  	s18 =	simm.s32 $0x1;
	s20 =	simm.s32 $0x8C00;
	s21 =	simm.s32 $0x2  }
0x6: {  	s23 =	simm.s32 $0xCC00;
	s28 =	simm.s32 $0x6;
	s29 =	simm.s32 $0x7  }
0x7: {  	s0 =	sand.u32 $0x1, s0;
	s1 =	sshll.u32 s9, $0x1;
	s9 =	smul.u32 $0x28, s9  }
0x8: {  	s1 =	sor.u32 s0, s1;
	s7 =	ssub.s32 $0x2, s0;
	s0 =	smul.u32 $0x14, s0  }
0x9: {  	s30 =	simm.s32 $0x8;
	s31 =	simm.s32 $0x0;
	s5 =	smul.u32 $0x180, s1  }
0xa: {  	[smem:$0x7FF] =	sst s3;
	s26 =	sadd.s32 $0x800, s8;
	s6 =	smul.u32 $0xA000, s1  }
0xb: {  	_ =	strace $0x8000004A;
	s1 =	smul.u32 $0x50000, s1;
	s24 =	sshrl.u32 s7, $0x1  }
0xc: {  	s0 =	sadd.s32 s0, s9;
	s4 =	sadd.s32 s5, s4;
	s5 =	ssub.s32 s7, s24  }
0xd: {  	s25 =	sadd.s32 s8, s6;
	s1 =	sshrl.u32 s1, $0x3;
	s0 =	sshll.u32 s0, $0xB  }
0xe: {  	s6 =	sadd.s32 s6, s26;
	s24 =	simm.s32 $0x3;
	[dreg:$0x5] =	wrdreg s25  }
0xf: {  	s4 =	sadd.s32 $0x148000, s4;
	s1 =	sadd.s32 s8, s1;
	[dreg:$0x6] =	wrdreg s6  }
0x10: {  	s12 =	sadd.s32 s0, s8;
	s9 =	smax.u32 s5, $0x1;
	s0 =	sadd.s32 s26, s0  }
0x11: {  	s25 =	simm.s32 $0x5;
	s26 =	simm.s32 $0x4;
	[dreg:$0x4] =	wrdreg s4  }
0x12: {  	s7 =	sadd.s32 $0x9000, s1;
	s8 =	sadd.s32 $0x9800, s1;
	s10 =	sadd.s32 $0x1800, s12  }
0x13: {  	s11 =	sadd.s32 $0x1000, s12;
	s12 =	sadd.s32 $0x2000, s12;
	s13 =	sadd.s32 $0x2000, s0  }
.LBB2_1:
0x14: {  	s0 =	rddreg [dreg:$0x4]  }
0x15: {  	[tilespmem:s3], [sflag:$0x9] =	stream.linear.gather [hbm4b:s0+s3], $0xA00, $0x38;
	[tilespmem:$0x10C00] =	vst v63  }
0x16: {  	_ =	swait.ge [sflag:s14], $0xA00  }
0x17: {  	[sflag:s14] =	ssyncset.done $0x0  }
0x18: {  	[sflag:s14] =	ssyncadd.s32 $0xFFFFF600  }
0x19: {  	[tilespmem:s16], [sflag:$0x1] =	stream.indirect.gather [hbm4b:s2+s15], $0x80, s3, s15, $0xb8;
	[tilespmem:$0x10C00] =	vst v63  }
0x1a: {  	_ = 	snop  }
0x1b: {  	[tilespmem:s17], [sflag:$0x2] =	stream.indirect.gather [hbm4b:s2+s15], $0x80, s15, s15, $0xb8;
	[tilespmem:$0x10C00] =	vst v63  }
0x1c: {  	_ =	swait.ge [sflag:s18], $0x4000  }
0x1d: {  	[sflag:s18] =	ssyncset.done $0x0  }
0x1e: {  	s22 =	rddreg [dreg:$0x5];
	[sflag:s18] =	ssyncadd.s32 $0xFFFFC000  }
0x1f: {  	[hbm4b:s22+s3] =	stream.linear.scatter [tilespmem:s16], [sflag:$0x5], $0x4000, $0x38;
	[tilespmem:$0x10C00] =	vst v63  }
0x20: {  	s1 =	simm.s32 $0x100  }
0x21: {  	[tilespmem:s20], [sflag:$0x3] =	stream.indirect.gather [hbm4b:s2+s15], $0x80, s1, s15, $0xb8;
	[tilespmem:$0x10C00] =	vst v63  }
0x22: {  	_ =	swait.ge [sflag:s21], $0x4000  }
0x23: {  	[sflag:s21] =	ssyncset.done $0x0  }
0x24: {  	s4 =	rddreg [dreg:$0x6];
	[sflag:s21] =	ssyncadd.s32 $0xFFFFC000  }
0x25: {  	[hbm4b:s4+s3] =	stream.linear.scatter [tilespmem:s17], [sflag:$0x6], $0x4000, $0x38;
	[tilespmem:$0x10C00] =	vst v63  }
0x26: {  	s5 =	simm.s32 $0x180  }
0x27: {  	[tilespmem:s23], [sflag:$0x4] =	stream.indirect.gather [hbm4b:s2+s15], $0x80, s5, s15, $0xb8;
	[tilespmem:$0x10C00] =	vst v63  }
0x28: {  	_ =	swait.ge [sflag:s24], $0x4000  }
0x29: {  	[sflag:s24] =	ssyncset.done $0x0  }
0x2a: {  	[sflag:s24] =	ssyncadd.s32 $0xFFFFC000  }
0x2b: {  	[hbm4b:s11+s3] =	stream.linear.scatter [tilespmem:s20], [sflag:$0x7], $0x4000, $0x38;
	[tilespmem:$0x10C00] =	vst v63  }
0x2c: {  	_ =	swait.ge [sflag:s25], $0x4000  }
0x2d: {  	[sflag:s25] =	ssyncset.done $0x0  }
0x2e: {  	s6 =	simm.s32 $0x200;
	[sflag:s25] =	ssyncadd.s32 $0xFFFFC000  }
0x2f: {  	[tilespmem:s16], [sflag:$0x1] =	stream.indirect.gather [hbm4b:s2+s15], $0x80, s6, s15, $0xb8;
	[tilespmem:$0x10C00] =	vst v63  }
0x30: {  	_ =	swait.ge [sflag:s26], $0x4000  }
0x31: {  	[sflag:s26] =	ssyncset.done $0x0  }
0x32: {  	[sflag:s26] =	ssyncadd.s32 $0xFFFFC000  }
0x33: {  	[hbm4b:s10+s3] =	stream.linear.scatter [tilespmem:s23], [sflag:$0x8], $0x4000, $0x38;
	[tilespmem:$0x10C00] =	vst v63  }
0x34: {  	_ =	swait.ge [sflag:s28], $0x4000  }
0x35: {  	[sflag:s28] =	ssyncset.done $0x0  }
0x36: {  	s19 =	simm.s32 $0x280;
	[sflag:s28] =	ssyncadd.s32 $0xFFFFC000  }
0x37: {  	[tilespmem:s17], [sflag:$0x2] =	stream.indirect.gather [hbm4b:s2+s15], $0x80, s19, s15, $0xb8;
	[tilespmem:$0x10C00] =	vst v63  }
0x38: {  	_ =	swait.ge [sflag:s18], $0x4000  }
0x39: {  	[sflag:s18] =	ssyncset.done $0x0  }
0x3a: {  	[sflag:s18] =	ssyncadd.s32 $0xFFFFC000  }
0x3b: {  	[hbm4b:s12+s3] =	stream.linear.scatter [tilespmem:s16], [sflag:$0x5], $0x4000, $0x38;
	[tilespmem:$0x10C00] =	vst v63  }
0x3c: {  	_ =	swait.ge [sflag:s29], $0x4000  }
0x3d: {  	[sflag:s29] =	ssyncset.done $0x0  }
0x3e: {  	s22 =	simm.s32 $0x300;
	[sflag:s29] =	ssyncadd.s32 $0xFFFFC000  }
0x3f: {  	[tilespmem:s20], [sflag:$0x3] =	stream.indirect.gather [hbm4b:s2+s15], $0x80, s22, s15, $0xb8;
	[tilespmem:$0x10C00] =	vst v63  }
0x40: {  	_ =	swait.ge [sflag:s21], $0x4000  }
0x41: {  	[sflag:s21] =	ssyncset.done $0x0  }
0x42: {  	[sflag:s21] =	ssyncadd.s32 $0xFFFFC000  }
0x43: {  	[hbm4b:s13+s3] =	stream.linear.scatter [tilespmem:s17], [sflag:$0x6], $0x4000, $0x38;
	[tilespmem:$0x10C00] =	vst v63  }
0x44: {  	s0 =	sadd.s32 $0x2000, s13;
	s1 =	simm.s32 $0x800;
	_ =	swait.ge [sflag:s30], $0x4000  }
0x45: {  	s4 =	sadd.s32 $0x2000, s10;
	s5 =	simm.s32 $0x380;
	[sflag:s30] =	ssyncset.done $0x0  }
0x46: {  	s19 =	sadd.s32 $0x2000, s11;
	s22 =	sadd.s32 $0x2000, s12;
	[sflag:s30] =	ssyncadd.s32 $0xFFFFC000  }
.LBB2_2:
0x47: {  	[tilespmem:s23], [sflag:$0x4] =	stream.indirect.gather [hbm4b:s2+s15], $0x80, s5, s15, $0xb8;
	[tilespmem:$0x10C00] =	vst v63  }
0x48: {  	s5 =	smov.u32 s1  }
0x49: {  	p0 =	sne.s32 s1, $0x1800;
	s1 =	sadd.s32 $0x800, s1;
	_ =	swait.ge [sflag:s24], $0x4000  }
0x4a: {  	[sflag:s24] =	ssyncset.done $0x0  }
0x4b: {  	[sflag:s24] =	ssyncadd.s32 $0xFFFFC000  }
0x4c: {  	[hbm4b:s19+s3] =	stream.linear.scatter [tilespmem:s20], [sflag:$0x7], $0x4000, $0x38;
	[tilespmem:$0x10C00] =	vst v63  }
0x4d: {  	_ =	swait.ge [sflag:s25], $0x4000  }
0x4e: {  	s5 =	sshra.s32 s5, $0x2;
	[sflag:s25] =	ssyncset.done $0x0  }
0x4f: {  	s6 =	sadd.s32 $0x200, s5;
	[sflag:s25] =	ssyncadd.s32 $0xFFFFC000  }
0x50: {  	[tilespmem:s16], [sflag:$0x1] =	stream.indirect.gather [hbm4b:s2+s15], $0x80, s6, s15, $0xb8;
	[tilespmem:$0x10C00] =	vst v63  }
0x51: {  	_ =	swait.ge [sflag:s26], $0x4000  }
0x52: {  	[sflag:s26] =	ssyncset.done $0x0  }
0x53: {  	[sflag:s26] =	ssyncadd.s32 $0xFFFFC000  }
0x54: {  	[hbm4b:s4+s3] =	stream.linear.scatter [tilespmem:s23], [sflag:$0x8], $0x4000, $0x38;
	[tilespmem:$0x10C00] =	vst v63  }
0x55: {  	_ =	swait.ge [sflag:s28], $0x4000  }
0x56: {  	[sflag:s28] =	ssyncset.done $0x0  }
0x57: {  	s6 =	sadd.s32 $0x280, s5;
	[sflag:s28] =	ssyncadd.s32 $0xFFFFC000  }
0x58: {  	[tilespmem:s17], [sflag:$0x2] =	stream.indirect.gather [hbm4b:s2+s15], $0x80, s6, s15, $0xb8;
	[tilespmem:$0x10C00] =	vst v63  }
0x59: {  	_ =	swait.ge [sflag:s18], $0x4000  }
0x5a: {  	[sflag:s18] =	ssyncset.done $0x0  }
0x5b: {  	[sflag:s18] =	ssyncadd.s32 $0xFFFFC000  }
0x5c: {  	[hbm4b:s22+s3] =	stream.linear.scatter [tilespmem:s16], [sflag:$0x5], $0x4000, $0x38;
	[tilespmem:$0x10C00] =	vst v63  }
0x5d: {  	_ =	swait.ge [sflag:s29], $0x4000  }
0x5e: {  	[sflag:s29] =	ssyncset.done $0x0  }
0x5f: {  	s6 =	sadd.s32 $0x300, s5;
	[sflag:s29] =	ssyncadd.s32 $0xFFFFC000  }
0x60: {  	[tilespmem:s20], [sflag:$0x3] =	stream.indirect.gather [hbm4b:s2+s15], $0x80, s6, s15, $0xb8;
	[tilespmem:$0x10C00] =	vst v63  }
0x61: {  	_ =	swait.ge [sflag:s21], $0x4000  }
0x62: {  	[sflag:s21] =	ssyncset.done $0x0  }
.Ltmp0:
0x63: {  	[sflag:s21] =	ssyncadd.s32 $0xFFFFC000;
	(pc) =	sbr.rel @p0 .LBB2_2-.Ltmp0, $4  }
0x64: {  	[hbm4b:s0+s3] =	stream.linear.scatter [tilespmem:s17], [sflag:$0x6], $0x4000, $0x38;
	[tilespmem:$0x10C00] =	vst v63  }
0x65: {  	s0 =	sadd.s32 $0x2000, s0;
	_ =	swait.ge [sflag:s30], $0x4000  }
0x66: {  	s19 =	sadd.s32 $0x2000, s19;
	s22 =	sadd.s32 $0x2000, s22;
	[sflag:s30] =	ssyncset.done $0x0  }
0x67: {  	s4 =	sadd.s32 $0x2000, s4;
	s5 =	sadd.s32 $0x380, s5;
	[sflag:s30] =	ssyncadd.s32 $0xFFFFC000  }
0x68: {  	[tilespmem:s23], [sflag:$0x4] =	stream.indirect.gather [hbm4b:s2+s15], $0x80, s5, s15, $0xb8;
	[tilespmem:$0x10C00] =	vst v63  }
0x69: {  	_ =	swait.ge [sflag:s24], $0x4000  }
0x6a: {  	[sflag:s24] =	ssyncset.done $0x0  }
0x6b: {  	[sflag:s24] =	ssyncadd.s32 $0xFFFFC000  }
0x6c: {  	[hbm4b:s7+s3] =	stream.linear.scatter [tilespmem:s20], [sflag:$0x7], $0x4000, $0x38;
	[tilespmem:$0x10C00] =	vst v63  }
0x6d: {  	_ =	swait.ge [sflag:s26], $0x4000  }
0x6e: {  	[sflag:s26] =	ssyncset.done $0x0  }
0x6f: {  	[sflag:s26] =	ssyncadd.s32 $0xFFFFC000  }
0x70: {  	[hbm4b:s8+s3] =	stream.linear.scatter [tilespmem:s23], [sflag:$0x8], $0x4000, $0x38;
	[tilespmem:$0x10C00] =	vst v63  }
0x71: {  	_ =	swait.ge [sflag:s25], $0x4000  }
0x72: {  	[sflag:s25] =	ssyncset.done $0x0  }
0x73: {  	[sflag:s25] =	ssyncadd.s32 $0xFFFFC000  }
0x74: {  	_ =	swait.ge [sflag:s28], $0x4000  }
0x75: {  	[sflag:s28] =	ssyncset.done $0x0  }
0x76: {  	s31 =	sadd.s32 $0x1, s31;
	[sflag:s28] =	ssyncadd.s32 $0xFFFFC000  }
0x77: {  	p0 =	sne.s32 s31, s9;
	_ =	swait.ge [sflag:s29], $0x4000  }
.Ltmp1:
0x78: {  	[sflag:s29] =	ssyncset.done $0x0;
	(pc) =	sbr.rel @p0 .LBB2_1-.Ltmp1, $4  }
0x79: {  	[sflag:s29] =	ssyncadd.s32 $0xFFFFC000  }
0x7a: {  	_ =	swait.ge [sflag:s30], $0x4000  }
0x7b: {  	[sflag:s30] =	ssyncset.done $0x0  }
0x7c: {  	[sflag:s30] =	ssyncadd.s32 $0xFFFFC000  }
0x7d: {  	_ =	sfence.sel $0x180000  }
0x7e: {  	[bflag:$0x0] =	sbarrier.arrive $0xFFFF  }
0x7f: {  	_ =	strace $0x9000004A  }
0x80: {  	s0 =	stileid.u32;
	[bflag:$0x2] =	sbarrier.arrive $0xFFFF  }
0x81: {  	p0 =	sne.s32 s0, $0x0;
	s0 =	rddreg [dreg:$0x3]  }
0x82: {  	s0 =	sadd.s32 @!p0 $0x100000, s0  }
0x83: {  	[sflag:s0] =	ssyncadd.tile.s32 @!p0 $0x1;
	_ =	shalt  }
.Lfunc_end2:
_tile_overlayer_lowered:
.L_overlay_start_2:
0x84: {  	(tag) =	ssettag $0x2  }
0x85: {  	s0 =	rddreg [dreg:$0x0];
	s2 =	stileid.u32  }
0x86: {  	s1 =	rddreg [dreg:$0x1];
	p0 =	sne.s32 s2, $0x0  }
0x87: {  	s3 =	rddreg [dreg:$0x2];
	[bflag:$0x3] =	sbarrier.arrive $0xFFFF;
	s2 =	simm.s32 @!p0 $0x1C09  }
0x88: {  	[timem:s3], [sflag:s2] =	dma.local @!p0 [hbm:s0], s1  }
0x89: {  	s0 =	simm.s32 @!p0 $0x9  }
0x8a: {  	_ =	swait.ge @!p0 [sflag:s0], s1  }
0x8b: {  	s1 =	ssub.s32 @!p0 $0x0, s1;
	[sflag:s0] =	ssyncset.done @!p0 $0x0  }
0x8c: {  	[sflag:s0] =	ssyncadd.s32 @!p0 s1  }
0x8d: {  	[bflag:$0x3] =	sbarrier.arrive $0xFFFF  }
0x8e: {  	_ =	shalt  }

// kernel: kernel.16.cloned.1.call-start
scs
__scs_entry_jumppad:
0x0: {  	(pc) =	sbr.rel $0x88, $3  }
0x1: {  	(tag) =	ssettag $0x0;
	lr =	simm.s32 $0x1  }
0x2: {  	[smem:$0x3F87] =	sst lr;
	_ =	strace $0xD0000000  }
0x3: {  	_ = 	snop  }
0x4: {  	_ = 	snop  }
0x5: {  	_ = 	snop  }
0x6: {  	_ = 	snop  }
0x7: {  	_ = 	snop  }
__scs_overlays_trampoline_lowered:
0x8: {  	[smem:$0x3F96] =	sst s0  }
0x9: {  	[smem:$0x3F97] =	sst s1  }
0xa: {  	[smem:$0x3F98] =	sst s2  }
0xb: {  	[smem:$0x3F99] =	sst s3  }
0xc: {  	[smem:$0x3F9A] =	sst s4  }
0xd: {  	[smem:$0x3F9B] =	sst s5  }
0xe: {  	[smem:$0x3F9C] =	sst s6  }
0xf: {  	[smem:$0x3F9D] =	sst s7  }
0x10: {  	[smem:$0x3F9E] =	sst s8  }
0x11: {  	[smem:$0x3F9F] =	sst s9;
	s0 =	simm.s32 @!p0 $0x0  }
0x12: {  	s1 =	sld [smem:$0x3F85];
	s0 =	simm.s32 @p0 $0x1  }
0x13: {  	[smem:$0x3FA0] =	sst s0;
	s0 =	simm.s32 @!p1 $0x0  }
0x14: {  	s2 =	sld [smem:$0x3F84];
	s0 =	simm.s32 @p1 $0x1  }
0x15: {  	[smem:$0x3FA1] =	sst s0;
	s0 =	simm.s32 @!p2 $0x0  }
0x16: {  	s3 =	sld [smem:$0x3FDB];
	s0 =	simm.s32 @p2 $0x1  }
0x17: {  	s4 =	simm.s32 $0x1BF5;
	[smem:$0x3FA3] =	sst s0  }
0x18: {  	s0 =	sld [smem:$0x3F86];
	_ =	swait.ge [sflag:s4], $0x0  }
0x19: {  	s7 =	sld [smem:$0x3F87]  }
0x1a: {  	s8 =	sadd.s32 $0xFFFFE003, lr  }
0x1b: {  	s9 =	sadd.s32 $0xFFFFFEF7, lr;
	s5 =	simm.s32 $0xFFFFFFFF;
	p2 =	slt.u32 s8, $0xFFFFF086  }
0x1c: {  	p1 =	slt.u32 s9, $0xF7A;
	s5 =	simm.s32 @!p2 $0x0  }
0x1d: {  	s5 =	simm.s32 @p1 $0x1;
	p0 =	seq.s32 s7, s2  }
0x1e: {  	s7 =	smul.u32 @!p0 $0xF7A, s2;
	p2 =	seq.s32 @!p0 s5, $0x0  }
0x1f: {  	s9 =	smul.u32 $0xF7A, s1;
	s8 =	simm.s32 @!p0 $0x1BF5;
	p2 =	por !p2, p0  }
0x20: {  	[sflag:s8] =	ssyncset.s32 @!p0 $0xFFFFF086;
	s6 =	sadd.s32 @!p0 s3, s7;
	s7 =	simm.s32 @!p0 $0x108  }
0x21: {  	s3 =	sadd.s32 s3, s9;
	s6 =	sadd.s32 @!p0 $0x88, s6;
	s7 =	simm.s32 @p2 $0x1082  }
0x22: {  	[simem:s7], [sflag:s8] =	dma.local @!p0 [hbm:s6], $0xF7A  }
0x23: {  	s9 =	sor.u32 $0xD0000000, s2;
	s6 =	simm.s32 $0x108;
	_ =	swait.ge @!p0 [sflag:s8], $0x0  }
0x24: {  	s3 =	sadd.s32 $0x88, s3;
	s6 =	simm.s32 @!p1 $0x1082;
	[sflag:s4] =	ssyncset.s32 $0xFFFFF086  }
0x25: {  	[simem:s6], [sflag:s4] =	dma.local [hbm:s3], $0xF7A  }
0x26: {  	[smem:$0x3F87] =	sst s1;
	(tag) =	ssettag s2;
	_ =	strace s9  }
0x27: {  	s1 =	sld [smem:$0x3F97]  }
0x28: {  	s2 =	sld [smem:$0x3F98]  }
0x29: {  	s4 =	sld [smem:$0x3F9A]  }
0x2a: {  	p0 =	seq.s32 s5, $0x0;
	s5 =	sld [smem:$0x3F9B]  }
0x2b: {  	s6 =	sld [smem:$0x3F9C]  }
0x2c: {  	s7 =	sld [smem:$0x3F9D]  }
0x2d: {  	s3 =	simm.s32 $0x108;
	s8 =	sld [smem:$0x3F9E]  }
0x2e: {  	s3 =	simm.s32 @!p0 $0x1082;
	s9 =	sld [smem:$0x3F9F]  }
0x2f: {  	lr =	sadd.s32 s0, s3;
	s0 =	sld [smem:$0x3F96]  }
0x30: {  	s3 =	sld [smem:$0x3F99]  }
0x31: {  	[smem:$0x3FA2] =	sst s10  }
0x32: {  	s10 =	sld [smem:$0x3FA0];
	_ =	sdelay $0x3  }
0x33: {  	p0 =	seq.s32 s10, $0x1;
	s10 =	sld [smem:$0x3FA2];
	_ =	sdelay $0x3  }
0x34: {  	[smem:$0x3FA2] =	sst s10  }
0x35: {  	s10 =	sld [smem:$0x3FA1];
	_ =	sdelay $0x3  }
0x36: {  	p1 =	seq.s32 s10, $0x1;
	s10 =	sld [smem:$0x3FA2];
	_ =	sdelay $0x3  }
0x37: {  	[smem:$0x3FA2] =	sst s10  }
0x38: {  	s10 =	sld [smem:$0x3FA3]  }
0x39: {  	_ = 	snop;
	(pc) =	sbr.ind lr, $3  }
0x3a: {  	_ = 	snop  }
0x3b: {  	_ = 	snop  }
0x3c: {  	p2 =	seq.s32 s10, $0x1;
	s10 =	sld [smem:$0x3FA2]  }
0x3d: {  	_ =	shalt  }
0x3e: {  	_ =	shalt  }
0x3f: {  	_ =	shalt  }
0x40: {  	_ =	shalt  }
0x41: {  	_ =	shalt  }
0x42: {  	_ =	shalt  }
0x43: {  	_ =	shalt  }
0x44: {  	_ =	shalt  }
0x45: {  	_ =	shalt  }
0x46: {  	_ =	shalt  }
0x47: {  	_ =	shalt  }
0x48: {  	_ =	shalt  }
0x49: {  	_ =	shalt  }
0x4a: {  	_ =	shalt  }
0x4b: {  	_ =	shalt  }
0x4c: {  	_ =	shalt  }
0x4d: {  	_ =	shalt  }
0x4e: {  	_ =	shalt  }
0x4f: {  	_ =	shalt  }
0x50: {  	_ =	shalt  }
0x51: {  	_ =	shalt  }
0x52: {  	_ =	shalt  }
0x53: {  	_ =	shalt  }
0x54: {  	_ =	shalt  }
0x55: {  	_ =	shalt  }
0x56: {  	_ =	shalt  }
0x57: {  	_ =	shalt  }
0x58: {  	_ =	shalt  }
0x59: {  	_ =	shalt  }
0x5a: {  	_ =	shalt  }
0x5b: {  	_ =	shalt  }
0x5c: {  	_ =	shalt  }
0x5d: {  	_ =	shalt  }
0x5e: {  	_ =	shalt  }
0x5f: {  	_ =	shalt  }
0x60: {  	_ =	shalt  }
0x61: {  	_ =	shalt  }
0x62: {  	_ =	shalt  }
0x63: {  	_ =	shalt  }
0x64: {  	_ =	shalt  }
0x65: {  	_ =	shalt  }
0x66: {  	_ =	shalt  }
0x67: {  	_ =	shalt  }
0x68: {  	_ =	shalt  }
0x69: {  	_ =	shalt  }
0x6a: {  	_ =	shalt  }
0x6b: {  	_ =	shalt  }
0x6c: {  	_ =	shalt  }
0x6d: {  	_ =	shalt  }
0x6e: {  	_ =	shalt  }
0x6f: {  	_ =	shalt  }
0x70: {  	_ =	shalt  }
0x71: {  	_ =	shalt  }
0x72: {  	_ =	shalt  }
0x73: {  	_ =	shalt  }
0x74: {  	_ =	shalt  }
0x75: {  	_ =	shalt  }
0x76: {  	_ =	shalt  }
0x77: {  	_ =	shalt  }
0x78: {  	_ =	shalt  }
0x79: {  	_ =	shalt  }
0x7a: {  	_ =	shalt  }
0x7b: {  	_ =	shalt  }
0x7c: {  	_ =	shalt  }
0x7d: {  	_ =	shalt  }
0x7e: {  	_ =	shalt  }
0x7f: {  	_ =	shalt  }
0x80: {  	_ =	shalt  }
0x81: {  	_ =	shalt  }
0x82: {  	_ =	shalt  }
0x83: {  	_ =	shalt  }
0x84: {  	_ =	shalt  }
0x85: {  	_ =	shalt  }
0x86: {  	_ =	shalt  }
0x87: {  	_ =	shalt  }
.Lfunc_end0:
.L_simem_size_0:
called_computation.2_lowered:
.L_overlay_start_0:
0x88: {  	s2 =	sld [smem:$0x3FD9]  }
0x89: {  	s3 =	sld [smem:$0x3FFE];
	_ =	sdelay $0x1  }
0x8a: {  	s1 =	srdreg.scid  }
0x8b: {  	s0 =	sand.u32 $0x1, s1  }
0x8c: {  	s15 =	sshll.u32 s0, $0xA;
	s2 =	sadd.s32 s3, s2  }
0x8d: {  	s2 =	sadd.s32 s2, s15  }
0x8e: {  	[smem:$0x3FAE] =	sst s2  }
0x8f: {  	_ = 	snop  }
0x90: {  	s2 =	sld [smem:$0x3FD0];
	_ =	sdelay $0x2  }
0x91: {  	s16 =	simm.s32 $0xB;
	s4 =	simm.s32 $0x10  }
0x92: {  	[smem:s4], [sflag:s16] =	dma.local [hbm:s2], $0x1  }
0x93: {  	_ =	swait.eq [sflag:s16], $0x1  }
0x94: {  	[sflag:s16] =	ssyncset.done $0x0  }
0x95: {  	[sflag:s16] =	ssyncadd.s32 $0xFFFFFFFF  }
0x96: {  	s17 =	sld [smem:$0x11];
	(tm) =	ssettm $0x1  }
0x97: {  	s18 =	sld [smem:$0x3FFB];
	_ =	sdelay $0x3  }
0x98: {  	_ =	strace s18  }
0x99: {  	s2 =	sld [smem:$0x3FFC];
	_ =	sdelay $0x3  }
0x9a: {  	_ =	strace s2  }
0x9b: {  	s2 =	sld [smem:$0x3FFD];
	_ =	sdelay $0x3  }
0x9c: {  	_ =	strace s2  }
0x9d: {  	_ =	strace $0x8FFFFFFF  }
0x9e: {  	s19 =	sld [smem:$0x3FDB];
	_ =	sdelay $0x1  }
0x9f: {  	s20 =	simm.s32 $_scs_section_size  }
0xa0: {  	s5 =	simm.s32 $_size__tile_overlayer_lowered;
	s6 =	simm.s32 $_tile_overlayer_lowered  }
0xa1: {  	s7 =	simm.s32 $0x1BFF;
	s21 =	sshll.u32 s6, $0x1;
	s4 =	sadd.s32 s20, s19  }
0xa2: {  	s22 =	simm.s32 $0x0;
	s5 =	sshll.u32 s5, $0x1;
	s6 =	sadd.s32 s21, s4  }
0xa3: {  	[timem:s22], [sflag:s7] =	dma.local [hbm:s6], s5  }
0xa4: {  	_ =	swait.ge [sflag:s7], s5  }
0xa5: {  	s5 =	ssub.s32 $0x0, s5;
	[sflag:s7] =	ssyncset.done $0x0  }
0xa6: {  	[sflag:s7] =	ssyncadd.s32 s5;
	_ =	sdelay $0x1  }
0xa7: {  	s23 =	simm.s32 $0x1B8B  }
0xa8: {  	_ =	swait.ge [sflag:s23], $0x1  }
0xa9: {  	[sflag:s23] =	ssyncset.done $0x0  }
0xaa: {  	[sflag:s23] =	ssyncadd.s32 $0xFFFFFFFF  }
0xab: {  	s5 =	sld [smem:$0x0]  }
0xac: {  	s6 =	sand.u32 $0xFFFFFFFE, s1  }
0xad: {  	p0 =	sne.s32 s1, s6  }
0xae: {  	s6 =	sshll.u32 @p0 s6, $0xE  }
0xaf: {  	s6 =	sadd.s32 @p0 $0x11B8D, s6;
	s7 =	sshll.u32 @p0 s5, $0x11  }
0xb0: {  	s6 =	sor.u32 @p0 s7, s6  }
0xb1: {  	[sflag:s6] =	ssyncadd.remote.s32 @p0 $0x1;
	_ =	sdelay $0x1  }
0xb2: {  	s6 =	simm.s32 @p0 $0x1B8D  }
0xb3: {  	_ =	swait.eq @p0 [sflag:s6], $0x1  }
0xb4: {  	[sflag:s6] =	ssyncadd.s32 @p0 $0xFFFFFFFF  }
0xb5: {  	s7 =	sshll.u32 @!p0 s1, $0xE  }
0xb6: {  	s7 =	sor.u32 @!p0 $0x4000, s7;
	s6 =	simm.s32 @!p0 $0x1B8D  }
0xb7: {  	s5 =	sshll.u32 @!p0 s5, $0x11;
	s7 =	sadd.s32 @!p0 $0x11B8D, s7;
	_ =	swait.eq @!p0 [sflag:s6], $0x1  }
0xb8: {  	s5 =	sor.u32 @!p0 s5, s7;
	[sflag:s6] =	ssyncadd.s32 @!p0 $0xFFFFFFFF  }
0xb9: {  	s25 =	simm.s32 $0x1B8E;
	s24 =	sld [smem:$0x3FFE];
	[sflag:s5] =	ssyncadd.remote.s32 @!p0 $0x1  }
0xba: {  	s26 =	simm.s32 $execute0_lowered;
	[smem:$0x3FD2] =	sst s25  }
0xbb: {  	s6 =	sshll.u32 s26, $0x1;
	_ =	strace $0x8000004F;
	[dreg:$0x1] =	wrdreg $0xFFFFFFFF  }
0xbc: {  	s28 =	simm.s32 $_size_execute0_lowered;
	s4 =	sadd.s32 s4, s6;
	[dreg:$0x0] =	wrdreg $0x0  }
0xbd: {  	s6 =	sshll.u32 s28, $0x1;
	[dreg:$0x2] =	wrdreg s4  }
0xbe: {  	[dreg:$0x3] =	wrdreg s6  }
0xbf: {  	[dreg:$0x4] =	wrdreg $0xC0  }
0xc0: {  	_ =	task [dreg:s22], $0x5FFFF  }
0xc1: {  	[dreg:$0x1] =	wrdreg $0xFFFFFFFF  }
0xc2: {  	[dreg:$0x0] =	wrdreg $0x60  }
0xc3: {  	[dreg:$0x2] =	wrdreg s24  }
0xc4: {  	[dreg:$0x3] =	wrdreg s17  }
0xc5: {  	[dreg:$0x4] =	wrdreg $0x9  }
0xc6: {  	_ =	task.clear_ibuf [dreg:s22], $0x5FFFF;
	_ =	strace $0x9000004F  }
0xc7: {  	s29 =	simm.s32 $0x9;
	_ =	strace $0x80000051  }
0xc8: {  	_ =	swait.ge [sflag:s29], $0x1  }
0xc9: {  	[sflag:s29] =	ssyncadd.s32 $0xFFFFFFFF  }
0xca: {  	_ =	strace $0x90000051  }
0xcb: {  	_ =	sfence  }
0xcc: {  	s30 =	sld [smem:$0x0];
	_ =	sdelay $0x2  }
0xcd: {  	s31 =	sshll.u32 s1, $0xD;
	s1 =	sshrl.u32 s1, $0x2  }
0xce: {  	s4 =	sand.u32 $0x4000, s31;
	s1 =	sadd.s32 s1, s30  }
0xcf: {  	s0 =	sor.u32 s4, s0;
	s1 =	sshll.u32 s1, $0x11  }
0xd0: {  	s0 =	sor.u32 s1, s0  }
0xd1: {  	s0 =	sadd.s32 $0x8F2B, s0  }
0xd2: {  	[sflag:s0] =	ssyncadd.remote.s32 $0x1  }
0xd3: {  	_ =	sfence.sel $0xFFFF  }
0xd4: {  	[dreg:$0x0] =	wrdreg $0xFFFFFFFF;
	(pc) =	sbr.abs _section_cstart, $3  }
0xd5: {  	[dreg:$0x1] =	wrdreg $0xFFFFFFFF  }
0xd6: {  	_ =	task.clear_ibuf [dreg:s22], $0x2FFFF;
	_ =	strace $0x9FFFFFFF  }
0xd7: {  	(tm) =	ssettm $0x7FFFFFFF  }
tec
execute0_lowered:
.L_overlay_start_1:
0x0: {  	(tag) =	ssettag $0x1  }
0x1: {  	s0 =	srdreg.scid;
	s3 =	rddreg [dreg:$0x0]  }
0x2: {  	s8 =	stileid.u32;
	s4 =	rddreg [dreg:$0x1]  }
0x3: {  	s2 =	simm.s32 $0x0;
	s14 =	simm.s32 $0x9;
	s15 =	simm.s32 $0x80  }
0x4: {  	s16 =	simm.s32 $0xC00;
	s17 =	simm.s32 $0x4C00;
	s18 =	simm.s32 $0x1  }
0x5: {  	s20 =	simm.s32 $0x8C00;
	s21 =	simm.s32 $0x2;
	s23 =	simm.s32 $0xCC00  }
0x6: {  	s24 =	simm.s32 $0x3;
	s28 =	simm.s32 $0x6;
	s29 =	simm.s32 $0x7  }
0x7: {  	s0 =	sand.u32 $0x1, s0;
	s1 =	sshll.u32 s8, $0x1;
	s8 =	smul.u32 $0x28, s8  }
0x8: {  	s1 =	sor.u32 s0, s1;
	s7 =	ssub.s32 $0x2, s0;
	s0 =	smul.u32 $0x14, s0  }
0x9: {  	s30 =	simm.s32 $0x8;
	s31 =	simm.s32 $0x0;
	s5 =	smul.u32 $0x180, s1  }
0xa: {  	[smem:$0x7FF] =	sst s2;
	s26 =	sadd.s32 $0x800, s4;
	s6 =	smul.u32 $0xA000, s1  }
0xb: {  	_ =	strace $0x80000050;
	s1 =	smul.u32 $0x50000, s1;
	s9 =	sshrl.u32 s7, $0x1  }
0xc: {  	s9 =	ssub.s32 s7, s9;
	s0 =	sadd.s32 s0, s8;
	s5 =	sadd.s32 s5, s3  }
0xd: {  	s3 =	sadd.s32 $0x8000, s3;
	s25 =	sadd.s32 s4, s6;
	s1 =	sshrl.u32 s1, $0x3  }
0xe: {  	s0 =	sshll.u32 s0, $0xB;
	s6 =	sadd.s32 s6, s26;
	s9 =	smax.u32 s9, $0x1  }
0xf: {  	s5 =	sadd.s32 $0x5000, s5;
	[dreg:$0x4] =	wrdreg s25;
	s1 =	sadd.s32 s4, s1  }
0x10: {  	[dreg:$0x5] =	wrdreg s6;
	s4 =	sadd.s32 s0, s4;
	s0 =	sadd.s32 s26, s0  }
0x11: {  	s25 =	simm.s32 $0x5;
	s26 =	simm.s32 $0x4;
	[dreg:$0x3] =	wrdreg s5  }
0x12: {  	s7 =	sadd.s32 $0x9000, s1;
	s8 =	sadd.s32 $0x9800, s1;
	s10 =	sadd.s32 $0x1800, s4  }
0x13: {  	s11 =	sadd.s32 $0x1000, s4;
	s12 =	sadd.s32 $0x2000, s4;
	s13 =	sadd.s32 $0x2000, s0  }
.LBB2_1:
0x14: {  	s0 =	rddreg [dreg:$0x3]  }
0x15: {  	[tilespmem:s2], [sflag:$0x9] =	stream.linear.gather [hbm4b:s0+s2], $0xA00, $0x38;
	[tilespmem:$0x10C00] =	vst v63  }
0x16: {  	_ =	swait.ge [sflag:s14], $0xA00  }
0x17: {  	[sflag:s14] =	ssyncset.done $0x0  }
0x18: {  	[sflag:s14] =	ssyncadd.s32 $0xFFFFF600  }
0x19: {  	[tilespmem:s16], [sflag:$0x1] =	stream.indirect.gather [hbm4b:s3+s15], $0x80, s2, s15, $0xb8;
	[tilespmem:$0x10C00] =	vst v63  }
0x1a: {  	_ = 	snop  }
0x1b: {  	[tilespmem:s17], [sflag:$0x2] =	stream.indirect.gather [hbm4b:s3+s15], $0x80, s15, s15, $0xb8;
	[tilespmem:$0x10C00] =	vst v63  }
0x1c: {  	_ =	swait.ge [sflag:s18], $0x4000  }
0x1d: {  	[sflag:s18] =	ssyncset.done $0x0  }
0x1e: {  	s22 =	rddreg [dreg:$0x4];
	[sflag:s18] =	ssyncadd.s32 $0xFFFFC000  }
0x1f: {  	[hbm4b:s22+s2] =	stream.linear.scatter [tilespmem:s16], [sflag:$0x5], $0x4000, $0x38;
	[tilespmem:$0x10C00] =	vst v63  }
0x20: {  	s1 =	simm.s32 $0x100  }
0x21: {  	[tilespmem:s20], [sflag:$0x3] =	stream.indirect.gather [hbm4b:s3+s15], $0x80, s1, s15, $0xb8;
	[tilespmem:$0x10C00] =	vst v63  }
0x22: {  	_ =	swait.ge [sflag:s21], $0x4000  }
0x23: {  	[sflag:s21] =	ssyncset.done $0x0  }
0x24: {  	s4 =	rddreg [dreg:$0x5];
	[sflag:s21] =	ssyncadd.s32 $0xFFFFC000  }
0x25: {  	[hbm4b:s4+s2] =	stream.linear.scatter [tilespmem:s17], [sflag:$0x6], $0x4000, $0x38;
	[tilespmem:$0x10C00] =	vst v63  }
0x26: {  	s5 =	simm.s32 $0x180  }
0x27: {  	[tilespmem:s23], [sflag:$0x4] =	stream.indirect.gather [hbm4b:s3+s15], $0x80, s5, s15, $0xb8;
	[tilespmem:$0x10C00] =	vst v63  }
0x28: {  	_ =	swait.ge [sflag:s24], $0x4000  }
0x29: {  	[sflag:s24] =	ssyncset.done $0x0  }
0x2a: {  	[sflag:s24] =	ssyncadd.s32 $0xFFFFC000  }
0x2b: {  	[hbm4b:s11+s2] =	stream.linear.scatter [tilespmem:s20], [sflag:$0x7], $0x4000, $0x38;
	[tilespmem:$0x10C00] =	vst v63  }
0x2c: {  	_ =	swait.ge [sflag:s25], $0x4000  }
0x2d: {  	[sflag:s25] =	ssyncset.done $0x0  }
0x2e: {  	s6 =	simm.s32 $0x200;
	[sflag:s25] =	ssyncadd.s32 $0xFFFFC000  }
0x2f: {  	[tilespmem:s16], [sflag:$0x1] =	stream.indirect.gather [hbm4b:s3+s15], $0x80, s6, s15, $0xb8;
	[tilespmem:$0x10C00] =	vst v63  }
0x30: {  	_ =	swait.ge [sflag:s26], $0x4000  }
0x31: {  	[sflag:s26] =	ssyncset.done $0x0  }
0x32: {  	[sflag:s26] =	ssyncadd.s32 $0xFFFFC000  }
0x33: {  	[hbm4b:s10+s2] =	stream.linear.scatter [tilespmem:s23], [sflag:$0x8], $0x4000, $0x38;
	[tilespmem:$0x10C00] =	vst v63  }
0x34: {  	_ =	swait.ge [sflag:s28], $0x4000  }
0x35: {  	[sflag:s28] =	ssyncset.done $0x0  }
0x36: {  	s19 =	simm.s32 $0x280;
	[sflag:s28] =	ssyncadd.s32 $0xFFFFC000  }
0x37: {  	[tilespmem:s17], [sflag:$0x2] =	stream.indirect.gather [hbm4b:s3+s15], $0x80, s19, s15, $0xb8;
	[tilespmem:$0x10C00] =	vst v63  }
0x38: {  	_ =	swait.ge [sflag:s18], $0x4000  }
0x39: {  	[sflag:s18] =	ssyncset.done $0x0  }
0x3a: {  	[sflag:s18] =	ssyncadd.s32 $0xFFFFC000  }
0x3b: {  	[hbm4b:s12+s2] =	stream.linear.scatter [tilespmem:s16], [sflag:$0x5], $0x4000, $0x38;
	[tilespmem:$0x10C00] =	vst v63  }
0x3c: {  	_ =	swait.ge [sflag:s29], $0x4000  }
0x3d: {  	[sflag:s29] =	ssyncset.done $0x0  }
0x3e: {  	s22 =	simm.s32 $0x300;
	[sflag:s29] =	ssyncadd.s32 $0xFFFFC000  }
0x3f: {  	[tilespmem:s20], [sflag:$0x3] =	stream.indirect.gather [hbm4b:s3+s15], $0x80, s22, s15, $0xb8;
	[tilespmem:$0x10C00] =	vst v63  }
0x40: {  	_ =	swait.ge [sflag:s21], $0x4000  }
0x41: {  	[sflag:s21] =	ssyncset.done $0x0  }
0x42: {  	[sflag:s21] =	ssyncadd.s32 $0xFFFFC000  }
0x43: {  	[hbm4b:s13+s2] =	stream.linear.scatter [tilespmem:s17], [sflag:$0x6], $0x4000, $0x38;
	[tilespmem:$0x10C00] =	vst v63  }
0x44: {  	s0 =	sadd.s32 $0x2000, s13;
	s1 =	simm.s32 $0x800;
	_ =	swait.ge [sflag:s30], $0x4000  }
0x45: {  	s4 =	sadd.s32 $0x2000, s10;
	s5 =	simm.s32 $0x380;
	[sflag:s30] =	ssyncset.done $0x0  }
0x46: {  	s19 =	sadd.s32 $0x2000, s11;
	s22 =	sadd.s32 $0x2000, s12;
	[sflag:s30] =	ssyncadd.s32 $0xFFFFC000  }
.LBB2_2:
0x47: {  	[tilespmem:s23], [sflag:$0x4] =	stream.indirect.gather [hbm4b:s3+s15], $0x80, s5, s15, $0xb8;
	[tilespmem:$0x10C00] =	vst v63  }
0x48: {  	s5 =	smov.u32 s1  }
0x49: {  	p0 =	sne.s32 s1, $0x1800;
	s1 =	sadd.s32 $0x800, s1;
	_ =	swait.ge [sflag:s24], $0x4000  }
0x4a: {  	[sflag:s24] =	ssyncset.done $0x0  }
0x4b: {  	[sflag:s24] =	ssyncadd.s32 $0xFFFFC000  }
0x4c: {  	[hbm4b:s19+s2] =	stream.linear.scatter [tilespmem:s20], [sflag:$0x7], $0x4000, $0x38;
	[tilespmem:$0x10C00] =	vst v63  }
0x4d: {  	_ =	swait.ge [sflag:s25], $0x4000  }
0x4e: {  	s5 =	sshra.s32 s5, $0x2;
	[sflag:s25] =	ssyncset.done $0x0  }
0x4f: {  	s6 =	sadd.s32 $0x200, s5;
	[sflag:s25] =	ssyncadd.s32 $0xFFFFC000  }
0x50: {  	[tilespmem:s16], [sflag:$0x1] =	stream.indirect.gather [hbm4b:s3+s15], $0x80, s6, s15, $0xb8;
	[tilespmem:$0x10C00] =	vst v63  }
0x51: {  	_ =	swait.ge [sflag:s26], $0x4000  }
0x52: {  	[sflag:s26] =	ssyncset.done $0x0  }
0x53: {  	[sflag:s26] =	ssyncadd.s32 $0xFFFFC000  }
0x54: {  	[hbm4b:s4+s2] =	stream.linear.scatter [tilespmem:s23], [sflag:$0x8], $0x4000, $0x38;
	[tilespmem:$0x10C00] =	vst v63  }
0x55: {  	_ =	swait.ge [sflag:s28], $0x4000  }
0x56: {  	[sflag:s28] =	ssyncset.done $0x0  }
0x57: {  	s6 =	sadd.s32 $0x280, s5;
	[sflag:s28] =	ssyncadd.s32 $0xFFFFC000  }
0x58: {  	[tilespmem:s17], [sflag:$0x2] =	stream.indirect.gather [hbm4b:s3+s15], $0x80, s6, s15, $0xb8;
	[tilespmem:$0x10C00] =	vst v63  }
0x59: {  	_ =	swait.ge [sflag:s18], $0x4000  }
0x5a: {  	[sflag:s18] =	ssyncset.done $0x0  }
0x5b: {  	[sflag:s18] =	ssyncadd.s32 $0xFFFFC000  }
0x5c: {  	[hbm4b:s22+s2] =	stream.linear.scatter [tilespmem:s16], [sflag:$0x5], $0x4000, $0x38;
	[tilespmem:$0x10C00] =	vst v63  }
0x5d: {  	_ =	swait.ge [sflag:s29], $0x4000  }
0x5e: {  	[sflag:s29] =	ssyncset.done $0x0  }
0x5f: {  	s6 =	sadd.s32 $0x300, s5;
	[sflag:s29] =	ssyncadd.s32 $0xFFFFC000  }
0x60: {  	[tilespmem:s20], [sflag:$0x3] =	stream.indirect.gather [hbm4b:s3+s15], $0x80, s6, s15, $0xb8;
	[tilespmem:$0x10C00] =	vst v63  }
0x61: {  	_ =	swait.ge [sflag:s21], $0x4000  }
0x62: {  	[sflag:s21] =	ssyncset.done $0x0  }
.Ltmp0:
0x63: {  	[sflag:s21] =	ssyncadd.s32 $0xFFFFC000;
	(pc) =	sbr.rel @p0 .LBB2_2-.Ltmp0, $4  }
0x64: {  	[hbm4b:s0+s2] =	stream.linear.scatter [tilespmem:s17], [sflag:$0x6], $0x4000, $0x38;
	[tilespmem:$0x10C00] =	vst v63  }
0x65: {  	s0 =	sadd.s32 $0x2000, s0;
	_ =	swait.ge [sflag:s30], $0x4000  }
0x66: {  	s19 =	sadd.s32 $0x2000, s19;
	s22 =	sadd.s32 $0x2000, s22;
	[sflag:s30] =	ssyncset.done $0x0  }
0x67: {  	s4 =	sadd.s32 $0x2000, s4;
	s5 =	sadd.s32 $0x380, s5;
	[sflag:s30] =	ssyncadd.s32 $0xFFFFC000  }
0x68: {  	[tilespmem:s23], [sflag:$0x4] =	stream.indirect.gather [hbm4b:s3+s15], $0x80, s5, s15, $0xb8;
	[tilespmem:$0x10C00] =	vst v63  }
0x69: {  	_ =	swait.ge [sflag:s24], $0x4000  }
0x6a: {  	[sflag:s24] =	ssyncset.done $0x0  }
0x6b: {  	[sflag:s24] =	ssyncadd.s32 $0xFFFFC000  }
0x6c: {  	[hbm4b:s7+s2] =	stream.linear.scatter [tilespmem:s20], [sflag:$0x7], $0x4000, $0x38;
	[tilespmem:$0x10C00] =	vst v63  }
0x6d: {  	_ =	swait.ge [sflag:s26], $0x4000  }
0x6e: {  	[sflag:s26] =	ssyncset.done $0x0  }
0x6f: {  	[sflag:s26] =	ssyncadd.s32 $0xFFFFC000  }
0x70: {  	[hbm4b:s8+s2] =	stream.linear.scatter [tilespmem:s23], [sflag:$0x8], $0x4000, $0x38;
	[tilespmem:$0x10C00] =	vst v63  }
0x71: {  	_ =	swait.ge [sflag:s25], $0x4000  }
0x72: {  	[sflag:s25] =	ssyncset.done $0x0  }
0x73: {  	[sflag:s25] =	ssyncadd.s32 $0xFFFFC000  }
0x74: {  	_ =	swait.ge [sflag:s28], $0x4000  }
0x75: {  	[sflag:s28] =	ssyncset.done $0x0  }
0x76: {  	s31 =	sadd.s32 $0x1, s31;
	[sflag:s28] =	ssyncadd.s32 $0xFFFFC000  }
0x77: {  	p0 =	sne.s32 s31, s9;
	_ =	swait.ge [sflag:s29], $0x4000  }
.Ltmp1:
0x78: {  	[sflag:s29] =	ssyncset.done $0x0;
	(pc) =	sbr.rel @p0 .LBB2_1-.Ltmp1, $4  }
0x79: {  	[sflag:s29] =	ssyncadd.s32 $0xFFFFC000  }
0x7a: {  	_ =	swait.ge [sflag:s30], $0x4000  }
0x7b: {  	[sflag:s30] =	ssyncset.done $0x0  }
0x7c: {  	[sflag:s30] =	ssyncadd.s32 $0xFFFFC000  }
0x7d: {  	_ =	sfence.sel $0x180000  }
0x7e: {  	[bflag:$0x0] =	sbarrier.arrive $0xFFFF  }
0x7f: {  	_ =	strace $0x90000050  }
0x80: {  	s0 =	stileid.u32;
	[bflag:$0x2] =	sbarrier.arrive $0xFFFF  }
0x81: {  	p0 =	sne.s32 s0, $0x0;
	s0 =	rddreg [dreg:$0x2]  }
0x82: {  	s0 =	sadd.s32 @!p0 $0x100000, s0  }
0x83: {  	[sflag:s0] =	ssyncadd.tile.s32 @!p0 $0x1;
	_ =	shalt  }
.Lfunc_end2:
_tile_overlayer_lowered:
.L_overlay_start_2:
0x84: {  	(tag) =	ssettag $0x2  }
0x85: {  	s0 =	rddreg [dreg:$0x0];
	s2 =	stileid.u32  }
0x86: {  	s1 =	rddreg [dreg:$0x1];
	p0 =	sne.s32 s2, $0x0  }
0x87: {  	s3 =	rddreg [dreg:$0x2];
	[bflag:$0x3] =	sbarrier.arrive $0xFFFF;
	s2 =	simm.s32 @!p0 $0x1C09  }
0x88: {  	[timem:s3], [sflag:s2] =	dma.local @!p0 [hbm:s0], s1  }
0x89: {  	s0 =	simm.s32 @!p0 $0x9  }
0x8a: {  	_ =	swait.ge @!p0 [sflag:s0], s1  }
0x8b: {  	s1 =	ssub.s32 @!p0 $0x0, s1;
	[sflag:s0] =	ssyncset.done @!p0 $0x0  }
0x8c: {  	[sflag:s0] =	ssyncadd.s32 @!p0 s1  }
0x8d: {  	[bflag:$0x3] =	sbarrier.arrive $0xFFFF  }
0x8e: {  	_ =	shalt  }

// kernel: kernel.19.cloned.1.call-start
scs
__scs_entry_jumppad:
0x0: {  	(pc) =	sbr.rel $0x88, $3  }
0x1: {  	(tag) =	ssettag $0x0;
	lr =	simm.s32 $0x1  }
0x2: {  	[smem:$0x3F87] =	sst lr;
	_ =	strace $0xD0000000  }
0x3: {  	_ = 	snop  }
0x4: {  	_ = 	snop  }
0x5: {  	_ = 	snop  }
0x6: {  	_ = 	snop  }
0x7: {  	_ = 	snop  }
__scs_overlays_trampoline_lowered:
0x8: {  	[smem:$0x3F96] =	sst s0  }
0x9: {  	[smem:$0x3F97] =	sst s1  }
0xa: {  	[smem:$0x3F98] =	sst s2  }
0xb: {  	[smem:$0x3F99] =	sst s3  }
0xc: {  	[smem:$0x3F9A] =	sst s4  }
0xd: {  	[smem:$0x3F9B] =	sst s5  }
0xe: {  	[smem:$0x3F9C] =	sst s6  }
0xf: {  	[smem:$0x3F9D] =	sst s7  }
0x10: {  	[smem:$0x3F9E] =	sst s8  }
0x11: {  	[smem:$0x3F9F] =	sst s9;
	s0 =	simm.s32 @!p0 $0x0  }
0x12: {  	s1 =	sld [smem:$0x3F85];
	s0 =	simm.s32 @p0 $0x1  }
0x13: {  	[smem:$0x3FA0] =	sst s0;
	s0 =	simm.s32 @!p1 $0x0  }
0x14: {  	s2 =	sld [smem:$0x3F84];
	s0 =	simm.s32 @p1 $0x1  }
0x15: {  	[smem:$0x3FA1] =	sst s0;
	s0 =	simm.s32 @!p2 $0x0  }
0x16: {  	s3 =	sld [smem:$0x3FDB];
	s0 =	simm.s32 @p2 $0x1  }
0x17: {  	s4 =	simm.s32 $0x1BF5;
	[smem:$0x3FA3] =	sst s0  }
0x18: {  	s0 =	sld [smem:$0x3F86];
	_ =	swait.ge [sflag:s4], $0x0  }
0x19: {  	s7 =	sld [smem:$0x3F87]  }
0x1a: {  	s8 =	sadd.s32 $0xFFFFE003, lr  }
0x1b: {  	s9 =	sadd.s32 $0xFFFFFEF7, lr;
	s5 =	simm.s32 $0xFFFFFFFF;
	p2 =	slt.u32 s8, $0xFFFFF086  }
0x1c: {  	p1 =	slt.u32 s9, $0xF7A;
	s5 =	simm.s32 @!p2 $0x0  }
0x1d: {  	s5 =	simm.s32 @p1 $0x1;
	p0 =	seq.s32 s7, s2  }
0x1e: {  	s7 =	smul.u32 @!p0 $0xF7A, s2;
	p2 =	seq.s32 @!p0 s5, $0x0  }
0x1f: {  	s9 =	smul.u32 $0xF7A, s1;
	s8 =	simm.s32 @!p0 $0x1BF5;
	p2 =	por !p2, p0  }
0x20: {  	[sflag:s8] =	ssyncset.s32 @!p0 $0xFFFFF086;
	s6 =	sadd.s32 @!p0 s3, s7;
	s7 =	simm.s32 @!p0 $0x108  }
0x21: {  	s3 =	sadd.s32 s3, s9;
	s6 =	sadd.s32 @!p0 $0x88, s6;
	s7 =	simm.s32 @p2 $0x1082  }
0x22: {  	[simem:s7], [sflag:s8] =	dma.local @!p0 [hbm:s6], $0xF7A  }
0x23: {  	s9 =	sor.u32 $0xD0000000, s2;
	s6 =	simm.s32 $0x108;
	_ =	swait.ge @!p0 [sflag:s8], $0x0  }
0x24: {  	s3 =	sadd.s32 $0x88, s3;
	s6 =	simm.s32 @!p1 $0x1082;
	[sflag:s4] =	ssyncset.s32 $0xFFFFF086  }
0x25: {  	[simem:s6], [sflag:s4] =	dma.local [hbm:s3], $0xF7A  }
0x26: {  	[smem:$0x3F87] =	sst s1;
	(tag) =	ssettag s2;
	_ =	strace s9  }
0x27: {  	s1 =	sld [smem:$0x3F97]  }
0x28: {  	s2 =	sld [smem:$0x3F98]  }
0x29: {  	s4 =	sld [smem:$0x3F9A]  }
0x2a: {  	p0 =	seq.s32 s5, $0x0;
	s5 =	sld [smem:$0x3F9B]  }
0x2b: {  	s6 =	sld [smem:$0x3F9C]  }
0x2c: {  	s7 =	sld [smem:$0x3F9D]  }
0x2d: {  	s3 =	simm.s32 $0x108;
	s8 =	sld [smem:$0x3F9E]  }
0x2e: {  	s3 =	simm.s32 @!p0 $0x1082;
	s9 =	sld [smem:$0x3F9F]  }
0x2f: {  	lr =	sadd.s32 s0, s3;
	s0 =	sld [smem:$0x3F96]  }
0x30: {  	s3 =	sld [smem:$0x3F99]  }
0x31: {  	[smem:$0x3FA2] =	sst s10  }
0x32: {  	s10 =	sld [smem:$0x3FA0];
	_ =	sdelay $0x3  }
0x33: {  	p0 =	seq.s32 s10, $0x1;
	s10 =	sld [smem:$0x3FA2];
	_ =	sdelay $0x3  }
0x34: {  	[smem:$0x3FA2] =	sst s10  }
0x35: {  	s10 =	sld [smem:$0x3FA1];
	_ =	sdelay $0x3  }
0x36: {  	p1 =	seq.s32 s10, $0x1;
	s10 =	sld [smem:$0x3FA2];
	_ =	sdelay $0x3  }
0x37: {  	[smem:$0x3FA2] =	sst s10  }
0x38: {  	s10 =	sld [smem:$0x3FA3]  }
0x39: {  	_ = 	snop;
	(pc) =	sbr.ind lr, $3  }
0x3a: {  	_ = 	snop  }
0x3b: {  	_ = 	snop  }
0x3c: {  	p2 =	seq.s32 s10, $0x1;
	s10 =	sld [smem:$0x3FA2]  }
0x3d: {  	_ =	shalt  }
0x3e: {  	_ =	shalt  }
0x3f: {  	_ =	shalt  }
0x40: {  	_ =	shalt  }
0x41: {  	_ =	shalt  }
0x42: {  	_ =	shalt  }
0x43: {  	_ =	shalt  }
0x44: {  	_ =	shalt  }
0x45: {  	_ =	shalt  }
0x46: {  	_ =	shalt  }
0x47: {  	_ =	shalt  }
0x48: {  	_ =	shalt  }
0x49: {  	_ =	shalt  }
0x4a: {  	_ =	shalt  }
0x4b: {  	_ =	shalt  }
0x4c: {  	_ =	shalt  }
0x4d: {  	_ =	shalt  }
0x4e: {  	_ =	shalt  }
0x4f: {  	_ =	shalt  }
0x50: {  	_ =	shalt  }
0x51: {  	_ =	shalt  }
0x52: {  	_ =	shalt  }
0x53: {  	_ =	shalt  }
0x54: {  	_ =	shalt  }
0x55: {  	_ =	shalt  }
0x56: {  	_ =	shalt  }
0x57: {  	_ =	shalt  }
0x58: {  	_ =	shalt  }
0x59: {  	_ =	shalt  }
0x5a: {  	_ =	shalt  }
0x5b: {  	_ =	shalt  }
0x5c: {  	_ =	shalt  }
0x5d: {  	_ =	shalt  }
0x5e: {  	_ =	shalt  }
0x5f: {  	_ =	shalt  }
0x60: {  	_ =	shalt  }
0x61: {  	_ =	shalt  }
0x62: {  	_ =	shalt  }
0x63: {  	_ =	shalt  }
0x64: {  	_ =	shalt  }
0x65: {  	_ =	shalt  }
0x66: {  	_ =	shalt  }
0x67: {  	_ =	shalt  }
0x68: {  	_ =	shalt  }
0x69: {  	_ =	shalt  }
0x6a: {  	_ =	shalt  }
0x6b: {  	_ =	shalt  }
0x6c: {  	_ =	shalt  }
0x6d: {  	_ =	shalt  }
0x6e: {  	_ =	shalt  }
0x6f: {  	_ =	shalt  }
0x70: {  	_ =	shalt  }
0x71: {  	_ =	shalt  }
0x72: {  	_ =	shalt  }
0x73: {  	_ =	shalt  }
0x74: {  	_ =	shalt  }
0x75: {  	_ =	shalt  }
0x76: {  	_ =	shalt  }
0x77: {  	_ =	shalt  }
0x78: {  	_ =	shalt  }
0x79: {  	_ =	shalt  }
0x7a: {  	_ =	shalt  }
0x7b: {  	_ =	shalt  }
0x7c: {  	_ =	shalt  }
0x7d: {  	_ =	shalt  }
0x7e: {  	_ =	shalt  }
0x7f: {  	_ =	shalt  }
0x80: {  	_ =	shalt  }
0x81: {  	_ =	shalt  }
0x82: {  	_ =	shalt  }
0x83: {  	_ =	shalt  }
0x84: {  	_ =	shalt  }
0x85: {  	_ =	shalt  }
0x86: {  	_ =	shalt  }
0x87: {  	_ =	shalt  }
.Lfunc_end0:
.L_simem_size_0:
called_computation.3_lowered:
.L_overlay_start_0:
0x88: {  	s2 =	sld [smem:$0x3FD9]  }
0x89: {  	s3 =	sld [smem:$0x3FFE];
	_ =	sdelay $0x1  }
0x8a: {  	s1 =	srdreg.scid  }
0x8b: {  	s0 =	sand.u32 $0x1, s1  }
0x8c: {  	s16 =	sshll.u32 s0, $0xA;
	s2 =	sadd.s32 s3, s2  }
0x8d: {  	s2 =	sadd.s32 s2, s16  }
0x8e: {  	[smem:$0x3FAE] =	sst s2  }
0x8f: {  	_ = 	snop  }
0x90: {  	(tm) =	ssettm $0x1  }
0x91: {  	s17 =	sld [smem:$0x3FFB];
	_ =	sdelay $0x3  }
0x92: {  	_ =	strace s17  }
0x93: {  	s2 =	sld [smem:$0x3FFC];
	_ =	sdelay $0x3  }
0x94: {  	_ =	strace s2  }
0x95: {  	s2 =	sld [smem:$0x3FFD];
	_ =	sdelay $0x3  }
0x96: {  	_ =	strace s2  }
0x97: {  	_ =	strace $0x8FFFFFFF  }
0x98: {  	s18 =	sld [smem:$0x3FDB];
	_ =	sdelay $0x1  }
0x99: {  	s19 =	simm.s32 $_scs_section_size  }
0x9a: {  	s4 =	simm.s32 $_size__tile_overlayer_lowered;
	s5 =	simm.s32 $_tile_overlayer_lowered  }
0x9b: {  	s22 =	simm.s32 $0x1BFF;
	s21 =	sshll.u32 s5, $0x1;
	s2 =	sadd.s32 s19, s18  }
0x9c: {  	s6 =	simm.s32 $0x0;
	s20 =	sshll.u32 s4, $0x1;
	s4 =	sadd.s32 s21, s2  }
0x9d: {  	[timem:s6], [sflag:s22] =	dma.local [hbm:s4], s20  }
0x9e: {  	_ =	swait.ge [sflag:s22], s20  }
0x9f: {  	s3 =	ssub.s32 $0x0, s20;
	[sflag:s22] =	ssyncset.done $0x0  }
0xa0: {  	[sflag:s22] =	ssyncadd.s32 s3;
	_ =	sdelay $0x1  }
0xa1: {  	s23 =	simm.s32 $0x1B8B  }
0xa2: {  	_ =	swait.ge [sflag:s23], $0x1  }
0xa3: {  	[sflag:s23] =	ssyncset.done $0x0  }
0xa4: {  	s25 =	simm.s32 $0x1B8E;
	s24 =	sld [smem:$0x3FFE];
	[sflag:s23] =	ssyncadd.s32 $0xFFFFFFFF  }
0xa5: {  	s26 =	simm.s32 $execute0_lowered;
	[smem:$0x3FD2] =	sst s25  }
0xa6: {  	s4 =	sshll.u32 s26, $0x1;
	_ =	strace $0x8000004C;
	[dreg:$0x1] =	wrdreg $0xFFFFFFFF  }
0xa7: {  	s28 =	simm.s32 $_size_execute0_lowered;
	s2 =	sadd.s32 s2, s4;
	[dreg:$0x0] =	wrdreg $0x0  }
0xa8: {  	s4 =	sshll.u32 s28, $0x1;
	[dreg:$0x2] =	wrdreg s2  }
0xa9: {  	[dreg:$0x3] =	wrdreg s4  }
0xaa: {  	[dreg:$0x4] =	wrdreg $0xC0  }
0xab: {  	_ =	task [dreg:s6], $0x5FFFF  }
0xac: {  	[dreg:$0x1] =	wrdreg $0xFFFFFFFF  }
0xad: {  	[dreg:$0x0] =	wrdreg $0x60  }
0xae: {  	[dreg:$0x2] =	wrdreg s24  }
0xaf: {  	[dreg:$0x3] =	wrdreg $0xA  }
0xb0: {  	_ =	task.clear_ibuf [dreg:s6], $0x4FFFF;
	_ =	strace $0x9000004C  }
0xb1: {  	s29 =	simm.s32 $0xA;
	_ =	strace $0x8000004E  }
0xb2: {  	_ =	swait.ge [sflag:s29], $0x1  }
0xb3: {  	[sflag:s29] =	ssyncadd.s32 $0xFFFFFFFF  }
0xb4: {  	_ =	strace $0x9000004E  }
0xb5: {  	_ =	sfence  }
0xb6: {  	s30 =	sld [smem:$0x0];
	_ =	sdelay $0x2  }
0xb7: {  	s31 =	sshll.u32 s1, $0xD;
	s1 =	sshrl.u32 s1, $0x2  }
0xb8: {  	s3 =	sand.u32 $0x4000, s31;
	s1 =	sadd.s32 s1, s30  }
0xb9: {  	s0 =	sor.u32 s3, s0;
	s1 =	sshll.u32 s1, $0x11  }
0xba: {  	s0 =	sor.u32 s1, s0  }
0xbb: {  	s0 =	sadd.s32 $0x8F2B, s0  }
0xbc: {  	[sflag:s0] =	ssyncadd.remote.s32 $0x1  }
0xbd: {  	_ =	sfence.sel $0xFFFF  }
0xbe: {  	[dreg:$0x0] =	wrdreg $0xFFFFFFFF;
	(pc) =	sbr.abs _section_cstart, $3  }
0xbf: {  	[dreg:$0x1] =	wrdreg $0xFFFFFFFF  }
0xc0: {  	_ =	task.clear_ibuf [dreg:s6], $0x2FFFF;
	_ =	strace $0x9FFFFFFF  }
0xc1: {  	(tm) =	ssettm $0x7FFFFFFF  }
tec
execute0_lowered:
.L_overlay_start_1:
0x0: {  	(tag) =	ssettag $0x1  }
0x1: {  	s0 =	srdreg.scid  }
0x2: {  	s8 =	stileid.u32;
	s4 =	rddreg [dreg:$0x0];
	s2 =	simm.s32 $0x0  }
0x3: {  	s14 =	simm.s32 $0x9;
	s15 =	simm.s32 $0x80;
	s16 =	simm.s32 $0xC00  }
0x4: {  	s17 =	simm.s32 $0x4C00;
	s18 =	simm.s32 $0x1;
	s20 =	simm.s32 $0x8C00  }
0x5: {  	s21 =	simm.s32 $0x2;
	s23 =	simm.s32 $0xCC00;
	s28 =	simm.s32 $0x6  }
0x6: {  	s29 =	simm.s32 $0x7;
	s30 =	simm.s32 $0x8;
	s31 =	simm.s32 $0x0  }
0x7: {  	s0 =	sand.u32 $0x1, s0;
	s1 =	sshll.u32 s8, $0x1;
	s8 =	smul.u32 $0x28, s8  }
0x8: {  	s1 =	sor.u32 s0, s1;
	s7 =	ssub.s32 $0x2, s0;
	s0 =	smul.u32 $0x14, s0  }
0x9: {  	[smem:$0x7FF] =	sst s2;
	s3 =	sadd.s32 $0x8000, s4;
	s5 =	smul.u32 $0x180, s1  }
0xa: {  	s10 =	sadd.s32 $0x14B000, s4;
	s6 =	smul.u32 $0xA000, s1;
	s9 =	sshrl.u32 s7, $0x1  }
0xb: {  	_ =	strace $0x8000004D;
	s1 =	smul.u32 $0x50000, s1;
	s9 =	ssub.s32 s7, s9  }
0xc: {  	s0 =	sadd.s32 s0, s8;
	s5 =	sadd.s32 s5, s4;
	s24 =	sadd.s32 s10, s6  }
0xd: {  	s1 =	sshrl.u32 s1, $0x3;
	s4 =	sadd.s32 $0x14B800, s4;
	s0 =	sshll.u32 s0, $0xB  }
0xe: {  	s9 =	smax.u32 s9, $0x1;
	s5 =	sadd.s32 $0x148000, s5;
	[dreg:$0x3] =	wrdreg s24  }
0xf: {  	s1 =	sadd.s32 s10, s1;
	s25 =	sadd.s32 s6, s4;
	s26 =	sadd.s32 s0, s10  }
0x10: {  	s0 =	sadd.s32 s4, s0;
	s24 =	simm.s32 $0x3;
	[dreg:$0x2] =	wrdreg s5  }
0x11: {  	[dreg:$0x4] =	wrdreg s25;
	s7 =	sadd.s32 $0x9000, s1;
	s8 =	sadd.s32 $0x9800, s1  }
0x12: {  	s10 =	sadd.s32 $0x1800, s26;
	s11 =	sadd.s32 $0x1000, s26;
	s12 =	sadd.s32 $0x2000, s26  }
0x13: {  	s13 =	sadd.s32 $0x2000, s0;
	s25 =	simm.s32 $0x5;
	s26 =	simm.s32 $0x4  }
.LBB2_1:
0x14: {  	s0 =	rddreg [dreg:$0x2]  }
0x15: {  	[tilespmem:s2], [sflag:$0x9] =	stream.linear.gather [hbm4b:s0+s2], $0xA00, $0x38;
	[tilespmem:$0x10C00] =	vst v63  }
0x16: {  	_ =	swait.ge [sflag:s14], $0xA00  }
0x17: {  	[sflag:s14] =	ssyncset.done $0x0  }
0x18: {  	[sflag:s14] =	ssyncadd.s32 $0xFFFFF600  }
0x19: {  	[tilespmem:s16], [sflag:$0x1] =	stream.indirect.gather [hbm4b:s3+s15], $0x80, s2, s15, $0xb8;
	[tilespmem:$0x10C00] =	vst v63  }
0x1a: {  	_ = 	snop  }
0x1b: {  	[tilespmem:s17], [sflag:$0x2] =	stream.indirect.gather [hbm4b:s3+s15], $0x80, s15, s15, $0xb8;
	[tilespmem:$0x10C00] =	vst v63  }
0x1c: {  	_ =	swait.ge [sflag:s18], $0x4000  }
0x1d: {  	[sflag:s18] =	ssyncset.done $0x0  }
0x1e: {  	s22 =	rddreg [dreg:$0x3];
	[sflag:s18] =	ssyncadd.s32 $0xFFFFC000  }
0x1f: {  	[hbm4b:s22+s2] =	stream.linear.scatter [tilespmem:s16], [sflag:$0x5], $0x4000, $0x38;
	[tilespmem:$0x10C00] =	vst v63  }
0x20: {  	s1 =	simm.s32 $0x100  }
0x21: {  	[tilespmem:s20], [sflag:$0x3] =	stream.indirect.gather [hbm4b:s3+s15], $0x80, s1, s15, $0xb8;
	[tilespmem:$0x10C00] =	vst v63  }
0x22: {  	_ =	swait.ge [sflag:s21], $0x4000  }
0x23: {  	[sflag:s21] =	ssyncset.done $0x0  }
0x24: {  	s4 =	rddreg [dreg:$0x4];
	[sflag:s21] =	ssyncadd.s32 $0xFFFFC000  }
0x25: {  	[hbm4b:s4+s2] =	stream.linear.scatter [tilespmem:s17], [sflag:$0x6], $0x4000, $0x38;
	[tilespmem:$0x10C00] =	vst v63  }
0x26: {  	s5 =	simm.s32 $0x180  }
0x27: {  	[tilespmem:s23], [sflag:$0x4] =	stream.indirect.gather [hbm4b:s3+s15], $0x80, s5, s15, $0xb8;
	[tilespmem:$0x10C00] =	vst v63  }
0x28: {  	_ =	swait.ge [sflag:s24], $0x4000  }
0x29: {  	[sflag:s24] =	ssyncset.done $0x0  }
0x2a: {  	[sflag:s24] =	ssyncadd.s32 $0xFFFFC000  }
0x2b: {  	[hbm4b:s11+s2] =	stream.linear.scatter [tilespmem:s20], [sflag:$0x7], $0x4000, $0x38;
	[tilespmem:$0x10C00] =	vst v63  }
0x2c: {  	_ =	swait.ge [sflag:s25], $0x4000  }
0x2d: {  	[sflag:s25] =	ssyncset.done $0x0  }
0x2e: {  	s6 =	simm.s32 $0x200;
	[sflag:s25] =	ssyncadd.s32 $0xFFFFC000  }
0x2f: {  	[tilespmem:s16], [sflag:$0x1] =	stream.indirect.gather [hbm4b:s3+s15], $0x80, s6, s15, $0xb8;
	[tilespmem:$0x10C00] =	vst v63  }
0x30: {  	_ =	swait.ge [sflag:s26], $0x4000  }
0x31: {  	[sflag:s26] =	ssyncset.done $0x0  }
0x32: {  	[sflag:s26] =	ssyncadd.s32 $0xFFFFC000  }
0x33: {  	[hbm4b:s10+s2] =	stream.linear.scatter [tilespmem:s23], [sflag:$0x8], $0x4000, $0x38;
	[tilespmem:$0x10C00] =	vst v63  }
0x34: {  	_ =	swait.ge [sflag:s28], $0x4000  }
0x35: {  	[sflag:s28] =	ssyncset.done $0x0  }
0x36: {  	s19 =	simm.s32 $0x280;
	[sflag:s28] =	ssyncadd.s32 $0xFFFFC000  }
0x37: {  	[tilespmem:s17], [sflag:$0x2] =	stream.indirect.gather [hbm4b:s3+s15], $0x80, s19, s15, $0xb8;
	[tilespmem:$0x10C00] =	vst v63  }
0x38: {  	_ =	swait.ge [sflag:s18], $0x4000  }
0x39: {  	[sflag:s18] =	ssyncset.done $0x0  }
0x3a: {  	[sflag:s18] =	ssyncadd.s32 $0xFFFFC000  }
0x3b: {  	[hbm4b:s12+s2] =	stream.linear.scatter [tilespmem:s16], [sflag:$0x5], $0x4000, $0x38;
	[tilespmem:$0x10C00] =	vst v63  }
0x3c: {  	_ =	swait.ge [sflag:s29], $0x4000  }
0x3d: {  	[sflag:s29] =	ssyncset.done $0x0  }
0x3e: {  	s22 =	simm.s32 $0x300;
	[sflag:s29] =	ssyncadd.s32 $0xFFFFC000  }
0x3f: {  	[tilespmem:s20], [sflag:$0x3] =	stream.indirect.gather [hbm4b:s3+s15], $0x80, s22, s15, $0xb8;
	[tilespmem:$0x10C00] =	vst v63  }
0x40: {  	_ =	swait.ge [sflag:s21], $0x4000  }
0x41: {  	[sflag:s21] =	ssyncset.done $0x0  }
0x42: {  	[sflag:s21] =	ssyncadd.s32 $0xFFFFC000  }
0x43: {  	[hbm4b:s13+s2] =	stream.linear.scatter [tilespmem:s17], [sflag:$0x6], $0x4000, $0x38;
	[tilespmem:$0x10C00] =	vst v63  }
0x44: {  	s0 =	sadd.s32 $0x2000, s13;
	s1 =	simm.s32 $0x800;
	_ =	swait.ge [sflag:s30], $0x4000  }
0x45: {  	s4 =	sadd.s32 $0x2000, s10;
	s5 =	simm.s32 $0x380;
	[sflag:s30] =	ssyncset.done $0x0  }
0x46: {  	s19 =	sadd.s32 $0x2000, s11;
	s22 =	sadd.s32 $0x2000, s12;
	[sflag:s30] =	ssyncadd.s32 $0xFFFFC000  }
.LBB2_2:
0x47: {  	[tilespmem:s23], [sflag:$0x4] =	stream.indirect.gather [hbm4b:s3+s15], $0x80, s5, s15, $0xb8;
	[tilespmem:$0x10C00] =	vst v63  }
0x48: {  	s5 =	smov.u32 s1  }
0x49: {  	p0 =	sne.s32 s1, $0x1800;
	s1 =	sadd.s32 $0x800, s1;
	_ =	swait.ge [sflag:s24], $0x4000  }
0x4a: {  	[sflag:s24] =	ssyncset.done $0x0  }
0x4b: {  	[sflag:s24] =	ssyncadd.s32 $0xFFFFC000  }
0x4c: {  	[hbm4b:s19+s2] =	stream.linear.scatter [tilespmem:s20], [sflag:$0x7], $0x4000, $0x38;
	[tilespmem:$0x10C00] =	vst v63  }
0x4d: {  	_ =	swait.ge [sflag:s25], $0x4000  }
0x4e: {  	s5 =	sshra.s32 s5, $0x2;
	[sflag:s25] =	ssyncset.done $0x0  }
0x4f: {  	s6 =	sadd.s32 $0x200, s5;
	[sflag:s25] =	ssyncadd.s32 $0xFFFFC000  }
0x50: {  	[tilespmem:s16], [sflag:$0x1] =	stream.indirect.gather [hbm4b:s3+s15], $0x80, s6, s15, $0xb8;
	[tilespmem:$0x10C00] =	vst v63  }
0x51: {  	_ =	swait.ge [sflag:s26], $0x4000  }
0x52: {  	[sflag:s26] =	ssyncset.done $0x0  }
0x53: {  	[sflag:s26] =	ssyncadd.s32 $0xFFFFC000  }
0x54: {  	[hbm4b:s4+s2] =	stream.linear.scatter [tilespmem:s23], [sflag:$0x8], $0x4000, $0x38;
	[tilespmem:$0x10C00] =	vst v63  }
0x55: {  	_ =	swait.ge [sflag:s28], $0x4000  }
0x56: {  	[sflag:s28] =	ssyncset.done $0x0  }
0x57: {  	s6 =	sadd.s32 $0x280, s5;
	[sflag:s28] =	ssyncadd.s32 $0xFFFFC000  }
0x58: {  	[tilespmem:s17], [sflag:$0x2] =	stream.indirect.gather [hbm4b:s3+s15], $0x80, s6, s15, $0xb8;
	[tilespmem:$0x10C00] =	vst v63  }
0x59: {  	_ =	swait.ge [sflag:s18], $0x4000  }
0x5a: {  	[sflag:s18] =	ssyncset.done $0x0  }
0x5b: {  	[sflag:s18] =	ssyncadd.s32 $0xFFFFC000  }
0x5c: {  	[hbm4b:s22+s2] =	stream.linear.scatter [tilespmem:s16], [sflag:$0x5], $0x4000, $0x38;
	[tilespmem:$0x10C00] =	vst v63  }
0x5d: {  	_ =	swait.ge [sflag:s29], $0x4000  }
0x5e: {  	[sflag:s29] =	ssyncset.done $0x0  }
0x5f: {  	s6 =	sadd.s32 $0x300, s5;
	[sflag:s29] =	ssyncadd.s32 $0xFFFFC000  }
0x60: {  	[tilespmem:s20], [sflag:$0x3] =	stream.indirect.gather [hbm4b:s3+s15], $0x80, s6, s15, $0xb8;
	[tilespmem:$0x10C00] =	vst v63  }
0x61: {  	_ =	swait.ge [sflag:s21], $0x4000  }
0x62: {  	[sflag:s21] =	ssyncset.done $0x0  }
.Ltmp0:
0x63: {  	[sflag:s21] =	ssyncadd.s32 $0xFFFFC000;
	(pc) =	sbr.rel @p0 .LBB2_2-.Ltmp0, $4  }
0x64: {  	[hbm4b:s0+s2] =	stream.linear.scatter [tilespmem:s17], [sflag:$0x6], $0x4000, $0x38;
	[tilespmem:$0x10C00] =	vst v63  }
0x65: {  	s0 =	sadd.s32 $0x2000, s0;
	_ =	swait.ge [sflag:s30], $0x4000  }
0x66: {  	s19 =	sadd.s32 $0x2000, s19;
	s22 =	sadd.s32 $0x2000, s22;
	[sflag:s30] =	ssyncset.done $0x0  }
0x67: {  	s4 =	sadd.s32 $0x2000, s4;
	s5 =	sadd.s32 $0x380, s5;
	[sflag:s30] =	ssyncadd.s32 $0xFFFFC000  }
0x68: {  	[tilespmem:s23], [sflag:$0x4] =	stream.indirect.gather [hbm4b:s3+s15], $0x80, s5, s15, $0xb8;
	[tilespmem:$0x10C00] =	vst v63  }
0x69: {  	_ =	swait.ge [sflag:s24], $0x4000  }
0x6a: {  	[sflag:s24] =	ssyncset.done $0x0  }
0x6b: {  	[sflag:s24] =	ssyncadd.s32 $0xFFFFC000  }
0x6c: {  	[hbm4b:s7+s2] =	stream.linear.scatter [tilespmem:s20], [sflag:$0x7], $0x4000, $0x38;
	[tilespmem:$0x10C00] =	vst v63  }
0x6d: {  	_ =	swait.ge [sflag:s26], $0x4000  }
0x6e: {  	[sflag:s26] =	ssyncset.done $0x0  }
0x6f: {  	[sflag:s26] =	ssyncadd.s32 $0xFFFFC000  }
0x70: {  	[hbm4b:s8+s2] =	stream.linear.scatter [tilespmem:s23], [sflag:$0x8], $0x4000, $0x38;
	[tilespmem:$0x10C00] =	vst v63  }
0x71: {  	_ =	swait.ge [sflag:s25], $0x4000  }
0x72: {  	[sflag:s25] =	ssyncset.done $0x0  }
0x73: {  	[sflag:s25] =	ssyncadd.s32 $0xFFFFC000  }
0x74: {  	_ =	swait.ge [sflag:s28], $0x4000  }
0x75: {  	[sflag:s28] =	ssyncset.done $0x0  }
0x76: {  	s31 =	sadd.s32 $0x1, s31;
	[sflag:s28] =	ssyncadd.s32 $0xFFFFC000  }
0x77: {  	p0 =	sne.s32 s31, s9;
	_ =	swait.ge [sflag:s29], $0x4000  }
.Ltmp1:
0x78: {  	[sflag:s29] =	ssyncset.done $0x0;
	(pc) =	sbr.rel @p0 .LBB2_1-.Ltmp1, $4  }
0x79: {  	[sflag:s29] =	ssyncadd.s32 $0xFFFFC000  }
0x7a: {  	_ =	swait.ge [sflag:s30], $0x4000  }
0x7b: {  	[sflag:s30] =	ssyncset.done $0x0  }
0x7c: {  	[sflag:s30] =	ssyncadd.s32 $0xFFFFC000  }
0x7d: {  	_ =	sfence.sel $0x180000  }
0x7e: {  	[bflag:$0x0] =	sbarrier.arrive $0xFFFF  }
0x7f: {  	_ =	strace $0x9000004D  }
0x80: {  	s0 =	stileid.u32;
	[bflag:$0x2] =	sbarrier.arrive $0xFFFF  }
0x81: {  	p0 =	sne.s32 s0, $0x0;
	s0 =	rddreg [dreg:$0x1]  }
0x82: {  	s0 =	sadd.s32 @!p0 $0x100000, s0  }
0x83: {  	[sflag:s0] =	ssyncadd.tile.s32 @!p0 $0x1;
	_ =	shalt  }
.Lfunc_end2:
_tile_overlayer_lowered:
.L_overlay_start_2:
0x84: {  	(tag) =	ssettag $0x2  }
0x85: {  	s0 =	rddreg [dreg:$0x0];
	s2 =	stileid.u32  }
0x86: {  	s1 =	rddreg [dreg:$0x1];
	p0 =	sne.s32 s2, $0x0  }
0x87: {  	s3 =	rddreg [dreg:$0x2];
	[bflag:$0x3] =	sbarrier.arrive $0xFFFF;
	s2 =	simm.s32 @!p0 $0x1C09  }
0x88: {  	[timem:s3], [sflag:s2] =	dma.local @!p0 [hbm:s0], s1  }
0x89: {  	s0 =	simm.s32 @!p0 $0x9  }
0x8a: {  	_ =	swait.ge @!p0 [sflag:s0], s1  }
0x8b: {  	s1 =	ssub.s32 @!p0 $0x0, s1;
	[sflag:s0] =	ssyncset.done @!p0 $0x0  }
0x8c: {  	[sflag:s0] =	ssyncadd.s32 @!p0 s1  }
0x8d: {  	[bflag:$0x3] =	sbarrier.arrive $0xFFFF  }
0x8e: {  	_ =	shalt  }

</sc_bundles>
